<compile_context>
chip_gen: v7x
topology: tpu7x:2x2x1
jax: 0.10.2.dev20260603
libtpu: 0.0.44.dev20260713+nightly
codegen_flags: <defaults>
</compile_context>

<pallas_src>
import functools

import numpy as np
import jax
import jax.numpy as jnp
from jax import lax
from jax.experimental import pallas as pl
from jax.experimental.pallas import tpu as pltpu
from jax.experimental.pallas import tpu_sc as plsc

F32 = jnp.float32
I32 = jnp.int32

B = 2
N = 20000
NP = 20480
M = 64
NW = 16
PW = NP // NW
CH = PW // 16

D2R = np.float32(np.pi / 180.0)
BETA = np.float32(1.0 / 9.0)
HOB = np.float32(0.5 / np.float32(1.0 / 9.0))
HB = np.float32(0.5 * np.float32(1.0 / 9.0))
LN2 = np.float32(0.6931471805599453)
NEG = np.float32(-1e9)
FMIN = np.float32(-3.4e38)


def _sin(x):
    x2 = x * x
    return x * (1.0 + x2 * (np.float32(-1 / 6) + x2 * (np.float32(1 / 120)
            + x2 * (np.float32(-1 / 5040) + x2 * np.float32(1 / 362880)))))


def _cos(x):
    x2 = x * x
    return 1.0 + x2 * (np.float32(-0.5) + x2 * (np.float32(1 / 24)
            + x2 * (np.float32(-1 / 720) + x2 * np.float32(1 / 40320))))


def _log(w):
    xi = plsc.bitcast(w, I32)
    e = lax.shift_right_logical(xi, 23) - 127
    m = plsc.bitcast(jnp.bitwise_or(jnp.bitwise_and(xi, 0x7FFFFF), 0x3F800000), F32)
    big = m > np.float32(1.4142135)
    m = jnp.where(big, m * np.float32(0.5), m)
    e = e + big.astype(I32)
    z = (m - 1.0) / (m + 1.0)
    z2 = z * z
    lm = 2.0 * z * (1.0 + z2 * (np.float32(1 / 3) + z2 * (np.float32(1 / 5)
            + z2 * (np.float32(1 / 7) + z2 * np.float32(1 / 9)))))
    return e.astype(F32) * LN2 + lm


def _make_body():
    mesh = plsc.VectorSubcoreMesh(core_axis_name="c", subcore_axis_name="s")
    scratch = [
        pltpu.VMEM((PW * 5,), F32),
        pltpu.VMEM((PW * 5,), F32),
        pltpu.VMEM((M * 6,), F32),
        pltpu.VMEM((PW,), F32),
        pltpu.VMEM((PW,), F32),
        pltpu.VMEM((PW,), F32),
        pltpu.VMEM((PW,), F32),
        pltpu.VMEM((PW,), F32),
        pltpu.VMEM((PW,), F32),
        pltpu.VMEM((PW,), F32),
        pltpu.VMEM((PW,), F32),
        pltpu.VMEM((PW,), F32),
        pltpu.VMEM((PW,), F32),
        pltpu.VMEM((PW,), F32),
        pltpu.VMEM((PW,), F32),
        pltpu.VMEM((PW,), F32),
        pltpu.VMEM((PW,), F32),
        pltpu.VMEM((PW,), F32),
        pltpu.VMEM((PW,), F32),
        pltpu.VMEM((PW,), I32),
        pltpu.VMEM((PW,), F32),
        pltpu.VMEM((M,), F32),
        pltpu.VMEM((M,), F32),
        pltpu.VMEM((M,), F32),
        pltpu.VMEM((M,), F32),
        pltpu.VMEM((M,), F32),
        pltpu.VMEM((M,), F32),
        pltpu.VMEM((M,), F32),
        pltpu.VMEM((M,), F32),
        pltpu.VMEM((M,), F32),
        pltpu.VMEM((M,), F32),
        pltpu.VMEM((M,), F32),
        pltpu.VMEM((M,), F32),
        pltpu.VMEM((M,), F32),
        pltpu.VMEM((M,), F32),
        pltpu.VMEM((M,), F32),
        pltpu.VMEM((M,), F32),
        pltpu.VMEM((M,), F32),
        pltpu.VMEM((M,), I32),
        pltpu.VMEM((NW * M,), F32),
        pltpu.VMEM((NW * M,), I32),
        pltpu.VMEM((NW * 16,), F32),
        pltpu.VMEM((16,), F32),
        pltpu.VMEM_SHARED((NW * M,), F32),
        pltpu.VMEM_SHARED((NW * M,), I32),
        pltpu.VMEM_SHARED((NW * 16,), F32),
    ]

    @functools.partial(
        pl.kernel, mesh=mesh,
        out_type=jax.ShapeDtypeStruct((B, 16), F32),
        scratch_types=scratch,
        compiler_params=pltpu.CompilerParams(needs_layout_passes=False),
    )
    def body(reg_hbm, anc_hbm, ann_hbm, out_hbm,
             a_aos, r_aos, ann_aos,
             asx1, asy1, asx2, asy2, asA, aax1, aay1, aax2, aay2, aaA,
             aew, aeh, alw, alh, atn,
             amax, aarg, extra,
             gsx1, gsy1, gsx2, gsy2, gsA, gax1, gay1, gax2, gay2, gaA,
             gvalid, ggx, ggy, glw, glh, gtn,
             wgmax, wgarg, cgmax, cgarg, cacc, st16,
             sh_gmax, sh_garg, sh_acc):
        j = lax.axis_index("c")
        s = lax.axis_index("s")
        iota = lax.iota(I32, 16)
        zf = jnp.zeros((16,), F32)
        base = s * PW

        REAL_LAST = N - 15 * PW
        @pl.when(s < NW - 1)
        def _():
            for k in range(5):
                pltpu.sync_copy(anc_hbm.at[pl.ds(j * (N * 5) + k * N + base, PW)],
                                a_aos.at[pl.ds(k * PW, PW)])
                pltpu.sync_copy(reg_hbm.at[pl.ds(j * (N * 5) + k * N + base, PW)],
                                r_aos.at[pl.ds(k * PW, PW)])
        @pl.when(s == NW - 1)
        def _():
            for k in range(5):
                pltpu.sync_copy(anc_hbm.at[pl.ds(j * (N * 5) + k * N + base, REAL_LAST)],
                                a_aos.at[pl.ds(k * PW, REAL_LAST)])
                pltpu.sync_copy(reg_hbm.at[pl.ds(j * (N * 5) + k * N + base, REAL_LAST)],
                                r_aos.at[pl.ds(k * PW, REAL_LAST)])
        pltpu.sync_copy(ann_hbm.at[pl.ds(j * (M * 6), M * 6)], ann_aos)

        nvalid = zf
        for g in range(M // 16):
            gx = ann_aos[pl.ds(0 * M + g * 16, 16)]
            gy = ann_aos[pl.ds(1 * M + g * 16, 16)]
            gw = ann_aos[pl.ds(2 * M + g * 16, 16)]
            gh = ann_aos[pl.ds(3 * M + g * 16, 16)]
            gt = ann_aos[pl.ds(4 * M + g * 16, 16)]
            gl = ann_aos[pl.ds(5 * M + g * 16, 16)]
            sl = pl.ds(g * 16, 16)
            vf = jnp.where(gl != np.float32(-1.0), jnp.ones((16,), F32), zf)
            gvalid[sl] = vf
            nvalid = nvalid + vf
            gs = jnp.maximum(gw, gh)
            h = gs * np.float32(0.5)
            x1 = gx - h; y1 = gy - h; x2 = gx + h; y2 = gy + h
            gsx1[sl] = x1; gsy1[sl] = y1; gsx2[sl] = x2; gsy2[sl] = y2
            gsA[sl] = (x2 - x1) * (y2 - y1)
            rad = gt * D2R
            cs = _cos(rad); sn = _sin(rad)
            ca = jnp.abs(cs); sa = jnp.abs(sn)
            ew = (gw * ca + gh * sa) * np.float32(0.5)
            eh = (gw * sa + gh * ca) * np.float32(0.5)
            bx1 = gx - ew; by1 = gy - eh; bx2 = gx + ew; by2 = gy + eh
            gax1[sl] = bx1; gay1[sl] = by1; gax2[sl] = bx2; gay2[sl] = by2
            gaA[sl] = (bx2 - bx1) * (by2 - by1)
            ggx[sl] = gx; ggy[sl] = gy
            glw[sl] = _log(jnp.maximum(gw, 1.0))
            glh[sl] = _log(jnp.maximum(gh, 1.0))
            gtn[sl] = sn / cs
        nvalid_s = jnp.sum(nvalid)

        def pre_a(c, _):
            rows = c * 16 + iota
            sl = pl.ds(c * 16, 16)
            ax = a_aos[pl.ds(0 * PW + c * 16, 16)]
            ay = a_aos[pl.ds(1 * PW + c * 16, 16)]
            aw = a_aos[pl.ds(2 * PW + c * 16, 16)]
            ah = a_aos[pl.ds(3 * PW + c * 16, 16)]
            at = a_aos[pl.ds(4 * PW + c * 16, 16)]
            padm = (rows + base) >= N
            ax = jnp.where(padm, jnp.full((16,), np.float32(-1e6), F32), ax)
            ay = jnp.where(padm, jnp.full((16,), np.float32(-1e6), F32), ay)
            aw = jnp.where(padm, jnp.full((16,), np.float32(16.0), F32), aw)
            ah = jnp.where(padm, jnp.full((16,), np.float32(16.0), F32), ah)
            at = jnp.where(padm, zf, at)
            ss = jnp.maximum(aw, ah)
            h = ss * np.float32(0.5)
            x1 = ax - h; y1 = ay - h; x2 = ax + h; y2 = ay + h
            asx1[sl] = x1; asy1[sl] = y1; asx2[sl] = x2; asy2[sl] = y2
            asA[sl] = (x2 - x1) * (y2 - y1)
            rad = at * D2R
            cs = _cos(rad); sn = _sin(rad)
            ca = jnp.abs(cs); sa = jnp.abs(sn)
            ew = (aw * ca + ah * sa) * np.float32(0.5)
            eh = (aw * sa + ah * ca) * np.float32(0.5)
            bx1 = ax - ew; by1 = ay - eh; bx2 = ax + ew; by2 = ay + eh
            aax1[sl] = bx1; aay1[sl] = by1; aax2[sl] = bx2; aay2[sl] = by2
            aaA[sl] = (bx2 - bx1) * (by2 - by1)
            ew2 = jnp.maximum(aw, 1.0); eh2 = jnp.maximum(ah, 1.0)
            aew[sl] = ew2; aeh[sl] = eh2
            alw[sl] = _log(ew2); alh[sl] = _log(eh2)
            atn[sl] = sn / cs
            amax[sl] = zf
            aarg[sl] = jnp.zeros((16,), I32)
            extra[sl] = zf
            return 0
        lax.fori_loop(0, CH, pre_a, 0)

        def m_body(m, _):
            mi = jnp.full((16,), m, I32)
            bsx1 = plsc.load_gather(gsx1, [mi])
            bsy1 = plsc.load_gather(gsy1, [mi])
            bsx2 = plsc.load_gather(gsx2, [mi])
            bsy2 = plsc.load_gather(gsy2, [mi])
            bsA = plsc.load_gather(gsA, [mi])
            bax1 = plsc.load_gather(gax1, [mi])
            bay1 = plsc.load_gather(gay1, [mi])
            bax2 = plsc.load_gather(gax2, [mi])
            bay2 = plsc.load_gather(gay2, [mi])
            baA = plsc.load_gather(gaA, [mi])
            bval = plsc.load_gather(gvalid, [mi]) > np.float32(0.5)

            @plsc.parallel_loop(
                0, CH, unroll=2,
                carry=(jnp.zeros((16,), F32), jnp.zeros((16,), I32)))
            def c_loop(c, carry):
                gmx, grc = carry
                sl = pl.ds(c * 16, 16)
                ix1 = jnp.maximum(asx1[sl], bsx1)
                iy1 = jnp.maximum(asy1[sl], bsy1)
                ix2 = jnp.minimum(asx2[sl], bsx2)
                iy2 = jnp.minimum(asy2[sl], bsy2)
                iw = jnp.maximum(ix2 - ix1, 0.0)
                ih = jnp.maximum(iy2 - iy1, 0.0)
                inter = iw * ih
                union = asA[sl] + bsA - inter
                ind_ok = (inter >= np.float32(0.1) * union) & bval
                jx1 = jnp.maximum(aax1[sl], bax1)
                jy1 = jnp.maximum(aay1[sl], bay1)
                jx2 = jnp.minimum(aax2[sl], bax2)
                jy2 = jnp.minimum(aay2[sl], bay2)
                jw = jnp.maximum(jx2 - jx1, 0.0)
                jh = jnp.maximum(jy2 - jy1, 0.0)
                inter2 = jw * jh
                union2 = aaA[sl] + baA - inter2
                iou = inter2 / union2
                ovv = jnp.where(ind_ok, iou, 0.0)
                am = amax[sl]
                take = ovv > am
                amax[sl] = jnp.where(take, ovv, am)
                aarg[sl] = jnp.where(take, mi, aarg[sl])
                t2 = ovv > gmx
                gmx = jnp.where(t2, ovv, gmx)
                grc = jnp.where(t2, jnp.full((16,), c, I32), grc)
                return gmx, grc

            gmx, grc = c_loop
            topv = jnp.max(gmx)
            cand = jnp.where(gmx == topv, grc * 16 + iota + base,
                             jnp.full((16,), 2147483647, I32))
            argi = jnp.min(cand)
            lane0 = iota == 0
            plsc.store_scatter(wgmax, [mi], jnp.full((16,), topv, F32), mask=lane0)
            plsc.store_scatter(wgarg, [mi], jnp.full((16,), argi, I32), mask=lane0)
            return 0
        lax.fori_loop(0, M, m_body, 0)

        pltpu.sync_copy(wgmax, sh_gmax.at[pl.ds(s * M, M)])
        pltpu.sync_copy(wgarg, sh_garg.at[pl.ds(s * M, M)])
        plsc.subcore_barrier()
        pltpu.sync_copy(sh_gmax, cgmax)
        pltpu.sync_copy(sh_garg, cgarg)
        ones = jnp.ones((16,), F32)
        for g in range(M // 16):
            bm = cgmax[pl.ds(g * 16, 16)]
            ba = cgarg[pl.ds(g * 16, 16)]
            for w in range(1, NW):
                wm = cgmax[pl.ds(w * M + g * 16, 16)]
                wa = cgarg[pl.ds(w * M + g * 16, 16)]
                t = wm > bm
                ba = jnp.where(t, wa, ba)
                bm = jnp.where(t, wm, bm)
            gv = gvalid[pl.ds(g * 16, 16)] > np.float32(0.5)
            force = (bm < np.float32(0.5)) & gv
            idl = ba - base
            msk = force & (idl >= 0) & (idl < PW)
            idl = jnp.clip(idl, 0, PW - 1)
            plsc.store_scatter(extra, [idl], ones, mask=msk)

        def p2_body(c, carry):
            accL, accP = carry
            sl = pl.ds(c * 16, 16)
            rows = c * 16 + iota
            am = amax[sl]
            ag = aarg[sl]
            posb = (am >= np.float32(0.5)) | (extra[sl] > np.float32(0.5))
            gxv = plsc.load_gather(ggx, [ag])
            gyv = plsc.load_gather(ggy, [ag])
            glwv = plsc.load_gather(glw, [ag])
            glhv = plsc.load_gather(glh, [ag])
            gtnv = plsc.load_gather(gtn, [ag])
            axv = a_aos[pl.ds(0 * PW + c * 16, 16)]
            ayv = a_aos[pl.ds(1 * PW + c * 16, 16)]
            tdx = np.float32(10.0) * (gxv - axv) / aew[sl]
            tdy = np.float32(10.0) * (gyv - ayv) / aeh[sl]
            tdw = np.float32(10.0) * (glwv - alw[sl])
            tdh = np.float32(10.0) * (glhv - alh[sl])
            tdt = np.float32(15.0) * (gtnv - atn[sl])
            ssum = zf
            for k, td in enumerate((tdx, tdy, tdw, tdh, tdt)):
                rv = r_aos[pl.ds(k * PW + c * 16, 16)]
                d = jnp.abs(rv - td)
                e = jnp.where(d < BETA, HOB * d * d, d - HB)
                ssum = ssum + e
            accL = accL + jnp.where(posb, ssum, zf)
            accP = accP + jnp.where(posb, jnp.ones((16,), F32), zf)
            return accL, accP
        accL, accP = lax.fori_loop(0, CH, p2_body, (zf, zf))

        lsum = jnp.sum(accL)
        psum = jnp.sum(accP)
        row = jnp.where(iota == 0, jnp.full((16,), lsum, F32),
                        jnp.where(iota == 1, jnp.full((16,), psum, F32), zf))
        st16[pl.ds(0, 16)] = row
        pltpu.sync_copy(st16, sh_acc.at[pl.ds(s * 16, 16)])
        plsc.subcore_barrier()

        @pl.when(s == 0)
        def _():
            pltpu.sync_copy(sh_acc, cacc)
            tot = zf
            for w in range(NW):
                tot = tot + cacc[pl.ds(w * 16, 16)]
            st16[pl.ds(0, 16)] = tot
            lv = plsc.load_gather(st16, [jnp.zeros((16,), I32)])
            pv = plsc.load_gather(st16, [jnp.ones((16,), I32)])
            denom = jnp.maximum(pv * np.float32(5.0), 1.0)
            res = lv / denom
            ok = (pv > 0.0) & (jnp.full((16,), nvalid_s, F32) > 0.0)
            outrow = jnp.where(ok & (iota == 0), res, zf)
            st16[pl.ds(0, 16)] = outrow
            pltpu.sync_copy(st16, out_hbm.at[j])

    return body


_body = _make_body()


@jax.jit
def kernel(regressions, anchors, annotations):
    reg = jnp.transpose(regressions, (0, 2, 1)).reshape(-1)
    anc = jnp.transpose(anchors, (0, 2, 1)).reshape(-1)
    ann = jnp.transpose(annotations, (0, 2, 1)).reshape(-1)
    out = _body(reg, anc, ann)
    return jnp.mean(out[:, 0], keepdims=True)

# --- scband reference (transcript-rebuilt; emitter-appended) ---
"""Pipeline reference for scband-regress-loss-26774826123527 (READ-ONLY COPY).

The authoritative reference and input builder live on the scoring server;
editing this copy changes nothing except your own understanding.
"""

import jax, jax.numpy as jnp
import numpy as np

WEIGHTS = (10.0, 10.0, 10.0, 10.0, 15.0)

def min_area_square(rboxes):
    w = rboxes[:, 2]; h = rboxes[:, 3]
    s = jnp.maximum(w, h)
    x = rboxes[:, 0]; y = rboxes[:, 1]
    return jnp.stack([x - s / 2, y - s / 2, x + s / 2, y + s / 2], axis=1)

def bbox_overlaps(b1, b2):
    x1 = jnp.maximum(b1[:, None, 0], b2[None, :, 0])
    y1 = jnp.maximum(b1[:, None, 1], b2[None, :, 1])
    x2 = jnp.minimum(b1[:, None, 2], b2[None, :, 2])
    y2 = jnp.minimum(b1[:, None, 3], b2[None, :, 3])
    iw = jnp.clip(x2 - x1, 0.0, None); ih = jnp.clip(y2 - y1, 0.0, None)
    inter = iw * ih
    a1 = (b1[:, 2] - b1[:, 0]) * (b1[:, 3] - b1[:, 1])
    a2 = (b2[:, 2] - b2[:, 0]) * (b2[:, 3] - b2[:, 1])
    union = a1[:, None] + a2[None, :] - inter
    return inter / jnp.maximum(union, 1e-8)

def rbox_to_aabb(rb):
    x, y, w, h, t = rb[:, 0], rb[:, 1], rb[:, 2], rb[:, 3], rb[:, 4]
    rad = t * np.pi / 180.0
    c = jnp.abs(jnp.cos(rad)); s = jnp.abs(jnp.sin(rad))
    ew = (w * c + h * s) / 2.0; eh = (w * s + h * c) / 2.0
    return jnp.stack([x - ew, y - eh, x + ew, y + eh], axis=1)

def rbox_overlaps(anchors, gts, indicator, thresh=0.1):
    iou = bbox_overlaps(rbox_to_aabb(anchors), rbox_to_aabb(gts))
    return jnp.where(indicator >= thresh, iou, 0.0)

def box_decode(boxes, deltas):
    wx, wy, ww, wh, wt = WEIGHTS
    ctr_x = boxes[..., 0]; ctr_y = boxes[..., 1]
    widths = jnp.maximum(boxes[..., 2], 1.0); heights = jnp.maximum(boxes[..., 3], 1.0)
    thetas = boxes[..., 4]
    dx = deltas[..., 0] / wx; dy = deltas[..., 1] / wy
    dw = deltas[..., 2] / ww; dh = deltas[..., 3] / wh; dt = deltas[..., 4] / wt
    px = ctr_x + dx * widths; py = ctr_y + dy * heights
    pw = jnp.exp(dw) * widths; ph = jnp.exp(dh) * heights
    pt = jnp.arctan(jnp.tan(thetas * np.pi / 180.0) + dt) * 180.0 / np.pi
    return jnp.stack([px, py, pw, ph, pt], axis=-1)

def box_encode(ex, gt):
    wx, wy, ww, wh, wt = WEIGHTS
    ew = jnp.maximum(ex[:, 2], 1.0); eh = jnp.maximum(ex[:, 3], 1.0)
    gw = jnp.maximum(gt[:, 2], 1.0); gh = jnp.maximum(gt[:, 3], 1.0)
    tdx = wx * (gt[:, 0] - ex[:, 0]) / ew
    tdy = wy * (gt[:, 1] - ex[:, 1]) / eh
    tdw = ww * jnp.log(gw / ew)
    tdh = wh * jnp.log(gh / eh)
    tdt = wt * (jnp.tan(gt[:, 4] * np.pi / 180.0) - jnp.tan(ex[:, 4] * np.pi / 180.0))
    return jnp.stack([tdx, tdy, tdw, tdh, tdt], axis=1)

def smooth_l1(inputs, targets, beta=1.0 / 9):
    diff = jnp.abs(inputs - targets)
    return jnp.where(diff < beta, 0.5 * diff ** 2 / beta, diff - 0.5 * beta)

def regress_loss(regressions, anchors, annotations, iou_thres=0.5):
    B, N, _ = regressions.shape
    _ = box_decode(anchors, regressions)  # computed in original forward (unused downstream)
    losses = []
    for j in range(B):
        regression = regressions[j]; anchors_j = anchors[j]; ann = annotations[j]
        valid = ann[:, -1] != -1
        indicator = bbox_overlaps(min_area_square(anchors_j), min_area_square(ann[:, :5]))
        ov = rbox_overlaps(anchors_j, ann[:, :5], indicator, 0.1)
        ov = jax.lax.stop_gradient(jnp.where(valid[None, :], ov, -1e9))
        iou_max = ov.max(axis=1); iou_argmax = jnp.argmax(ov, axis=1)
        pos = iou_max >= iou_thres
        max_gt = ov.max(axis=0); argmax_gt = jnp.argmax(ov, axis=0)
        force = (max_gt < iou_thres) & valid
        extra = jnp.zeros((N,), jnp.int32).at[argmax_gt].max(force.astype(jnp.int32)) > 0
        pos = pos | extra
        assigned = ann[iou_argmax]
        targets = box_encode(anchors_j, assigned[:, :5])
        elem = smooth_l1(regression, targets)
        num_pos = pos.sum()
        mask = pos.astype(regression.dtype)[:, None]
        denom = jnp.maximum(num_pos * 5, 1).astype(regression.dtype)
        loss_j = jnp.where((valid.sum() > 0) & (num_pos > 0), (elem * mask).sum() / denom, 0.0)
        losses.append(loss_j)
    return jnp.mean(jnp.stack(losses), axis=0, keepdims=True)

def setup_inputs(seed: int = 0):
    key = jax.random.key(seed)
    ks = jax.random.split(key, 8)
    B, N, M = 2, 20000, 64
    regressions = jax.random.normal(ks[0], (B, N, 5), jnp.float32) * 0.1
    a_xy = jax.random.uniform(ks[1], (B, N, 2), jnp.float32, 0.0, 1024.0)
    a_wh = jax.random.uniform(ks[2], (B, N, 2), jnp.float32, 16.0, 256.0)
    a_t = jax.random.uniform(ks[3], (B, N, 1), jnp.float32, -30.0, 30.0)
    anchors = jnp.concatenate([a_xy, a_wh, a_t], axis=-1)
    g_xy = jax.random.uniform(ks[4], (B, M, 2), jnp.float32, 0.0, 1024.0)
    g_wh = jax.random.uniform(ks[5], (B, M, 2), jnp.float32, 16.0, 256.0)
    g_t = jax.random.uniform(ks[6], (B, M, 1), jnp.float32, -30.0, 30.0)
    g_lab = jax.random.randint(ks[7], (B, M, 1), 0, 20).astype(jnp.float32)
    annotations = jnp.concatenate([g_xy, g_wh, g_t, g_lab], axis=-1)
    return {"regressions": regressions, "anchors": anchors, "annotations": annotations}

def reference(regressions, anchors, annotations):
    return regress_loss(regressions, anchors, annotations, iou_thres=0.5)

if __name__ == "__main__":
    import jax
    _d = setup_inputs()
    print(jax.jit(kernel)(*tuple(_d.values())))

</pallas_src>

<mosaic_0001>
#map = affine_map<(d0, d1) -> (0)>
#map1 = affine_map<(d0, d1) -> (0, 0)>
module attributes {stable_mosaic.version = 14 : i64} {
  func.func @body(%arg0: i32, %arg1: i32, %arg2: memref<200000xf32, #tpu.memory_space<hbm>>, %arg3: memref<200000xf32, #tpu.memory_space<hbm>>, %arg4: memref<768xf32, #tpu.memory_space<hbm>>, %arg5: memref<2x16xf32, #tpu.memory_space<hbm>>, %arg6: memref<6400xf32, #tpu.memory_space<vmem>>, %arg7: memref<6400xf32, #tpu.memory_space<vmem>>, %arg8: memref<384xf32, #tpu.memory_space<vmem>>, %arg9: memref<1280xf32, #tpu.memory_space<vmem>>, %arg10: memref<1280xf32, #tpu.memory_space<vmem>>, %arg11: memref<1280xf32, #tpu.memory_space<vmem>>, %arg12: memref<1280xf32, #tpu.memory_space<vmem>>, %arg13: memref<1280xf32, #tpu.memory_space<vmem>>, %arg14: memref<1280xf32, #tpu.memory_space<vmem>>, %arg15: memref<1280xf32, #tpu.memory_space<vmem>>, %arg16: memref<1280xf32, #tpu.memory_space<vmem>>, %arg17: memref<1280xf32, #tpu.memory_space<vmem>>, %arg18: memref<1280xf32, #tpu.memory_space<vmem>>, %arg19: memref<1280xf32, #tpu.memory_space<vmem>>, %arg20: memref<1280xf32, #tpu.memory_space<vmem>>, %arg21: memref<1280xf32, #tpu.memory_space<vmem>>, %arg22: memref<1280xf32, #tpu.memory_space<vmem>>, %arg23: memref<1280xf32, #tpu.memory_space<vmem>>, %arg24: memref<1280xf32, #tpu.memory_space<vmem>>, %arg25: memref<1280xi32, #tpu.memory_space<vmem>>, %arg26: memref<1280xf32, #tpu.memory_space<vmem>>, %arg27: memref<64xf32, #tpu.memory_space<vmem>>, %arg28: memref<64xf32, #tpu.memory_space<vmem>>, %arg29: memref<64xf32, #tpu.memory_space<vmem>>, %arg30: memref<64xf32, #tpu.memory_space<vmem>>, %arg31: memref<64xf32, #tpu.memory_space<vmem>>, %arg32: memref<64xf32, #tpu.memory_space<vmem>>, %arg33: memref<64xf32, #tpu.memory_space<vmem>>, %arg34: memref<64xf32, #tpu.memory_space<vmem>>, %arg35: memref<64xf32, #tpu.memory_space<vmem>>, %arg36: memref<64xf32, #tpu.memory_space<vmem>>, %arg37: memref<64xf32, #tpu.memory_space<vmem>>, %arg38: memref<64xf32, #tpu.memory_space<vmem>>, %arg39: memref<64xf32, #tpu.memory_space<vmem>>, %arg40: memref<64xf32, #tpu.memory_space<vmem>>, %arg41: memref<64xf32, #tpu.memory_space<vmem>>, %arg42: memref<64xf32, #tpu.memory_space<vmem>>, %arg43: memref<64xf32, #tpu.memory_space<vmem>>, %arg44: memref<64xi32, #tpu.memory_space<vmem>>, %arg45: memref<1024xf32, #tpu.memory_space<vmem>>, %arg46: memref<1024xi32, #tpu.memory_space<vmem>>, %arg47: memref<256xf32, #tpu.memory_space<vmem>>, %arg48: memref<16xf32, #tpu.memory_space<vmem>>, %arg49: memref<1024xf32, #tpu.memory_space<vmem_shared>>, %arg50: memref<1024xi32, #tpu.memory_space<vmem_shared>>, %arg51: memref<256xf32, #tpu.memory_space<vmem_shared>>) attributes {dimension_semantics = [#tpu.dimension_semantics<core_parallel>, #tpu.dimension_semantics<subcore_parallel>], iteration_bounds = array<i64: 2, 16>, scalar_prefetch = 0 : i64, scratch_operands = 46 : i64, tpu.core_type = #tpu.core_type<sc_vector_subcore>, window_params = [{transform_indices = #map}, {transform_indices = #map}, {transform_indices = #map}, {transform_indices = #map1}]} {
    %iota3A = tpu.iota {dimensions = array<i32: 0>} : vector<16xi32>
    %broadcast_in_dim3A = arith.constant 0.000000e+00 : f32
    %broadcast_in_dim3A_0 = vector.broadcast %broadcast_in_dim3A : f32 to vector<16xf32>
    %mul3A = arith.constant 1280 : i32
    %mul3A_1 = arith.muli %arg1, %mul3A : i32
    %lt3A = arith.constant 15 : i32
    %lt3A_2 = arith.cmpi slt, %arg1, %lt3A : i32
    %convert_element_type3A = arith.extui %lt3A_2 : i1 to i32
    %cond3A = arith.constant 0 : i32
    %cond3A_3 = arith.cmpi ne, %convert_element_type3A, %cond3A : i32
    scf.if %cond3A_3 {
      %mul3A_1577 = arith.constant 100000 : i32
      %mul3A_1578 = arith.muli %arg0, %mul3A_1577 : i32
      %add3A_1579 = arith.constant 0 : i32
      %add3A_1580 = arith.addi %mul3A_1578, %add3A_1579 : i32
      %add3A_1581 = arith.addi %add3A_1580, %mul3A_1 : i32
      "tpu.region"() ({
        %run_scoped3A = tpu.sem_alloc : memref<!tpu.dma_semaphore, #tpu.memory_space<semaphore_mem>>
        %dma_start3A = arith.constant 0 : i32
        %dma_start3A_1627 = tpu.memref_slice %arg6[%dma_start3A] : memref<6400xf32, #tpu.memory_space<vmem>> -> memref<1280xf32, #tpu.memory_space<vmem>>
        %dma_start3A_1628 = tpu.memref_slice %arg3[%add3A_1581] : memref<200000xf32, #tpu.memory_space<hbm>> -> memref<1280xf32, #tpu.memory_space<hbm>>
        %dma_start3A_1629 = arith.constant 0 : i32
        %dma_start3A_1630 = tpu.memref_slice %arg6[%dma_start3A_1629] : memref<6400xf32, #tpu.memory_space<vmem>> -> memref<1280xf32, #tpu.memory_space<vmem>>
        %dma_start3A_1631 = tpu.memref_slice %arg3[%add3A_1581] : memref<200000xf32, #tpu.memory_space<hbm>> -> memref<1280xf32, #tpu.memory_space<hbm>>
        tpu.enqueue_dma source(%dma_start3A_1631 : memref<1280xf32, #tpu.memory_space<hbm>>) target(%dma_start3A_1630 : memref<1280xf32, #tpu.memory_space<vmem>>) target_semaphore(%run_scoped3A : memref<!tpu.dma_semaphore, #tpu.memory_space<semaphore_mem>>)
        %dma_wait3A = arith.constant 0 : i32
        %dma_wait3A_1632 = tpu.memref_slice %arg6[%dma_wait3A] : memref<6400xf32, #tpu.memory_space<vmem>> -> memref<1280xf32, #tpu.memory_space<vmem>>
        %dma_wait3A_1633 = tpu.memref_slice %arg3[%add3A_1581] : memref<200000xf32, #tpu.memory_space<hbm>> -> memref<1280xf32, #tpu.memory_space<hbm>>
        %dma_wait3A_1634 = arith.constant 0 : i32
        %dma_wait3A_1635 = tpu.memref_slice %arg6[%dma_wait3A_1634] : memref<6400xf32, #tpu.memory_space<vmem>> -> memref<1280xf32, #tpu.memory_space<vmem>>
        %dma_wait3A_1636 = tpu.memref_slice %arg3[%add3A_1581] : memref<200000xf32, #tpu.memory_space<hbm>> -> memref<1280xf32, #tpu.memory_space<hbm>>
        tpu.wait_dma2 semaphore(%run_scoped3A : memref<!tpu.dma_semaphore, #tpu.memory_space<semaphore_mem>>) src(%dma_wait3A_1636 : memref<1280xf32, #tpu.memory_space<hbm>>) dst(%dma_wait3A_1635 : memref<1280xf32, #tpu.memory_space<vmem>>)
        tpu.yield
      }) : () -> ()
      %mul3A_1582 = arith.constant 100000 : i32
      %mul3A_1583 = arith.muli %arg0, %mul3A_1582 : i32
      %add3A_1584 = arith.constant 0 : i32
      %add3A_1585 = arith.addi %mul3A_1583, %add3A_1584 : i32
      %add3A_1586 = arith.addi %add3A_1585, %mul3A_1 : i32
      "tpu.region"() ({
        %run_scoped3A = tpu.sem_alloc : memref<!tpu.dma_semaphore, #tpu.memory_space<semaphore_mem>>
        %dma_start3A = arith.constant 0 : i32
        %dma_start3A_1627 = tpu.memref_slice %arg7[%dma_start3A] : memref<6400xf32, #tpu.memory_space<vmem>> -> memref<1280xf32, #tpu.memory_space<vmem>>
        %dma_start3A_1628 = tpu.memref_slice %arg2[%add3A_1586] : memref<200000xf32, #tpu.memory_space<hbm>> -> memref<1280xf32, #tpu.memory_space<hbm>>
        %dma_start3A_1629 = arith.constant 0 : i32
        %dma_start3A_1630 = tpu.memref_slice %arg7[%dma_start3A_1629] : memref<6400xf32, #tpu.memory_space<vmem>> -> memref<1280xf32, #tpu.memory_space<vmem>>
        %dma_start3A_1631 = tpu.memref_slice %arg2[%add3A_1586] : memref<200000xf32, #tpu.memory_space<hbm>> -> memref<1280xf32, #tpu.memory_space<hbm>>
        tpu.enqueue_dma source(%dma_start3A_1631 : memref<1280xf32, #tpu.memory_space<hbm>>) target(%dma_start3A_1630 : memref<1280xf32, #tpu.memory_space<vmem>>) target_semaphore(%run_scoped3A : memref<!tpu.dma_semaphore, #tpu.memory_space<semaphore_mem>>)
        %dma_wait3A = arith.constant 0 : i32
        %dma_wait3A_1632 = tpu.memref_slice %arg7[%dma_wait3A] : memref<6400xf32, #tpu.memory_space<vmem>> -> memref<1280xf32, #tpu.memory_space<vmem>>
        %dma_wait3A_1633 = tpu.memref_slice %arg2[%add3A_1586] : memref<200000xf32, #tpu.memory_space<hbm>> -> memref<1280xf32, #tpu.memory_space<hbm>>
        %dma_wait3A_1634 = arith.constant 0 : i32
        %dma_wait3A_1635 = tpu.memref_slice %arg7[%dma_wait3A_1634] : memref<6400xf32, #tpu.memory_space<vmem>> -> memref<1280xf32, #tpu.memory_space<vmem>>
        %dma_wait3A_1636 = tpu.memref_slice %arg2[%add3A_1586] : memref<200000xf32, #tpu.memory_space<hbm>> -> memref<1280xf32, #tpu.memory_space<hbm>>
        tpu.wait_dma2 semaphore(%run_scoped3A : memref<!tpu.dma_semaphore, #tpu.memory_space<semaphore_mem>>) src(%dma_wait3A_1636 : memref<1280xf32, #tpu.memory_space<hbm>>) dst(%dma_wait3A_1635 : memref<1280xf32, #tpu.memory_space<vmem>>)
        tpu.yield
      }) : () -> ()
      %mul3A_1587 = arith.constant 100000 : i32
      %mul3A_1588 = arith.muli %arg0, %mul3A_1587 : i32
      %add3A_1589 = arith.constant 20000 : i32
      %add3A_1590 = arith.addi %mul3A_1588, %add3A_1589 : i32
      %add3A_1591 = arith.addi %add3A_1590, %mul3A_1 : i32
      "tpu.region"() ({
        %run_scoped3A = tpu.sem_alloc : memref<!tpu.dma_semaphore, #tpu.memory_space<semaphore_mem>>
        %dma_start3A = arith.constant 1280 : i32
        %dma_start3A_1627 = tpu.memref_slice %arg6[%dma_start3A] : memref<6400xf32, #tpu.memory_space<vmem>> -> memref<1280xf32, #tpu.memory_space<vmem>>
        %dma_start3A_1628 = tpu.memref_slice %arg3[%add3A_1591] : memref<200000xf32, #tpu.memory_space<hbm>> -> memref<1280xf32, #tpu.memory_space<hbm>>
        %dma_start3A_1629 = arith.constant 1280 : i32
        %dma_start3A_1630 = tpu.memref_slice %arg6[%dma_start3A_1629] : memref<6400xf32, #tpu.memory_space<vmem>> -> memref<1280xf32, #tpu.memory_space<vmem>>
        %dma_start3A_1631 = tpu.memref_slice %arg3[%add3A_1591] : memref<200000xf32, #tpu.memory_space<hbm>> -> memref<1280xf32, #tpu.memory_space<hbm>>
        tpu.enqueue_dma source(%dma_start3A_1631 : memref<1280xf32, #tpu.memory_space<hbm>>) target(%dma_start3A_1630 : memref<1280xf32, #tpu.memory_space<vmem>>) target_semaphore(%run_scoped3A : memref<!tpu.dma_semaphore, #tpu.memory_space<semaphore_mem>>)
        %dma_wait3A = arith.constant 1280 : i32
        %dma_wait3A_1632 = tpu.memref_slice %arg6[%dma_wait3A] : memref<6400xf32, #tpu.memory_space<vmem>> -> memref<1280xf32, #tpu.memory_space<vmem>>
        %dma_wait3A_1633 = tpu.memref_slice %arg3[%add3A_1591] : memref<200000xf32, #tpu.memory_space<hbm>> -> memref<1280xf32, #tpu.memory_space<hbm>>
        %dma_wait3A_1634 = arith.constant 1280 : i32
        %dma_wait3A_1635 = tpu.memref_slice %arg6[%dma_wait3A_1634] : memref<6400xf32, #tpu.memory_space<vmem>> -> memref<1280xf32, #tpu.memory_space<vmem>>
        %dma_wait3A_1636 = tpu.memref_slice %arg3[%add3A_1591] : memref<200000xf32, #tpu.memory_space<hbm>> -> memref<1280xf32, #tpu.memory_space<hbm>>
        tpu.wait_dma2 semaphore(%run_scoped3A : memref<!tpu.dma_semaphore, #tpu.memory_space<semaphore_mem>>) src(%dma_wait3A_1636 : memref<1280xf32, #tpu.memory_space<hbm>>) dst(%dma_wait3A_1635 : memref<1280xf32, #tpu.memory_space<vmem>>)
        tpu.yield
      }) : () -> ()
      %mul3A_1592 = arith.constant 100000 : i32
      %mul3A_1593 = arith.muli %arg0, %mul3A_1592 : i32
      %add3A_1594 = arith.constant 20000 : i32
      %add3A_1595 = arith.addi %mul3A_1593, %add3A_1594 : i32
      %add3A_1596 = arith.addi %add3A_1595, %mul3A_1 : i32
      "tpu.region"() ({
        %run_scoped3A = tpu.sem_alloc : memref<!tpu.dma_semaphore, #tpu.memory_space<semaphore_mem>>
        %dma_start3A = arith.constant 1280 : i32
        %dma_start3A_1627 = tpu.memref_slice %arg7[%dma_start3A] : memref<6400xf32, #tpu.memory_space<vmem>> -> memref<1280xf32, #tpu.memory_space<vmem>>
        %dma_start3A_1628 = tpu.memref_slice %arg2[%add3A_1596] : memref<200000xf32, #tpu.memory_space<hbm>> -> memref<1280xf32, #tpu.memory_space<hbm>>
        %dma_start3A_1629 = arith.constant 1280 : i32
        %dma_start3A_1630 = tpu.memref_slice %arg7[%dma_start3A_1629] : memref<6400xf32, #tpu.memory_space<vmem>> -> memref<1280xf32, #tpu.memory_space<vmem>>
        %dma_start3A_1631 = tpu.memref_slice %arg2[%add3A_1596] : memref<200000xf32, #tpu.memory_space<hbm>> -> memref<1280xf32, #tpu.memory_space<hbm>>
        tpu.enqueue_dma source(%dma_start3A_1631 : memref<1280xf32, #tpu.memory_space<hbm>>) target(%dma_start3A_1630 : memref<1280xf32, #tpu.memory_space<vmem>>) target_semaphore(%run_scoped3A : memref<!tpu.dma_semaphore, #tpu.memory_space<semaphore_mem>>)
        %dma_wait3A = arith.constant 1280 : i32
        %dma_wait3A_1632 = tpu.memref_slice %arg7[%dma_wait3A] : memref<6400xf32, #tpu.memory_space<vmem>> -> memref<1280xf32, #tpu.memory_space<vmem>>
        %dma_wait3A_1633 = tpu.memref_slice %arg2[%add3A_1596] : memref<200000xf32, #tpu.memory_space<hbm>> -> memref<1280xf32, #tpu.memory_space<hbm>>
        %dma_wait3A_1634 = arith.constant 1280 : i32
        %dma_wait3A_1635 = tpu.memref_slice %arg7[%dma_wait3A_1634] : memref<6400xf32, #tpu.memory_space<vmem>> -> memref<1280xf32, #tpu.memory_space<vmem>>
        %dma_wait3A_1636 = tpu.memref_slice %arg2[%add3A_1596] : memref<200000xf32, #tpu.memory_space<hbm>> -> memref<1280xf32, #tpu.memory_space<hbm>>
        tpu.wait_dma2 semaphore(%run_scoped3A : memref<!tpu.dma_semaphore, #tpu.memory_space<semaphore_mem>>) src(%dma_wait3A_1636 : memref<1280xf32, #tpu.memory_space<hbm>>) dst(%dma_wait3A_1635 : memref<1280xf32, #tpu.memory_space<vmem>>)
        tpu.yield
      }) : () -> ()
      %mul3A_1597 = arith.constant 100000 : i32
      %mul3A_1598 = arith.muli %arg0, %mul3A_1597 : i32
      %add3A_1599 = arith.constant 40000 : i32
      %add3A_1600 = arith.addi %mul3A_1598, %add3A_1599 : i32
      %add3A_1601 = arith.addi %add3A_1600, %mul3A_1 : i32
      "tpu.region"() ({
        %run_scoped3A = tpu.sem_alloc : memref<!tpu.dma_semaphore, #tpu.memory_space<semaphore_mem>>
        %dma_start3A = arith.constant 2560 : i32
        %dma_start3A_1627 = tpu.memref_slice %arg6[%dma_start3A] : memref<6400xf32, #tpu.memory_space<vmem>> -> memref<1280xf32, #tpu.memory_space<vmem>>
        %dma_start3A_1628 = tpu.memref_slice %arg3[%add3A_1601] : memref<200000xf32, #tpu.memory_space<hbm>> -> memref<1280xf32, #tpu.memory_space<hbm>>
        %dma_start3A_1629 = arith.constant 2560 : i32
        %dma_start3A_1630 = tpu.memref_slice %arg6[%dma_start3A_1629] : memref<6400xf32, #tpu.memory_space<vmem>> -> memref<1280xf32, #tpu.memory_space<vmem>>
        %dma_start3A_1631 = tpu.memref_slice %arg3[%add3A_1601] : memref<200000xf32, #tpu.memory_space<hbm>> -> memref<1280xf32, #tpu.memory_space<hbm>>
        tpu.enqueue_dma source(%dma_start3A_1631 : memref<1280xf32, #tpu.memory_space<hbm>>) target(%dma_start3A_1630 : memref<1280xf32, #tpu.memory_space<vmem>>) target_semaphore(%run_scoped3A : memref<!tpu.dma_semaphore, #tpu.memory_space<semaphore_mem>>)
        %dma_wait3A = arith.constant 2560 : i32
        %dma_wait3A_1632 = tpu.memref_slice %arg6[%dma_wait3A] : memref<6400xf32, #tpu.memory_space<vmem>> -> memref<1280xf32, #tpu.memory_space<vmem>>
        %dma_wait3A_1633 = tpu.memref_slice %arg3[%add3A_1601] : memref<200000xf32, #tpu.memory_space<hbm>> -> memref<1280xf32, #tpu.memory_space<hbm>>
        %dma_wait3A_1634 = arith.constant 2560 : i32
        %dma_wait3A_1635 = tpu.memref_slice %arg6[%dma_wait3A_1634] : memref<6400xf32, #tpu.memory_space<vmem>> -> memref<1280xf32, #tpu.memory_space<vmem>>
        %dma_wait3A_1636 = tpu.memref_slice %arg3[%add3A_1601] : memref<200000xf32, #tpu.memory_space<hbm>> -> memref<1280xf32, #tpu.memory_space<hbm>>
        tpu.wait_dma2 semaphore(%run_scoped3A : memref<!tpu.dma_semaphore, #tpu.memory_space<semaphore_mem>>) src(%dma_wait3A_1636 : memref<1280xf32, #tpu.memory_space<hbm>>) dst(%dma_wait3A_1635 : memref<1280xf32, #tpu.memory_space<vmem>>)
        tpu.yield
      }) : () -> ()
      %mul3A_1602 = arith.constant 100000 : i32
      %mul3A_1603 = arith.muli %arg0, %mul3A_1602 : i32
      %add3A_1604 = arith.constant 40000 : i32
      %add3A_1605 = arith.addi %mul3A_1603, %add3A_1604 : i32
      %add3A_1606 = arith.addi %add3A_1605, %mul3A_1 : i32
      "tpu.region"() ({
        %run_scoped3A = tpu.sem_alloc : memref<!tpu.dma_semaphore, #tpu.memory_space<semaphore_mem>>
        %dma_start3A = arith.constant 2560 : i32
        %dma_start3A_1627 = tpu.memref_slice %arg7[%dma_start3A] : memref<6400xf32, #tpu.memory_space<vmem>> -> memref<1280xf32, #tpu.memory_space<vmem>>
        %dma_start3A_1628 = tpu.memref_slice %arg2[%add3A_1606] : memref<200000xf32, #tpu.memory_space<hbm>> -> memref<1280xf32, #tpu.memory_space<hbm>>
        %dma_start3A_1629 = arith.constant 2560 : i32
        %dma_start3A_1630 = tpu.memref_slice %arg7[%dma_start3A_1629] : memref<6400xf32, #tpu.memory_space<vmem>> -> memref<1280xf32, #tpu.memory_space<vmem>>
        %dma_start3A_1631 = tpu.memref_slice %arg2[%add3A_1606] : memref<200000xf32, #tpu.memory_space<hbm>> -> memref<1280xf32, #tpu.memory_space<hbm>>
        tpu.enqueue_dma source(%dma_start3A_1631 : memref<1280xf32, #tpu.memory_space<hbm>>) target(%dma_start3A_1630 : memref<1280xf32, #tpu.memory_space<vmem>>) target_semaphore(%run_scoped3A : memref<!tpu.dma_semaphore, #tpu.memory_space<semaphore_mem>>)
        %dma_wait3A = arith.constant 2560 : i32
        %dma_wait3A_1632 = tpu.memref_slice %arg7[%dma_wait3A] : memref<6400xf32, #tpu.memory_space<vmem>> -> memref<1280xf32, #tpu.memory_space<vmem>>
        %dma_wait3A_1633 = tpu.memref_slice %arg2[%add3A_1606] : memref<200000xf32, #tpu.memory_space<hbm>> -> memref<1280xf32, #tpu.memory_space<hbm>>
        %dma_wait3A_1634 = arith.constant 2560 : i32
        %dma_wait3A_1635 = tpu.memref_slice %arg7[%dma_wait3A_1634] : memref<6400xf32, #tpu.memory_space<vmem>> -> memref<1280xf32, #tpu.memory_space<vmem>>
        %dma_wait3A_1636 = tpu.memref_slice %arg2[%add3A_1606] : memref<200000xf32, #tpu.memory_space<hbm>> -> memref<1280xf32, #tpu.memory_space<hbm>>
        tpu.wait_dma2 semaphore(%run_scoped3A : memref<!tpu.dma_semaphore, #tpu.memory_space<semaphore_mem>>) src(%dma_wait3A_1636 : memref<1280xf32, #tpu.memory_space<hbm>>) dst(%dma_wait3A_1635 : memref<1280xf32, #tpu.memory_space<vmem>>)
        tpu.yield
      }) : () -> ()
      %mul3A_1607 = arith.constant 100000 : i32
      %mul3A_1608 = arith.muli %arg0, %mul3A_1607 : i32
      %add3A_1609 = arith.constant 60000 : i32
      %add3A_1610 = arith.addi %mul3A_1608, %add3A_1609 : i32
      %add3A_1611 = arith.addi %add3A_1610, %mul3A_1 : i32
      "tpu.region"() ({
        %run_scoped3A = tpu.sem_alloc : memref<!tpu.dma_semaphore, #tpu.memory_space<semaphore_mem>>
        %dma_start3A = arith.constant 3840 : i32
        %dma_start3A_1627 = tpu.memref_slice %arg6[%dma_start3A] : memref<6400xf32, #tpu.memory_space<vmem>> -> memref<1280xf32, #tpu.memory_space<vmem>>
        %dma_start3A_1628 = tpu.memref_slice %arg3[%add3A_1611] : memref<200000xf32, #tpu.memory_space<hbm>> -> memref<1280xf32, #tpu.memory_space<hbm>>
        %dma_start3A_1629 = arith.constant 3840 : i32
        %dma_start3A_1630 = tpu.memref_slice %arg6[%dma_start3A_1629] : memref<6400xf32, #tpu.memory_space<vmem>> -> memref<1280xf32, #tpu.memory_space<vmem>>
        %dma_start3A_1631 = tpu.memref_slice %arg3[%add3A_1611] : memref<200000xf32, #tpu.memory_space<hbm>> -> memref<1280xf32, #tpu.memory_space<hbm>>
        tpu.enqueue_dma source(%dma_start3A_1631 : memref<1280xf32, #tpu.memory_space<hbm>>) target(%dma_start3A_1630 : memref<1280xf32, #tpu.memory_space<vmem>>) target_semaphore(%run_scoped3A : memref<!tpu.dma_semaphore, #tpu.memory_space<semaphore_mem>>)
        %dma_wait3A = arith.constant 3840 : i32
        %dma_wait3A_1632 = tpu.memref_slice %arg6[%dma_wait3A] : memref<6400xf32, #tpu.memory_space<vmem>> -> memref<1280xf32, #tpu.memory_space<vmem>>
        %dma_wait3A_1633 = tpu.memref_slice %arg3[%add3A_1611] : memref<200000xf32, #tpu.memory_space<hbm>> -> memref<1280xf32, #tpu.memory_space<hbm>>
        %dma_wait3A_1634 = arith.constant 3840 : i32
        %dma_wait3A_1635 = tpu.memref_slice %arg6[%dma_wait3A_1634] : memref<6400xf32, #tpu.memory_space<vmem>> -> memref<1280xf32, #tpu.memory_space<vmem>>
        %dma_wait3A_1636 = tpu.memref_slice %arg3[%add3A_1611] : memref<200000xf32, #tpu.memory_space<hbm>> -> memref<1280xf32, #tpu.memory_space<hbm>>
        tpu.wait_dma2 semaphore(%run_scoped3A : memref<!tpu.dma_semaphore, #tpu.memory_space<semaphore_mem>>) src(%dma_wait3A_1636 : memref<1280xf32, #tpu.memory_space<hbm>>) dst(%dma_wait3A_1635 : memref<1280xf32, #tpu.memory_space<vmem>>)
        tpu.yield
      }) : () -> ()
      %mul3A_1612 = arith.constant 100000 : i32
      %mul3A_1613 = arith.muli %arg0, %mul3A_1612 : i32
      %add3A_1614 = arith.constant 60000 : i32
      %add3A_1615 = arith.addi %mul3A_1613, %add3A_1614 : i32
      %add3A_1616 = arith.addi %add3A_1615, %mul3A_1 : i32
      "tpu.region"() ({
        %run_scoped3A = tpu.sem_alloc : memref<!tpu.dma_semaphore, #tpu.memory_space<semaphore_mem>>
        %dma_start3A = arith.constant 3840 : i32
        %dma_start3A_1627 = tpu.memref_slice %arg7[%dma_start3A] : memref<6400xf32, #tpu.memory_space<vmem>> -> memref<1280xf32, #tpu.memory_space<vmem>>
        %dma_start3A_1628 = tpu.memref_slice %arg2[%add3A_1616] : memref<200000xf32, #tpu.memory_space<hbm>> -> memref<1280xf32, #tpu.memory_space<hbm>>
        %dma_start3A_1629 = arith.constant 3840 : i32
        %dma_start3A_1630 = tpu.memref_slice %arg7[%dma_start3A_1629] : memref<6400xf32, #tpu.memory_space<vmem>> -> memref<1280xf32, #tpu.memory_space<vmem>>
        %dma_start3A_1631 = tpu.memref_slice %arg2[%add3A_1616] : memref<200000xf32, #tpu.memory_space<hbm>> -> memref<1280xf32, #tpu.memory_space<hbm>>
        tpu.enqueue_dma source(%dma_start3A_1631 : memref<1280xf32, #tpu.memory_space<hbm>>) target(%dma_start3A_1630 : memref<1280xf32, #tpu.memory_space<vmem>>) target_semaphore(%run_scoped3A : memref<!tpu.dma_semaphore, #tpu.memory_space<semaphore_mem>>)
        %dma_wait3A = arith.constant 3840 : i32
        %dma_wait3A_1632 = tpu.memref_slice %arg7[%dma_wait3A] : memref<6400xf32, #tpu.memory_space<vmem>> -> memref<1280xf32, #tpu.memory_space<vmem>>
        %dma_wait3A_1633 = tpu.memref_slice %arg2[%add3A_1616] : memref<200000xf32, #tpu.memory_space<hbm>> -> memref<1280xf32, #tpu.memory_space<hbm>>
        %dma_wait3A_1634 = arith.constant 3840 : i32
        %dma_wait3A_1635 = tpu.memref_slice %arg7[%dma_wait3A_1634] : memref<6400xf32, #tpu.memory_space<vmem>> -> memref<1280xf32, #tpu.memory_space<vmem>>
        %dma_wait3A_1636 = tpu.memref_slice %arg2[%add3A_1616] : memref<200000xf32, #tpu.memory_space<hbm>> -> memref<1280xf32, #tpu.memory_space<hbm>>
        tpu.wait_dma2 semaphore(%run_scoped3A : memref<!tpu.dma_semaphore, #tpu.memory_space<semaphore_mem>>) src(%dma_wait3A_1636 : memref<1280xf32, #tpu.memory_space<hbm>>) dst(%dma_wait3A_1635 : memref<1280xf32, #tpu.memory_space<vmem>>)
        tpu.yield
      }) : () -> ()
      %mul3A_1617 = arith.constant 100000 : i32
      %mul3A_1618 = arith.muli %arg0, %mul3A_1617 : i32
      %add3A_1619 = arith.constant 80000 : i32
      %add3A_1620 = arith.addi %mul3A_1618, %add3A_1619 : i32
      %add3A_1621 = arith.addi %add3A_1620, %mul3A_1 : i32
      "tpu.region"() ({
        %run_scoped3A = tpu.sem_alloc : memref<!tpu.dma_semaphore, #tpu.memory_space<semaphore_mem>>
        %dma_start3A = arith.constant 5120 : i32
        %dma_start3A_1627 = tpu.memref_slice %arg6[%dma_start3A] : memref<6400xf32, #tpu.memory_space<vmem>> -> memref<1280xf32, #tpu.memory_space<vmem>>
        %dma_start3A_1628 = tpu.memref_slice %arg3[%add3A_1621] : memref<200000xf32, #tpu.memory_space<hbm>> -> memref<1280xf32, #tpu.memory_space<hbm>>
        %dma_start3A_1629 = arith.constant 5120 : i32
        %dma_start3A_1630 = tpu.memref_slice %arg6[%dma_start3A_1629] : memref<6400xf32, #tpu.memory_space<vmem>> -> memref<1280xf32, #tpu.memory_space<vmem>>
        %dma_start3A_1631 = tpu.memref_slice %arg3[%add3A_1621] : memref<200000xf32, #tpu.memory_space<hbm>> -> memref<1280xf32, #tpu.memory_space<hbm>>
        tpu.enqueue_dma source(%dma_start3A_1631 : memref<1280xf32, #tpu.memory_space<hbm>>) target(%dma_start3A_1630 : memref<1280xf32, #tpu.memory_space<vmem>>) target_semaphore(%run_scoped3A : memref<!tpu.dma_semaphore, #tpu.memory_space<semaphore_mem>>)
        %dma_wait3A = arith.constant 5120 : i32
        %dma_wait3A_1632 = tpu.memref_slice %arg6[%dma_wait3A] : memref<6400xf32, #tpu.memory_space<vmem>> -> memref<1280xf32, #tpu.memory_space<vmem>>
        %dma_wait3A_1633 = tpu.memref_slice %arg3[%add3A_1621] : memref<200000xf32, #tpu.memory_space<hbm>> -> memref<1280xf32, #tpu.memory_space<hbm>>
        %dma_wait3A_1634 = arith.constant 5120 : i32
        %dma_wait3A_1635 = tpu.memref_slice %arg6[%dma_wait3A_1634] : memref<6400xf32, #tpu.memory_space<vmem>> -> memref<1280xf32, #tpu.memory_space<vmem>>
        %dma_wait3A_1636 = tpu.memref_slice %arg3[%add3A_1621] : memref<200000xf32, #tpu.memory_space<hbm>> -> memref<1280xf32, #tpu.memory_space<hbm>>
        tpu.wait_dma2 semaphore(%run_scoped3A : memref<!tpu.dma_semaphore, #tpu.memory_space<semaphore_mem>>) src(%dma_wait3A_1636 : memref<1280xf32, #tpu.memory_space<hbm>>) dst(%dma_wait3A_1635 : memref<1280xf32, #tpu.memory_space<vmem>>)
        tpu.yield
      }) : () -> ()
      %mul3A_1622 = arith.constant 100000 : i32
      %mul3A_1623 = arith.muli %arg0, %mul3A_1622 : i32
      %add3A_1624 = arith.constant 80000 : i32
      %add3A_1625 = arith.addi %mul3A_1623, %add3A_1624 : i32
      %add3A_1626 = arith.addi %add3A_1625, %mul3A_1 : i32
      "tpu.region"() ({
        %run_scoped3A = tpu.sem_alloc : memref<!tpu.dma_semaphore, #tpu.memory_space<semaphore_mem>>
        %dma_start3A = arith.constant 5120 : i32
        %dma_start3A_1627 = tpu.memref_slice %arg7[%dma_start3A] : memref<6400xf32, #tpu.memory_space<vmem>> -> memref<1280xf32, #tpu.memory_space<vmem>>
        %dma_start3A_1628 = tpu.memref_slice %arg2[%add3A_1626] : memref<200000xf32, #tpu.memory_space<hbm>> -> memref<1280xf32, #tpu.memory_space<hbm>>
        %dma_start3A_1629 = arith.constant 5120 : i32
        %dma_start3A_1630 = tpu.memref_slice %arg7[%dma_start3A_1629] : memref<6400xf32, #tpu.memory_space<vmem>> -> memref<1280xf32, #tpu.memory_space<vmem>>
        %dma_start3A_1631 = tpu.memref_slice %arg2[%add3A_1626] : memref<200000xf32, #tpu.memory_space<hbm>> -> memref<1280xf32, #tpu.memory_space<hbm>>
        tpu.enqueue_dma source(%dma_start3A_1631 : memref<1280xf32, #tpu.memory_space<hbm>>) target(%dma_start3A_1630 : memref<1280xf32, #tpu.memory_space<vmem>>) target_semaphore(%run_scoped3A : memref<!tpu.dma_semaphore, #tpu.memory_space<semaphore_mem>>)
        %dma_wait3A = arith.constant 5120 : i32
        %dma_wait3A_1632 = tpu.memref_slice %arg7[%dma_wait3A] : memref<6400xf32, #tpu.memory_space<vmem>> -> memref<1280xf32, #tpu.memory_space<vmem>>
        %dma_wait3A_1633 = tpu.memref_slice %arg2[%add3A_1626] : memref<200000xf32, #tpu.memory_space<hbm>> -> memref<1280xf32, #tpu.memory_space<hbm>>
        %dma_wait3A_1634 = arith.constant 5120 : i32
        %dma_wait3A_1635 = tpu.memref_slice %arg7[%dma_wait3A_1634] : memref<6400xf32, #tpu.memory_space<vmem>> -> memref<1280xf32, #tpu.memory_space<vmem>>
        %dma_wait3A_1636 = tpu.memref_slice %arg2[%add3A_1626] : memref<200000xf32, #tpu.memory_space<hbm>> -> memref<1280xf32, #tpu.memory_space<hbm>>
        tpu.wait_dma2 semaphore(%run_scoped3A : memref<!tpu.dma_semaphore, #tpu.memory_space<semaphore_mem>>) src(%dma_wait3A_1636 : memref<1280xf32, #tpu.memory_space<hbm>>) dst(%dma_wait3A_1635 : memref<1280xf32, #tpu.memory_space<vmem>>)
        tpu.yield
      }) : () -> ()
    } else {
    }
    %eq3A = arith.constant 15 : i32
    %eq3A_4 = arith.cmpi eq, %arg1, %eq3A : i32
    %convert_element_type3A_5 = arith.extui %eq3A_4 : i1 to i32
    %cond3A_6 = arith.constant 0 : i32
    %cond3A_7 = arith.cmpi ne, %convert_element_type3A_5, %cond3A_6 : i32
    scf.if %cond3A_7 {
      %mul3A_1577 = arith.constant 100000 : i32
      %mul3A_1578 = arith.muli %arg0, %mul3A_1577 : i32
      %add3A_1579 = arith.constant 0 : i32
      %add3A_1580 = arith.addi %mul3A_1578, %add3A_1579 : i32
      %add3A_1581 = arith.addi %add3A_1580, %mul3A_1 : i32
      "tpu.region"() ({
        %run_scoped3A = tpu.sem_alloc : memref<!tpu.dma_semaphore, #tpu.memory_space<semaphore_mem>>
        %dma_start3A = arith.constant 0 : i32
        %dma_start3A_1627 = tpu.memref_slice %arg6[%dma_start3A] : memref<6400xf32, #tpu.memory_space<vmem>> -> memref<800xf32, #tpu.memory_space<vmem>>
        %dma_start3A_1628 = tpu.memref_slice %arg3[%add3A_1581] : memref<200000xf32, #tpu.memory_space<hbm>> -> memref<800xf32, #tpu.memory_space<hbm>>
        %dma_start3A_1629 = arith.constant 0 : i32
        %dma_start3A_1630 = tpu.memref_slice %arg6[%dma_start3A_1629] : memref<6400xf32, #tpu.memory_space<vmem>> -> memref<800xf32, #tpu.memory_space<vmem>>
        %dma_start3A_1631 = tpu.memref_slice %arg3[%add3A_1581] : memref<200000xf32, #tpu.memory_space<hbm>> -> memref<800xf32, #tpu.memory_space<hbm>>
        tpu.enqueue_dma source(%dma_start3A_1631 : memref<800xf32, #tpu.memory_space<hbm>>) target(%dma_start3A_1630 : memref<800xf32, #tpu.memory_space<vmem>>) target_semaphore(%run_scoped3A : memref<!tpu.dma_semaphore, #tpu.memory_space<semaphore_mem>>)
        %dma_wait3A = arith.constant 0 : i32
        %dma_wait3A_1632 = tpu.memref_slice %arg6[%dma_wait3A] : memref<6400xf32, #tpu.memory_space<vmem>> -> memref<800xf32, #tpu.memory_space<vmem>>
        %dma_wait3A_1633 = tpu.memref_slice %arg3[%add3A_1581] : memref<200000xf32, #tpu.memory_space<hbm>> -> memref<800xf32, #tpu.memory_space<hbm>>
        %dma_wait3A_1634 = arith.constant 0 : i32
        %dma_wait3A_1635 = tpu.memref_slice %arg6[%dma_wait3A_1634] : memref<6400xf32, #tpu.memory_space<vmem>> -> memref<800xf32, #tpu.memory_space<vmem>>
        %dma_wait3A_1636 = tpu.memref_slice %arg3[%add3A_1581] : memref<200000xf32, #tpu.memory_space<hbm>> -> memref<800xf32, #tpu.memory_space<hbm>>
        tpu.wait_dma2 semaphore(%run_scoped3A : memref<!tpu.dma_semaphore, #tpu.memory_space<semaphore_mem>>) src(%dma_wait3A_1636 : memref<800xf32, #tpu.memory_space<hbm>>) dst(%dma_wait3A_1635 : memref<800xf32, #tpu.memory_space<vmem>>)
        tpu.yield
      }) : () -> ()
      %mul3A_1582 = arith.constant 100000 : i32
      %mul3A_1583 = arith.muli %arg0, %mul3A_1582 : i32
      %add3A_1584 = arith.constant 0 : i32
      %add3A_1585 = arith.addi %mul3A_1583, %add3A_1584 : i32
      %add3A_1586 = arith.addi %add3A_1585, %mul3A_1 : i32
      "tpu.region"() ({
        %run_scoped3A = tpu.sem_alloc : memref<!tpu.dma_semaphore, #tpu.memory_space<semaphore_mem>>
        %dma_start3A = arith.constant 0 : i32
        %dma_start3A_1627 = tpu.memref_slice %arg7[%dma_start3A] : memref<6400xf32, #tpu.memory_space<vmem>> -> memref<800xf32, #tpu.memory_space<vmem>>
        %dma_start3A_1628 = tpu.memref_slice %arg2[%add3A_1586] : memref<200000xf32, #tpu.memory_space<hbm>> -> memref<800xf32, #tpu.memory_space<hbm>>
        %dma_start3A_1629 = arith.constant 0 : i32
        %dma_start3A_1630 = tpu.memref_slice %arg7[%dma_start3A_1629] : memref<6400xf32, #tpu.memory_space<vmem>> -> memref<800xf32, #tpu.memory_space<vmem>>
        %dma_start3A_1631 = tpu.memref_slice %arg2[%add3A_1586] : memref<200000xf32, #tpu.memory_space<hbm>> -> memref<800xf32, #tpu.memory_space<hbm>>
        tpu.enqueue_dma source(%dma_start3A_1631 : memref<800xf32, #tpu.memory_space<hbm>>) target(%dma_start3A_1630 : memref<800xf32, #tpu.memory_space<vmem>>) target_semaphore(%run_scoped3A : memref<!tpu.dma_semaphore, #tpu.memory_space<semaphore_mem>>)
        %dma_wait3A = arith.constant 0 : i32
        %dma_wait3A_1632 = tpu.memref_slice %arg7[%dma_wait3A] : memref<6400xf32, #tpu.memory_space<vmem>> -> memref<800xf32, #tpu.memory_space<vmem>>
        %dma_wait3A_1633 = tpu.memref_slice %arg2[%add3A_1586] : memref<200000xf32, #tpu.memory_space<hbm>> -> memref<800xf32, #tpu.memory_space<hbm>>
        %dma_wait3A_1634 = arith.constant 0 : i32
        %dma_wait3A_1635 = tpu.memref_slice %arg7[%dma_wait3A_1634] : memref<6400xf32, #tpu.memory_space<vmem>> -> memref<800xf32, #tpu.memory_space<vmem>>
        %dma_wait3A_1636 = tpu.memref_slice %arg2[%add3A_1586] : memref<200000xf32, #tpu.memory_space<hbm>> -> memref<800xf32, #tpu.memory_space<hbm>>
        tpu.wait_dma2 semaphore(%run_scoped3A : memref<!tpu.dma_semaphore, #tpu.memory_space<semaphore_mem>>) src(%dma_wait3A_1636 : memref<800xf32, #tpu.memory_space<hbm>>) dst(%dma_wait3A_1635 : memref<800xf32, #tpu.memory_space<vmem>>)
        tpu.yield
      }) : () -> ()
      %mul3A_1587 = arith.constant 100000 : i32
      %mul3A_1588 = arith.muli %arg0, %mul3A_1587 : i32
      %add3A_1589 = arith.constant 20000 : i32
      %add3A_1590 = arith.addi %mul3A_1588, %add3A_1589 : i32
      %add3A_1591 = arith.addi %add3A_1590, %mul3A_1 : i32
      "tpu.region"() ({
        %run_scoped3A = tpu.sem_alloc : memref<!tpu.dma_semaphore, #tpu.memory_space<semaphore_mem>>
        %dma_start3A = arith.constant 1280 : i32
        %dma_start3A_1627 = tpu.memref_slice %arg6[%dma_start3A] : memref<6400xf32, #tpu.memory_space<vmem>> -> memref<800xf32, #tpu.memory_space<vmem>>
        %dma_start3A_1628 = tpu.memref_slice %arg3[%add3A_1591] : memref<200000xf32, #tpu.memory_space<hbm>> -> memref<800xf32, #tpu.memory_space<hbm>>
        %dma_start3A_1629 = arith.constant 1280 : i32
        %dma_start3A_1630 = tpu.memref_slice %arg6[%dma_start3A_1629] : memref<6400xf32, #tpu.memory_space<vmem>> -> memref<800xf32, #tpu.memory_space<vmem>>
        %dma_start3A_1631 = tpu.memref_slice %arg3[%add3A_1591] : memref<200000xf32, #tpu.memory_space<hbm>> -> memref<800xf32, #tpu.memory_space<hbm>>
        tpu.enqueue_dma source(%dma_start3A_1631 : memref<800xf32, #tpu.memory_space<hbm>>) target(%dma_start3A_1630 : memref<800xf32, #tpu.memory_space<vmem>>) target_semaphore(%run_scoped3A : memref<!tpu.dma_semaphore, #tpu.memory_space<semaphore_mem>>)
        %dma_wait3A = arith.constant 1280 : i32
        %dma_wait3A_1632 = tpu.memref_slice %arg6[%dma_wait3A] : memref<6400xf32, #tpu.memory_space<vmem>> -> memref<800xf32, #tpu.memory_space<vmem>>
        %dma_wait3A_1633 = tpu.memref_slice %arg3[%add3A_1591] : memref<200000xf32, #tpu.memory_space<hbm>> -> memref<800xf32, #tpu.memory_space<hbm>>
        %dma_wait3A_1634 = arith.constant 1280 : i32
        %dma_wait3A_1635 = tpu.memref_slice %arg6[%dma_wait3A_1634] : memref<6400xf32, #tpu.memory_space<vmem>> -> memref<800xf32, #tpu.memory_space<vmem>>
        %dma_wait3A_1636 = tpu.memref_slice %arg3[%add3A_1591] : memref<200000xf32, #tpu.memory_space<hbm>> -> memref<800xf32, #tpu.memory_space<hbm>>
        tpu.wait_dma2 semaphore(%run_scoped3A : memref<!tpu.dma_semaphore, #tpu.memory_space<semaphore_mem>>) src(%dma_wait3A_1636 : memref<800xf32, #tpu.memory_space<hbm>>) dst(%dma_wait3A_1635 : memref<800xf32, #tpu.memory_space<vmem>>)
        tpu.yield
      }) : () -> ()
      %mul3A_1592 = arith.constant 100000 : i32
      %mul3A_1593 = arith.muli %arg0, %mul3A_1592 : i32
      %add3A_1594 = arith.constant 20000 : i32
      %add3A_1595 = arith.addi %mul3A_1593, %add3A_1594 : i32
      %add3A_1596 = arith.addi %add3A_1595, %mul3A_1 : i32
      "tpu.region"() ({
        %run_scoped3A = tpu.sem_alloc : memref<!tpu.dma_semaphore, #tpu.memory_space<semaphore_mem>>
        %dma_start3A = arith.constant 1280 : i32
        %dma_start3A_1627 = tpu.memref_slice %arg7[%dma_start3A] : memref<6400xf32, #tpu.memory_space<vmem>> -> memref<800xf32, #tpu.memory_space<vmem>>
        %dma_start3A_1628 = tpu.memref_slice %arg2[%add3A_1596] : memref<200000xf32, #tpu.memory_space<hbm>> -> memref<800xf32, #tpu.memory_space<hbm>>
        %dma_start3A_1629 = arith.constant 1280 : i32
        %dma_start3A_1630 = tpu.memref_slice %arg7[%dma_start3A_1629] : memref<6400xf32, #tpu.memory_space<vmem>> -> memref<800xf32, #tpu.memory_space<vmem>>
        %dma_start3A_1631 = tpu.memref_slice %arg2[%add3A_1596] : memref<200000xf32, #tpu.memory_space<hbm>> -> memref<800xf32, #tpu.memory_space<hbm>>
        tpu.enqueue_dma source(%dma_start3A_1631 : memref<800xf32, #tpu.memory_space<hbm>>) target(%dma_start3A_1630 : memref<800xf32, #tpu.memory_space<vmem>>) target_semaphore(%run_scoped3A : memref<!tpu.dma_semaphore, #tpu.memory_space<semaphore_mem>>)
        %dma_wait3A = arith.constant 1280 : i32
        %dma_wait3A_1632 = tpu.memref_slice %arg7[%dma_wait3A] : memref<6400xf32, #tpu.memory_space<vmem>> -> memref<800xf32, #tpu.memory_space<vmem>>
        %dma_wait3A_1633 = tpu.memref_slice %arg2[%add3A_1596] : memref<200000xf32, #tpu.memory_space<hbm>> -> memref<800xf32, #tpu.memory_space<hbm>>
        %dma_wait3A_1634 = arith.constant 1280 : i32
        %dma_wait3A_1635 = tpu.memref_slice %arg7[%dma_wait3A_1634] : memref<6400xf32, #tpu.memory_space<vmem>> -> memref<800xf32, #tpu.memory_space<vmem>>
        %dma_wait3A_1636 = tpu.memref_slice %arg2[%add3A_1596] : memref<200000xf32, #tpu.memory_space<hbm>> -> memref<800xf32, #tpu.memory_space<hbm>>
        tpu.wait_dma2 semaphore(%run_scoped3A : memref<!tpu.dma_semaphore, #tpu.memory_space<semaphore_mem>>) src(%dma_wait3A_1636 : memref<800xf32, #tpu.memory_space<hbm>>) dst(%dma_wait3A_1635 : memref<800xf32, #tpu.memory_space<vmem>>)
        tpu.yield
      }) : () -> ()
      %mul3A_1597 = arith.constant 100000 : i32
      %mul3A_1598 = arith.muli %arg0, %mul3A_1597 : i32
      %add3A_1599 = arith.constant 40000 : i32
      %add3A_1600 = arith.addi %mul3A_1598, %add3A_1599 : i32
      %add3A_1601 = arith.addi %add3A_1600, %mul3A_1 : i32
      "tpu.region"() ({
        %run_scoped3A = tpu.sem_alloc : memref<!tpu.dma_semaphore, #tpu.memory_space<semaphore_mem>>
        %dma_start3A = arith.constant 2560 : i32
        %dma_start3A_1627 = tpu.memref_slice %arg6[%dma_start3A] : memref<6400xf32, #tpu.memory_space<vmem>> -> memref<800xf32, #tpu.memory_space<vmem>>
        %dma_start3A_1628 = tpu.memref_slice %arg3[%add3A_1601] : memref<200000xf32, #tpu.memory_space<hbm>> -> memref<800xf32, #tpu.memory_space<hbm>>
        %dma_start3A_1629 = arith.constant 2560 : i32
        %dma_start3A_1630 = tpu.memref_slice %arg6[%dma_start3A_1629] : memref<6400xf32, #tpu.memory_space<vmem>> -> memref<800xf32, #tpu.memory_space<vmem>>
        %dma_start3A_1631 = tpu.memref_slice %arg3[%add3A_1601] : memref<200000xf32, #tpu.memory_space<hbm>> -> memref<800xf32, #tpu.memory_space<hbm>>
        tpu.enqueue_dma source(%dma_start3A_1631 : memref<800xf32, #tpu.memory_space<hbm>>) target(%dma_start3A_1630 : memref<800xf32, #tpu.memory_space<vmem>>) target_semaphore(%run_scoped3A : memref<!tpu.dma_semaphore, #tpu.memory_space<semaphore_mem>>)
        %dma_wait3A = arith.constant 2560 : i32
        %dma_wait3A_1632 = tpu.memref_slice %arg6[%dma_wait3A] : memref<6400xf32, #tpu.memory_space<vmem>> -> memref<800xf32, #tpu.memory_space<vmem>>
        %dma_wait3A_1633 = tpu.memref_slice %arg3[%add3A_1601] : memref<200000xf32, #tpu.memory_space<hbm>> -> memref<800xf32, #tpu.memory_space<hbm>>
        %dma_wait3A_1634 = arith.constant 2560 : i32
        %dma_wait3A_1635 = tpu.memref_slice %arg6[%dma_wait3A_1634] : memref<6400xf32, #tpu.memory_space<vmem>> -> memref<800xf32, #tpu.memory_space<vmem>>
        %dma_wait3A_1636 = tpu.memref_slice %arg3[%add3A_1601] : memref<200000xf32, #tpu.memory_space<hbm>> -> memref<800xf32, #tpu.memory_space<hbm>>
        tpu.wait_dma2 semaphore(%run_scoped3A : memref<!tpu.dma_semaphore, #tpu.memory_space<semaphore_mem>>) src(%dma_wait3A_1636 : memref<800xf32, #tpu.memory_space<hbm>>) dst(%dma_wait3A_1635 : memref<800xf32, #tpu.memory_space<vmem>>)
        tpu.yield
      }) : () -> ()
      %mul3A_1602 = arith.constant 100000 : i32
      %mul3A_1603 = arith.muli %arg0, %mul3A_1602 : i32
      %add3A_1604 = arith.constant 40000 : i32
      %add3A_1605 = arith.addi %mul3A_1603, %add3A_1604 : i32
      %add3A_1606 = arith.addi %add3A_1605, %mul3A_1 : i32
      "tpu.region"() ({
        %run_scoped3A = tpu.sem_alloc : memref<!tpu.dma_semaphore, #tpu.memory_space<semaphore_mem>>
        %dma_start3A = arith.constant 2560 : i32
        %dma_start3A_1627 = tpu.memref_slice %arg7[%dma_start3A] : memref<6400xf32, #tpu.memory_space<vmem>> -> memref<800xf32, #tpu.memory_space<vmem>>
        %dma_start3A_1628 = tpu.memref_slice %arg2[%add3A_1606] : memref<200000xf32, #tpu.memory_space<hbm>> -> memref<800xf32, #tpu.memory_space<hbm>>
        %dma_start3A_1629 = arith.constant 2560 : i32
        %dma_start3A_1630 = tpu.memref_slice %arg7[%dma_start3A_1629] : memref<6400xf32, #tpu.memory_space<vmem>> -> memref<800xf32, #tpu.memory_space<vmem>>
        %dma_start3A_1631 = tpu.memref_slice %arg2[%add3A_1606] : memref<200000xf32, #tpu.memory_space<hbm>> -> memref<800xf32, #tpu.memory_space<hbm>>
        tpu.enqueue_dma source(%dma_start3A_1631 : memref<800xf32, #tpu.memory_space<hbm>>) target(%dma_start3A_1630 : memref<800xf32, #tpu.memory_space<vmem>>) target_semaphore(%run_scoped3A : memref<!tpu.dma_semaphore, #tpu.memory_space<semaphore_mem>>)
        %dma_wait3A = arith.constant 2560 : i32
        %dma_wait3A_1632 = tpu.memref_slice %arg7[%dma_wait3A] : memref<6400xf32, #tpu.memory_space<vmem>> -> memref<800xf32, #tpu.memory_space<vmem>>
        %dma_wait3A_1633 = tpu.memref_slice %arg2[%add3A_1606] : memref<200000xf32, #tpu.memory_space<hbm>> -> memref<800xf32, #tpu.memory_space<hbm>>
        %dma_wait3A_1634 = arith.constant 2560 : i32
        %dma_wait3A_1635 = tpu.memref_slice %arg7[%dma_wait3A_1634] : memref<6400xf32, #tpu.memory_space<vmem>> -> memref<800xf32, #tpu.memory_space<vmem>>
        %dma_wait3A_1636 = tpu.memref_slice %arg2[%add3A_1606] : memref<200000xf32, #tpu.memory_space<hbm>> -> memref<800xf32, #tpu.memory_space<hbm>>
        tpu.wait_dma2 semaphore(%run_scoped3A : memref<!tpu.dma_semaphore, #tpu.memory_space<semaphore_mem>>) src(%dma_wait3A_1636 : memref<800xf32, #tpu.memory_space<hbm>>) dst(%dma_wait3A_1635 : memref<800xf32, #tpu.memory_space<vmem>>)
        tpu.yield
      }) : () -> ()
      %mul3A_1607 = arith.constant 100000 : i32
      %mul3A_1608 = arith.muli %arg0, %mul3A_1607 : i32
      %add3A_1609 = arith.constant 60000 : i32
      %add3A_1610 = arith.addi %mul3A_1608, %add3A_1609 : i32
      %add3A_1611 = arith.addi %add3A_1610, %mul3A_1 : i32
      "tpu.region"() ({
        %run_scoped3A = tpu.sem_alloc : memref<!tpu.dma_semaphore, #tpu.memory_space<semaphore_mem>>
        %dma_start3A = arith.constant 3840 : i32
        %dma_start3A_1627 = tpu.memref_slice %arg6[%dma_start3A] : memref<6400xf32, #tpu.memory_space<vmem>> -> memref<800xf32, #tpu.memory_space<vmem>>
        %dma_start3A_1628 = tpu.memref_slice %arg3[%add3A_1611] : memref<200000xf32, #tpu.memory_space<hbm>> -> memref<800xf32, #tpu.memory_space<hbm>>
        %dma_start3A_1629 = arith.constant 3840 : i32
        %dma_start3A_1630 = tpu.memref_slice %arg6[%dma_start3A_1629] : memref<6400xf32, #tpu.memory_space<vmem>> -> memref<800xf32, #tpu.memory_space<vmem>>
        %dma_start3A_1631 = tpu.memref_slice %arg3[%add3A_1611] : memref<200000xf32, #tpu.memory_space<hbm>> -> memref<800xf32, #tpu.memory_space<hbm>>
        tpu.enqueue_dma source(%dma_start3A_1631 : memref<800xf32, #tpu.memory_space<hbm>>) target(%dma_start3A_1630 : memref<800xf32, #tpu.memory_space<vmem>>) target_semaphore(%run_scoped3A : memref<!tpu.dma_semaphore, #tpu.memory_space<semaphore_mem>>)
        %dma_wait3A = arith.constant 3840 : i32
        %dma_wait3A_1632 = tpu.memref_slice %arg6[%dma_wait3A] : memref<6400xf32, #tpu.memory_space<vmem>> -> memref<800xf32, #tpu.memory_space<vmem>>
        %dma_wait3A_1633 = tpu.memref_slice %arg3[%add3A_1611] : memref<200000xf32, #tpu.memory_space<hbm>> -> memref<800xf32, #tpu.memory_space<hbm>>
        %dma_wait3A_1634 = arith.constant 3840 : i32
        %dma_wait3A_1635 = tpu.memref_slice %arg6[%dma_wait3A_1634] : memref<6400xf32, #tpu.memory_space<vmem>> -> memref<800xf32, #tpu.memory_space<vmem>>
        %dma_wait3A_1636 = tpu.memref_slice %arg3[%add3A_1611] : memref<200000xf32, #tpu.memory_space<hbm>> -> memref<800xf32, #tpu.memory_space<hbm>>
        tpu.wait_dma2 semaphore(%run_scoped3A : memref<!tpu.dma_semaphore, #tpu.memory_space<semaphore_mem>>) src(%dma_wait3A_1636 : memref<800xf32, #tpu.memory_space<hbm>>) dst(%dma_wait3A_1635 : memref<800xf32, #tpu.memory_space<vmem>>)
        tpu.yield
      }) : () -> ()
      %mul3A_1612 = arith.constant 100000 : i32
      %mul3A_1613 = arith.muli %arg0, %mul3A_1612 : i32
      %add3A_1614 = arith.constant 60000 : i32
      %add3A_1615 = arith.addi %mul3A_1613, %add3A_1614 : i32
      %add3A_1616 = arith.addi %add3A_1615, %mul3A_1 : i32
      "tpu.region"() ({
        %run_scoped3A = tpu.sem_alloc : memref<!tpu.dma_semaphore, #tpu.memory_space<semaphore_mem>>
        %dma_start3A = arith.constant 3840 : i32
        %dma_start3A_1627 = tpu.memref_slice %arg7[%dma_start3A] : memref<6400xf32, #tpu.memory_space<vmem>> -> memref<800xf32, #tpu.memory_space<vmem>>
        %dma_start3A_1628 = tpu.memref_slice %arg2[%add3A_1616] : memref<200000xf32, #tpu.memory_space<hbm>> -> memref<800xf32, #tpu.memory_space<hbm>>
        %dma_start3A_1629 = arith.constant 3840 : i32
        %dma_start3A_1630 = tpu.memref_slice %arg7[%dma_start3A_1629] : memref<6400xf32, #tpu.memory_space<vmem>> -> memref<800xf32, #tpu.memory_space<vmem>>
        %dma_start3A_1631 = tpu.memref_slice %arg2[%add3A_1616] : memref<200000xf32, #tpu.memory_space<hbm>> -> memref<800xf32, #tpu.memory_space<hbm>>
        tpu.enqueue_dma source(%dma_start3A_1631 : memref<800xf32, #tpu.memory_space<hbm>>) target(%dma_start3A_1630 : memref<800xf32, #tpu.memory_space<vmem>>) target_semaphore(%run_scoped3A : memref<!tpu.dma_semaphore, #tpu.memory_space<semaphore_mem>>)
        %dma_wait3A = arith.constant 3840 : i32
        %dma_wait3A_1632 = tpu.memref_slice %arg7[%dma_wait3A] : memref<6400xf32, #tpu.memory_space<vmem>> -> memref<800xf32, #tpu.memory_space<vmem>>
        %dma_wait3A_1633 = tpu.memref_slice %arg2[%add3A_1616] : memref<200000xf32, #tpu.memory_space<hbm>> -> memref<800xf32, #tpu.memory_space<hbm>>
        %dma_wait3A_1634 = arith.constant 3840 : i32
        %dma_wait3A_1635 = tpu.memref_slice %arg7[%dma_wait3A_1634] : memref<6400xf32, #tpu.memory_space<vmem>> -> memref<800xf32, #tpu.memory_space<vmem>>
        %dma_wait3A_1636 = tpu.memref_slice %arg2[%add3A_1616] : memref<200000xf32, #tpu.memory_space<hbm>> -> memref<800xf32, #tpu.memory_space<hbm>>
        tpu.wait_dma2 semaphore(%run_scoped3A : memref<!tpu.dma_semaphore, #tpu.memory_space<semaphore_mem>>) src(%dma_wait3A_1636 : memref<800xf32, #tpu.memory_space<hbm>>) dst(%dma_wait3A_1635 : memref<800xf32, #tpu.memory_space<vmem>>)
        tpu.yield
      }) : () -> ()
      %mul3A_1617 = arith.constant 100000 : i32
      %mul3A_1618 = arith.muli %arg0, %mul3A_1617 : i32
      %add3A_1619 = arith.constant 80000 : i32
      %add3A_1620 = arith.addi %mul3A_1618, %add3A_1619 : i32
      %add3A_1621 = arith.addi %add3A_1620, %mul3A_1 : i32
      "tpu.region"() ({
        %run_scoped3A = tpu.sem_alloc : memref<!tpu.dma_semaphore, #tpu.memory_space<semaphore_mem>>
        %dma_start3A = arith.constant 5120 : i32
        %dma_start3A_1627 = tpu.memref_slice %arg6[%dma_start3A] : memref<6400xf32, #tpu.memory_space<vmem>> -> memref<800xf32, #tpu.memory_space<vmem>>
        %dma_start3A_1628 = tpu.memref_slice %arg3[%add3A_1621] : memref<200000xf32, #tpu.memory_space<hbm>> -> memref<800xf32, #tpu.memory_space<hbm>>
        %dma_start3A_1629 = arith.constant 5120 : i32
        %dma_start3A_1630 = tpu.memref_slice %arg6[%dma_start3A_1629] : memref<6400xf32, #tpu.memory_space<vmem>> -> memref<800xf32, #tpu.memory_space<vmem>>
        %dma_start3A_1631 = tpu.memref_slice %arg3[%add3A_1621] : memref<200000xf32, #tpu.memory_space<hbm>> -> memref<800xf32, #tpu.memory_space<hbm>>
        tpu.enqueue_dma source(%dma_start3A_1631 : memref<800xf32, #tpu.memory_space<hbm>>) target(%dma_start3A_1630 : memref<800xf32, #tpu.memory_space<vmem>>) target_semaphore(%run_scoped3A : memref<!tpu.dma_semaphore, #tpu.memory_space<semaphore_mem>>)
        %dma_wait3A = arith.constant 5120 : i32
        %dma_wait3A_1632 = tpu.memref_slice %arg6[%dma_wait3A] : memref<6400xf32, #tpu.memory_space<vmem>> -> memref<800xf32, #tpu.memory_space<vmem>>
        %dma_wait3A_1633 = tpu.memref_slice %arg3[%add3A_1621] : memref<200000xf32, #tpu.memory_space<hbm>> -> memref<800xf32, #tpu.memory_space<hbm>>
        %dma_wait3A_1634 = arith.constant 5120 : i32
        %dma_wait3A_1635 = tpu.memref_slice %arg6[%dma_wait3A_1634] : memref<6400xf32, #tpu.memory_space<vmem>> -> memref<800xf32, #tpu.memory_space<vmem>>
        %dma_wait3A_1636 = tpu.memref_slice %arg3[%add3A_1621] : memref<200000xf32, #tpu.memory_space<hbm>> -> memref<800xf32, #tpu.memory_space<hbm>>
        tpu.wait_dma2 semaphore(%run_scoped3A : memref<!tpu.dma_semaphore, #tpu.memory_space<semaphore_mem>>) src(%dma_wait3A_1636 : memref<800xf32, #tpu.memory_space<hbm>>) dst(%dma_wait3A_1635 : memref<800xf32, #tpu.memory_space<vmem>>)
        tpu.yield
      }) : () -> ()
      %mul3A_1622 = arith.constant 100000 : i32
      %mul3A_1623 = arith.muli %arg0, %mul3A_1622 : i32
      %add3A_1624 = arith.constant 80000 : i32
      %add3A_1625 = arith.addi %mul3A_1623, %add3A_1624 : i32
      %add3A_1626 = arith.addi %add3A_1625, %mul3A_1 : i32
      "tpu.region"() ({
        %run_scoped3A = tpu.sem_alloc : memref<!tpu.dma_semaphore, #tpu.memory_space<semaphore_mem>>
        %dma_start3A = arith.constant 5120 : i32
        %dma_start3A_1627 = tpu.memref_slice %arg7[%dma_start3A] : memref<6400xf32, #tpu.memory_space<vmem>> -> memref<800xf32, #tpu.memory_space<vmem>>
        %dma_start3A_1628 = tpu.memref_slice %arg2[%add3A_1626] : memref<200000xf32, #tpu.memory_space<hbm>> -> memref<800xf32, #tpu.memory_space<hbm>>
        %dma_start3A_1629 = arith.constant 5120 : i32
        %dma_start3A_1630 = tpu.memref_slice %arg7[%dma_start3A_1629] : memref<6400xf32, #tpu.memory_space<vmem>> -> memref<800xf32, #tpu.memory_space<vmem>>
        %dma_start3A_1631 = tpu.memref_slice %arg2[%add3A_1626] : memref<200000xf32, #tpu.memory_space<hbm>> -> memref<800xf32, #tpu.memory_space<hbm>>
        tpu.enqueue_dma source(%dma_start3A_1631 : memref<800xf32, #tpu.memory_space<hbm>>) target(%dma_start3A_1630 : memref<800xf32, #tpu.memory_space<vmem>>) target_semaphore(%run_scoped3A : memref<!tpu.dma_semaphore, #tpu.memory_space<semaphore_mem>>)
        %dma_wait3A = arith.constant 5120 : i32
        %dma_wait3A_1632 = tpu.memref_slice %arg7[%dma_wait3A] : memref<6400xf32, #tpu.memory_space<vmem>> -> memref<800xf32, #tpu.memory_space<vmem>>
        %dma_wait3A_1633 = tpu.memref_slice %arg2[%add3A_1626] : memref<200000xf32, #tpu.memory_space<hbm>> -> memref<800xf32, #tpu.memory_space<hbm>>
        %dma_wait3A_1634 = arith.constant 5120 : i32
        %dma_wait3A_1635 = tpu.memref_slice %arg7[%dma_wait3A_1634] : memref<6400xf32, #tpu.memory_space<vmem>> -> memref<800xf32, #tpu.memory_space<vmem>>
        %dma_wait3A_1636 = tpu.memref_slice %arg2[%add3A_1626] : memref<200000xf32, #tpu.memory_space<hbm>> -> memref<800xf32, #tpu.memory_space<hbm>>
        tpu.wait_dma2 semaphore(%run_scoped3A : memref<!tpu.dma_semaphore, #tpu.memory_space<semaphore_mem>>) src(%dma_wait3A_1636 : memref<800xf32, #tpu.memory_space<hbm>>) dst(%dma_wait3A_1635 : memref<800xf32, #tpu.memory_space<vmem>>)
        tpu.yield
      }) : () -> ()
    } else {
    }
    %mul3A_8 = arith.constant 384 : i32
    %mul3A_9 = arith.muli %arg0, %mul3A_8 : i32
    "tpu.region"() ({
      %run_scoped3A = tpu.sem_alloc : memref<!tpu.dma_semaphore, #tpu.memory_space<semaphore_mem>>
      %dma_start3A = tpu.memref_slice %arg4[%mul3A_9] : memref<768xf32, #tpu.memory_space<hbm>> -> memref<384xf32, #tpu.memory_space<hbm>>
      %dma_start3A_1577 = tpu.memref_slice %arg4[%mul3A_9] : memref<768xf32, #tpu.memory_space<hbm>> -> memref<384xf32, #tpu.memory_space<hbm>>
      tpu.enqueue_dma source(%dma_start3A_1577 : memref<384xf32, #tpu.memory_space<hbm>>) target(%arg8 : memref<384xf32, #tpu.memory_space<vmem>>) target_semaphore(%run_scoped3A : memref<!tpu.dma_semaphore, #tpu.memory_space<semaphore_mem>>)
      %dma_wait3A = tpu.memref_slice %arg4[%mul3A_9] : memref<768xf32, #tpu.memory_space<hbm>> -> memref<384xf32, #tpu.memory_space<hbm>>
      %dma_wait3A_1578 = tpu.memref_slice %arg4[%mul3A_9] : memref<768xf32, #tpu.memory_space<hbm>> -> memref<384xf32, #tpu.memory_space<hbm>>
      tpu.wait_dma2 semaphore(%run_scoped3A : memref<!tpu.dma_semaphore, #tpu.memory_space<semaphore_mem>>) src(%dma_wait3A_1578 : memref<384xf32, #tpu.memory_space<hbm>>) dst(%arg8 : memref<384xf32, #tpu.memory_space<vmem>>)
      tpu.yield
    }) : () -> ()
    %get3A = arith.constant 0 : index
    %get3A_10 = tpu.vector_load %arg8[%get3A] {strides = array<i32>} : memref<384xf32, #tpu.memory_space<vmem>>, vector<16xf32>,
    %get3A_11 = arith.constant 64 : index
    %get3A_12 = tpu.vector_load %arg8[%get3A_11] {strides = array<i32>} : memref<384xf32, #tpu.memory_space<vmem>>, vector<16xf32>,
    %get3A_13 = arith.constant 128 : index
    %get3A_14 = tpu.vector_load %arg8[%get3A_13] {strides = array<i32>} : memref<384xf32, #tpu.memory_space<vmem>>, vector<16xf32>,
    %get3A_15 = arith.constant 192 : index
    %get3A_16 = tpu.vector_load %arg8[%get3A_15] {strides = array<i32>} : memref<384xf32, #tpu.memory_space<vmem>>, vector<16xf32>,
    %get3A_17 = arith.constant 256 : index
    %get3A_18 = tpu.vector_load %arg8[%get3A_17] {strides = array<i32>} : memref<384xf32, #tpu.memory_space<vmem>>, vector<16xf32>,
    %get3A_19 = arith.constant 320 : index
    %get3A_20 = tpu.vector_load %arg8[%get3A_19] {strides = array<i32>} : memref<384xf32, #tpu.memory_space<vmem>>, vector<16xf32>,
    %ne3A = arith.constant -1.000000e+00 : f32
    %ne3A_21 = vector.broadcast %ne3A : f32 to vector<16xf32>
    %ne3A_22 = arith.cmpf one, %get3A_20, %ne3A_21 : vector<16xf32>
    %broadcast_in_dim3A_23 = arith.constant 1.000000e+00 : f32
    %broadcast_in_dim3A_24 = vector.broadcast %broadcast_in_dim3A_23 : f32 to vector<16xf32>
    %select_n3A = arith.select %ne3A_22, %broadcast_in_dim3A_24, %broadcast_in_dim3A_0 : vector<16xi1>, vector<16xf32>
    %swap3A = arith.constant 0 : index
    %swap3A_25 = tpu.vector_load %arg37[%swap3A] {strides = array<i32>} : memref<64xf32, #tpu.memory_space<vmem>>, vector<16xf32>,
    tpu.vector_store %arg37[%swap3A], %select_n3A {strides = array<i32>} : memref<64xf32, #tpu.memory_space<vmem>>, vector<16xf32>,
    %add3A = arith.addf %broadcast_in_dim3A_0, %select_n3A : vector<16xf32>
    %max3A = arith.maximumf %get3A_14, %get3A_16 : vector<16xf32>
    %mul3A_26 = arith.constant 5.000000e-01 : f32
    %mul3A_27 = vector.broadcast %mul3A_26 : f32 to vector<16xf32>
    %mul3A_28 = arith.mulf %max3A, %mul3A_27 : vector<16xf32>
    %sub3A = arith.subf %get3A_10, %mul3A_28 : vector<16xf32>
    %sub3A_29 = arith.subf %get3A_12, %mul3A_28 : vector<16xf32>
    %add3A_30 = arith.addf %get3A_10, %mul3A_28 : vector<16xf32>
    %add3A_31 = arith.addf %get3A_12, %mul3A_28 : vector<16xf32>
    %swap3A_32 = arith.constant 0 : index
    %swap3A_33 = tpu.vector_load %arg27[%swap3A_32] {strides = array<i32>} : memref<64xf32, #tpu.memory_space<vmem>>, vector<16xf32>,
    tpu.vector_store %arg27[%swap3A_32], %sub3A {strides = array<i32>} : memref<64xf32, #tpu.memory_space<vmem>>, vector<16xf32>,
    %swap3A_34 = arith.constant 0 : index
    %swap3A_35 = tpu.vector_load %arg28[%swap3A_34] {strides = array<i32>} : memref<64xf32, #tpu.memory_space<vmem>>, vector<16xf32>,
    tpu.vector_store %arg28[%swap3A_34], %sub3A_29 {strides = array<i32>} : memref<64xf32, #tpu.memory_space<vmem>>, vector<16xf32>,
    %swap3A_36 = arith.constant 0 : index
    %swap3A_37 = tpu.vector_load %arg29[%swap3A_36] {strides = array<i32>} : memref<64xf32, #tpu.memory_space<vmem>>, vector<16xf32>,
    tpu.vector_store %arg29[%swap3A_36], %add3A_30 {strides = array<i32>} : memref<64xf32, #tpu.memory_space<vmem>>, vector<16xf32>,
    %swap3A_38 = arith.constant 0 : index
    %swap3A_39 = tpu.vector_load %arg30[%swap3A_38] {strides = array<i32>} : memref<64xf32, #tpu.memory_space<vmem>>, vector<16xf32>,
    tpu.vector_store %arg30[%swap3A_38], %add3A_31 {strides = array<i32>} : memref<64xf32, #tpu.memory_space<vmem>>, vector<16xf32>,
    %sub3A_40 = arith.subf %add3A_30, %sub3A : vector<16xf32>
    %sub3A_41 = arith.subf %add3A_31, %sub3A_29 : vector<16xf32>
    %mul3A_42 = arith.mulf %sub3A_40, %sub3A_41 : vector<16xf32>
    %swap3A_43 = arith.constant 0 : index
    %swap3A_44 = tpu.vector_load %arg31[%swap3A_43] {strides = array<i32>} : memref<64xf32, #tpu.memory_space<vmem>>, vector<16xf32>,
    tpu.vector_store %arg31[%swap3A_43], %mul3A_42 {strides = array<i32>} : memref<64xf32, #tpu.memory_space<vmem>>, vector<16xf32>,
    %mul3A_45 = arith.constant 0.0174532924 : f32
    %mul3A_46 = vector.broadcast %mul3A_45 : f32 to vector<16xf32>
    %mul3A_47 = arith.mulf %get3A_18, %mul3A_46 : vector<16xf32>
    %mul3A_48 = arith.mulf %mul3A_47, %mul3A_47 : vector<16xf32>
    %mul3A_49 = arith.constant 2.48015876E-5 : f32
    %mul3A_50 = vector.broadcast %mul3A_49 : f32 to vector<16xf32>
    %mul3A_51 = arith.mulf %mul3A_48, %mul3A_50 : vector<16xf32>
    %add3A_52 = arith.constant -0.00138888892 : f32
    %add3A_53 = vector.broadcast %add3A_52 : f32 to vector<16xf32>
    %add3A_54 = arith.addf %add3A_53, %mul3A_51 : vector<16xf32>
    %mul3A_55 = arith.mulf %mul3A_48, %add3A_54 : vector<16xf32>
    %add3A_56 = arith.constant 0.0416666679 : f32
    %add3A_57 = vector.broadcast %add3A_56 : f32 to vector<16xf32>
    %add3A_58 = arith.addf %add3A_57, %mul3A_55 : vector<16xf32>
    %mul3A_59 = arith.mulf %mul3A_48, %add3A_58 : vector<16xf32>
    %add3A_60 = arith.constant -5.000000e-01 : f32
    %add3A_61 = vector.broadcast %add3A_60 : f32 to vector<16xf32>
    %add3A_62 = arith.addf %add3A_61, %mul3A_59 : vector<16xf32>
    %mul3A_63 = arith.mulf %mul3A_48, %add3A_62 : vector<16xf32>
    %add3A_64 = arith.constant 1.000000e+00 : f32
    %add3A_65 = vector.broadcast %add3A_64 : f32 to vector<16xf32>
    %add3A_66 = arith.addf %add3A_65, %mul3A_63 : vector<16xf32>
    %mul3A_67 = arith.mulf %mul3A_47, %mul3A_47 : vector<16xf32>
    %mul3A_68 = arith.constant 2.75573188E-6 : f32
    %mul3A_69 = vector.broadcast %mul3A_68 : f32 to vector<16xf32>
    %mul3A_70 = arith.mulf %mul3A_67, %mul3A_69 : vector<16xf32>
    %add3A_71 = arith.constant -1.98412701E-4 : f32
    %add3A_72 = vector.broadcast %add3A_71 : f32 to vector<16xf32>
    %add3A_73 = arith.addf %add3A_72, %mul3A_70 : vector<16xf32>
    %mul3A_74 = arith.mulf %mul3A_67, %add3A_73 : vector<16xf32>
    %add3A_75 = arith.constant 0.00833333377 : f32
    %add3A_76 = vector.broadcast %add3A_75 : f32 to vector<16xf32>
    %add3A_77 = arith.addf %add3A_76, %mul3A_74 : vector<16xf32>
    %mul3A_78 = arith.mulf %mul3A_67, %add3A_77 : vector<16xf32>
    %add3A_79 = arith.constant -0.166666672 : f32
    %add3A_80 = vector.broadcast %add3A_79 : f32 to vector<16xf32>
    %add3A_81 = arith.addf %add3A_80, %mul3A_78 : vector<16xf32>
    %mul3A_82 = arith.mulf %mul3A_67, %add3A_81 : vector<16xf32>
    %add3A_83 = arith.constant 1.000000e+00 : f32
    %add3A_84 = vector.broadcast %add3A_83 : f32 to vector<16xf32>
    %add3A_85 = arith.addf %add3A_84, %mul3A_82 : vector<16xf32>
    %mul3A_86 = arith.mulf %mul3A_47, %add3A_85 : vector<16xf32>
    %abs3A = math.absf %add3A_66 : vector<16xf32>
    %abs3A_87 = math.absf %mul3A_86 : vector<16xf32>
    %mul3A_88 = arith.mulf %get3A_14, %abs3A : vector<16xf32>
    %mul3A_89 = arith.mulf %get3A_16, %abs3A_87 : vector<16xf32>
    %add3A_90 = arith.addf %mul3A_88, %mul3A_89 : vector<16xf32>
    %mul3A_91 = arith.constant 5.000000e-01 : f32
    %mul3A_92 = vector.broadcast %mul3A_91 : f32 to vector<16xf32>
    %mul3A_93 = arith.mulf %add3A_90, %mul3A_92 : vector<16xf32>
    %mul3A_94 = arith.mulf %get3A_14, %abs3A_87 : vector<16xf32>
    %mul3A_95 = arith.mulf %get3A_16, %abs3A : vector<16xf32>
    %add3A_96 = arith.addf %mul3A_94, %mul3A_95 : vector<16xf32>
    %mul3A_97 = arith.constant 5.000000e-01 : f32
    %mul3A_98 = vector.broadcast %mul3A_97 : f32 to vector<16xf32>
    %mul3A_99 = arith.mulf %add3A_96, %mul3A_98 : vector<16xf32>
    %sub3A_100 = arith.subf %get3A_10, %mul3A_93 : vector<16xf32>
    %sub3A_101 = arith.subf %get3A_12, %mul3A_99 : vector<16xf32>
    %add3A_102 = arith.addf %get3A_10, %mul3A_93 : vector<16xf32>
    %add3A_103 = arith.addf %get3A_12, %mul3A_99 : vector<16xf32>
    %swap3A_104 = arith.constant 0 : index
    %swap3A_105 = tpu.vector_load %arg32[%swap3A_104] {strides = array<i32>} : memref<64xf32, #tpu.memory_space<vmem>>, vector<16xf32>,
    tpu.vector_store %arg32[%swap3A_104], %sub3A_100 {strides = array<i32>} : memref<64xf32, #tpu.memory_space<vmem>>, vector<16xf32>,
    %swap3A_106 = arith.constant 0 : index
    %swap3A_107 = tpu.vector_load %arg33[%swap3A_106] {strides = array<i32>} : memref<64xf32, #tpu.memory_space<vmem>>, vector<16xf32>,
    tpu.vector_store %arg33[%swap3A_106], %sub3A_101 {strides = array<i32>} : memref<64xf32, #tpu.memory_space<vmem>>, vector<16xf32>,
    %swap3A_108 = arith.constant 0 : index
    %swap3A_109 = tpu.vector_load %arg34[%swap3A_108] {strides = array<i32>} : memref<64xf32, #tpu.memory_space<vmem>>, vector<16xf32>,
    tpu.vector_store %arg34[%swap3A_108], %add3A_102 {strides = array<i32>} : memref<64xf32, #tpu.memory_space<vmem>>, vector<16xf32>,
    %swap3A_110 = arith.constant 0 : index
    %swap3A_111 = tpu.vector_load %arg35[%swap3A_110] {strides = array<i32>} : memref<64xf32, #tpu.memory_space<vmem>>, vector<16xf32>,
    tpu.vector_store %arg35[%swap3A_110], %add3A_103 {strides = array<i32>} : memref<64xf32, #tpu.memory_space<vmem>>, vector<16xf32>,
    %sub3A_112 = arith.subf %add3A_102, %sub3A_100 : vector<16xf32>
    %sub3A_113 = arith.subf %add3A_103, %sub3A_101 : vector<16xf32>
    %mul3A_114 = arith.mulf %sub3A_112, %sub3A_113 : vector<16xf32>
    %swap3A_115 = arith.constant 0 : index
    %swap3A_116 = tpu.vector_load %arg36[%swap3A_115] {strides = array<i32>} : memref<64xf32, #tpu.memory_space<vmem>>, vector<16xf32>,
    tpu.vector_store %arg36[%swap3A_115], %mul3A_114 {strides = array<i32>} : memref<64xf32, #tpu.memory_space<vmem>>, vector<16xf32>,
    %swap3A_117 = arith.constant 0 : index
    %swap3A_118 = tpu.vector_load %arg38[%swap3A_117] {strides = array<i32>} : memref<64xf32, #tpu.memory_space<vmem>>, vector<16xf32>,
    tpu.vector_store %arg38[%swap3A_117], %get3A_10 {strides = array<i32>} : memref<64xf32, #tpu.memory_space<vmem>>, vector<16xf32>,
    %swap3A_119 = arith.constant 0 : index
    %swap3A_120 = tpu.vector_load %arg39[%swap3A_119] {strides = array<i32>} : memref<64xf32, #tpu.memory_space<vmem>>, vector<16xf32>,
    tpu.vector_store %arg39[%swap3A_119], %get3A_12 {strides = array<i32>} : memref<64xf32, #tpu.memory_space<vmem>>, vector<16xf32>,
    %max3A_121 = arith.constant 1.000000e+00 : f32
    %max3A_122 = vector.broadcast %max3A_121 : f32 to vector<16xf32>
    %max3A_123 = arith.maximumf %get3A_14, %max3A_122 : vector<16xf32>
    %bitcast3A = vector.bitcast %max3A_123 : vector<16xf32> to vector<16xi32>
    %shift_right_logical3A = arith.constant 23 : i32
    %shift_right_logical3A_124 = vector.broadcast %shift_right_logical3A : i32 to vector<16xi32>
    %shift_right_logical3A_125 = arith.shrui %bitcast3A, %shift_right_logical3A_124 : vector<16xi32>
    %sub3A_126 = arith.constant 127 : i32
    %sub3A_127 = vector.broadcast %sub3A_126 : i32 to vector<16xi32>
    %sub3A_128 = arith.subi %shift_right_logical3A_125, %sub3A_127 : vector<16xi32>
    %and3A = arith.constant 8388607 : i32
    %and3A_129 = vector.broadcast %and3A : i32 to vector<16xi32>
    %and3A_130 = arith.andi %bitcast3A, %and3A_129 : vector<16xi32>
    %or3A = arith.constant 1065353216 : i32
    %or3A_131 = vector.broadcast %or3A : i32 to vector<16xi32>
    %or3A_132 = arith.ori %and3A_130, %or3A_131 : vector<16xi32>
    %bitcast3A_133 = vector.bitcast %or3A_132 : vector<16xi32> to vector<16xf32>
    %gt3A = arith.constant 1.41421354 : f32
    %gt3A_134 = vector.broadcast %gt3A : f32 to vector<16xf32>
    %gt3A_135 = arith.cmpf ogt, %bitcast3A_133, %gt3A_134 : vector<16xf32>
    %mul3A_136 = arith.constant 5.000000e-01 : f32
    %mul3A_137 = vector.broadcast %mul3A_136 : f32 to vector<16xf32>
    %mul3A_138 = arith.mulf %bitcast3A_133, %mul3A_137 : vector<16xf32>
    %select_n3A_139 = arith.select %gt3A_135, %mul3A_138, %bitcast3A_133 : vector<16xi1>, vector<16xf32>
    %convert_element_type3A_140 = arith.extui %gt3A_135 : vector<16xi1> to vector<16xi32>
    %add3A_141 = arith.addi %sub3A_128, %convert_element_type3A_140 : vector<16xi32>
    %sub3A_142 = arith.constant 1.000000e+00 : f32
    %sub3A_143 = vector.broadcast %sub3A_142 : f32 to vector<16xf32>
    %sub3A_144 = arith.subf %select_n3A_139, %sub3A_143 : vector<16xf32>
    %add3A_145 = arith.constant 1.000000e+00 : f32
    %add3A_146 = vector.broadcast %add3A_145 : f32 to vector<16xf32>
    %add3A_147 = arith.addf %select_n3A_139, %add3A_146 : vector<16xf32>
    %div3A = arith.divf %sub3A_144, %add3A_147 : vector<16xf32>
    %mul3A_148 = arith.mulf %div3A, %div3A : vector<16xf32>
    %mul3A_149 = arith.constant 2.000000e+00 : f32
    %mul3A_150 = vector.broadcast %mul3A_149 : f32 to vector<16xf32>
    %mul3A_151 = arith.mulf %mul3A_150, %div3A : vector<16xf32>
    %mul3A_152 = arith.constant 0.111111112 : f32
    %mul3A_153 = vector.broadcast %mul3A_152 : f32 to vector<16xf32>
    %mul3A_154 = arith.mulf %mul3A_148, %mul3A_153 : vector<16xf32>
    %add3A_155 = arith.constant 0.142857149 : f32
    %add3A_156 = vector.broadcast %add3A_155 : f32 to vector<16xf32>
    %add3A_157 = arith.addf %add3A_156, %mul3A_154 : vector<16xf32>
    %mul3A_158 = arith.mulf %mul3A_148, %add3A_157 : vector<16xf32>
    %add3A_159 = arith.constant 2.000000e-01 : f32
    %add3A_160 = vector.broadcast %add3A_159 : f32 to vector<16xf32>
    %add3A_161 = arith.addf %add3A_160, %mul3A_158 : vector<16xf32>
    %mul3A_162 = arith.mulf %mul3A_148, %add3A_161 : vector<16xf32>
    %add3A_163 = arith.constant 0.333333343 : f32
    %add3A_164 = vector.broadcast %add3A_163 : f32 to vector<16xf32>
    %add3A_165 = arith.addf %add3A_164, %mul3A_162 : vector<16xf32>
    %mul3A_166 = arith.mulf %mul3A_148, %add3A_165 : vector<16xf32>
    %add3A_167 = arith.constant 1.000000e+00 : f32
    %add3A_168 = vector.broadcast %add3A_167 : f32 to vector<16xf32>
    %add3A_169 = arith.addf %add3A_168, %mul3A_166 : vector<16xf32>
    %mul3A_170 = arith.mulf %mul3A_151, %add3A_169 : vector<16xf32>
    %convert_element_type3A_171 = arith.sitofp %add3A_141 : vector<16xi32> to vector<16xf32>
    %mul3A_172 = arith.constant 0.693147182 : f32
    %mul3A_173 = vector.broadcast %mul3A_172 : f32 to vector<16xf32>
    %mul3A_174 = arith.mulf %convert_element_type3A_171, %mul3A_173 : vector<16xf32>
    %add3A_175 = arith.addf %mul3A_174, %mul3A_170 : vector<16xf32>
    %swap3A_176 = arith.constant 0 : index
    %swap3A_177 = tpu.vector_load %arg40[%swap3A_176] {strides = array<i32>} : memref<64xf32, #tpu.memory_space<vmem>>, vector<16xf32>,
    tpu.vector_store %arg40[%swap3A_176], %add3A_175 {strides = array<i32>} : memref<64xf32, #tpu.memory_space<vmem>>, vector<16xf32>,
    %max3A_178 = arith.constant 1.000000e+00 : f32
    %max3A_179 = vector.broadcast %max3A_178 : f32 to vector<16xf32>
    %max3A_180 = arith.maximumf %get3A_16, %max3A_179 : vector<16xf32>
    %bitcast3A_181 = vector.bitcast %max3A_180 : vector<16xf32> to vector<16xi32>
    %shift_right_logical3A_182 = arith.constant 23 : i32
    %shift_right_logical3A_183 = vector.broadcast %shift_right_logical3A_182 : i32 to vector<16xi32>
    %shift_right_logical3A_184 = arith.shrui %bitcast3A_181, %shift_right_logical3A_183 : vector<16xi32>
    %sub3A_185 = arith.constant 127 : i32
    %sub3A_186 = vector.broadcast %sub3A_185 : i32 to vector<16xi32>
    %sub3A_187 = arith.subi %shift_right_logical3A_184, %sub3A_186 : vector<16xi32>
    %and3A_188 = arith.constant 8388607 : i32
    %and3A_189 = vector.broadcast %and3A_188 : i32 to vector<16xi32>
    %and3A_190 = arith.andi %bitcast3A_181, %and3A_189 : vector<16xi32>
    %or3A_191 = arith.constant 1065353216 : i32
    %or3A_192 = vector.broadcast %or3A_191 : i32 to vector<16xi32>
    %or3A_193 = arith.ori %and3A_190, %or3A_192 : vector<16xi32>
    %bitcast3A_194 = vector.bitcast %or3A_193 : vector<16xi32> to vector<16xf32>
    %gt3A_195 = arith.constant 1.41421354 : f32
    %gt3A_196 = vector.broadcast %gt3A_195 : f32 to vector<16xf32>
    %gt3A_197 = arith.cmpf ogt, %bitcast3A_194, %gt3A_196 : vector<16xf32>
    %mul3A_198 = arith.constant 5.000000e-01 : f32
    %mul3A_199 = vector.broadcast %mul3A_198 : f32 to vector<16xf32>
    %mul3A_200 = arith.mulf %bitcast3A_194, %mul3A_199 : vector<16xf32>
    %select_n3A_201 = arith.select %gt3A_197, %mul3A_200, %bitcast3A_194 : vector<16xi1>, vector<16xf32>
    %convert_element_type3A_202 = arith.extui %gt3A_197 : vector<16xi1> to vector<16xi32>
    %add3A_203 = arith.addi %sub3A_187, %convert_element_type3A_202 : vector<16xi32>
    %sub3A_204 = arith.constant 1.000000e+00 : f32
    %sub3A_205 = vector.broadcast %sub3A_204 : f32 to vector<16xf32>
    %sub3A_206 = arith.subf %select_n3A_201, %sub3A_205 : vector<16xf32>
    %add3A_207 = arith.constant 1.000000e+00 : f32
    %add3A_208 = vector.broadcast %add3A_207 : f32 to vector<16xf32>
    %add3A_209 = arith.addf %select_n3A_201, %add3A_208 : vector<16xf32>
    %div3A_210 = arith.divf %sub3A_206, %add3A_209 : vector<16xf32>
    %mul3A_211 = arith.mulf %div3A_210, %div3A_210 : vector<16xf32>
    %mul3A_212 = arith.constant 2.000000e+00 : f32
    %mul3A_213 = vector.broadcast %mul3A_212 : f32 to vector<16xf32>
    %mul3A_214 = arith.mulf %mul3A_213, %div3A_210 : vector<16xf32>
    %mul3A_215 = arith.constant 0.111111112 : f32
    %mul3A_216 = vector.broadcast %mul3A_215 : f32 to vector<16xf32>
    %mul3A_217 = arith.mulf %mul3A_211, %mul3A_216 : vector<16xf32>
    %add3A_218 = arith.constant 0.142857149 : f32
    %add3A_219 = vector.broadcast %add3A_218 : f32 to vector<16xf32>
    %add3A_220 = arith.addf %add3A_219, %mul3A_217 : vector<16xf32>
    %mul3A_221 = arith.mulf %mul3A_211, %add3A_220 : vector<16xf32>
    %add3A_222 = arith.constant 2.000000e-01 : f32
    %add3A_223 = vector.broadcast %add3A_222 : f32 to vector<16xf32>
    %add3A_224 = arith.addf %add3A_223, %mul3A_221 : vector<16xf32>
    %mul3A_225 = arith.mulf %mul3A_211, %add3A_224 : vector<16xf32>
    %add3A_226 = arith.constant 0.333333343 : f32
    %add3A_227 = vector.broadcast %add3A_226 : f32 to vector<16xf32>
    %add3A_228 = arith.addf %add3A_227, %mul3A_225 : vector<16xf32>
    %mul3A_229 = arith.mulf %mul3A_211, %add3A_228 : vector<16xf32>
    %add3A_230 = arith.constant 1.000000e+00 : f32
    %add3A_231 = vector.broadcast %add3A_230 : f32 to vector<16xf32>
    %add3A_232 = arith.addf %add3A_231, %mul3A_229 : vector<16xf32>
    %mul3A_233 = arith.mulf %mul3A_214, %add3A_232 : vector<16xf32>
    %convert_element_type3A_234 = arith.sitofp %add3A_203 : vector<16xi32> to vector<16xf32>
    %mul3A_235 = arith.constant 0.693147182 : f32
    %mul3A_236 = vector.broadcast %mul3A_235 : f32 to vector<16xf32>
    %mul3A_237 = arith.mulf %convert_element_type3A_234, %mul3A_236 : vector<16xf32>
    %add3A_238 = arith.addf %mul3A_237, %mul3A_233 : vector<16xf32>
    %swap3A_239 = arith.constant 0 : index
    %swap3A_240 = tpu.vector_load %arg41[%swap3A_239] {strides = array<i32>} : memref<64xf32, #tpu.memory_space<vmem>>, vector<16xf32>,
    tpu.vector_store %arg41[%swap3A_239], %add3A_238 {strides = array<i32>} : memref<64xf32, #tpu.memory_space<vmem>>, vector<16xf32>,
    %div3A_241 = arith.divf %mul3A_86, %add3A_66 : vector<16xf32>
    %swap3A_242 = arith.constant 0 : index
    %swap3A_243 = tpu.vector_load %arg42[%swap3A_242] {strides = array<i32>} : memref<64xf32, #tpu.memory_space<vmem>>, vector<16xf32>,
    tpu.vector_store %arg42[%swap3A_242], %div3A_241 {strides = array<i32>} : memref<64xf32, #tpu.memory_space<vmem>>, vector<16xf32>,
    %get3A_244 = arith.constant 16 : index
    %get3A_245 = tpu.vector_load %arg8[%get3A_244] {strides = array<i32>} : memref<384xf32, #tpu.memory_space<vmem>>, vector<16xf32>,
    %get3A_246 = arith.constant 80 : index
    %get3A_247 = tpu.vector_load %arg8[%get3A_246] {strides = array<i32>} : memref<384xf32, #tpu.memory_space<vmem>>, vector<16xf32>,
    %get3A_248 = arith.constant 144 : index
    %get3A_249 = tpu.vector_load %arg8[%get3A_248] {strides = array<i32>} : memref<384xf32, #tpu.memory_space<vmem>>, vector<16xf32>,
    %get3A_250 = arith.constant 208 : index
    %get3A_251 = tpu.vector_load %arg8[%get3A_250] {strides = array<i32>} : memref<384xf32, #tpu.memory_space<vmem>>, vector<16xf32>,
    %get3A_252 = arith.constant 272 : index
    %get3A_253 = tpu.vector_load %arg8[%get3A_252] {strides = array<i32>} : memref<384xf32, #tpu.memory_space<vmem>>, vector<16xf32>,
    %get3A_254 = arith.constant 336 : index
    %get3A_255 = tpu.vector_load %arg8[%get3A_254] {strides = array<i32>} : memref<384xf32, #tpu.memory_space<vmem>>, vector<16xf32>,
    %ne3A_256 = arith.constant -1.000000e+00 : f32
    %ne3A_257 = vector.broadcast %ne3A_256 : f32 to vector<16xf32>
    %ne3A_258 = arith.cmpf one, %get3A_255, %ne3A_257 : vector<16xf32>
    %broadcast_in_dim3A_259 = arith.constant 1.000000e+00 : f32
    %broadcast_in_dim3A_260 = vector.broadcast %broadcast_in_dim3A_259 : f32 to vector<16xf32>
    %select_n3A_261 = arith.select %ne3A_258, %broadcast_in_dim3A_260, %broadcast_in_dim3A_0 : vector<16xi1>, vector<16xf32>
    %swap3A_262 = arith.constant 16 : index
    %swap3A_263 = tpu.vector_load %arg37[%swap3A_262] {strides = array<i32>} : memref<64xf32, #tpu.memory_space<vmem>>, vector<16xf32>,
    tpu.vector_store %arg37[%swap3A_262], %select_n3A_261 {strides = array<i32>} : memref<64xf32, #tpu.memory_space<vmem>>, vector<16xf32>,
    %add3A_264 = arith.addf %add3A, %select_n3A_261 : vector<16xf32>
    %max3A_265 = arith.maximumf %get3A_249, %get3A_251 : vector<16xf32>
    %mul3A_266 = arith.constant 5.000000e-01 : f32
    %mul3A_267 = vector.broadcast %mul3A_266 : f32 to vector<16xf32>
    %mul3A_268 = arith.mulf %max3A_265, %mul3A_267 : vector<16xf32>
    %sub3A_269 = arith.subf %get3A_245, %mul3A_268 : vector<16xf32>
    %sub3A_270 = arith.subf %get3A_247, %mul3A_268 : vector<16xf32>
    %add3A_271 = arith.addf %get3A_245, %mul3A_268 : vector<16xf32>
    %add3A_272 = arith.addf %get3A_247, %mul3A_268 : vector<16xf32>
    %swap3A_273 = arith.constant 16 : index
    %swap3A_274 = tpu.vector_load %arg27[%swap3A_273] {strides = array<i32>} : memref<64xf32, #tpu.memory_space<vmem>>, vector<16xf32>,
    tpu.vector_store %arg27[%swap3A_273], %sub3A_269 {strides = array<i32>} : memref<64xf32, #tpu.memory_space<vmem>>, vector<16xf32>,
    %swap3A_275 = arith.constant 16 : index
    %swap3A_276 = tpu.vector_load %arg28[%swap3A_275] {strides = array<i32>} : memref<64xf32, #tpu.memory_space<vmem>>, vector<16xf32>,
    tpu.vector_store %arg28[%swap3A_275], %sub3A_270 {strides = array<i32>} : memref<64xf32, #tpu.memory_space<vmem>>, vector<16xf32>,
    %swap3A_277 = arith.constant 16 : index
    %swap3A_278 = tpu.vector_load %arg29[%swap3A_277] {strides = array<i32>} : memref<64xf32, #tpu.memory_space<vmem>>, vector<16xf32>,
    tpu.vector_store %arg29[%swap3A_277], %add3A_271 {strides = array<i32>} : memref<64xf32, #tpu.memory_space<vmem>>, vector<16xf32>,
    %swap3A_279 = arith.constant 16 : index
    %swap3A_280 = tpu.vector_load %arg30[%swap3A_279] {strides = array<i32>} : memref<64xf32, #tpu.memory_space<vmem>>, vector<16xf32>,
    tpu.vector_store %arg30[%swap3A_279], %add3A_272 {strides = array<i32>} : memref<64xf32, #tpu.memory_space<vmem>>, vector<16xf32>,
    %sub3A_281 = arith.subf %add3A_271, %sub3A_269 : vector<16xf32>
    %sub3A_282 = arith.subf %add3A_272, %sub3A_270 : vector<16xf32>
    %mul3A_283 = arith.mulf %sub3A_281, %sub3A_282 : vector<16xf32>
    %swap3A_284 = arith.constant 16 : index
    %swap3A_285 = tpu.vector_load %arg31[%swap3A_284] {strides = array<i32>} : memref<64xf32, #tpu.memory_space<vmem>>, vector<16xf32>,
    tpu.vector_store %arg31[%swap3A_284], %mul3A_283 {strides = array<i32>} : memref<64xf32, #tpu.memory_space<vmem>>, vector<16xf32>,
    %mul3A_286 = arith.constant 0.0174532924 : f32
    %mul3A_287 = vector.broadcast %mul3A_286 : f32 to vector<16xf32>
    %mul3A_288 = arith.mulf %get3A_253, %mul3A_287 : vector<16xf32>
    %mul3A_289 = arith.mulf %mul3A_288, %mul3A_288 : vector<16xf32>
    %mul3A_290 = arith.constant 2.48015876E-5 : f32
    %mul3A_291 = vector.broadcast %mul3A_290 : f32 to vector<16xf32>
    %mul3A_292 = arith.mulf %mul3A_289, %mul3A_291 : vector<16xf32>
    %add3A_293 = arith.constant -0.00138888892 : f32
    %add3A_294 = vector.broadcast %add3A_293 : f32 to vector<16xf32>
    %add3A_295 = arith.addf %add3A_294, %mul3A_292 : vector<16xf32>
    %mul3A_296 = arith.mulf %mul3A_289, %add3A_295 : vector<16xf32>
    %add3A_297 = arith.constant 0.0416666679 : f32
    %add3A_298 = vector.broadcast %add3A_297 : f32 to vector<16xf32>
    %add3A_299 = arith.addf %add3A_298, %mul3A_296 : vector<16xf32>
    %mul3A_300 = arith.mulf %mul3A_289, %add3A_299 : vector<16xf32>
    %add3A_301 = arith.constant -5.000000e-01 : f32
    %add3A_302 = vector.broadcast %add3A_301 : f32 to vector<16xf32>
    %add3A_303 = arith.addf %add3A_302, %mul3A_300 : vector<16xf32>
    %mul3A_304 = arith.mulf %mul3A_289, %add3A_303 : vector<16xf32>
    %add3A_305 = arith.constant 1.000000e+00 : f32
    %add3A_306 = vector.broadcast %add3A_305 : f32 to vector<16xf32>
    %add3A_307 = arith.addf %add3A_306, %mul3A_304 : vector<16xf32>
    %mul3A_308 = arith.mulf %mul3A_288, %mul3A_288 : vector<16xf32>
    %mul3A_309 = arith.constant 2.75573188E-6 : f32
    %mul3A_310 = vector.broadcast %mul3A_309 : f32 to vector<16xf32>
    %mul3A_311 = arith.mulf %mul3A_308, %mul3A_310 : vector<16xf32>
    %add3A_312 = arith.constant -1.98412701E-4 : f32
    %add3A_313 = vector.broadcast %add3A_312 : f32 to vector<16xf32>
    %add3A_314 = arith.addf %add3A_313, %mul3A_311 : vector<16xf32>
    %mul3A_315 = arith.mulf %mul3A_308, %add3A_314 : vector<16xf32>
    %add3A_316 = arith.constant 0.00833333377 : f32
    %add3A_317 = vector.broadcast %add3A_316 : f32 to vector<16xf32>
    %add3A_318 = arith.addf %add3A_317, %mul3A_315 : vector<16xf32>
    %mul3A_319 = arith.mulf %mul3A_308, %add3A_318 : vector<16xf32>
    %add3A_320 = arith.constant -0.166666672 : f32
    %add3A_321 = vector.broadcast %add3A_320 : f32 to vector<16xf32>
    %add3A_322 = arith.addf %add3A_321, %mul3A_319 : vector<16xf32>
    %mul3A_323 = arith.mulf %mul3A_308, %add3A_322 : vector<16xf32>
    %add3A_324 = arith.constant 1.000000e+00 : f32
    %add3A_325 = vector.broadcast %add3A_324 : f32 to vector<16xf32>
    %add3A_326 = arith.addf %add3A_325, %mul3A_323 : vector<16xf32>
    %mul3A_327 = arith.mulf %mul3A_288, %add3A_326 : vector<16xf32>
    %abs3A_328 = math.absf %add3A_307 : vector<16xf32>
    %abs3A_329 = math.absf %mul3A_327 : vector<16xf32>
    %mul3A_330 = arith.mulf %get3A_249, %abs3A_328 : vector<16xf32>
    %mul3A_331 = arith.mulf %get3A_251, %abs3A_329 : vector<16xf32>
    %add3A_332 = arith.addf %mul3A_330, %mul3A_331 : vector<16xf32>
    %mul3A_333 = arith.constant 5.000000e-01 : f32
    %mul3A_334 = vector.broadcast %mul3A_333 : f32 to vector<16xf32>
    %mul3A_335 = arith.mulf %add3A_332, %mul3A_334 : vector<16xf32>
    %mul3A_336 = arith.mulf %get3A_249, %abs3A_329 : vector<16xf32>
    %mul3A_337 = arith.mulf %get3A_251, %abs3A_328 : vector<16xf32>
    %add3A_338 = arith.addf %mul3A_336, %mul3A_337 : vector<16xf32>
    %mul3A_339 = arith.constant 5.000000e-01 : f32
    %mul3A_340 = vector.broadcast %mul3A_339 : f32 to vector<16xf32>
    %mul3A_341 = arith.mulf %add3A_338, %mul3A_340 : vector<16xf32>
    %sub3A_342 = arith.subf %get3A_245, %mul3A_335 : vector<16xf32>
    %sub3A_343 = arith.subf %get3A_247, %mul3A_341 : vector<16xf32>
    %add3A_344 = arith.addf %get3A_245, %mul3A_335 : vector<16xf32>
    %add3A_345 = arith.addf %get3A_247, %mul3A_341 : vector<16xf32>
    %swap3A_346 = arith.constant 16 : index
    %swap3A_347 = tpu.vector_load %arg32[%swap3A_346] {strides = array<i32>} : memref<64xf32, #tpu.memory_space<vmem>>, vector<16xf32>,
    tpu.vector_store %arg32[%swap3A_346], %sub3A_342 {strides = array<i32>} : memref<64xf32, #tpu.memory_space<vmem>>, vector<16xf32>,
    %swap3A_348 = arith.constant 16 : index
    %swap3A_349 = tpu.vector_load %arg33[%swap3A_348] {strides = array<i32>} : memref<64xf32, #tpu.memory_space<vmem>>, vector<16xf32>,
    tpu.vector_store %arg33[%swap3A_348], %sub3A_343 {strides = array<i32>} : memref<64xf32, #tpu.memory_space<vmem>>, vector<16xf32>,
    %swap3A_350 = arith.constant 16 : index
    %swap3A_351 = tpu.vector_load %arg34[%swap3A_350] {strides = array<i32>} : memref<64xf32, #tpu.memory_space<vmem>>, vector<16xf32>,
    tpu.vector_store %arg34[%swap3A_350], %add3A_344 {strides = array<i32>} : memref<64xf32, #tpu.memory_space<vmem>>, vector<16xf32>,
    %swap3A_352 = arith.constant 16 : index
    %swap3A_353 = tpu.vector_load %arg35[%swap3A_352] {strides = array<i32>} : memref<64xf32, #tpu.memory_space<vmem>>, vector<16xf32>,
    tpu.vector_store %arg35[%swap3A_352], %add3A_345 {strides = array<i32>} : memref<64xf32, #tpu.memory_space<vmem>>, vector<16xf32>,
    %sub3A_354 = arith.subf %add3A_344, %sub3A_342 : vector<16xf32>
    %sub3A_355 = arith.subf %add3A_345, %sub3A_343 : vector<16xf32>
    %mul3A_356 = arith.mulf %sub3A_354, %sub3A_355 : vector<16xf32>
    %swap3A_357 = arith.constant 16 : index
    %swap3A_358 = tpu.vector_load %arg36[%swap3A_357] {strides = array<i32>} : memref<64xf32, #tpu.memory_space<vmem>>, vector<16xf32>,
    tpu.vector_store %arg36[%swap3A_357], %mul3A_356 {strides = array<i32>} : memref<64xf32, #tpu.memory_space<vmem>>, vector<16xf32>,
    %swap3A_359 = arith.constant 16 : index
    %swap3A_360 = tpu.vector_load %arg38[%swap3A_359] {strides = array<i32>} : memref<64xf32, #tpu.memory_space<vmem>>, vector<16xf32>,
    tpu.vector_store %arg38[%swap3A_359], %get3A_245 {strides = array<i32>} : memref<64xf32, #tpu.memory_space<vmem>>, vector<16xf32>,
    %swap3A_361 = arith.constant 16 : index
    %swap3A_362 = tpu.vector_load %arg39[%swap3A_361] {strides = array<i32>} : memref<64xf32, #tpu.memory_space<vmem>>, vector<16xf32>,
    tpu.vector_store %arg39[%swap3A_361], %get3A_247 {strides = array<i32>} : memref<64xf32, #tpu.memory_space<vmem>>, vector<16xf32>,
    %max3A_363 = arith.constant 1.000000e+00 : f32
    %max3A_364 = vector.broadcast %max3A_363 : f32 to vector<16xf32>
    %max3A_365 = arith.maximumf %get3A_249, %max3A_364 : vector<16xf32>
    %bitcast3A_366 = vector.bitcast %max3A_365 : vector<16xf32> to vector<16xi32>
    %shift_right_logical3A_367 = arith.constant 23 : i32
    %shift_right_logical3A_368 = vector.broadcast %shift_right_logical3A_367 : i32 to vector<16xi32>
    %shift_right_logical3A_369 = arith.shrui %bitcast3A_366, %shift_right_logical3A_368 : vector<16xi32>
    %sub3A_370 = arith.constant 127 : i32
    %sub3A_371 = vector.broadcast %sub3A_370 : i32 to vector<16xi32>
    %sub3A_372 = arith.subi %shift_right_logical3A_369, %sub3A_371 : vector<16xi32>
    %and3A_373 = arith.constant 8388607 : i32
    %and3A_374 = vector.broadcast %and3A_373 : i32 to vector<16xi32>
    %and3A_375 = arith.andi %bitcast3A_366, %and3A_374 : vector<16xi32>
    %or3A_376 = arith.constant 1065353216 : i32
    %or3A_377 = vector.broadcast %or3A_376 : i32 to vector<16xi32>
    %or3A_378 = arith.ori %and3A_375, %or3A_377 : vector<16xi32>
    %bitcast3A_379 = vector.bitcast %or3A_378 : vector<16xi32> to vector<16xf32>
    %gt3A_380 = arith.constant 1.41421354 : f32
    %gt3A_381 = vector.broadcast %gt3A_380 : f32 to vector<16xf32>
    %gt3A_382 = arith.cmpf ogt, %bitcast3A_379, %gt3A_381 : vector<16xf32>
    %mul3A_383 = arith.constant 5.000000e-01 : f32
    %mul3A_384 = vector.broadcast %mul3A_383 : f32 to vector<16xf32>
    %mul3A_385 = arith.mulf %bitcast3A_379, %mul3A_384 : vector<16xf32>
    %select_n3A_386 = arith.select %gt3A_382, %mul3A_385, %bitcast3A_379 : vector<16xi1>, vector<16xf32>
    %convert_element_type3A_387 = arith.extui %gt3A_382 : vector<16xi1> to vector<16xi32>
    %add3A_388 = arith.addi %sub3A_372, %convert_element_type3A_387 : vector<16xi32>
    %sub3A_389 = arith.constant 1.000000e+00 : f32
    %sub3A_390 = vector.broadcast %sub3A_389 : f32 to vector<16xf32>
    %sub3A_391 = arith.subf %select_n3A_386, %sub3A_390 : vector<16xf32>
    %add3A_392 = arith.constant 1.000000e+00 : f32
    %add3A_393 = vector.broadcast %add3A_392 : f32 to vector<16xf32>
    %add3A_394 = arith.addf %select_n3A_386, %add3A_393 : vector<16xf32>
    %div3A_395 = arith.divf %sub3A_391, %add3A_394 : vector<16xf32>
    %mul3A_396 = arith.mulf %div3A_395, %div3A_395 : vector<16xf32>
    %mul3A_397 = arith.constant 2.000000e+00 : f32
    %mul3A_398 = vector.broadcast %mul3A_397 : f32 to vector<16xf32>
    %mul3A_399 = arith.mulf %mul3A_398, %div3A_395 : vector<16xf32>
    %mul3A_400 = arith.constant 0.111111112 : f32
    %mul3A_401 = vector.broadcast %mul3A_400 : f32 to vector<16xf32>
    %mul3A_402 = arith.mulf %mul3A_396, %mul3A_401 : vector<16xf32>
    %add3A_403 = arith.constant 0.142857149 : f32
    %add3A_404 = vector.broadcast %add3A_403 : f32 to vector<16xf32>
    %add3A_405 = arith.addf %add3A_404, %mul3A_402 : vector<16xf32>
    %mul3A_406 = arith.mulf %mul3A_396, %add3A_405 : vector<16xf32>
    %add3A_407 = arith.constant 2.000000e-01 : f32
    %add3A_408 = vector.broadcast %add3A_407 : f32 to vector<16xf32>
    %add3A_409 = arith.addf %add3A_408, %mul3A_406 : vector<16xf32>
    %mul3A_410 = arith.mulf %mul3A_396, %add3A_409 : vector<16xf32>
    %add3A_411 = arith.constant 0.333333343 : f32
    %add3A_412 = vector.broadcast %add3A_411 : f32 to vector<16xf32>
    %add3A_413 = arith.addf %add3A_412, %mul3A_410 : vector<16xf32>
    %mul3A_414 = arith.mulf %mul3A_396, %add3A_413 : vector<16xf32>
    %add3A_415 = arith.constant 1.000000e+00 : f32
    %add3A_416 = vector.broadcast %add3A_415 : f32 to vector<16xf32>
    %add3A_417 = arith.addf %add3A_416, %mul3A_414 : vector<16xf32>
    %mul3A_418 = arith.mulf %mul3A_399, %add3A_417 : vector<16xf32>
    %convert_element_type3A_419 = arith.sitofp %add3A_388 : vector<16xi32> to vector<16xf32>
    %mul3A_420 = arith.constant 0.693147182 : f32
    %mul3A_421 = vector.broadcast %mul3A_420 : f32 to vector<16xf32>
    %mul3A_422 = arith.mulf %convert_element_type3A_419, %mul3A_421 : vector<16xf32>
    %add3A_423 = arith.addf %mul3A_422, %mul3A_418 : vector<16xf32>
    %swap3A_424 = arith.constant 16 : index
    %swap3A_425 = tpu.vector_load %arg40[%swap3A_424] {strides = array<i32>} : memref<64xf32, #tpu.memory_space<vmem>>, vector<16xf32>,
    tpu.vector_store %arg40[%swap3A_424], %add3A_423 {strides = array<i32>} : memref<64xf32, #tpu.memory_space<vmem>>, vector<16xf32>,
    %max3A_426 = arith.constant 1.000000e+00 : f32
    %max3A_427 = vector.broadcast %max3A_426 : f32 to vector<16xf32>
    %max3A_428 = arith.maximumf %get3A_251, %max3A_427 : vector<16xf32>
    %bitcast3A_429 = vector.bitcast %max3A_428 : vector<16xf32> to vector<16xi32>
    %shift_right_logical3A_430 = arith.constant 23 : i32
    %shift_right_logical3A_431 = vector.broadcast %shift_right_logical3A_430 : i32 to vector<16xi32>
    %shift_right_logical3A_432 = arith.shrui %bitcast3A_429, %shift_right_logical3A_431 : vector<16xi32>
    %sub3A_433 = arith.constant 127 : i32
    %sub3A_434 = vector.broadcast %sub3A_433 : i32 to vector<16xi32>
    %sub3A_435 = arith.subi %shift_right_logical3A_432, %sub3A_434 : vector<16xi32>
    %and3A_436 = arith.constant 8388607 : i32
    %and3A_437 = vector.broadcast %and3A_436 : i32 to vector<16xi32>
    %and3A_438 = arith.andi %bitcast3A_429, %and3A_437 : vector<16xi32>
    %or3A_439 = arith.constant 1065353216 : i32
    %or3A_440 = vector.broadcast %or3A_439 : i32 to vector<16xi32>
    %or3A_441 = arith.ori %and3A_438, %or3A_440 : vector<16xi32>
    %bitcast3A_442 = vector.bitcast %or3A_441 : vector<16xi32> to vector<16xf32>
    %gt3A_443 = arith.constant 1.41421354 : f32
    %gt3A_444 = vector.broadcast %gt3A_443 : f32 to vector<16xf32>
    %gt3A_445 = arith.cmpf ogt, %bitcast3A_442, %gt3A_444 : vector<16xf32>
    %mul3A_446 = arith.constant 5.000000e-01 : f32
    %mul3A_447 = vector.broadcast %mul3A_446 : f32 to vector<16xf32>
    %mul3A_448 = arith.mulf %bitcast3A_442, %mul3A_447 : vector<16xf32>
    %select_n3A_449 = arith.select %gt3A_445, %mul3A_448, %bitcast3A_442 : vector<16xi1>, vector<16xf32>
    %convert_element_type3A_450 = arith.extui %gt3A_445 : vector<16xi1> to vector<16xi32>
    %add3A_451 = arith.addi %sub3A_435, %convert_element_type3A_450 : vector<16xi32>
    %sub3A_452 = arith.constant 1.000000e+00 : f32
    %sub3A_453 = vector.broadcast %sub3A_452 : f32 to vector<16xf32>
    %sub3A_454 = arith.subf %select_n3A_449, %sub3A_453 : vector<16xf32>
    %add3A_455 = arith.constant 1.000000e+00 : f32
    %add3A_456 = vector.broadcast %add3A_455 : f32 to vector<16xf32>
    %add3A_457 = arith.addf %select_n3A_449, %add3A_456 : vector<16xf32>
    %div3A_458 = arith.divf %sub3A_454, %add3A_457 : vector<16xf32>
    %mul3A_459 = arith.mulf %div3A_458, %div3A_458 : vector<16xf32>
    %mul3A_460 = arith.constant 2.000000e+00 : f32
    %mul3A_461 = vector.broadcast %mul3A_460 : f32 to vector<16xf32>
    %mul3A_462 = arith.mulf %mul3A_461, %div3A_458 : vector<16xf32>
    %mul3A_463 = arith.constant 0.111111112 : f32
    %mul3A_464 = vector.broadcast %mul3A_463 : f32 to vector<16xf32>
    %mul3A_465 = arith.mulf %mul3A_459, %mul3A_464 : vector<16xf32>
    %add3A_466 = arith.constant 0.142857149 : f32
    %add3A_467 = vector.broadcast %add3A_466 : f32 to vector<16xf32>
    %add3A_468 = arith.addf %add3A_467, %mul3A_465 : vector<16xf32>
    %mul3A_469 = arith.mulf %mul3A_459, %add3A_468 : vector<16xf32>
    %add3A_470 = arith.constant 2.000000e-01 : f32
    %add3A_471 = vector.broadcast %add3A_470 : f32 to vector<16xf32>
    %add3A_472 = arith.addf %add3A_471, %mul3A_469 : vector<16xf32>
    %mul3A_473 = arith.mulf %mul3A_459, %add3A_472 : vector<16xf32>
    %add3A_474 = arith.constant 0.333333343 : f32
    %add3A_475 = vector.broadcast %add3A_474 : f32 to vector<16xf32>
    %add3A_476 = arith.addf %add3A_475, %mul3A_473 : vector<16xf32>
    %mul3A_477 = arith.mulf %mul3A_459, %add3A_476 : vector<16xf32>
    %add3A_478 = arith.constant 1.000000e+00 : f32
    %add3A_479 = vector.broadcast %add3A_478 : f32 to vector<16xf32>
    %add3A_480 = arith.addf %add3A_479, %mul3A_477 : vector<16xf32>
    %mul3A_481 = arith.mulf %mul3A_462, %add3A_480 : vector<16xf32>
    %convert_element_type3A_482 = arith.sitofp %add3A_451 : vector<16xi32> to vector<16xf32>
    %mul3A_483 = arith.constant 0.693147182 : f32
    %mul3A_484 = vector.broadcast %mul3A_483 : f32 to vector<16xf32>
    %mul3A_485 = arith.mulf %convert_element_type3A_482, %mul3A_484 : vector<16xf32>
    %add3A_486 = arith.addf %mul3A_485, %mul3A_481 : vector<16xf32>
    %swap3A_487 = arith.constant 16 : index
    %swap3A_488 = tpu.vector_load %arg41[%swap3A_487] {strides = array<i32>} : memref<64xf32, #tpu.memory_space<vmem>>, vector<16xf32>,
    tpu.vector_store %arg41[%swap3A_487], %add3A_486 {strides = array<i32>} : memref<64xf32, #tpu.memory_space<vmem>>, vector<16xf32>,
    %div3A_489 = arith.divf %mul3A_327, %add3A_307 : vector<16xf32>
    %swap3A_490 = arith.constant 16 : index
    %swap3A_491 = tpu.vector_load %arg42[%swap3A_490] {strides = array<i32>} : memref<64xf32, #tpu.memory_space<vmem>>, vector<16xf32>,
    tpu.vector_store %arg42[%swap3A_490], %div3A_489 {strides = array<i32>} : memref<64xf32, #tpu.memory_space<vmem>>, vector<16xf32>,
    %get3A_492 = arith.constant 32 : index
    %get3A_493 = tpu.vector_load %arg8[%get3A_492] {strides = array<i32>} : memref<384xf32, #tpu.memory_space<vmem>>, vector<16xf32>,
    %get3A_494 = arith.constant 96 : index
    %get3A_495 = tpu.vector_load %arg8[%get3A_494] {strides = array<i32>} : memref<384xf32, #tpu.memory_space<vmem>>, vector<16xf32>,
    %get3A_496 = arith.constant 160 : index
    %get3A_497 = tpu.vector_load %arg8[%get3A_496] {strides = array<i32>} : memref<384xf32, #tpu.memory_space<vmem>>, vector<16xf32>,
    %get3A_498 = arith.constant 224 : index
    %get3A_499 = tpu.vector_load %arg8[%get3A_498] {strides = array<i32>} : memref<384xf32, #tpu.memory_space<vmem>>, vector<16xf32>,
    %get3A_500 = arith.constant 288 : index
    %get3A_501 = tpu.vector_load %arg8[%get3A_500] {strides = array<i32>} : memref<384xf32, #tpu.memory_space<vmem>>, vector<16xf32>,
    %get3A_502 = arith.constant 352 : index
    %get3A_503 = tpu.vector_load %arg8[%get3A_502] {strides = array<i32>} : memref<384xf32, #tpu.memory_space<vmem>>, vector<16xf32>,
    %ne3A_504 = arith.constant -1.000000e+00 : f32
    %ne3A_505 = vector.broadcast %ne3A_504 : f32 to vector<16xf32>
    %ne3A_506 = arith.cmpf one, %get3A_503, %ne3A_505 : vector<16xf32>
    %broadcast_in_dim3A_507 = arith.constant 1.000000e+00 : f32
    %broadcast_in_dim3A_508 = vector.broadcast %broadcast_in_dim3A_507 : f32 to vector<16xf32>
    %select_n3A_509 = arith.select %ne3A_506, %broadcast_in_dim3A_508, %broadcast_in_dim3A_0 : vector<16xi1>, vector<16xf32>
    %swap3A_510 = arith.constant 32 : index
    %swap3A_511 = tpu.vector_load %arg37[%swap3A_510] {strides = array<i32>} : memref<64xf32, #tpu.memory_space<vmem>>, vector<16xf32>,
    tpu.vector_store %arg37[%swap3A_510], %select_n3A_509 {strides = array<i32>} : memref<64xf32, #tpu.memory_space<vmem>>, vector<16xf32>,
    %add3A_512 = arith.addf %add3A_264, %select_n3A_509 : vector<16xf32>
    %max3A_513 = arith.maximumf %get3A_497, %get3A_499 : vector<16xf32>
    %mul3A_514 = arith.constant 5.000000e-01 : f32
    %mul3A_515 = vector.broadcast %mul3A_514 : f32 to vector<16xf32>
    %mul3A_516 = arith.mulf %max3A_513, %mul3A_515 : vector<16xf32>
    %sub3A_517 = arith.subf %get3A_493, %mul3A_516 : vector<16xf32>
    %sub3A_518 = arith.subf %get3A_495, %mul3A_516 : vector<16xf32>
    %add3A_519 = arith.addf %get3A_493, %mul3A_516 : vector<16xf32>
    %add3A_520 = arith.addf %get3A_495, %mul3A_516 : vector<16xf32>
    %swap3A_521 = arith.constant 32 : index
    %swap3A_522 = tpu.vector_load %arg27[%swap3A_521] {strides = array<i32>} : memref<64xf32, #tpu.memory_space<vmem>>, vector<16xf32>,
    tpu.vector_store %arg27[%swap3A_521], %sub3A_517 {strides = array<i32>} : memref<64xf32, #tpu.memory_space<vmem>>, vector<16xf32>,
    %swap3A_523 = arith.constant 32 : index
    %swap3A_524 = tpu.vector_load %arg28[%swap3A_523] {strides = array<i32>} : memref<64xf32, #tpu.memory_space<vmem>>, vector<16xf32>,
    tpu.vector_store %arg28[%swap3A_523], %sub3A_518 {strides = array<i32>} : memref<64xf32, #tpu.memory_space<vmem>>, vector<16xf32>,
    %swap3A_525 = arith.constant 32 : index
    %swap3A_526 = tpu.vector_load %arg29[%swap3A_525] {strides = array<i32>} : memref<64xf32, #tpu.memory_space<vmem>>, vector<16xf32>,
    tpu.vector_store %arg29[%swap3A_525], %add3A_519 {strides = array<i32>} : memref<64xf32, #tpu.memory_space<vmem>>, vector<16xf32>,
    %swap3A_527 = arith.constant 32 : index
    %swap3A_528 = tpu.vector_load %arg30[%swap3A_527] {strides = array<i32>} : memref<64xf32, #tpu.memory_space<vmem>>, vector<16xf32>,
    tpu.vector_store %arg30[%swap3A_527], %add3A_520 {strides = array<i32>} : memref<64xf32, #tpu.memory_space<vmem>>, vector<16xf32>,
    %sub3A_529 = arith.subf %add3A_519, %sub3A_517 : vector<16xf32>
    %sub3A_530 = arith.subf %add3A_520, %sub3A_518 : vector<16xf32>
    %mul3A_531 = arith.mulf %sub3A_529, %sub3A_530 : vector<16xf32>
    %swap3A_532 = arith.constant 32 : index
    %swap3A_533 = tpu.vector_load %arg31[%swap3A_532] {strides = array<i32>} : memref<64xf32, #tpu.memory_space<vmem>>, vector<16xf32>,
    tpu.vector_store %arg31[%swap3A_532], %mul3A_531 {strides = array<i32>} : memref<64xf32, #tpu.memory_space<vmem>>, vector<16xf32>,
    %mul3A_534 = arith.constant 0.0174532924 : f32
    %mul3A_535 = vector.broadcast %mul3A_534 : f32 to vector<16xf32>
    %mul3A_536 = arith.mulf %get3A_501, %mul3A_535 : vector<16xf32>
    %mul3A_537 = arith.mulf %mul3A_536, %mul3A_536 : vector<16xf32>
    %mul3A_538 = arith.constant 2.48015876E-5 : f32
    %mul3A_539 = vector.broadcast %mul3A_538 : f32 to vector<16xf32>
    %mul3A_540 = arith.mulf %mul3A_537, %mul3A_539 : vector<16xf32>
    %add3A_541 = arith.constant -0.00138888892 : f32
    %add3A_542 = vector.broadcast %add3A_541 : f32 to vector<16xf32>
    %add3A_543 = arith.addf %add3A_542, %mul3A_540 : vector<16xf32>
    %mul3A_544 = arith.mulf %mul3A_537, %add3A_543 : vector<16xf32>
    %add3A_545 = arith.constant 0.0416666679 : f32
    %add3A_546 = vector.broadcast %add3A_545 : f32 to vector<16xf32>
    %add3A_547 = arith.addf %add3A_546, %mul3A_544 : vector<16xf32>
    %mul3A_548 = arith.mulf %mul3A_537, %add3A_547 : vector<16xf32>
    %add3A_549 = arith.constant -5.000000e-01 : f32
    %add3A_550 = vector.broadcast %add3A_549 : f32 to vector<16xf32>
    %add3A_551 = arith.addf %add3A_550, %mul3A_548 : vector<16xf32>
    %mul3A_552 = arith.mulf %mul3A_537, %add3A_551 : vector<16xf32>
    %add3A_553 = arith.constant 1.000000e+00 : f32
    %add3A_554 = vector.broadcast %add3A_553 : f32 to vector<16xf32>
    %add3A_555 = arith.addf %add3A_554, %mul3A_552 : vector<16xf32>
    %mul3A_556 = arith.mulf %mul3A_536, %mul3A_536 : vector<16xf32>
    %mul3A_557 = arith.constant 2.75573188E-6 : f32
    %mul3A_558 = vector.broadcast %mul3A_557 : f32 to vector<16xf32>
    %mul3A_559 = arith.mulf %mul3A_556, %mul3A_558 : vector<16xf32>
    %add3A_560 = arith.constant -1.98412701E-4 : f32
    %add3A_561 = vector.broadcast %add3A_560 : f32 to vector<16xf32>
    %add3A_562 = arith.addf %add3A_561, %mul3A_559 : vector<16xf32>
    %mul3A_563 = arith.mulf %mul3A_556, %add3A_562 : vector<16xf32>
    %add3A_564 = arith.constant 0.00833333377 : f32
    %add3A_565 = vector.broadcast %add3A_564 : f32 to vector<16xf32>
    %add3A_566 = arith.addf %add3A_565, %mul3A_563 : vector<16xf32>
    %mul3A_567 = arith.mulf %mul3A_556, %add3A_566 : vector<16xf32>
    %add3A_568 = arith.constant -0.166666672 : f32
    %add3A_569 = vector.broadcast %add3A_568 : f32 to vector<16xf32>
    %add3A_570 = arith.addf %add3A_569, %mul3A_567 : vector<16xf32>
    %mul3A_571 = arith.mulf %mul3A_556, %add3A_570 : vector<16xf32>
    %add3A_572 = arith.constant 1.000000e+00 : f32
    %add3A_573 = vector.broadcast %add3A_572 : f32 to vector<16xf32>
    %add3A_574 = arith.addf %add3A_573, %mul3A_571 : vector<16xf32>
    %mul3A_575 = arith.mulf %mul3A_536, %add3A_574 : vector<16xf32>
    %abs3A_576 = math.absf %add3A_555 : vector<16xf32>
    %abs3A_577 = math.absf %mul3A_575 : vector<16xf32>
    %mul3A_578 = arith.mulf %get3A_497, %abs3A_576 : vector<16xf32>
    %mul3A_579 = arith.mulf %get3A_499, %abs3A_577 : vector<16xf32>
    %add3A_580 = arith.addf %mul3A_578, %mul3A_579 : vector<16xf32>
    %mul3A_581 = arith.constant 5.000000e-01 : f32
    %mul3A_582 = vector.broadcast %mul3A_581 : f32 to vector<16xf32>
    %mul3A_583 = arith.mulf %add3A_580, %mul3A_582 : vector<16xf32>
    %mul3A_584 = arith.mulf %get3A_497, %abs3A_577 : vector<16xf32>
    %mul3A_585 = arith.mulf %get3A_499, %abs3A_576 : vector<16xf32>
    %add3A_586 = arith.addf %mul3A_584, %mul3A_585 : vector<16xf32>
    %mul3A_587 = arith.constant 5.000000e-01 : f32
    %mul3A_588 = vector.broadcast %mul3A_587 : f32 to vector<16xf32>
    %mul3A_589 = arith.mulf %add3A_586, %mul3A_588 : vector<16xf32>
    %sub3A_590 = arith.subf %get3A_493, %mul3A_583 : vector<16xf32>
    %sub3A_591 = arith.subf %get3A_495, %mul3A_589 : vector<16xf32>
    %add3A_592 = arith.addf %get3A_493, %mul3A_583 : vector<16xf32>
    %add3A_593 = arith.addf %get3A_495, %mul3A_589 : vector<16xf32>
    %swap3A_594 = arith.constant 32 : index
    %swap3A_595 = tpu.vector_load %arg32[%swap3A_594] {strides = array<i32>} : memref<64xf32, #tpu.memory_space<vmem>>, vector<16xf32>,
    tpu.vector_store %arg32[%swap3A_594], %sub3A_590 {strides = array<i32>} : memref<64xf32, #tpu.memory_space<vmem>>, vector<16xf32>,
    %swap3A_596 = arith.constant 32 : index
    %swap3A_597 = tpu.vector_load %arg33[%swap3A_596] {strides = array<i32>} : memref<64xf32, #tpu.memory_space<vmem>>, vector<16xf32>,
    tpu.vector_store %arg33[%swap3A_596], %sub3A_591 {strides = array<i32>} : memref<64xf32, #tpu.memory_space<vmem>>, vector<16xf32>,
    %swap3A_598 = arith.constant 32 : index
    %swap3A_599 = tpu.vector_load %arg34[%swap3A_598] {strides = array<i32>} : memref<64xf32, #tpu.memory_space<vmem>>, vector<16xf32>,
    tpu.vector_store %arg34[%swap3A_598], %add3A_592 {strides = array<i32>} : memref<64xf32, #tpu.memory_space<vmem>>, vector<16xf32>,
    %swap3A_600 = arith.constant 32 : index
    %swap3A_601 = tpu.vector_load %arg35[%swap3A_600] {strides = array<i32>} : memref<64xf32, #tpu.memory_space<vmem>>, vector<16xf32>,
    tpu.vector_store %arg35[%swap3A_600], %add3A_593 {strides = array<i32>} : memref<64xf32, #tpu.memory_space<vmem>>, vector<16xf32>,
    %sub3A_602 = arith.subf %add3A_592, %sub3A_590 : vector<16xf32>
    %sub3A_603 = arith.subf %add3A_593, %sub3A_591 : vector<16xf32>
    %mul3A_604 = arith.mulf %sub3A_602, %sub3A_603 : vector<16xf32>
    %swap3A_605 = arith.constant 32 : index
    %swap3A_606 = tpu.vector_load %arg36[%swap3A_605] {strides = array<i32>} : memref<64xf32, #tpu.memory_space<vmem>>, vector<16xf32>,
    tpu.vector_store %arg36[%swap3A_605], %mul3A_604 {strides = array<i32>} : memref<64xf32, #tpu.memory_space<vmem>>, vector<16xf32>,
    %swap3A_607 = arith.constant 32 : index
    %swap3A_608 = tpu.vector_load %arg38[%swap3A_607] {strides = array<i32>} : memref<64xf32, #tpu.memory_space<vmem>>, vector<16xf32>,
    tpu.vector_store %arg38[%swap3A_607], %get3A_493 {strides = array<i32>} : memref<64xf32, #tpu.memory_space<vmem>>, vector<16xf32>,
    %swap3A_609 = arith.constant 32 : index
    %swap3A_610 = tpu.vector_load %arg39[%swap3A_609] {strides = array<i32>} : memref<64xf32, #tpu.memory_space<vmem>>, vector<16xf32>,
    tpu.vector_store %arg39[%swap3A_609], %get3A_495 {strides = array<i32>} : memref<64xf32, #tpu.memory_space<vmem>>, vector<16xf32>,
    %max3A_611 = arith.constant 1.000000e+00 : f32
    %max3A_612 = vector.broadcast %max3A_611 : f32 to vector<16xf32>
    %max3A_613 = arith.maximumf %get3A_497, %max3A_612 : vector<16xf32>
    %bitcast3A_614 = vector.bitcast %max3A_613 : vector<16xf32> to vector<16xi32>
    %shift_right_logical3A_615 = arith.constant 23 : i32
    %shift_right_logical3A_616 = vector.broadcast %shift_right_logical3A_615 : i32 to vector<16xi32>
    %shift_right_logical3A_617 = arith.shrui %bitcast3A_614, %shift_right_logical3A_616 : vector<16xi32>
    %sub3A_618 = arith.constant 127 : i32
    %sub3A_619 = vector.broadcast %sub3A_618 : i32 to vector<16xi32>
    %sub3A_620 = arith.subi %shift_right_logical3A_617, %sub3A_619 : vector<16xi32>
    %and3A_621 = arith.constant 8388607 : i32
    %and3A_622 = vector.broadcast %and3A_621 : i32 to vector<16xi32>
    %and3A_623 = arith.andi %bitcast3A_614, %and3A_622 : vector<16xi32>
    %or3A_624 = arith.constant 1065353216 : i32
    %or3A_625 = vector.broadcast %or3A_624 : i32 to vector<16xi32>
    %or3A_626 = arith.ori %and3A_623, %or3A_625 : vector<16xi32>
    %bitcast3A_627 = vector.bitcast %or3A_626 : vector<16xi32> to vector<16xf32>
    %gt3A_628 = arith.constant 1.41421354 : f32
    %gt3A_629 = vector.broadcast %gt3A_628 : f32 to vector<16xf32>
    %gt3A_630 = arith.cmpf ogt, %bitcast3A_627, %gt3A_629 : vector<16xf32>
    %mul3A_631 = arith.constant 5.000000e-01 : f32
    %mul3A_632 = vector.broadcast %mul3A_631 : f32 to vector<16xf32>
    %mul3A_633 = arith.mulf %bitcast3A_627, %mul3A_632 : vector<16xf32>
    %select_n3A_634 = arith.select %gt3A_630, %mul3A_633, %bitcast3A_627 : vector<16xi1>, vector<16xf32>
    %convert_element_type3A_635 = arith.extui %gt3A_630 : vector<16xi1> to vector<16xi32>
    %add3A_636 = arith.addi %sub3A_620, %convert_element_type3A_635 : vector<16xi32>
    %sub3A_637 = arith.constant 1.000000e+00 : f32
    %sub3A_638 = vector.broadcast %sub3A_637 : f32 to vector<16xf32>
    %sub3A_639 = arith.subf %select_n3A_634, %sub3A_638 : vector<16xf32>
    %add3A_640 = arith.constant 1.000000e+00 : f32
    %add3A_641 = vector.broadcast %add3A_640 : f32 to vector<16xf32>
    %add3A_642 = arith.addf %select_n3A_634, %add3A_641 : vector<16xf32>
    %div3A_643 = arith.divf %sub3A_639, %add3A_642 : vector<16xf32>
    %mul3A_644 = arith.mulf %div3A_643, %div3A_643 : vector<16xf32>
    %mul3A_645 = arith.constant 2.000000e+00 : f32
    %mul3A_646 = vector.broadcast %mul3A_645 : f32 to vector<16xf32>
    %mul3A_647 = arith.mulf %mul3A_646, %div3A_643 : vector<16xf32>
    %mul3A_648 = arith.constant 0.111111112 : f32
    %mul3A_649 = vector.broadcast %mul3A_648 : f32 to vector<16xf32>
    %mul3A_650 = arith.mulf %mul3A_644, %mul3A_649 : vector<16xf32>
    %add3A_651 = arith.constant 0.142857149 : f32
    %add3A_652 = vector.broadcast %add3A_651 : f32 to vector<16xf32>
    %add3A_653 = arith.addf %add3A_652, %mul3A_650 : vector<16xf32>
    %mul3A_654 = arith.mulf %mul3A_644, %add3A_653 : vector<16xf32>
    %add3A_655 = arith.constant 2.000000e-01 : f32
    %add3A_656 = vector.broadcast %add3A_655 : f32 to vector<16xf32>
    %add3A_657 = arith.addf %add3A_656, %mul3A_654 : vector<16xf32>
    %mul3A_658 = arith.mulf %mul3A_644, %add3A_657 : vector<16xf32>
    %add3A_659 = arith.constant 0.333333343 : f32
    %add3A_660 = vector.broadcast %add3A_659 : f32 to vector<16xf32>
    %add3A_661 = arith.addf %add3A_660, %mul3A_658 : vector<16xf32>
    %mul3A_662 = arith.mulf %mul3A_644, %add3A_661 : vector<16xf32>
    %add3A_663 = arith.constant 1.000000e+00 : f32
    %add3A_664 = vector.broadcast %add3A_663 : f32 to vector<16xf32>
    %add3A_665 = arith.addf %add3A_664, %mul3A_662 : vector<16xf32>
    %mul3A_666 = arith.mulf %mul3A_647, %add3A_665 : vector<16xf32>
    %convert_element_type3A_667 = arith.sitofp %add3A_636 : vector<16xi32> to vector<16xf32>
    %mul3A_668 = arith.constant 0.693147182 : f32
    %mul3A_669 = vector.broadcast %mul3A_668 : f32 to vector<16xf32>
    %mul3A_670 = arith.mulf %convert_element_type3A_667, %mul3A_669 : vector<16xf32>
    %add3A_671 = arith.addf %mul3A_670, %mul3A_666 : vector<16xf32>
    %swap3A_672 = arith.constant 32 : index
    %swap3A_673 = tpu.vector_load %arg40[%swap3A_672] {strides = array<i32>} : memref<64xf32, #tpu.memory_space<vmem>>, vector<16xf32>,
    tpu.vector_store %arg40[%swap3A_672], %add3A_671 {strides = array<i32>} : memref<64xf32, #tpu.memory_space<vmem>>, vector<16xf32>,
    %max3A_674 = arith.constant 1.000000e+00 : f32
    %max3A_675 = vector.broadcast %max3A_674 : f32 to vector<16xf32>
    %max3A_676 = arith.maximumf %get3A_499, %max3A_675 : vector<16xf32>
    %bitcast3A_677 = vector.bitcast %max3A_676 : vector<16xf32> to vector<16xi32>
    %shift_right_logical3A_678 = arith.constant 23 : i32
    %shift_right_logical3A_679 = vector.broadcast %shift_right_logical3A_678 : i32 to vector<16xi32>
    %shift_right_logical3A_680 = arith.shrui %bitcast3A_677, %shift_right_logical3A_679 : vector<16xi32>
    %sub3A_681 = arith.constant 127 : i32
    %sub3A_682 = vector.broadcast %sub3A_681 : i32 to vector<16xi32>
    %sub3A_683 = arith.subi %shift_right_logical3A_680, %sub3A_682 : vector<16xi32>
    %and3A_684 = arith.constant 8388607 : i32
    %and3A_685 = vector.broadcast %and3A_684 : i32 to vector<16xi32>
    %and3A_686 = arith.andi %bitcast3A_677, %and3A_685 : vector<16xi32>
    %or3A_687 = arith.constant 1065353216 : i32
    %or3A_688 = vector.broadcast %or3A_687 : i32 to vector<16xi32>
    %or3A_689 = arith.ori %and3A_686, %or3A_688 : vector<16xi32>
    %bitcast3A_690 = vector.bitcast %or3A_689 : vector<16xi32> to vector<16xf32>
    %gt3A_691 = arith.constant 1.41421354 : f32
    %gt3A_692 = vector.broadcast %gt3A_691 : f32 to vector<16xf32>
    %gt3A_693 = arith.cmpf ogt, %bitcast3A_690, %gt3A_692 : vector<16xf32>
    %mul3A_694 = arith.constant 5.000000e-01 : f32
    %mul3A_695 = vector.broadcast %mul3A_694 : f32 to vector<16xf32>
    %mul3A_696 = arith.mulf %bitcast3A_690, %mul3A_695 : vector<16xf32>
    %select_n3A_697 = arith.select %gt3A_693, %mul3A_696, %bitcast3A_690 : vector<16xi1>, vector<16xf32>
    %convert_element_type3A_698 = arith.extui %gt3A_693 : vector<16xi1> to vector<16xi32>
    %add3A_699 = arith.addi %sub3A_683, %convert_element_type3A_698 : vector<16xi32>
    %sub3A_700 = arith.constant 1.000000e+00 : f32
    %sub3A_701 = vector.broadcast %sub3A_700 : f32 to vector<16xf32>
    %sub3A_702 = arith.subf %select_n3A_697, %sub3A_701 : vector<16xf32>
    %add3A_703 = arith.constant 1.000000e+00 : f32
    %add3A_704 = vector.broadcast %add3A_703 : f32 to vector<16xf32>
    %add3A_705 = arith.addf %select_n3A_697, %add3A_704 : vector<16xf32>
    %div3A_706 = arith.divf %sub3A_702, %add3A_705 : vector<16xf32>
    %mul3A_707 = arith.mulf %div3A_706, %div3A_706 : vector<16xf32>
    %mul3A_708 = arith.constant 2.000000e+00 : f32
    %mul3A_709 = vector.broadcast %mul3A_708 : f32 to vector<16xf32>
    %mul3A_710 = arith.mulf %mul3A_709, %div3A_706 : vector<16xf32>
    %mul3A_711 = arith.constant 0.111111112 : f32
    %mul3A_712 = vector.broadcast %mul3A_711 : f32 to vector<16xf32>
    %mul3A_713 = arith.mulf %mul3A_707, %mul3A_712 : vector<16xf32>
    %add3A_714 = arith.constant 0.142857149 : f32
    %add3A_715 = vector.broadcast %add3A_714 : f32 to vector<16xf32>
    %add3A_716 = arith.addf %add3A_715, %mul3A_713 : vector<16xf32>
    %mul3A_717 = arith.mulf %mul3A_707, %add3A_716 : vector<16xf32>
    %add3A_718 = arith.constant 2.000000e-01 : f32
    %add3A_719 = vector.broadcast %add3A_718 : f32 to vector<16xf32>
    %add3A_720 = arith.addf %add3A_719, %mul3A_717 : vector<16xf32>
    %mul3A_721 = arith.mulf %mul3A_707, %add3A_720 : vector<16xf32>
    %add3A_722 = arith.constant 0.333333343 : f32
    %add3A_723 = vector.broadcast %add3A_722 : f32 to vector<16xf32>
    %add3A_724 = arith.addf %add3A_723, %mul3A_721 : vector<16xf32>
    %mul3A_725 = arith.mulf %mul3A_707, %add3A_724 : vector<16xf32>
    %add3A_726 = arith.constant 1.000000e+00 : f32
    %add3A_727 = vector.broadcast %add3A_726 : f32 to vector<16xf32>
    %add3A_728 = arith.addf %add3A_727, %mul3A_725 : vector<16xf32>
    %mul3A_729 = arith.mulf %mul3A_710, %add3A_728 : vector<16xf32>
    %convert_element_type3A_730 = arith.sitofp %add3A_699 : vector<16xi32> to vector<16xf32>
    %mul3A_731 = arith.constant 0.693147182 : f32
    %mul3A_732 = vector.broadcast %mul3A_731 : f32 to vector<16xf32>
    %mul3A_733 = arith.mulf %convert_element_type3A_730, %mul3A_732 : vector<16xf32>
    %add3A_734 = arith.addf %mul3A_733, %mul3A_729 : vector<16xf32>
    %swap3A_735 = arith.constant 32 : index
    %swap3A_736 = tpu.vector_load %arg41[%swap3A_735] {strides = array<i32>} : memref<64xf32, #tpu.memory_space<vmem>>, vector<16xf32>,
    tpu.vector_store %arg41[%swap3A_735], %add3A_734 {strides = array<i32>} : memref<64xf32, #tpu.memory_space<vmem>>, vector<16xf32>,
    %div3A_737 = arith.divf %mul3A_575, %add3A_555 : vector<16xf32>
    %swap3A_738 = arith.constant 32 : index
    %swap3A_739 = tpu.vector_load %arg42[%swap3A_738] {strides = array<i32>} : memref<64xf32, #tpu.memory_space<vmem>>, vector<16xf32>,
    tpu.vector_store %arg42[%swap3A_738], %div3A_737 {strides = array<i32>} : memref<64xf32, #tpu.memory_space<vmem>>, vector<16xf32>,
    %get3A_740 = arith.constant 48 : index
    %get3A_741 = tpu.vector_load %arg8[%get3A_740] {strides = array<i32>} : memref<384xf32, #tpu.memory_space<vmem>>, vector<16xf32>,
    %get3A_742 = arith.constant 112 : index
    %get3A_743 = tpu.vector_load %arg8[%get3A_742] {strides = array<i32>} : memref<384xf32, #tpu.memory_space<vmem>>, vector<16xf32>,
    %get3A_744 = arith.constant 176 : index
    %get3A_745 = tpu.vector_load %arg8[%get3A_744] {strides = array<i32>} : memref<384xf32, #tpu.memory_space<vmem>>, vector<16xf32>,
    %get3A_746 = arith.constant 240 : index
    %get3A_747 = tpu.vector_load %arg8[%get3A_746] {strides = array<i32>} : memref<384xf32, #tpu.memory_space<vmem>>, vector<16xf32>,
    %get3A_748 = arith.constant 304 : index
    %get3A_749 = tpu.vector_load %arg8[%get3A_748] {strides = array<i32>} : memref<384xf32, #tpu.memory_space<vmem>>, vector<16xf32>,
    %get3A_750 = arith.constant 368 : index
    %get3A_751 = tpu.vector_load %arg8[%get3A_750] {strides = array<i32>} : memref<384xf32, #tpu.memory_space<vmem>>, vector<16xf32>,
    %ne3A_752 = arith.constant -1.000000e+00 : f32
    %ne3A_753 = vector.broadcast %ne3A_752 : f32 to vector<16xf32>
    %ne3A_754 = arith.cmpf one, %get3A_751, %ne3A_753 : vector<16xf32>
    %broadcast_in_dim3A_755 = arith.constant 1.000000e+00 : f32
    %broadcast_in_dim3A_756 = vector.broadcast %broadcast_in_dim3A_755 : f32 to vector<16xf32>
    %select_n3A_757 = arith.select %ne3A_754, %broadcast_in_dim3A_756, %broadcast_in_dim3A_0 : vector<16xi1>, vector<16xf32>
    %swap3A_758 = arith.constant 48 : index
    %swap3A_759 = tpu.vector_load %arg37[%swap3A_758] {strides = array<i32>} : memref<64xf32, #tpu.memory_space<vmem>>, vector<16xf32>,
    tpu.vector_store %arg37[%swap3A_758], %select_n3A_757 {strides = array<i32>} : memref<64xf32, #tpu.memory_space<vmem>>, vector<16xf32>,
    %add3A_760 = arith.addf %add3A_512, %select_n3A_757 : vector<16xf32>
    %max3A_761 = arith.maximumf %get3A_745, %get3A_747 : vector<16xf32>
    %mul3A_762 = arith.constant 5.000000e-01 : f32
    %mul3A_763 = vector.broadcast %mul3A_762 : f32 to vector<16xf32>
    %mul3A_764 = arith.mulf %max3A_761, %mul3A_763 : vector<16xf32>
    %sub3A_765 = arith.subf %get3A_741, %mul3A_764 : vector<16xf32>
    %sub3A_766 = arith.subf %get3A_743, %mul3A_764 : vector<16xf32>
    %add3A_767 = arith.addf %get3A_741, %mul3A_764 : vector<16xf32>
    %add3A_768 = arith.addf %get3A_743, %mul3A_764 : vector<16xf32>
    %swap3A_769 = arith.constant 48 : index
    %swap3A_770 = tpu.vector_load %arg27[%swap3A_769] {strides = array<i32>} : memref<64xf32, #tpu.memory_space<vmem>>, vector<16xf32>,
    tpu.vector_store %arg27[%swap3A_769], %sub3A_765 {strides = array<i32>} : memref<64xf32, #tpu.memory_space<vmem>>, vector<16xf32>,
    %swap3A_771 = arith.constant 48 : index
    %swap3A_772 = tpu.vector_load %arg28[%swap3A_771] {strides = array<i32>} : memref<64xf32, #tpu.memory_space<vmem>>, vector<16xf32>,
    tpu.vector_store %arg28[%swap3A_771], %sub3A_766 {strides = array<i32>} : memref<64xf32, #tpu.memory_space<vmem>>, vector<16xf32>,
    %swap3A_773 = arith.constant 48 : index
    %swap3A_774 = tpu.vector_load %arg29[%swap3A_773] {strides = array<i32>} : memref<64xf32, #tpu.memory_space<vmem>>, vector<16xf32>,
    tpu.vector_store %arg29[%swap3A_773], %add3A_767 {strides = array<i32>} : memref<64xf32, #tpu.memory_space<vmem>>, vector<16xf32>,
    %swap3A_775 = arith.constant 48 : index
    %swap3A_776 = tpu.vector_load %arg30[%swap3A_775] {strides = array<i32>} : memref<64xf32, #tpu.memory_space<vmem>>, vector<16xf32>,
    tpu.vector_store %arg30[%swap3A_775], %add3A_768 {strides = array<i32>} : memref<64xf32, #tpu.memory_space<vmem>>, vector<16xf32>,
    %sub3A_777 = arith.subf %add3A_767, %sub3A_765 : vector<16xf32>
    %sub3A_778 = arith.subf %add3A_768, %sub3A_766 : vector<16xf32>
    %mul3A_779 = arith.mulf %sub3A_777, %sub3A_778 : vector<16xf32>
    %swap3A_780 = arith.constant 48 : index
    %swap3A_781 = tpu.vector_load %arg31[%swap3A_780] {strides = array<i32>} : memref<64xf32, #tpu.memory_space<vmem>>, vector<16xf32>,
    tpu.vector_store %arg31[%swap3A_780], %mul3A_779 {strides = array<i32>} : memref<64xf32, #tpu.memory_space<vmem>>, vector<16xf32>,
    %mul3A_782 = arith.constant 0.0174532924 : f32
    %mul3A_783 = vector.broadcast %mul3A_782 : f32 to vector<16xf32>
    %mul3A_784 = arith.mulf %get3A_749, %mul3A_783 : vector<16xf32>
    %mul3A_785 = arith.mulf %mul3A_784, %mul3A_784 : vector<16xf32>
    %mul3A_786 = arith.constant 2.48015876E-5 : f32
    %mul3A_787 = vector.broadcast %mul3A_786 : f32 to vector<16xf32>
    %mul3A_788 = arith.mulf %mul3A_785, %mul3A_787 : vector<16xf32>
    %add3A_789 = arith.constant -0.00138888892 : f32
    %add3A_790 = vector.broadcast %add3A_789 : f32 to vector<16xf32>
    %add3A_791 = arith.addf %add3A_790, %mul3A_788 : vector<16xf32>
    %mul3A_792 = arith.mulf %mul3A_785, %add3A_791 : vector<16xf32>
    %add3A_793 = arith.constant 0.0416666679 : f32
    %add3A_794 = vector.broadcast %add3A_793 : f32 to vector<16xf32>
    %add3A_795 = arith.addf %add3A_794, %mul3A_792 : vector<16xf32>
    %mul3A_796 = arith.mulf %mul3A_785, %add3A_795 : vector<16xf32>
    %add3A_797 = arith.constant -5.000000e-01 : f32
    %add3A_798 = vector.broadcast %add3A_797 : f32 to vector<16xf32>
    %add3A_799 = arith.addf %add3A_798, %mul3A_796 : vector<16xf32>
    %mul3A_800 = arith.mulf %mul3A_785, %add3A_799 : vector<16xf32>
    %add3A_801 = arith.constant 1.000000e+00 : f32
    %add3A_802 = vector.broadcast %add3A_801 : f32 to vector<16xf32>
    %add3A_803 = arith.addf %add3A_802, %mul3A_800 : vector<16xf32>
    %mul3A_804 = arith.mulf %mul3A_784, %mul3A_784 : vector<16xf32>
    %mul3A_805 = arith.constant 2.75573188E-6 : f32
    %mul3A_806 = vector.broadcast %mul3A_805 : f32 to vector<16xf32>
    %mul3A_807 = arith.mulf %mul3A_804, %mul3A_806 : vector<16xf32>
    %add3A_808 = arith.constant -1.98412701E-4 : f32
    %add3A_809 = vector.broadcast %add3A_808 : f32 to vector<16xf32>
    %add3A_810 = arith.addf %add3A_809, %mul3A_807 : vector<16xf32>
    %mul3A_811 = arith.mulf %mul3A_804, %add3A_810 : vector<16xf32>
    %add3A_812 = arith.constant 0.00833333377 : f32
    %add3A_813 = vector.broadcast %add3A_812 : f32 to vector<16xf32>
    %add3A_814 = arith.addf %add3A_813, %mul3A_811 : vector<16xf32>
    %mul3A_815 = arith.mulf %mul3A_804, %add3A_814 : vector<16xf32>
    %add3A_816 = arith.constant -0.166666672 : f32
    %add3A_817 = vector.broadcast %add3A_816 : f32 to vector<16xf32>
    %add3A_818 = arith.addf %add3A_817, %mul3A_815 : vector<16xf32>
    %mul3A_819 = arith.mulf %mul3A_804, %add3A_818 : vector<16xf32>
    %add3A_820 = arith.constant 1.000000e+00 : f32
    %add3A_821 = vector.broadcast %add3A_820 : f32 to vector<16xf32>
    %add3A_822 = arith.addf %add3A_821, %mul3A_819 : vector<16xf32>
    %mul3A_823 = arith.mulf %mul3A_784, %add3A_822 : vector<16xf32>
    %abs3A_824 = math.absf %add3A_803 : vector<16xf32>
    %abs3A_825 = math.absf %mul3A_823 : vector<16xf32>
    %mul3A_826 = arith.mulf %get3A_745, %abs3A_824 : vector<16xf32>
    %mul3A_827 = arith.mulf %get3A_747, %abs3A_825 : vector<16xf32>
    %add3A_828 = arith.addf %mul3A_826, %mul3A_827 : vector<16xf32>
    %mul3A_829 = arith.constant 5.000000e-01 : f32
    %mul3A_830 = vector.broadcast %mul3A_829 : f32 to vector<16xf32>
    %mul3A_831 = arith.mulf %add3A_828, %mul3A_830 : vector<16xf32>
    %mul3A_832 = arith.mulf %get3A_745, %abs3A_825 : vector<16xf32>
    %mul3A_833 = arith.mulf %get3A_747, %abs3A_824 : vector<16xf32>
    %add3A_834 = arith.addf %mul3A_832, %mul3A_833 : vector<16xf32>
    %mul3A_835 = arith.constant 5.000000e-01 : f32
    %mul3A_836 = vector.broadcast %mul3A_835 : f32 to vector<16xf32>
    %mul3A_837 = arith.mulf %add3A_834, %mul3A_836 : vector<16xf32>
    %sub3A_838 = arith.subf %get3A_741, %mul3A_831 : vector<16xf32>
    %sub3A_839 = arith.subf %get3A_743, %mul3A_837 : vector<16xf32>
    %add3A_840 = arith.addf %get3A_741, %mul3A_831 : vector<16xf32>
    %add3A_841 = arith.addf %get3A_743, %mul3A_837 : vector<16xf32>
    %swap3A_842 = arith.constant 48 : index
    %swap3A_843 = tpu.vector_load %arg32[%swap3A_842] {strides = array<i32>} : memref<64xf32, #tpu.memory_space<vmem>>, vector<16xf32>,
    tpu.vector_store %arg32[%swap3A_842], %sub3A_838 {strides = array<i32>} : memref<64xf32, #tpu.memory_space<vmem>>, vector<16xf32>,
    %swap3A_844 = arith.constant 48 : index
    %swap3A_845 = tpu.vector_load %arg33[%swap3A_844] {strides = array<i32>} : memref<64xf32, #tpu.memory_space<vmem>>, vector<16xf32>,
    tpu.vector_store %arg33[%swap3A_844], %sub3A_839 {strides = array<i32>} : memref<64xf32, #tpu.memory_space<vmem>>, vector<16xf32>,
    %swap3A_846 = arith.constant 48 : index
    %swap3A_847 = tpu.vector_load %arg34[%swap3A_846] {strides = array<i32>} : memref<64xf32, #tpu.memory_space<vmem>>, vector<16xf32>,
    tpu.vector_store %arg34[%swap3A_846], %add3A_840 {strides = array<i32>} : memref<64xf32, #tpu.memory_space<vmem>>, vector<16xf32>,
    %swap3A_848 = arith.constant 48 : index
    %swap3A_849 = tpu.vector_load %arg35[%swap3A_848] {strides = array<i32>} : memref<64xf32, #tpu.memory_space<vmem>>, vector<16xf32>,
    tpu.vector_store %arg35[%swap3A_848], %add3A_841 {strides = array<i32>} : memref<64xf32, #tpu.memory_space<vmem>>, vector<16xf32>,
    %sub3A_850 = arith.subf %add3A_840, %sub3A_838 : vector<16xf32>
    %sub3A_851 = arith.subf %add3A_841, %sub3A_839 : vector<16xf32>
    %mul3A_852 = arith.mulf %sub3A_850, %sub3A_851 : vector<16xf32>
    %swap3A_853 = arith.constant 48 : index
    %swap3A_854 = tpu.vector_load %arg36[%swap3A_853] {strides = array<i32>} : memref<64xf32, #tpu.memory_space<vmem>>, vector<16xf32>,
    tpu.vector_store %arg36[%swap3A_853], %mul3A_852 {strides = array<i32>} : memref<64xf32, #tpu.memory_space<vmem>>, vector<16xf32>,
    %swap3A_855 = arith.constant 48 : index
    %swap3A_856 = tpu.vector_load %arg38[%swap3A_855] {strides = array<i32>} : memref<64xf32, #tpu.memory_space<vmem>>, vector<16xf32>,
    tpu.vector_store %arg38[%swap3A_855], %get3A_741 {strides = array<i32>} : memref<64xf32, #tpu.memory_space<vmem>>, vector<16xf32>,
    %swap3A_857 = arith.constant 48 : index
    %swap3A_858 = tpu.vector_load %arg39[%swap3A_857] {strides = array<i32>} : memref<64xf32, #tpu.memory_space<vmem>>, vector<16xf32>,
    tpu.vector_store %arg39[%swap3A_857], %get3A_743 {strides = array<i32>} : memref<64xf32, #tpu.memory_space<vmem>>, vector<16xf32>,
    %max3A_859 = arith.constant 1.000000e+00 : f32
    %max3A_860 = vector.broadcast %max3A_859 : f32 to vector<16xf32>
    %max3A_861 = arith.maximumf %get3A_745, %max3A_860 : vector<16xf32>
    %bitcast3A_862 = vector.bitcast %max3A_861 : vector<16xf32> to vector<16xi32>
    %shift_right_logical3A_863 = arith.constant 23 : i32
    %shift_right_logical3A_864 = vector.broadcast %shift_right_logical3A_863 : i32 to vector<16xi32>
    %shift_right_logical3A_865 = arith.shrui %bitcast3A_862, %shift_right_logical3A_864 : vector<16xi32>
    %sub3A_866 = arith.constant 127 : i32
    %sub3A_867 = vector.broadcast %sub3A_866 : i32 to vector<16xi32>
    %sub3A_868 = arith.subi %shift_right_logical3A_865, %sub3A_867 : vector<16xi32>
    %and3A_869 = arith.constant 8388607 : i32
    %and3A_870 = vector.broadcast %and3A_869 : i32 to vector<16xi32>
    %and3A_871 = arith.andi %bitcast3A_862, %and3A_870 : vector<16xi32>
    %or3A_872 = arith.constant 1065353216 : i32
    %or3A_873 = vector.broadcast %or3A_872 : i32 to vector<16xi32>
    %or3A_874 = arith.ori %and3A_871, %or3A_873 : vector<16xi32>
    %bitcast3A_875 = vector.bitcast %or3A_874 : vector<16xi32> to vector<16xf32>
    %gt3A_876 = arith.constant 1.41421354 : f32
    %gt3A_877 = vector.broadcast %gt3A_876 : f32 to vector<16xf32>
    %gt3A_878 = arith.cmpf ogt, %bitcast3A_875, %gt3A_877 : vector<16xf32>
    %mul3A_879 = arith.constant 5.000000e-01 : f32
    %mul3A_880 = vector.broadcast %mul3A_879 : f32 to vector<16xf32>
    %mul3A_881 = arith.mulf %bitcast3A_875, %mul3A_880 : vector<16xf32>
    %select_n3A_882 = arith.select %gt3A_878, %mul3A_881, %bitcast3A_875 : vector<16xi1>, vector<16xf32>
    %convert_element_type3A_883 = arith.extui %gt3A_878 : vector<16xi1> to vector<16xi32>
    %add3A_884 = arith.addi %sub3A_868, %convert_element_type3A_883 : vector<16xi32>
    %sub3A_885 = arith.constant 1.000000e+00 : f32
    %sub3A_886 = vector.broadcast %sub3A_885 : f32 to vector<16xf32>
    %sub3A_887 = arith.subf %select_n3A_882, %sub3A_886 : vector<16xf32>
    %add3A_888 = arith.constant 1.000000e+00 : f32
    %add3A_889 = vector.broadcast %add3A_888 : f32 to vector<16xf32>
    %add3A_890 = arith.addf %select_n3A_882, %add3A_889 : vector<16xf32>
    %div3A_891 = arith.divf %sub3A_887, %add3A_890 : vector<16xf32>
    %mul3A_892 = arith.mulf %div3A_891, %div3A_891 : vector<16xf32>
    %mul3A_893 = arith.constant 2.000000e+00 : f32
    %mul3A_894 = vector.broadcast %mul3A_893 : f32 to vector<16xf32>
    %mul3A_895 = arith.mulf %mul3A_894, %div3A_891 : vector<16xf32>
    %mul3A_896 = arith.constant 0.111111112 : f32
    %mul3A_897 = vector.broadcast %mul3A_896 : f32 to vector<16xf32>
    %mul3A_898 = arith.mulf %mul3A_892, %mul3A_897 : vector<16xf32>
    %add3A_899 = arith.constant 0.142857149 : f32
    %add3A_900 = vector.broadcast %add3A_899 : f32 to vector<16xf32>
    %add3A_901 = arith.addf %add3A_900, %mul3A_898 : vector<16xf32>
    %mul3A_902 = arith.mulf %mul3A_892, %add3A_901 : vector<16xf32>
    %add3A_903 = arith.constant 2.000000e-01 : f32
    %add3A_904 = vector.broadcast %add3A_903 : f32 to vector<16xf32>
    %add3A_905 = arith.addf %add3A_904, %mul3A_902 : vector<16xf32>
    %mul3A_906 = arith.mulf %mul3A_892, %add3A_905 : vector<16xf32>
    %add3A_907 = arith.constant 0.333333343 : f32
    %add3A_908 = vector.broadcast %add3A_907 : f32 to vector<16xf32>
    %add3A_909 = arith.addf %add3A_908, %mul3A_906 : vector<16xf32>
    %mul3A_910 = arith.mulf %mul3A_892, %add3A_909 : vector<16xf32>
    %add3A_911 = arith.constant 1.000000e+00 : f32
    %add3A_912 = vector.broadcast %add3A_911 : f32 to vector<16xf32>
    %add3A_913 = arith.addf %add3A_912, %mul3A_910 : vector<16xf32>
    %mul3A_914 = arith.mulf %mul3A_895, %add3A_913 : vector<16xf32>
    %convert_element_type3A_915 = arith.sitofp %add3A_884 : vector<16xi32> to vector<16xf32>
    %mul3A_916 = arith.constant 0.693147182 : f32
    %mul3A_917 = vector.broadcast %mul3A_916 : f32 to vector<16xf32>
    %mul3A_918 = arith.mulf %convert_element_type3A_915, %mul3A_917 : vector<16xf32>
    %add3A_919 = arith.addf %mul3A_918, %mul3A_914 : vector<16xf32>
    %swap3A_920 = arith.constant 48 : index
    %swap3A_921 = tpu.vector_load %arg40[%swap3A_920] {strides = array<i32>} : memref<64xf32, #tpu.memory_space<vmem>>, vector<16xf32>,
    tpu.vector_store %arg40[%swap3A_920], %add3A_919 {strides = array<i32>} : memref<64xf32, #tpu.memory_space<vmem>>, vector<16xf32>,
    %max3A_922 = arith.constant 1.000000e+00 : f32
    %max3A_923 = vector.broadcast %max3A_922 : f32 to vector<16xf32>
    %max3A_924 = arith.maximumf %get3A_747, %max3A_923 : vector<16xf32>
    %bitcast3A_925 = vector.bitcast %max3A_924 : vector<16xf32> to vector<16xi32>
    %shift_right_logical3A_926 = arith.constant 23 : i32
    %shift_right_logical3A_927 = vector.broadcast %shift_right_logical3A_926 : i32 to vector<16xi32>
    %shift_right_logical3A_928 = arith.shrui %bitcast3A_925, %shift_right_logical3A_927 : vector<16xi32>
    %sub3A_929 = arith.constant 127 : i32
    %sub3A_930 = vector.broadcast %sub3A_929 : i32 to vector<16xi32>
    %sub3A_931 = arith.subi %shift_right_logical3A_928, %sub3A_930 : vector<16xi32>
    %and3A_932 = arith.constant 8388607 : i32
    %and3A_933 = vector.broadcast %and3A_932 : i32 to vector<16xi32>
    %and3A_934 = arith.andi %bitcast3A_925, %and3A_933 : vector<16xi32>
    %or3A_935 = arith.constant 1065353216 : i32
    %or3A_936 = vector.broadcast %or3A_935 : i32 to vector<16xi32>
    %or3A_937 = arith.ori %and3A_934, %or3A_936 : vector<16xi32>
    %bitcast3A_938 = vector.bitcast %or3A_937 : vector<16xi32> to vector<16xf32>
    %gt3A_939 = arith.constant 1.41421354 : f32
    %gt3A_940 = vector.broadcast %gt3A_939 : f32 to vector<16xf32>
    %gt3A_941 = arith.cmpf ogt, %bitcast3A_938, %gt3A_940 : vector<16xf32>
    %mul3A_942 = arith.constant 5.000000e-01 : f32
    %mul3A_943 = vector.broadcast %mul3A_942 : f32 to vector<16xf32>
    %mul3A_944 = arith.mulf %bitcast3A_938, %mul3A_943 : vector<16xf32>
    %select_n3A_945 = arith.select %gt3A_941, %mul3A_944, %bitcast3A_938 : vector<16xi1>, vector<16xf32>
    %convert_element_type3A_946 = arith.extui %gt3A_941 : vector<16xi1> to vector<16xi32>
    %add3A_947 = arith.addi %sub3A_931, %convert_element_type3A_946 : vector<16xi32>
    %sub3A_948 = arith.constant 1.000000e+00 : f32
    %sub3A_949 = vector.broadcast %sub3A_948 : f32 to vector<16xf32>
    %sub3A_950 = arith.subf %select_n3A_945, %sub3A_949 : vector<16xf32>
    %add3A_951 = arith.constant 1.000000e+00 : f32
    %add3A_952 = vector.broadcast %add3A_951 : f32 to vector<16xf32>
    %add3A_953 = arith.addf %select_n3A_945, %add3A_952 : vector<16xf32>
    %div3A_954 = arith.divf %sub3A_950, %add3A_953 : vector<16xf32>
    %mul3A_955 = arith.mulf %div3A_954, %div3A_954 : vector<16xf32>
    %mul3A_956 = arith.constant 2.000000e+00 : f32
    %mul3A_957 = vector.broadcast %mul3A_956 : f32 to vector<16xf32>
    %mul3A_958 = arith.mulf %mul3A_957, %div3A_954 : vector<16xf32>
    %mul3A_959 = arith.constant 0.111111112 : f32
    %mul3A_960 = vector.broadcast %mul3A_959 : f32 to vector<16xf32>
    %mul3A_961 = arith.mulf %mul3A_955, %mul3A_960 : vector<16xf32>
    %add3A_962 = arith.constant 0.142857149 : f32
    %add3A_963 = vector.broadcast %add3A_962 : f32 to vector<16xf32>
    %add3A_964 = arith.addf %add3A_963, %mul3A_961 : vector<16xf32>
    %mul3A_965 = arith.mulf %mul3A_955, %add3A_964 : vector<16xf32>
    %add3A_966 = arith.constant 2.000000e-01 : f32
    %add3A_967 = vector.broadcast %add3A_966 : f32 to vector<16xf32>
    %add3A_968 = arith.addf %add3A_967, %mul3A_965 : vector<16xf32>
    %mul3A_969 = arith.mulf %mul3A_955, %add3A_968 : vector<16xf32>
    %add3A_970 = arith.constant 0.333333343 : f32
    %add3A_971 = vector.broadcast %add3A_970 : f32 to vector<16xf32>
    %add3A_972 = arith.addf %add3A_971, %mul3A_969 : vector<16xf32>
    %mul3A_973 = arith.mulf %mul3A_955, %add3A_972 : vector<16xf32>
    %add3A_974 = arith.constant 1.000000e+00 : f32
    %add3A_975 = vector.broadcast %add3A_974 : f32 to vector<16xf32>
    %add3A_976 = arith.addf %add3A_975, %mul3A_973 : vector<16xf32>
    %mul3A_977 = arith.mulf %mul3A_958, %add3A_976 : vector<16xf32>
    %convert_element_type3A_978 = arith.sitofp %add3A_947 : vector<16xi32> to vector<16xf32>
    %mul3A_979 = arith.constant 0.693147182 : f32
    %mul3A_980 = vector.broadcast %mul3A_979 : f32 to vector<16xf32>
    %mul3A_981 = arith.mulf %convert_element_type3A_978, %mul3A_980 : vector<16xf32>
    %add3A_982 = arith.addf %mul3A_981, %mul3A_977 : vector<16xf32>
    %swap3A_983 = arith.constant 48 : index
    %swap3A_984 = tpu.vector_load %arg41[%swap3A_983] {strides = array<i32>} : memref<64xf32, #tpu.memory_space<vmem>>, vector<16xf32>,
    tpu.vector_store %arg41[%swap3A_983], %add3A_982 {strides = array<i32>} : memref<64xf32, #tpu.memory_space<vmem>>, vector<16xf32>,
    %div3A_985 = arith.divf %mul3A_823, %add3A_803 : vector<16xf32>
    %swap3A_986 = arith.constant 48 : index
    %swap3A_987 = tpu.vector_load %arg42[%swap3A_986] {strides = array<i32>} : memref<64xf32, #tpu.memory_space<vmem>>, vector<16xf32>,
    tpu.vector_store %arg42[%swap3A_986], %div3A_985 {strides = array<i32>} : memref<64xf32, #tpu.memory_space<vmem>>, vector<16xf32>,
    %reduce_sum3A = arith.constant true
    %reduce_sum3A_988 = vector.broadcast %reduce_sum3A : i1 to vector<16xi1>
    %reduce_sum3A_989 = tpu.scan <sum>, %add3A_760 masked %reduce_sum3A_988 : vector<16xf32>, vector<16xi1> -> vector<16xf32>
    %reduce_sum3A_990 = vector.extract %reduce_sum3A_989[15] : f32 from vector<16xf32>
    %scan3A = arith.constant 0 : i32
    %scan3A_991 = arith.constant 0 : i32
    %scan3A_992 = arith.constant 80 : i32
    %scan3A_993 = arith.addi %scan3A_991, %scan3A_992 : i32
    %scan3A_994 = arith.constant 1 : i32
    %scan3A_995 = scf.for %scan3A_1577 = %scan3A_991 to %scan3A_993 step %scan3A_994 iter_args(%scan3A_1578 = %scan3A) -> (i32)  : i32 {
      %mul3A_1579 = arith.constant 16 : i32
      %mul3A_1580 = arith.muli %scan3A_1577, %mul3A_1579 : i32
      %add3A_1581 = vector.broadcast %mul3A_1580 : i32 to vector<16xi32>
      %add3A_1582 = arith.addi %add3A_1581, %iota3A : vector<16xi32>
      %mul3A_1583 = arith.constant 16 : i32
      %mul3A_1584 = arith.muli %scan3A_1577, %mul3A_1583 : i32
      %mul3A_1585 = arith.constant 16 : i32
      %mul3A_1586 = arith.muli %scan3A_1577, %mul3A_1585 : i32
      %add3A_1587 = arith.constant 0 : i32
      %add3A_1588 = arith.addi %add3A_1587, %mul3A_1586 : i32
      %get3A_1589 = arith.index_cast %add3A_1588 : i32 to index
      %get3A_1590 = tpu.vector_load %arg6[%get3A_1589] {strides = array<i32>} : memref<6400xf32, #tpu.memory_space<vmem>>, vector<16xf32>,
      %mul3A_1591 = arith.constant 16 : i32
      %mul3A_1592 = arith.muli %scan3A_1577, %mul3A_1591 : i32
      %add3A_1593 = arith.constant 1280 : i32
      %add3A_1594 = arith.addi %add3A_1593, %mul3A_1592 : i32
      %get3A_1595 = arith.index_cast %add3A_1594 : i32 to index
      %get3A_1596 = tpu.vector_load %arg6[%get3A_1595] {strides = array<i32>} : memref<6400xf32, #tpu.memory_space<vmem>>, vector<16xf32>,
      %mul3A_1597 = arith.constant 16 : i32
      %mul3A_1598 = arith.muli %scan3A_1577, %mul3A_1597 : i32
      %add3A_1599 = arith.constant 2560 : i32
      %add3A_1600 = arith.addi %add3A_1599, %mul3A_1598 : i32
      %get3A_1601 = arith.index_cast %add3A_1600 : i32 to index
      %get3A_1602 = tpu.vector_load %arg6[%get3A_1601] {strides = array<i32>} : memref<6400xf32, #tpu.memory_space<vmem>>, vector<16xf32>,
      %mul3A_1603 = arith.constant 16 : i32
      %mul3A_1604 = arith.muli %scan3A_1577, %mul3A_1603 : i32
      %add3A_1605 = arith.constant 3840 : i32
      %add3A_1606 = arith.addi %add3A_1605, %mul3A_1604 : i32
      %get3A_1607 = arith.index_cast %add3A_1606 : i32 to index
      %get3A_1608 = tpu.vector_load %arg6[%get3A_1607] {strides = array<i32>} : memref<6400xf32, #tpu.memory_space<vmem>>, vector<16xf32>,
      %mul3A_1609 = arith.constant 16 : i32
      %mul3A_1610 = arith.muli %scan3A_1577, %mul3A_1609 : i32
      %add3A_1611 = arith.constant 5120 : i32
      %add3A_1612 = arith.addi %add3A_1611, %mul3A_1610 : i32
      %get3A_1613 = arith.index_cast %add3A_1612 : i32 to index
      %get3A_1614 = tpu.vector_load %arg6[%get3A_1613] {strides = array<i32>} : memref<6400xf32, #tpu.memory_space<vmem>>, vector<16xf32>,
      %add3A_1615 = vector.broadcast %mul3A_1 : i32 to vector<16xi32>
      %add3A_1616 = arith.addi %add3A_1582, %add3A_1615 : vector<16xi32>
      %ge3A_1617 = arith.constant 20000 : i32
      %ge3A_1618 = vector.broadcast %ge3A_1617 : i32 to vector<16xi32>
      %ge3A_1619 = arith.cmpi sge, %add3A_1616, %ge3A_1618 : vector<16xi32>
      %broadcast_in_dim3A_1620 = arith.constant -1.000000e+06 : f32
      %broadcast_in_dim3A_1621 = vector.broadcast %broadcast_in_dim3A_1620 : f32 to vector<16xf32>
      %select_n3A_1622 = arith.select %ge3A_1619, %broadcast_in_dim3A_1621, %get3A_1590 : vector<16xi1>, vector<16xf32>
      %broadcast_in_dim3A_1623 = arith.constant -1.000000e+06 : f32
      %broadcast_in_dim3A_1624 = vector.broadcast %broadcast_in_dim3A_1623 : f32 to vector<16xf32>
      %select_n3A_1625 = arith.select %ge3A_1619, %broadcast_in_dim3A_1624, %get3A_1596 : vector<16xi1>, vector<16xf32>
      %broadcast_in_dim3A_1626 = arith.constant 1.600000e+01 : f32
      %broadcast_in_dim3A_1627 = vector.broadcast %broadcast_in_dim3A_1626 : f32 to vector<16xf32>
      %select_n3A_1628 = arith.select %ge3A_1619, %broadcast_in_dim3A_1627, %get3A_1602 : vector<16xi1>, vector<16xf32>
      %broadcast_in_dim3A_1629 = arith.constant 1.600000e+01 : f32
      %broadcast_in_dim3A_1630 = vector.broadcast %broadcast_in_dim3A_1629 : f32 to vector<16xf32>
      %select_n3A_1631 = arith.select %ge3A_1619, %broadcast_in_dim3A_1630, %get3A_1608 : vector<16xi1>, vector<16xf32>
      %select_n3A_1632 = arith.select %ge3A_1619, %broadcast_in_dim3A_0, %get3A_1614 : vector<16xi1>, vector<16xf32>
      %max3A_1633 = arith.maximumf %select_n3A_1628, %select_n3A_1631 : vector<16xf32>
      %mul3A_1634 = arith.constant 5.000000e-01 : f32
      %mul3A_1635 = vector.broadcast %mul3A_1634 : f32 to vector<16xf32>
      %mul3A_1636 = arith.mulf %max3A_1633, %mul3A_1635 : vector<16xf32>
      %sub3A_1637 = arith.subf %select_n3A_1622, %mul3A_1636 : vector<16xf32>
      %sub3A_1638 = arith.subf %select_n3A_1625, %mul3A_1636 : vector<16xf32>
      %add3A_1639 = arith.addf %select_n3A_1622, %mul3A_1636 : vector<16xf32>
      %add3A_1640 = arith.addf %select_n3A_1625, %mul3A_1636 : vector<16xf32>
      %swap3A_1641 = arith.index_cast %mul3A_1584 : i32 to index
      %swap3A_1642 = tpu.vector_load %arg9[%swap3A_1641] {strides = array<i32>} : memref<1280xf32, #tpu.memory_space<vmem>>, vector<16xf32>,
      tpu.vector_store %arg9[%swap3A_1641], %sub3A_1637 {strides = array<i32>} : memref<1280xf32, #tpu.memory_space<vmem>>, vector<16xf32>,
      %swap3A_1643 = arith.index_cast %mul3A_1584 : i32 to index
      %swap3A_1644 = tpu.vector_load %arg10[%swap3A_1643] {strides = array<i32>} : memref<1280xf32, #tpu.memory_space<vmem>>, vector<16xf32>,
      tpu.vector_store %arg10[%swap3A_1643], %sub3A_1638 {strides = array<i32>} : memref<1280xf32, #tpu.memory_space<vmem>>, vector<16xf32>,
      %swap3A_1645 = arith.index_cast %mul3A_1584 : i32 to index
      %swap3A_1646 = tpu.vector_load %arg11[%swap3A_1645] {strides = array<i32>} : memref<1280xf32, #tpu.memory_space<vmem>>, vector<16xf32>,
      tpu.vector_store %arg11[%swap3A_1645], %add3A_1639 {strides = array<i32>} : memref<1280xf32, #tpu.memory_space<vmem>>, vector<16xf32>,
      %swap3A_1647 = arith.index_cast %mul3A_1584 : i32 to index
      %swap3A_1648 = tpu.vector_load %arg12[%swap3A_1647] {strides = array<i32>} : memref<1280xf32, #tpu.memory_space<vmem>>, vector<16xf32>,
      tpu.vector_store %arg12[%swap3A_1647], %add3A_1640 {strides = array<i32>} : memref<1280xf32, #tpu.memory_space<vmem>>, vector<16xf32>,
      %sub3A_1649 = arith.subf %add3A_1639, %sub3A_1637 : vector<16xf32>
      %sub3A_1650 = arith.subf %add3A_1640, %sub3A_1638 : vector<16xf32>
      %mul3A_1651 = arith.mulf %sub3A_1649, %sub3A_1650 : vector<16xf32>
      %swap3A_1652 = arith.index_cast %mul3A_1584 : i32 to index
      %swap3A_1653 = tpu.vector_load %arg13[%swap3A_1652] {strides = array<i32>} : memref<1280xf32, #tpu.memory_space<vmem>>, vector<16xf32>,
      tpu.vector_store %arg13[%swap3A_1652], %mul3A_1651 {strides = array<i32>} : memref<1280xf32, #tpu.memory_space<vmem>>, vector<16xf32>,
      %mul3A_1654 = arith.constant 0.0174532924 : f32
      %mul3A_1655 = vector.broadcast %mul3A_1654 : f32 to vector<16xf32>
      %mul3A_1656 = arith.mulf %select_n3A_1632, %mul3A_1655 : vector<16xf32>
      %mul3A_1657 = arith.mulf %mul3A_1656, %mul3A_1656 : vector<16xf32>
      %mul3A_1658 = arith.constant 2.48015876E-5 : f32
      %mul3A_1659 = vector.broadcast %mul3A_1658 : f32 to vector<16xf32>
      %mul3A_1660 = arith.mulf %mul3A_1657, %mul3A_1659 : vector<16xf32>
      %add3A_1661 = arith.constant -0.00138888892 : f32
      %add3A_1662 = vector.broadcast %add3A_1661 : f32 to vector<16xf32>
      %add3A_1663 = arith.addf %add3A_1662, %mul3A_1660 : vector<16xf32>
      %mul3A_1664 = arith.mulf %mul3A_1657, %add3A_1663 : vector<16xf32>
      %add3A_1665 = arith.constant 0.0416666679 : f32
      %add3A_1666 = vector.broadcast %add3A_1665 : f32 to vector<16xf32>
      %add3A_1667 = arith.addf %add3A_1666, %mul3A_1664 : vector<16xf32>
      %mul3A_1668 = arith.mulf %mul3A_1657, %add3A_1667 : vector<16xf32>
      %add3A_1669 = arith.constant -5.000000e-01 : f32
      %add3A_1670 = vector.broadcast %add3A_1669 : f32 to vector<16xf32>
      %add3A_1671 = arith.addf %add3A_1670, %mul3A_1668 : vector<16xf32>
      %mul3A_1672 = arith.mulf %mul3A_1657, %add3A_1671 : vector<16xf32>
      %add3A_1673 = arith.constant 1.000000e+00 : f32
      %add3A_1674 = vector.broadcast %add3A_1673 : f32 to vector<16xf32>
      %add3A_1675 = arith.addf %add3A_1674, %mul3A_1672 : vector<16xf32>
      %mul3A_1676 = arith.mulf %mul3A_1656, %mul3A_1656 : vector<16xf32>
      %mul3A_1677 = arith.constant 2.75573188E-6 : f32
      %mul3A_1678 = vector.broadcast %mul3A_1677 : f32 to vector<16xf32>
      %mul3A_1679 = arith.mulf %mul3A_1676, %mul3A_1678 : vector<16xf32>
      %add3A_1680 = arith.constant -1.98412701E-4 : f32
      %add3A_1681 = vector.broadcast %add3A_1680 : f32 to vector<16xf32>
      %add3A_1682 = arith.addf %add3A_1681, %mul3A_1679 : vector<16xf32>
      %mul3A_1683 = arith.mulf %mul3A_1676, %add3A_1682 : vector<16xf32>
      %add3A_1684 = arith.constant 0.00833333377 : f32
      %add3A_1685 = vector.broadcast %add3A_1684 : f32 to vector<16xf32>
      %add3A_1686 = arith.addf %add3A_1685, %mul3A_1683 : vector<16xf32>
      %mul3A_1687 = arith.mulf %mul3A_1676, %add3A_1686 : vector<16xf32>
      %add3A_1688 = arith.constant -0.166666672 : f32
      %add3A_1689 = vector.broadcast %add3A_1688 : f32 to vector<16xf32>
      %add3A_1690 = arith.addf %add3A_1689, %mul3A_1687 : vector<16xf32>
      %mul3A_1691 = arith.mulf %mul3A_1676, %add3A_1690 : vector<16xf32>
      %add3A_1692 = arith.constant 1.000000e+00 : f32
      %add3A_1693 = vector.broadcast %add3A_1692 : f32 to vector<16xf32>
      %add3A_1694 = arith.addf %add3A_1693, %mul3A_1691 : vector<16xf32>
      %mul3A_1695 = arith.mulf %mul3A_1656, %add3A_1694 : vector<16xf32>
      %abs3A_1696 = math.absf %add3A_1675 : vector<16xf32>
      %abs3A_1697 = math.absf %mul3A_1695 : vector<16xf32>
      %mul3A_1698 = arith.mulf %select_n3A_1628, %abs3A_1696 : vector<16xf32>
      %mul3A_1699 = arith.mulf %select_n3A_1631, %abs3A_1697 : vector<16xf32>
      %add3A_1700 = arith.addf %mul3A_1698, %mul3A_1699 : vector<16xf32>
      %mul3A_1701 = arith.constant 5.000000e-01 : f32
      %mul3A_1702 = vector.broadcast %mul3A_1701 : f32 to vector<16xf32>
      %mul3A_1703 = arith.mulf %add3A_1700, %mul3A_1702 : vector<16xf32>
      %mul3A_1704 = arith.mulf %select_n3A_1628, %abs3A_1697 : vector<16xf32>
      %mul3A_1705 = arith.mulf %select_n3A_1631, %abs3A_1696 : vector<16xf32>
      %add3A_1706 = arith.addf %mul3A_1704, %mul3A_1705 : vector<16xf32>
      %mul3A_1707 = arith.constant 5.000000e-01 : f32
      %mul3A_1708 = vector.broadcast %mul3A_1707 : f32 to vector<16xf32>
      %mul3A_1709 = arith.mulf %add3A_1706, %mul3A_1708 : vector<16xf32>
      %sub3A_1710 = arith.subf %select_n3A_1622, %mul3A_1703 : vector<16xf32>
      %sub3A_1711 = arith.subf %select_n3A_1625, %mul3A_1709 : vector<16xf32>
      %add3A_1712 = arith.addf %select_n3A_1622, %mul3A_1703 : vector<16xf32>
      %add3A_1713 = arith.addf %select_n3A_1625, %mul3A_1709 : vector<16xf32>
      %swap3A_1714 = arith.index_cast %mul3A_1584 : i32 to index
      %swap3A_1715 = tpu.vector_load %arg14[%swap3A_1714] {strides = array<i32>} : memref<1280xf32, #tpu.memory_space<vmem>>, vector<16xf32>,
      tpu.vector_store %arg14[%swap3A_1714], %sub3A_1710 {strides = array<i32>} : memref<1280xf32, #tpu.memory_space<vmem>>, vector<16xf32>,
      %swap3A_1716 = arith.index_cast %mul3A_1584 : i32 to index
      %swap3A_1717 = tpu.vector_load %arg15[%swap3A_1716] {strides = array<i32>} : memref<1280xf32, #tpu.memory_space<vmem>>, vector<16xf32>,
      tpu.vector_store %arg15[%swap3A_1716], %sub3A_1711 {strides = array<i32>} : memref<1280xf32, #tpu.memory_space<vmem>>, vector<16xf32>,
      %swap3A_1718 = arith.index_cast %mul3A_1584 : i32 to index
      %swap3A_1719 = tpu.vector_load %arg16[%swap3A_1718] {strides = array<i32>} : memref<1280xf32, #tpu.memory_space<vmem>>, vector<16xf32>,
      tpu.vector_store %arg16[%swap3A_1718], %add3A_1712 {strides = array<i32>} : memref<1280xf32, #tpu.memory_space<vmem>>, vector<16xf32>,
      %swap3A_1720 = arith.index_cast %mul3A_1584 : i32 to index
      %swap3A_1721 = tpu.vector_load %arg17[%swap3A_1720] {strides = array<i32>} : memref<1280xf32, #tpu.memory_space<vmem>>, vector<16xf32>,
      tpu.vector_store %arg17[%swap3A_1720], %add3A_1713 {strides = array<i32>} : memref<1280xf32, #tpu.memory_space<vmem>>, vector<16xf32>,
      %sub3A_1722 = arith.subf %add3A_1712, %sub3A_1710 : vector<16xf32>
      %sub3A_1723 = arith.subf %add3A_1713, %sub3A_1711 : vector<16xf32>
      %mul3A_1724 = arith.mulf %sub3A_1722, %sub3A_1723 : vector<16xf32>
      %swap3A_1725 = arith.index_cast %mul3A_1584 : i32 to index
      %swap3A_1726 = tpu.vector_load %arg18[%swap3A_1725] {strides = array<i32>} : memref<1280xf32, #tpu.memory_space<vmem>>, vector<16xf32>,
      tpu.vector_store %arg18[%swap3A_1725], %mul3A_1724 {strides = array<i32>} : memref<1280xf32, #tpu.memory_space<vmem>>, vector<16xf32>,
      %max3A_1727 = arith.constant 1.000000e+00 : f32
      %max3A_1728 = vector.broadcast %max3A_1727 : f32 to vector<16xf32>
      %max3A_1729 = arith.maximumf %select_n3A_1628, %max3A_1728 : vector<16xf32>
      %max3A_1730 = arith.constant 1.000000e+00 : f32
      %max3A_1731 = vector.broadcast %max3A_1730 : f32 to vector<16xf32>
      %max3A_1732 = arith.maximumf %select_n3A_1631, %max3A_1731 : vector<16xf32>
      %swap3A_1733 = arith.index_cast %mul3A_1584 : i32 to index
      %swap3A_1734 = tpu.vector_load %arg19[%swap3A_1733] {strides = array<i32>} : memref<1280xf32, #tpu.memory_space<vmem>>, vector<16xf32>,
      tpu.vector_store %arg19[%swap3A_1733], %max3A_1729 {strides = array<i32>} : memref<1280xf32, #tpu.memory_space<vmem>>, vector<16xf32>,
      %swap3A_1735 = arith.index_cast %mul3A_1584 : i32 to index
      %swap3A_1736 = tpu.vector_load %arg20[%swap3A_1735] {strides = array<i32>} : memref<1280xf32, #tpu.memory_space<vmem>>, vector<16xf32>,
      tpu.vector_store %arg20[%swap3A_1735], %max3A_1732 {strides = array<i32>} : memref<1280xf32, #tpu.memory_space<vmem>>, vector<16xf32>,
      %bitcast3A_1737 = vector.bitcast %max3A_1729 : vector<16xf32> to vector<16xi32>
      %shift_right_logical3A_1738 = arith.constant 23 : i32
      %shift_right_logical3A_1739 = vector.broadcast %shift_right_logical3A_1738 : i32 to vector<16xi32>
      %shift_right_logical3A_1740 = arith.shrui %bitcast3A_1737, %shift_right_logical3A_1739 : vector<16xi32>
      %sub3A_1741 = arith.constant 127 : i32
      %sub3A_1742 = vector.broadcast %sub3A_1741 : i32 to vector<16xi32>
      %sub3A_1743 = arith.subi %shift_right_logical3A_1740, %sub3A_1742 : vector<16xi32>
      %and3A_1744 = arith.constant 8388607 : i32
      %and3A_1745 = vector.broadcast %and3A_1744 : i32 to vector<16xi32>
      %and3A_1746 = arith.andi %bitcast3A_1737, %and3A_1745 : vector<16xi32>
      %or3A_1747 = arith.constant 1065353216 : i32
      %or3A_1748 = vector.broadcast %or3A_1747 : i32 to vector<16xi32>
      %or3A_1749 = arith.ori %and3A_1746, %or3A_1748 : vector<16xi32>
      %bitcast3A_1750 = vector.bitcast %or3A_1749 : vector<16xi32> to vector<16xf32>
      %gt3A_1751 = arith.constant 1.41421354 : f32
      %gt3A_1752 = vector.broadcast %gt3A_1751 : f32 to vector<16xf32>
      %gt3A_1753 = arith.cmpf ogt, %bitcast3A_1750, %gt3A_1752 : vector<16xf32>
      %mul3A_1754 = arith.constant 5.000000e-01 : f32
      %mul3A_1755 = vector.broadcast %mul3A_1754 : f32 to vector<16xf32>
      %mul3A_1756 = arith.mulf %bitcast3A_1750, %mul3A_1755 : vector<16xf32>
      %select_n3A_1757 = arith.select %gt3A_1753, %mul3A_1756, %bitcast3A_1750 : vector<16xi1>, vector<16xf32>
      %convert_element_type3A_1758 = arith.extui %gt3A_1753 : vector<16xi1> to vector<16xi32>
      %add3A_1759 = arith.addi %sub3A_1743, %convert_element_type3A_1758 : vector<16xi32>
      %sub3A_1760 = arith.constant 1.000000e+00 : f32
      %sub3A_1761 = vector.broadcast %sub3A_1760 : f32 to vector<16xf32>
      %sub3A_1762 = arith.subf %select_n3A_1757, %sub3A_1761 : vector<16xf32>
      %add3A_1763 = arith.constant 1.000000e+00 : f32
      %add3A_1764 = vector.broadcast %add3A_1763 : f32 to vector<16xf32>
      %add3A_1765 = arith.addf %select_n3A_1757, %add3A_1764 : vector<16xf32>
      %div3A_1766 = arith.divf %sub3A_1762, %add3A_1765 : vector<16xf32>
      %mul3A_1767 = arith.mulf %div3A_1766, %div3A_1766 : vector<16xf32>
      %mul3A_1768 = arith.constant 2.000000e+00 : f32
      %mul3A_1769 = vector.broadcast %mul3A_1768 : f32 to vector<16xf32>
      %mul3A_1770 = arith.mulf %mul3A_1769, %div3A_1766 : vector<16xf32>
      %mul3A_1771 = arith.constant 0.111111112 : f32
      %mul3A_1772 = vector.broadcast %mul3A_1771 : f32 to vector<16xf32>
      %mul3A_1773 = arith.mulf %mul3A_1767, %mul3A_1772 : vector<16xf32>
      %add3A_1774 = arith.constant 0.142857149 : f32
      %add3A_1775 = vector.broadcast %add3A_1774 : f32 to vector<16xf32>
      %add3A_1776 = arith.addf %add3A_1775, %mul3A_1773 : vector<16xf32>
      %mul3A_1777 = arith.mulf %mul3A_1767, %add3A_1776 : vector<16xf32>
      %add3A_1778 = arith.constant 2.000000e-01 : f32
      %add3A_1779 = vector.broadcast %add3A_1778 : f32 to vector<16xf32>
      %add3A_1780 = arith.addf %add3A_1779, %mul3A_1777 : vector<16xf32>
      %mul3A_1781 = arith.mulf %mul3A_1767, %add3A_1780 : vector<16xf32>
      %add3A_1782 = arith.constant 0.333333343 : f32
      %add3A_1783 = vector.broadcast %add3A_1782 : f32 to vector<16xf32>
      %add3A_1784 = arith.addf %add3A_1783, %mul3A_1781 : vector<16xf32>
      %mul3A_1785 = arith.mulf %mul3A_1767, %add3A_1784 : vector<16xf32>
      %add3A_1786 = arith.constant 1.000000e+00 : f32
      %add3A_1787 = vector.broadcast %add3A_1786 : f32 to vector<16xf32>
      %add3A_1788 = arith.addf %add3A_1787, %mul3A_1785 : vector<16xf32>
      %mul3A_1789 = arith.mulf %mul3A_1770, %add3A_1788 : vector<16xf32>
      %convert_element_type3A_1790 = arith.sitofp %add3A_1759 : vector<16xi32> to vector<16xf32>
      %mul3A_1791 = arith.constant 0.693147182 : f32
      %mul3A_1792 = vector.broadcast %mul3A_1791 : f32 to vector<16xf32>
      %mul3A_1793 = arith.mulf %convert_element_type3A_1790, %mul3A_1792 : vector<16xf32>
      %add3A_1794 = arith.addf %mul3A_1793, %mul3A_1789 : vector<16xf32>
      %swap3A_1795 = arith.index_cast %mul3A_1584 : i32 to index
      %swap3A_1796 = tpu.vector_load %arg21[%swap3A_1795] {strides = array<i32>} : memref<1280xf32, #tpu.memory_space<vmem>>, vector<16xf32>,
      tpu.vector_store %arg21[%swap3A_1795], %add3A_1794 {strides = array<i32>} : memref<1280xf32, #tpu.memory_space<vmem>>, vector<16xf32>,
      %bitcast3A_1797 = vector.bitcast %max3A_1732 : vector<16xf32> to vector<16xi32>
      %shift_right_logical3A_1798 = arith.constant 23 : i32
      %shift_right_logical3A_1799 = vector.broadcast %shift_right_logical3A_1798 : i32 to vector<16xi32>
      %shift_right_logical3A_1800 = arith.shrui %bitcast3A_1797, %shift_right_logical3A_1799 : vector<16xi32>
      %sub3A_1801 = arith.constant 127 : i32
      %sub3A_1802 = vector.broadcast %sub3A_1801 : i32 to vector<16xi32>
      %sub3A_1803 = arith.subi %shift_right_logical3A_1800, %sub3A_1802 : vector<16xi32>
      %and3A_1804 = arith.constant 8388607 : i32
      %and3A_1805 = vector.broadcast %and3A_1804 : i32 to vector<16xi32>
      %and3A_1806 = arith.andi %bitcast3A_1797, %and3A_1805 : vector<16xi32>
      %or3A_1807 = arith.constant 1065353216 : i32
      %or3A_1808 = vector.broadcast %or3A_1807 : i32 to vector<16xi32>
      %or3A_1809 = arith.ori %and3A_1806, %or3A_1808 : vector<16xi32>
      %bitcast3A_1810 = vector.bitcast %or3A_1809 : vector<16xi32> to vector<16xf32>
      %gt3A_1811 = arith.constant 1.41421354 : f32
      %gt3A_1812 = vector.broadcast %gt3A_1811 : f32 to vector<16xf32>
      %gt3A_1813 = arith.cmpf ogt, %bitcast3A_1810, %gt3A_1812 : vector<16xf32>
      %mul3A_1814 = arith.constant 5.000000e-01 : f32
      %mul3A_1815 = vector.broadcast %mul3A_1814 : f32 to vector<16xf32>
      %mul3A_1816 = arith.mulf %bitcast3A_1810, %mul3A_1815 : vector<16xf32>
      %select_n3A_1817 = arith.select %gt3A_1813, %mul3A_1816, %bitcast3A_1810 : vector<16xi1>, vector<16xf32>
      %convert_element_type3A_1818 = arith.extui %gt3A_1813 : vector<16xi1> to vector<16xi32>
      %add3A_1819 = arith.addi %sub3A_1803, %convert_element_type3A_1818 : vector<16xi32>
      %sub3A_1820 = arith.constant 1.000000e+00 : f32
      %sub3A_1821 = vector.broadcast %sub3A_1820 : f32 to vector<16xf32>
      %sub3A_1822 = arith.subf %select_n3A_1817, %sub3A_1821 : vector<16xf32>
      %add3A_1823 = arith.constant 1.000000e+00 : f32
      %add3A_1824 = vector.broadcast %add3A_1823 : f32 to vector<16xf32>
      %add3A_1825 = arith.addf %select_n3A_1817, %add3A_1824 : vector<16xf32>
      %div3A_1826 = arith.divf %sub3A_1822, %add3A_1825 : vector<16xf32>
      %mul3A_1827 = arith.mulf %div3A_1826, %div3A_1826 : vector<16xf32>
      %mul3A_1828 = arith.constant 2.000000e+00 : f32
      %mul3A_1829 = vector.broadcast %mul3A_1828 : f32 to vector<16xf32>
      %mul3A_1830 = arith.mulf %mul3A_1829, %div3A_1826 : vector<16xf32>
      %mul3A_1831 = arith.constant 0.111111112 : f32
      %mul3A_1832 = vector.broadcast %mul3A_1831 : f32 to vector<16xf32>
      %mul3A_1833 = arith.mulf %mul3A_1827, %mul3A_1832 : vector<16xf32>
      %add3A_1834 = arith.constant 0.142857149 : f32
      %add3A_1835 = vector.broadcast %add3A_1834 : f32 to vector<16xf32>
      %add3A_1836 = arith.addf %add3A_1835, %mul3A_1833 : vector<16xf32>
      %mul3A_1837 = arith.mulf %mul3A_1827, %add3A_1836 : vector<16xf32>
      %add3A_1838 = arith.constant 2.000000e-01 : f32
      %add3A_1839 = vector.broadcast %add3A_1838 : f32 to vector<16xf32>
      %add3A_1840 = arith.addf %add3A_1839, %mul3A_1837 : vector<16xf32>
      %mul3A_1841 = arith.mulf %mul3A_1827, %add3A_1840 : vector<16xf32>
      %add3A_1842 = arith.constant 0.333333343 : f32
      %add3A_1843 = vector.broadcast %add3A_1842 : f32 to vector<16xf32>
      %add3A_1844 = arith.addf %add3A_1843, %mul3A_1841 : vector<16xf32>
      %mul3A_1845 = arith.mulf %mul3A_1827, %add3A_1844 : vector<16xf32>
      %add3A_1846 = arith.constant 1.000000e+00 : f32
      %add3A_1847 = vector.broadcast %add3A_1846 : f32 to vector<16xf32>
      %add3A_1848 = arith.addf %add3A_1847, %mul3A_1845 : vector<16xf32>
      %mul3A_1849 = arith.mulf %mul3A_1830, %add3A_1848 : vector<16xf32>
      %convert_element_type3A_1850 = arith.sitofp %add3A_1819 : vector<16xi32> to vector<16xf32>
      %mul3A_1851 = arith.constant 0.693147182 : f32
      %mul3A_1852 = vector.broadcast %mul3A_1851 : f32 to vector<16xf32>
      %mul3A_1853 = arith.mulf %convert_element_type3A_1850, %mul3A_1852 : vector<16xf32>
      %add3A_1854 = arith.addf %mul3A_1853, %mul3A_1849 : vector<16xf32>
      %swap3A_1855 = arith.index_cast %mul3A_1584 : i32 to index
      %swap3A_1856 = tpu.vector_load %arg22[%swap3A_1855] {strides = array<i32>} : memref<1280xf32, #tpu.memory_space<vmem>>, vector<16xf32>,
      tpu.vector_store %arg22[%swap3A_1855], %add3A_1854 {strides = array<i32>} : memref<1280xf32, #tpu.memory_space<vmem>>, vector<16xf32>,
      %div3A_1857 = arith.divf %mul3A_1695, %add3A_1675 : vector<16xf32>
      %swap3A_1858 = arith.index_cast %mul3A_1584 : i32 to index
      %swap3A_1859 = tpu.vector_load %arg23[%swap3A_1858] {strides = array<i32>} : memref<1280xf32, #tpu.memory_space<vmem>>, vector<16xf32>,
      tpu.vector_store %arg23[%swap3A_1858], %div3A_1857 {strides = array<i32>} : memref<1280xf32, #tpu.memory_space<vmem>>, vector<16xf32>,
      %swap3A_1860 = arith.index_cast %mul3A_1584 : i32 to index
      %swap3A_1861 = tpu.vector_load %arg24[%swap3A_1860] {strides = array<i32>} : memref<1280xf32, #tpu.memory_space<vmem>>, vector<16xf32>,
      tpu.vector_store %arg24[%swap3A_1860], %broadcast_in_dim3A_0 {strides = array<i32>} : memref<1280xf32, #tpu.memory_space<vmem>>, vector<16xf32>,
      %broadcast_in_dim3A_1862 = arith.constant 0 : i32
      %broadcast_in_dim3A_1863 = vector.broadcast %broadcast_in_dim3A_1862 : i32 to vector<16xi32>
      %swap3A_1864 = arith.index_cast %mul3A_1584 : i32 to index
      %swap3A_1865 = tpu.vector_load %arg25[%swap3A_1864] {strides = array<i32>} : memref<1280xi32, #tpu.memory_space<vmem>>, vector<16xi32>,
      tpu.vector_store %arg25[%swap3A_1864], %broadcast_in_dim3A_1863 {strides = array<i32>} : memref<1280xi32, #tpu.memory_space<vmem>>, vector<16xi32>,
      %swap3A_1866 = arith.index_cast %mul3A_1584 : i32 to index
      %swap3A_1867 = tpu.vector_load %arg26[%swap3A_1866] {strides = array<i32>} : memref<1280xf32, #tpu.memory_space<vmem>>, vector<16xf32>,
      tpu.vector_store %arg26[%swap3A_1866], %broadcast_in_dim3A_0 {strides = array<i32>} : memref<1280xf32, #tpu.memory_space<vmem>>, vector<16xf32>,
      %scan3A_1868 = arith.constant 0 : i32
      scf.yield %scan3A_1868 : i32
    }
    %scan3A_996 = arith.constant 80 : i32
    %scan3A_997 = arith.constant 0 : i32
    %scan3A_998 = arith.constant 0 : i32
    %scan3A_999 = arith.constant 64 : i32
    %scan3A_1000 = arith.addi %scan3A_998, %scan3A_999 : i32
    %scan3A_1001 = arith.constant 1 : i32
    %scan3A_1002 = scf.for %scan3A_1577 = %scan3A_998 to %scan3A_1000 step %scan3A_1001 iter_args(%scan3A_1578 = %scan3A_997) -> (i32)  : i32 {
      %broadcast_in_dim3A_1579 = vector.broadcast %scan3A_1577 : i32 to vector<16xi32>
      %gather3A = tpu.vector_load_idx %arg27[%broadcast_in_dim3A_1579] : memref<64xf32, #tpu.memory_space<vmem>>[vector<16xi32>], vector<16xf32>,
      %gather3A_1580 = tpu.vector_load_idx %arg28[%broadcast_in_dim3A_1579] : memref<64xf32, #tpu.memory_space<vmem>>[vector<16xi32>], vector<16xf32>,
      %gather3A_1581 = tpu.vector_load_idx %arg29[%broadcast_in_dim3A_1579] : memref<64xf32, #tpu.memory_space<vmem>>[vector<16xi32>], vector<16xf32>,
      %gather3A_1582 = tpu.vector_load_idx %arg30[%broadcast_in_dim3A_1579] : memref<64xf32, #tpu.memory_space<vmem>>[vector<16xi32>], vector<16xf32>,
      %gather3A_1583 = tpu.vector_load_idx %arg31[%broadcast_in_dim3A_1579] : memref<64xf32, #tpu.memory_space<vmem>>[vector<16xi32>], vector<16xf32>,
      %gather3A_1584 = tpu.vector_load_idx %arg32[%broadcast_in_dim3A_1579] : memref<64xf32, #tpu.memory_space<vmem>>[vector<16xi32>], vector<16xf32>,
      %gather3A_1585 = tpu.vector_load_idx %arg33[%broadcast_in_dim3A_1579] : memref<64xf32, #tpu.memory_space<vmem>>[vector<16xi32>], vector<16xf32>,
      %gather3A_1586 = tpu.vector_load_idx %arg34[%broadcast_in_dim3A_1579] : memref<64xf32, #tpu.memory_space<vmem>>[vector<16xi32>], vector<16xf32>,
      %gather3A_1587 = tpu.vector_load_idx %arg35[%broadcast_in_dim3A_1579] : memref<64xf32, #tpu.memory_space<vmem>>[vector<16xi32>], vector<16xf32>,
      %gather3A_1588 = tpu.vector_load_idx %arg36[%broadcast_in_dim3A_1579] : memref<64xf32, #tpu.memory_space<vmem>>[vector<16xi32>], vector<16xf32>,
      %gather3A_1589 = tpu.vector_load_idx %arg37[%broadcast_in_dim3A_1579] : memref<64xf32, #tpu.memory_space<vmem>>[vector<16xi32>], vector<16xf32>,
      %gt3A_1590 = arith.constant 5.000000e-01 : f32
      %gt3A_1591 = vector.broadcast %gt3A_1590 : f32 to vector<16xf32>
      %gt3A_1592 = arith.cmpf ogt, %gather3A_1589, %gt3A_1591 : vector<16xf32>
      %broadcast_in_dim3A_1593 = arith.constant 0.000000e+00 : f32
      %broadcast_in_dim3A_1594 = vector.broadcast %broadcast_in_dim3A_1593 : f32 to vector<16xf32>
      %broadcast_in_dim3A_1595 = arith.constant 0 : i32
      %broadcast_in_dim3A_1596 = vector.broadcast %broadcast_in_dim3A_1595 : i32 to vector<16xi32>
      %parallel_loop3A = arith.constant 0 : i32
      %parallel_loop3A_1597 = arith.constant 80 : i32
      %parallel_loop3A_1598 = arith.constant 1 : i32
      %parallel_loop3A_1599:2 = scf.for %parallel_loop3A_1627 = %parallel_loop3A to %parallel_loop3A_1597 step %parallel_loop3A_1598 iter_args(%parallel_loop3A_1628 = %broadcast_in_dim3A_1594, %parallel_loop3A_1629 = %broadcast_in_dim3A_1596) -> (vector<16xf32>, vector<16xi32>)  : i32 {
        %parallel_loop3A_1630 = arith.constant 16 : i32
        %parallel_loop3A_1631 = arith.muli %parallel_loop3A_1627, %parallel_loop3A_1630 : i32
        %parallel_loop3A_1632 = arith.index_cast %parallel_loop3A_1631 : i32 to index
        %parallel_loop3A_1633 = tpu.vector_load %arg9[%parallel_loop3A_1632] {strides = array<i32>} : memref<1280xf32, #tpu.memory_space<vmem>>, vector<16xf32>,
        %parallel_loop3A_1634 = arith.maximumf %parallel_loop3A_1633, %gather3A : vector<16xf32>
        %parallel_loop3A_1635 = arith.index_cast %parallel_loop3A_1631 : i32 to index
        %parallel_loop3A_1636 = tpu.vector_load %arg10[%parallel_loop3A_1635] {strides = array<i32>} : memref<1280xf32, #tpu.memory_space<vmem>>, vector<16xf32>,
        %parallel_loop3A_1637 = arith.maximumf %parallel_loop3A_1636, %gather3A_1580 : vector<16xf32>
        %parallel_loop3A_1638 = arith.index_cast %parallel_loop3A_1631 : i32 to index
        %parallel_loop3A_1639 = tpu.vector_load %arg11[%parallel_loop3A_1638] {strides = array<i32>} : memref<1280xf32, #tpu.memory_space<vmem>>, vector<16xf32>,
        %parallel_loop3A_1640 = arith.minimumf %parallel_loop3A_1639, %gather3A_1581 : vector<16xf32>
        %parallel_loop3A_1641 = arith.index_cast %parallel_loop3A_1631 : i32 to index
        %parallel_loop3A_1642 = tpu.vector_load %arg12[%parallel_loop3A_1641] {strides = array<i32>} : memref<1280xf32, #tpu.memory_space<vmem>>, vector<16xf32>,
        %parallel_loop3A_1643 = arith.minimumf %parallel_loop3A_1642, %gather3A_1582 : vector<16xf32>
        %parallel_loop3A_1644 = arith.subf %parallel_loop3A_1640, %parallel_loop3A_1634 : vector<16xf32>
        %parallel_loop3A_1645 = arith.constant 0.000000e+00 : f32
        %parallel_loop3A_1646 = vector.broadcast %parallel_loop3A_1645 : f32 to vector<16xf32>
        %parallel_loop3A_1647 = arith.maximumf %parallel_loop3A_1644, %parallel_loop3A_1646 : vector<16xf32>
        %parallel_loop3A_1648 = arith.subf %parallel_loop3A_1643, %parallel_loop3A_1637 : vector<16xf32>
        %parallel_loop3A_1649 = arith.constant 0.000000e+00 : f32
        %parallel_loop3A_1650 = vector.broadcast %parallel_loop3A_1649 : f32 to vector<16xf32>
        %parallel_loop3A_1651 = arith.maximumf %parallel_loop3A_1648, %parallel_loop3A_1650 : vector<16xf32>
        %parallel_loop3A_1652 = arith.mulf %parallel_loop3A_1647, %parallel_loop3A_1651 : vector<16xf32>
        %parallel_loop3A_1653 = arith.index_cast %parallel_loop3A_1631 : i32 to index
        %parallel_loop3A_1654 = tpu.vector_load %arg13[%parallel_loop3A_1653] {strides = array<i32>} : memref<1280xf32, #tpu.memory_space<vmem>>, vector<16xf32>,
        %parallel_loop3A_1655 = arith.addf %parallel_loop3A_1654, %gather3A_1583 : vector<16xf32>
        %parallel_loop3A_1656 = arith.subf %parallel_loop3A_1655, %parallel_loop3A_1652 : vector<16xf32>
        %parallel_loop3A_1657 = arith.constant 1.000000e-01 : f32
        %parallel_loop3A_1658 = vector.broadcast %parallel_loop3A_1657 : f32 to vector<16xf32>
        %parallel_loop3A_1659 = arith.mulf %parallel_loop3A_1658, %parallel_loop3A_1656 : vector<16xf32>
        %parallel_loop3A_1660 = arith.cmpf oge, %parallel_loop3A_1652, %parallel_loop3A_1659 : vector<16xf32>
        %parallel_loop3A_1661 = arith.andi %parallel_loop3A_1660, %gt3A_1592 : vector<16xi1>
        %parallel_loop3A_1662 = arith.index_cast %parallel_loop3A_1631 : i32 to index
        %parallel_loop3A_1663 = tpu.vector_load %arg14[%parallel_loop3A_1662] {strides = array<i32>} : memref<1280xf32, #tpu.memory_space<vmem>>, vector<16xf32>,
        %parallel_loop3A_1664 = arith.maximumf %parallel_loop3A_1663, %gather3A_1584 : vector<16xf32>
        %parallel_loop3A_1665 = arith.index_cast %parallel_loop3A_1631 : i32 to index
        %parallel_loop3A_1666 = tpu.vector_load %arg15[%parallel_loop3A_1665] {strides = array<i32>} : memref<1280xf32, #tpu.memory_space<vmem>>, vector<16xf32>,
        %parallel_loop3A_1667 = arith.maximumf %parallel_loop3A_1666, %gather3A_1585 : vector<16xf32>
        %parallel_loop3A_1668 = arith.index_cast %parallel_loop3A_1631 : i32 to index
        %parallel_loop3A_1669 = tpu.vector_load %arg16[%parallel_loop3A_1668] {strides = array<i32>} : memref<1280xf32, #tpu.memory_space<vmem>>, vector<16xf32>,
        %parallel_loop3A_1670 = arith.minimumf %parallel_loop3A_1669, %gather3A_1586 : vector<16xf32>
        %parallel_loop3A_1671 = arith.index_cast %parallel_loop3A_1631 : i32 to index
        %parallel_loop3A_1672 = tpu.vector_load %arg17[%parallel_loop3A_1671] {strides = array<i32>} : memref<1280xf32, #tpu.memory_space<vmem>>, vector<16xf32>,
        %parallel_loop3A_1673 = arith.minimumf %parallel_loop3A_1672, %gather3A_1587 : vector<16xf32>
        %parallel_loop3A_1674 = arith.subf %parallel_loop3A_1670, %parallel_loop3A_1664 : vector<16xf32>
        %parallel_loop3A_1675 = arith.constant 0.000000e+00 : f32
        %parallel_loop3A_1676 = vector.broadcast %parallel_loop3A_1675 : f32 to vector<16xf32>
        %parallel_loop3A_1677 = arith.maximumf %parallel_loop3A_1674, %parallel_loop3A_1676 : vector<16xf32>
        %parallel_loop3A_1678 = arith.subf %parallel_loop3A_1673, %parallel_loop3A_1667 : vector<16xf32>
        %parallel_loop3A_1679 = arith.constant 0.000000e+00 : f32
        %parallel_loop3A_1680 = vector.broadcast %parallel_loop3A_1679 : f32 to vector<16xf32>
        %parallel_loop3A_1681 = arith.maximumf %parallel_loop3A_1678, %parallel_loop3A_1680 : vector<16xf32>
        %parallel_loop3A_1682 = arith.mulf %parallel_loop3A_1677, %parallel_loop3A_1681 : vector<16xf32>
        %parallel_loop3A_1683 = arith.index_cast %parallel_loop3A_1631 : i32 to index
        %parallel_loop3A_1684 = tpu.vector_load %arg18[%parallel_loop3A_1683] {strides = array<i32>} : memref<1280xf32, #tpu.memory_space<vmem>>, vector<16xf32>,
        %parallel_loop3A_1685 = arith.addf %parallel_loop3A_1684, %gather3A_1588 : vector<16xf32>
        %parallel_loop3A_1686 = arith.subf %parallel_loop3A_1685, %parallel_loop3A_1682 : vector<16xf32>
        %parallel_loop3A_1687 = arith.divf %parallel_loop3A_1682, %parallel_loop3A_1686 : vector<16xf32>
        %parallel_loop3A_1688 = arith.constant 0.000000e+00 : f32
        %parallel_loop3A_1689 = vector.broadcast %parallel_loop3A_1688 : f32 to vector<16xf32>
        %parallel_loop3A_1690 = arith.select %parallel_loop3A_1661, %parallel_loop3A_1687, %parallel_loop3A_1689 : vector<16xi1>, vector<16xf32>
        %parallel_loop3A_1691 = arith.index_cast %parallel_loop3A_1631 : i32 to index
        %parallel_loop3A_1692 = tpu.vector_load %arg24[%parallel_loop3A_1691] {strides = array<i32>} : memref<1280xf32, #tpu.memory_space<vmem>>, vector<16xf32>,
        %parallel_loop3A_1693 = arith.cmpf ogt, %parallel_loop3A_1690, %parallel_loop3A_1692 : vector<16xf32>
        %parallel_loop3A_1694 = arith.select %parallel_loop3A_1693, %parallel_loop3A_1690, %parallel_loop3A_1692 : vector<16xi1>, vector<16xf32>
        %parallel_loop3A_1695 = arith.index_cast %parallel_loop3A_1631 : i32 to index
        %parallel_loop3A_1696 = tpu.vector_load %arg24[%parallel_loop3A_1695] {strides = array<i32>} : memref<1280xf32, #tpu.memory_space<vmem>>, vector<16xf32>,
        tpu.vector_store %arg24[%parallel_loop3A_1695], %parallel_loop3A_1694 {strides = array<i32>} : memref<1280xf32, #tpu.memory_space<vmem>>, vector<16xf32>,
        %parallel_loop3A_1697 = arith.index_cast %parallel_loop3A_1631 : i32 to index
        %parallel_loop3A_1698 = tpu.vector_load %arg25[%parallel_loop3A_1697] {strides = array<i32>} : memref<1280xi32, #tpu.memory_space<vmem>>, vector<16xi32>,
        %parallel_loop3A_1699 = arith.select %parallel_loop3A_1693, %broadcast_in_dim3A_1579, %parallel_loop3A_1698 : vector<16xi1>, vector<16xi32>
        %parallel_loop3A_1700 = arith.index_cast %parallel_loop3A_1631 : i32 to index
        %parallel_loop3A_1701 = tpu.vector_load %arg25[%parallel_loop3A_1700] {strides = array<i32>} : memref<1280xi32, #tpu.memory_space<vmem>>, vector<16xi32>,
        tpu.vector_store %arg25[%parallel_loop3A_1700], %parallel_loop3A_1699 {strides = array<i32>} : memref<1280xi32, #tpu.memory_space<vmem>>, vector<16xi32>,
        %parallel_loop3A_1702 = arith.cmpf ogt, %parallel_loop3A_1690, %parallel_loop3A_1628 : vector<16xf32>
        %parallel_loop3A_1703 = arith.select %parallel_loop3A_1702, %parallel_loop3A_1690, %parallel_loop3A_1628 : vector<16xi1>, vector<16xf32>
        %parallel_loop3A_1704 = vector.broadcast %parallel_loop3A_1627 : i32 to vector<16xi32>
        %parallel_loop3A_1705 = arith.select %parallel_loop3A_1702, %parallel_loop3A_1704, %parallel_loop3A_1629 : vector<16xi1>, vector<16xi32>
        scf.yield %parallel_loop3A_1703, %parallel_loop3A_1705 : vector<16xf32>, vector<16xi32>
      } {sc.loop_unroll_factor = 2 : i64, sc.parallel_access}
      %reduce_max3A = arith.constant true
      %reduce_max3A_1600 = vector.broadcast %reduce_max3A : i1 to vector<16xi1>
      %reduce_max3A_1601 = tpu.scan <max>, %parallel_loop3A_1599#0 masked %reduce_max3A_1600 : vector<16xf32>, vector<16xi1> -> vector<16xf32>
      %reduce_max3A_1602 = vector.extract %reduce_max3A_1601[15] : f32 from vector<16xf32>
      %eq3A_1603 = vector.broadcast %reduce_max3A_1602 : f32 to vector<16xf32>
      %eq3A_1604 = arith.cmpf oeq, %parallel_loop3A_1599#0, %eq3A_1603 : vector<16xf32>
      %mul3A_1605 = arith.constant 16 : i32
      %mul3A_1606 = vector.broadcast %mul3A_1605 : i32 to vector<16xi32>
      %mul3A_1607 = arith.muli %parallel_loop3A_1599#1, %mul3A_1606 : vector<16xi32>
      %add3A_1608 = arith.addi %mul3A_1607, %iota3A : vector<16xi32>
      %add3A_1609 = vector.broadcast %mul3A_1 : i32 to vector<16xi32>
      %add3A_1610 = arith.addi %add3A_1608, %add3A_1609 : vector<16xi32>
      %broadcast_in_dim3A_1611 = arith.constant 2147483647 : i32
      %broadcast_in_dim3A_1612 = vector.broadcast %broadcast_in_dim3A_1611 : i32 to vector<16xi32>
      %select_n3A_1613 = arith.select %eq3A_1604, %add3A_1610, %broadcast_in_dim3A_1612 : vector<16xi1>, vector<16xi32>
      %reduce_min3A = arith.constant true
      %reduce_min3A_1614 = vector.broadcast %reduce_min3A : i1 to vector<16xi1>
      %reduce_min3A_1615 = arith.constant -2147483648 : i32
      %reduce_min3A_1616 = vector.broadcast %reduce_min3A_1615 : i32 to vector<16xi32>
      %reduce_min3A_1617 = arith.xori %select_n3A_1613, %reduce_min3A_1616 : vector<16xi32>
      %reduce_min3A_1618 = tpu.scan <min>, %reduce_min3A_1617 masked %reduce_min3A_1614 : vector<16xi32>, vector<16xi1> -> vector<16xi32>
      %reduce_min3A_1619 = arith.xori %reduce_min3A_1618, %reduce_min3A_1616 : vector<16xi32>
      %reduce_min3A_1620 = vector.extract %reduce_min3A_1619[15] : i32 from vector<16xi32>
      %eq3A_1621 = arith.constant 0 : i32
      %eq3A_1622 = vector.broadcast %eq3A_1621 : i32 to vector<16xi32>
      %eq3A_1623 = arith.cmpi eq, %iota3A, %eq3A_1622 : vector<16xi32>
      %broadcast_in_dim3A_1624 = vector.broadcast %reduce_max3A_1602 : f32 to vector<16xf32>
      tpu.vector_store_idx %arg43[%broadcast_in_dim3A_1579], %broadcast_in_dim3A_1624 masked %eq3A_1623 : memref<64xf32, #tpu.memory_space<vmem>>[vector<16xi32>], vector<16xf32>, vector<16xi1>
      %broadcast_in_dim3A_1625 = vector.broadcast %reduce_min3A_1620 : i32 to vector<16xi32>
      tpu.vector_store_idx %arg44[%broadcast_in_dim3A_1579], %broadcast_in_dim3A_1625 masked %eq3A_1623 : memref<64xi32, #tpu.memory_space<vmem>>[vector<16xi32>], vector<16xi32>, vector<16xi1>
      %scan3A_1626 = arith.constant 0 : i32
      scf.yield %scan3A_1626 : i32
    }
    %scan3A_1003 = arith.constant 64 : i32
    %mul3A_1004 = arith.constant 64 : i32
    %mul3A_1005 = arith.muli %arg1, %mul3A_1004 : i32
    "tpu.region"() ({
      %run_scoped3A = tpu.sem_alloc : memref<!tpu.dma_semaphore, #tpu.memory_space<semaphore_mem>>
      %dma_start3A = tpu.memref_slice %arg49[%mul3A_1005] : memref<1024xf32, #tpu.memory_space<vmem_shared>> -> memref<64xf32, #tpu.memory_space<vmem_shared>>
      %dma_start3A_1577 = tpu.memref_slice %arg49[%mul3A_1005] : memref<1024xf32, #tpu.memory_space<vmem_shared>> -> memref<64xf32, #tpu.memory_space<vmem_shared>>
      tpu.enqueue_dma source(%arg43 : memref<64xf32, #tpu.memory_space<vmem>>) target(%dma_start3A_1577 : memref<64xf32, #tpu.memory_space<vmem_shared>>) target_semaphore(%run_scoped3A : memref<!tpu.dma_semaphore, #tpu.memory_space<semaphore_mem>>)
      %dma_wait3A = tpu.memref_slice %arg49[%mul3A_1005] : memref<1024xf32, #tpu.memory_space<vmem_shared>> -> memref<64xf32, #tpu.memory_space<vmem_shared>>
      %dma_wait3A_1578 = tpu.memref_slice %arg49[%mul3A_1005] : memref<1024xf32, #tpu.memory_space<vmem_shared>> -> memref<64xf32, #tpu.memory_space<vmem_shared>>
      tpu.wait_dma2 semaphore(%run_scoped3A : memref<!tpu.dma_semaphore, #tpu.memory_space<semaphore_mem>>) src(%arg43 : memref<64xf32, #tpu.memory_space<vmem>>) dst(%dma_wait3A_1578 : memref<64xf32, #tpu.memory_space<vmem_shared>>)
      tpu.yield
    }) : () -> ()
    %mul3A_1006 = arith.constant 64 : i32
    %mul3A_1007 = arith.muli %arg1, %mul3A_1006 : i32
    "tpu.region"() ({
      %run_scoped3A = tpu.sem_alloc : memref<!tpu.dma_semaphore, #tpu.memory_space<semaphore_mem>>
      %dma_start3A = tpu.memref_slice %arg50[%mul3A_1007] : memref<1024xi32, #tpu.memory_space<vmem_shared>> -> memref<64xi32, #tpu.memory_space<vmem_shared>>
      %dma_start3A_1577 = tpu.memref_slice %arg50[%mul3A_1007] : memref<1024xi32, #tpu.memory_space<vmem_shared>> -> memref<64xi32, #tpu.memory_space<vmem_shared>>
      tpu.enqueue_dma source(%arg44 : memref<64xi32, #tpu.memory_space<vmem>>) target(%dma_start3A_1577 : memref<64xi32, #tpu.memory_space<vmem_shared>>) target_semaphore(%run_scoped3A : memref<!tpu.dma_semaphore, #tpu.memory_space<semaphore_mem>>)
      %dma_wait3A = tpu.memref_slice %arg50[%mul3A_1007] : memref<1024xi32, #tpu.memory_space<vmem_shared>> -> memref<64xi32, #tpu.memory_space<vmem_shared>>
      %dma_wait3A_1578 = tpu.memref_slice %arg50[%mul3A_1007] : memref<1024xi32, #tpu.memory_space<vmem_shared>> -> memref<64xi32, #tpu.memory_space<vmem_shared>>
      tpu.wait_dma2 semaphore(%run_scoped3A : memref<!tpu.dma_semaphore, #tpu.memory_space<semaphore_mem>>) src(%arg44 : memref<64xi32, #tpu.memory_space<vmem>>) dst(%dma_wait3A_1578 : memref<64xi32, #tpu.memory_space<vmem_shared>>)
      tpu.yield
    }) : () -> ()
    %barrier3A = arith.constant 0 : index
    tpu.barrier barrier_id(%barrier3A)
    "tpu.region"() ({
      %run_scoped3A = tpu.sem_alloc : memref<!tpu.dma_semaphore, #tpu.memory_space<semaphore_mem>>
      tpu.enqueue_dma source(%arg49 : memref<1024xf32, #tpu.memory_space<vmem_shared>>) target(%arg45 : memref<1024xf32, #tpu.memory_space<vmem>>) target_semaphore(%run_scoped3A : memref<!tpu.dma_semaphore, #tpu.memory_space<semaphore_mem>>)
      tpu.wait_dma2 semaphore(%run_scoped3A : memref<!tpu.dma_semaphore, #tpu.memory_space<semaphore_mem>>) src(%arg49 : memref<1024xf32, #tpu.memory_space<vmem_shared>>) dst(%arg45 : memref<1024xf32, #tpu.memory_space<vmem>>)
      tpu.yield
    }) : () -> ()
    "tpu.region"() ({
      %run_scoped3A = tpu.sem_alloc : memref<!tpu.dma_semaphore, #tpu.memory_space<semaphore_mem>>
      tpu.enqueue_dma source(%arg50 : memref<1024xi32, #tpu.memory_space<vmem_shared>>) target(%arg46 : memref<1024xi32, #tpu.memory_space<vmem>>) target_semaphore(%run_scoped3A : memref<!tpu.dma_semaphore, #tpu.memory_space<semaphore_mem>>)
      tpu.wait_dma2 semaphore(%run_scoped3A : memref<!tpu.dma_semaphore, #tpu.memory_space<semaphore_mem>>) src(%arg50 : memref<1024xi32, #tpu.memory_space<vmem_shared>>) dst(%arg46 : memref<1024xi32, #tpu.memory_space<vmem>>)
      tpu.yield
    }) : () -> ()
    %broadcast_in_dim3A_1008 = arith.constant 1.000000e+00 : f32
    %broadcast_in_dim3A_1009 = vector.broadcast %broadcast_in_dim3A_1008 : f32 to vector<16xf32>
    %get3A_1010 = arith.constant 0 : index
    %get3A_1011 = tpu.vector_load %arg45[%get3A_1010] {strides = array<i32>} : memref<1024xf32, #tpu.memory_space<vmem>>, vector<16xf32>,
    %get3A_1012 = arith.constant 0 : index
    %get3A_1013 = tpu.vector_load %arg46[%get3A_1012] {strides = array<i32>} : memref<1024xi32, #tpu.memory_space<vmem>>, vector<16xi32>,
    %get3A_1014 = arith.constant 64 : index
    %get3A_1015 = tpu.vector_load %arg45[%get3A_1014] {strides = array<i32>} : memref<1024xf32, #tpu.memory_space<vmem>>, vector<16xf32>,
    %get3A_1016 = arith.constant 64 : index
    %get3A_1017 = tpu.vector_load %arg46[%get3A_1016] {strides = array<i32>} : memref<1024xi32, #tpu.memory_space<vmem>>, vector<16xi32>,
    %gt3A_1018 = arith.cmpf ogt, %get3A_1015, %get3A_1011 : vector<16xf32>
    %select_n3A_1019 = arith.select %gt3A_1018, %get3A_1017, %get3A_1013 : vector<16xi1>, vector<16xi32>
    %select_n3A_1020 = arith.select %gt3A_1018, %get3A_1015, %get3A_1011 : vector<16xi1>, vector<16xf32>
    %get3A_1021 = arith.constant 128 : index
    %get3A_1022 = tpu.vector_load %arg45[%get3A_1021] {strides = array<i32>} : memref<1024xf32, #tpu.memory_space<vmem>>, vector<16xf32>,
    %get3A_1023 = arith.constant 128 : index
    %get3A_1024 = tpu.vector_load %arg46[%get3A_1023] {strides = array<i32>} : memref<1024xi32, #tpu.memory_space<vmem>>, vector<16xi32>,
    %gt3A_1025 = arith.cmpf ogt, %get3A_1022, %select_n3A_1020 : vector<16xf32>
    %select_n3A_1026 = arith.select %gt3A_1025, %get3A_1024, %select_n3A_1019 : vector<16xi1>, vector<16xi32>
    %select_n3A_1027 = arith.select %gt3A_1025, %get3A_1022, %select_n3A_1020 : vector<16xi1>, vector<16xf32>
    %get3A_1028 = arith.constant 192 : index
    %get3A_1029 = tpu.vector_load %arg45[%get3A_1028] {strides = array<i32>} : memref<1024xf32, #tpu.memory_space<vmem>>, vector<16xf32>,
    %get3A_1030 = arith.constant 192 : index
    %get3A_1031 = tpu.vector_load %arg46[%get3A_1030] {strides = array<i32>} : memref<1024xi32, #tpu.memory_space<vmem>>, vector<16xi32>,
    %gt3A_1032 = arith.cmpf ogt, %get3A_1029, %select_n3A_1027 : vector<16xf32>
    %select_n3A_1033 = arith.select %gt3A_1032, %get3A_1031, %select_n3A_1026 : vector<16xi1>, vector<16xi32>
    %select_n3A_1034 = arith.select %gt3A_1032, %get3A_1029, %select_n3A_1027 : vector<16xi1>, vector<16xf32>
    %get3A_1035 = arith.constant 256 : index
    %get3A_1036 = tpu.vector_load %arg45[%get3A_1035] {strides = array<i32>} : memref<1024xf32, #tpu.memory_space<vmem>>, vector<16xf32>,
    %get3A_1037 = arith.constant 256 : index
    %get3A_1038 = tpu.vector_load %arg46[%get3A_1037] {strides = array<i32>} : memref<1024xi32, #tpu.memory_space<vmem>>, vector<16xi32>,
    %gt3A_1039 = arith.cmpf ogt, %get3A_1036, %select_n3A_1034 : vector<16xf32>
    %select_n3A_1040 = arith.select %gt3A_1039, %get3A_1038, %select_n3A_1033 : vector<16xi1>, vector<16xi32>
    %select_n3A_1041 = arith.select %gt3A_1039, %get3A_1036, %select_n3A_1034 : vector<16xi1>, vector<16xf32>
    %get3A_1042 = arith.constant 320 : index
    %get3A_1043 = tpu.vector_load %arg45[%get3A_1042] {strides = array<i32>} : memref<1024xf32, #tpu.memory_space<vmem>>, vector<16xf32>,
    %get3A_1044 = arith.constant 320 : index
    %get3A_1045 = tpu.vector_load %arg46[%get3A_1044] {strides = array<i32>} : memref<1024xi32, #tpu.memory_space<vmem>>, vector<16xi32>,
    %gt3A_1046 = arith.cmpf ogt, %get3A_1043, %select_n3A_1041 : vector<16xf32>
    %select_n3A_1047 = arith.select %gt3A_1046, %get3A_1045, %select_n3A_1040 : vector<16xi1>, vector<16xi32>
    %select_n3A_1048 = arith.select %gt3A_1046, %get3A_1043, %select_n3A_1041 : vector<16xi1>, vector<16xf32>
    %get3A_1049 = arith.constant 384 : index
    %get3A_1050 = tpu.vector_load %arg45[%get3A_1049] {strides = array<i32>} : memref<1024xf32, #tpu.memory_space<vmem>>, vector<16xf32>,
    %get3A_1051 = arith.constant 384 : index
    %get3A_1052 = tpu.vector_load %arg46[%get3A_1051] {strides = array<i32>} : memref<1024xi32, #tpu.memory_space<vmem>>, vector<16xi32>,
    %gt3A_1053 = arith.cmpf ogt, %get3A_1050, %select_n3A_1048 : vector<16xf32>
    %select_n3A_1054 = arith.select %gt3A_1053, %get3A_1052, %select_n3A_1047 : vector<16xi1>, vector<16xi32>
    %select_n3A_1055 = arith.select %gt3A_1053, %get3A_1050, %select_n3A_1048 : vector<16xi1>, vector<16xf32>
    %get3A_1056 = arith.constant 448 : index
    %get3A_1057 = tpu.vector_load %arg45[%get3A_1056] {strides = array<i32>} : memref<1024xf32, #tpu.memory_space<vmem>>, vector<16xf32>,
    %get3A_1058 = arith.constant 448 : index
    %get3A_1059 = tpu.vector_load %arg46[%get3A_1058] {strides = array<i32>} : memref<1024xi32, #tpu.memory_space<vmem>>, vector<16xi32>,
    %gt3A_1060 = arith.cmpf ogt, %get3A_1057, %select_n3A_1055 : vector<16xf32>
    %select_n3A_1061 = arith.select %gt3A_1060, %get3A_1059, %select_n3A_1054 : vector<16xi1>, vector<16xi32>
    %select_n3A_1062 = arith.select %gt3A_1060, %get3A_1057, %select_n3A_1055 : vector<16xi1>, vector<16xf32>
    %get3A_1063 = arith.constant 512 : index
    %get3A_1064 = tpu.vector_load %arg45[%get3A_1063] {strides = array<i32>} : memref<1024xf32, #tpu.memory_space<vmem>>, vector<16xf32>,
    %get3A_1065 = arith.constant 512 : index
    %get3A_1066 = tpu.vector_load %arg46[%get3A_1065] {strides = array<i32>} : memref<1024xi32, #tpu.memory_space<vmem>>, vector<16xi32>,
    %gt3A_1067 = arith.cmpf ogt, %get3A_1064, %select_n3A_1062 : vector<16xf32>
    %select_n3A_1068 = arith.select %gt3A_1067, %get3A_1066, %select_n3A_1061 : vector<16xi1>, vector<16xi32>
    %select_n3A_1069 = arith.select %gt3A_1067, %get3A_1064, %select_n3A_1062 : vector<16xi1>, vector<16xf32>
    %get3A_1070 = arith.constant 576 : index
    %get3A_1071 = tpu.vector_load %arg45[%get3A_1070] {strides = array<i32>} : memref<1024xf32, #tpu.memory_space<vmem>>, vector<16xf32>,
    %get3A_1072 = arith.constant 576 : index
    %get3A_1073 = tpu.vector_load %arg46[%get3A_1072] {strides = array<i32>} : memref<1024xi32, #tpu.memory_space<vmem>>, vector<16xi32>,
    %gt3A_1074 = arith.cmpf ogt, %get3A_1071, %select_n3A_1069 : vector<16xf32>
    %select_n3A_1075 = arith.select %gt3A_1074, %get3A_1073, %select_n3A_1068 : vector<16xi1>, vector<16xi32>
    %select_n3A_1076 = arith.select %gt3A_1074, %get3A_1071, %select_n3A_1069 : vector<16xi1>, vector<16xf32>
    %get3A_1077 = arith.constant 640 : index
    %get3A_1078 = tpu.vector_load %arg45[%get3A_1077] {strides = array<i32>} : memref<1024xf32, #tpu.memory_space<vmem>>, vector<16xf32>,
    %get3A_1079 = arith.constant 640 : index
    %get3A_1080 = tpu.vector_load %arg46[%get3A_1079] {strides = array<i32>} : memref<1024xi32, #tpu.memory_space<vmem>>, vector<16xi32>,
    %gt3A_1081 = arith.cmpf ogt, %get3A_1078, %select_n3A_1076 : vector<16xf32>
    %select_n3A_1082 = arith.select %gt3A_1081, %get3A_1080, %select_n3A_1075 : vector<16xi1>, vector<16xi32>
    %select_n3A_1083 = arith.select %gt3A_1081, %get3A_1078, %select_n3A_1076 : vector<16xi1>, vector<16xf32>
    %get3A_1084 = arith.constant 704 : index
    %get3A_1085 = tpu.vector_load %arg45[%get3A_1084] {strides = array<i32>} : memref<1024xf32, #tpu.memory_space<vmem>>, vector<16xf32>,
    %get3A_1086 = arith.constant 704 : index
    %get3A_1087 = tpu.vector_load %arg46[%get3A_1086] {strides = array<i32>} : memref<1024xi32, #tpu.memory_space<vmem>>, vector<16xi32>,
    %gt3A_1088 = arith.cmpf ogt, %get3A_1085, %select_n3A_1083 : vector<16xf32>
    %select_n3A_1089 = arith.select %gt3A_1088, %get3A_1087, %select_n3A_1082 : vector<16xi1>, vector<16xi32>
    %select_n3A_1090 = arith.select %gt3A_1088, %get3A_1085, %select_n3A_1083 : vector<16xi1>, vector<16xf32>
    %get3A_1091 = arith.constant 768 : index
    %get3A_1092 = tpu.vector_load %arg45[%get3A_1091] {strides = array<i32>} : memref<1024xf32, #tpu.memory_space<vmem>>, vector<16xf32>,
    %get3A_1093 = arith.constant 768 : index
    %get3A_1094 = tpu.vector_load %arg46[%get3A_1093] {strides = array<i32>} : memref<1024xi32, #tpu.memory_space<vmem>>, vector<16xi32>,
    %gt3A_1095 = arith.cmpf ogt, %get3A_1092, %select_n3A_1090 : vector<16xf32>
    %select_n3A_1096 = arith.select %gt3A_1095, %get3A_1094, %select_n3A_1089 : vector<16xi1>, vector<16xi32>
    %select_n3A_1097 = arith.select %gt3A_1095, %get3A_1092, %select_n3A_1090 : vector<16xi1>, vector<16xf32>
    %get3A_1098 = arith.constant 832 : index
    %get3A_1099 = tpu.vector_load %arg45[%get3A_1098] {strides = array<i32>} : memref<1024xf32, #tpu.memory_space<vmem>>, vector<16xf32>,
    %get3A_1100 = arith.constant 832 : index
    %get3A_1101 = tpu.vector_load %arg46[%get3A_1100] {strides = array<i32>} : memref<1024xi32, #tpu.memory_space<vmem>>, vector<16xi32>,
    %gt3A_1102 = arith.cmpf ogt, %get3A_1099, %select_n3A_1097 : vector<16xf32>
    %select_n3A_1103 = arith.select %gt3A_1102, %get3A_1101, %select_n3A_1096 : vector<16xi1>, vector<16xi32>
    %select_n3A_1104 = arith.select %gt3A_1102, %get3A_1099, %select_n3A_1097 : vector<16xi1>, vector<16xf32>
    %get3A_1105 = arith.constant 896 : index
    %get3A_1106 = tpu.vector_load %arg45[%get3A_1105] {strides = array<i32>} : memref<1024xf32, #tpu.memory_space<vmem>>, vector<16xf32>,
    %get3A_1107 = arith.constant 896 : index
    %get3A_1108 = tpu.vector_load %arg46[%get3A_1107] {strides = array<i32>} : memref<1024xi32, #tpu.memory_space<vmem>>, vector<16xi32>,
    %gt3A_1109 = arith.cmpf ogt, %get3A_1106, %select_n3A_1104 : vector<16xf32>
    %select_n3A_1110 = arith.select %gt3A_1109, %get3A_1108, %select_n3A_1103 : vector<16xi1>, vector<16xi32>
    %select_n3A_1111 = arith.select %gt3A_1109, %get3A_1106, %select_n3A_1104 : vector<16xi1>, vector<16xf32>
    %get3A_1112 = arith.constant 960 : index
    %get3A_1113 = tpu.vector_load %arg45[%get3A_1112] {strides = array<i32>} : memref<1024xf32, #tpu.memory_space<vmem>>, vector<16xf32>,
    %get3A_1114 = arith.constant 960 : index
    %get3A_1115 = tpu.vector_load %arg46[%get3A_1114] {strides = array<i32>} : memref<1024xi32, #tpu.memory_space<vmem>>, vector<16xi32>,
    %gt3A_1116 = arith.cmpf ogt, %get3A_1113, %select_n3A_1111 : vector<16xf32>
    %select_n3A_1117 = arith.select %gt3A_1116, %get3A_1115, %select_n3A_1110 : vector<16xi1>, vector<16xi32>
    %select_n3A_1118 = arith.select %gt3A_1116, %get3A_1113, %select_n3A_1111 : vector<16xi1>, vector<16xf32>
    %get3A_1119 = arith.constant 0 : index
    %get3A_1120 = tpu.vector_load %arg37[%get3A_1119] {strides = array<i32>} : memref<64xf32, #tpu.memory_space<vmem>>, vector<16xf32>,
    %gt3A_1121 = arith.constant 5.000000e-01 : f32
    %gt3A_1122 = vector.broadcast %gt3A_1121 : f32 to vector<16xf32>
    %gt3A_1123 = arith.cmpf ogt, %get3A_1120, %gt3A_1122 : vector<16xf32>
    %lt3A_1124 = arith.constant 5.000000e-01 : f32
    %lt3A_1125 = vector.broadcast %lt3A_1124 : f32 to vector<16xf32>
    %lt3A_1126 = arith.cmpf olt, %select_n3A_1118, %lt3A_1125 : vector<16xf32>
    %and3A_1127 = arith.andi %lt3A_1126, %gt3A_1123 : vector<16xi1>
    %sub3A_1128 = vector.broadcast %mul3A_1 : i32 to vector<16xi32>
    %sub3A_1129 = arith.subi %select_n3A_1117, %sub3A_1128 : vector<16xi32>
    %ge3A = arith.constant 0 : i32
    %ge3A_1130 = vector.broadcast %ge3A : i32 to vector<16xi32>
    %ge3A_1131 = arith.cmpi sge, %sub3A_1129, %ge3A_1130 : vector<16xi32>
    %and3A_1132 = arith.andi %and3A_1127, %ge3A_1131 : vector<16xi1>
    %lt3A_1133 = arith.constant 1280 : i32
    %lt3A_1134 = vector.broadcast %lt3A_1133 : i32 to vector<16xi32>
    %lt3A_1135 = arith.cmpi slt, %sub3A_1129, %lt3A_1134 : vector<16xi32>
    %and3A_1136 = arith.andi %and3A_1132, %lt3A_1135 : vector<16xi1>
    %jit3A = arith.constant 0 : i32
    %jit3A_1137 = arith.constant 1279 : i32
    %max3A_1138 = vector.broadcast %jit3A : i32 to vector<16xi32>
    %max3A_1139 = arith.maxsi %max3A_1138, %sub3A_1129 : vector<16xi32>
    %min3A = vector.broadcast %jit3A_1137 : i32 to vector<16xi32>
    %min3A_1140 = arith.minsi %min3A, %max3A_1139 : vector<16xi32>
    tpu.vector_store_idx %arg26[%min3A_1140], %broadcast_in_dim3A_1009 masked %and3A_1136 : memref<1280xf32, #tpu.memory_space<vmem>>[vector<16xi32>], vector<16xf32>, vector<16xi1>
    %get3A_1141 = arith.constant 16 : index
    %get3A_1142 = tpu.vector_load %arg45[%get3A_1141] {strides = array<i32>} : memref<1024xf32, #tpu.memory_space<vmem>>, vector<16xf32>,
    %get3A_1143 = arith.constant 16 : index
    %get3A_1144 = tpu.vector_load %arg46[%get3A_1143] {strides = array<i32>} : memref<1024xi32, #tpu.memory_space<vmem>>, vector<16xi32>,
    %get3A_1145 = arith.constant 80 : index
    %get3A_1146 = tpu.vector_load %arg45[%get3A_1145] {strides = array<i32>} : memref<1024xf32, #tpu.memory_space<vmem>>, vector<16xf32>,
    %get3A_1147 = arith.constant 80 : index
    %get3A_1148 = tpu.vector_load %arg46[%get3A_1147] {strides = array<i32>} : memref<1024xi32, #tpu.memory_space<vmem>>, vector<16xi32>,
    %gt3A_1149 = arith.cmpf ogt, %get3A_1146, %get3A_1142 : vector<16xf32>
    %select_n3A_1150 = arith.select %gt3A_1149, %get3A_1148, %get3A_1144 : vector<16xi1>, vector<16xi32>
    %select_n3A_1151 = arith.select %gt3A_1149, %get3A_1146, %get3A_1142 : vector<16xi1>, vector<16xf32>
    %get3A_1152 = arith.constant 144 : index
    %get3A_1153 = tpu.vector_load %arg45[%get3A_1152] {strides = array<i32>} : memref<1024xf32, #tpu.memory_space<vmem>>, vector<16xf32>,
    %get3A_1154 = arith.constant 144 : index
    %get3A_1155 = tpu.vector_load %arg46[%get3A_1154] {strides = array<i32>} : memref<1024xi32, #tpu.memory_space<vmem>>, vector<16xi32>,
    %gt3A_1156 = arith.cmpf ogt, %get3A_1153, %select_n3A_1151 : vector<16xf32>
    %select_n3A_1157 = arith.select %gt3A_1156, %get3A_1155, %select_n3A_1150 : vector<16xi1>, vector<16xi32>
    %select_n3A_1158 = arith.select %gt3A_1156, %get3A_1153, %select_n3A_1151 : vector<16xi1>, vector<16xf32>
    %get3A_1159 = arith.constant 208 : index
    %get3A_1160 = tpu.vector_load %arg45[%get3A_1159] {strides = array<i32>} : memref<1024xf32, #tpu.memory_space<vmem>>, vector<16xf32>,
    %get3A_1161 = arith.constant 208 : index
    %get3A_1162 = tpu.vector_load %arg46[%get3A_1161] {strides = array<i32>} : memref<1024xi32, #tpu.memory_space<vmem>>, vector<16xi32>,
    %gt3A_1163 = arith.cmpf ogt, %get3A_1160, %select_n3A_1158 : vector<16xf32>
    %select_n3A_1164 = arith.select %gt3A_1163, %get3A_1162, %select_n3A_1157 : vector<16xi1>, vector<16xi32>
    %select_n3A_1165 = arith.select %gt3A_1163, %get3A_1160, %select_n3A_1158 : vector<16xi1>, vector<16xf32>
    %get3A_1166 = arith.constant 272 : index
    %get3A_1167 = tpu.vector_load %arg45[%get3A_1166] {strides = array<i32>} : memref<1024xf32, #tpu.memory_space<vmem>>, vector<16xf32>,
    %get3A_1168 = arith.constant 272 : index
    %get3A_1169 = tpu.vector_load %arg46[%get3A_1168] {strides = array<i32>} : memref<1024xi32, #tpu.memory_space<vmem>>, vector<16xi32>,
    %gt3A_1170 = arith.cmpf ogt, %get3A_1167, %select_n3A_1165 : vector<16xf32>
    %select_n3A_1171 = arith.select %gt3A_1170, %get3A_1169, %select_n3A_1164 : vector<16xi1>, vector<16xi32>
    %select_n3A_1172 = arith.select %gt3A_1170, %get3A_1167, %select_n3A_1165 : vector<16xi1>, vector<16xf32>
    %get3A_1173 = arith.constant 336 : index
    %get3A_1174 = tpu.vector_load %arg45[%get3A_1173] {strides = array<i32>} : memref<1024xf32, #tpu.memory_space<vmem>>, vector<16xf32>,
    %get3A_1175 = arith.constant 336 : index
    %get3A_1176 = tpu.vector_load %arg46[%get3A_1175] {strides = array<i32>} : memref<1024xi32, #tpu.memory_space<vmem>>, vector<16xi32>,
    %gt3A_1177 = arith.cmpf ogt, %get3A_1174, %select_n3A_1172 : vector<16xf32>
    %select_n3A_1178 = arith.select %gt3A_1177, %get3A_1176, %select_n3A_1171 : vector<16xi1>, vector<16xi32>
    %select_n3A_1179 = arith.select %gt3A_1177, %get3A_1174, %select_n3A_1172 : vector<16xi1>, vector<16xf32>
    %get3A_1180 = arith.constant 400 : index
    %get3A_1181 = tpu.vector_load %arg45[%get3A_1180] {strides = array<i32>} : memref<1024xf32, #tpu.memory_space<vmem>>, vector<16xf32>,
    %get3A_1182 = arith.constant 400 : index
    %get3A_1183 = tpu.vector_load %arg46[%get3A_1182] {strides = array<i32>} : memref<1024xi32, #tpu.memory_space<vmem>>, vector<16xi32>,
    %gt3A_1184 = arith.cmpf ogt, %get3A_1181, %select_n3A_1179 : vector<16xf32>
    %select_n3A_1185 = arith.select %gt3A_1184, %get3A_1183, %select_n3A_1178 : vector<16xi1>, vector<16xi32>
    %select_n3A_1186 = arith.select %gt3A_1184, %get3A_1181, %select_n3A_1179 : vector<16xi1>, vector<16xf32>
    %get3A_1187 = arith.constant 464 : index
    %get3A_1188 = tpu.vector_load %arg45[%get3A_1187] {strides = array<i32>} : memref<1024xf32, #tpu.memory_space<vmem>>, vector<16xf32>,
    %get3A_1189 = arith.constant 464 : index
    %get3A_1190 = tpu.vector_load %arg46[%get3A_1189] {strides = array<i32>} : memref<1024xi32, #tpu.memory_space<vmem>>, vector<16xi32>,
    %gt3A_1191 = arith.cmpf ogt, %get3A_1188, %select_n3A_1186 : vector<16xf32>
    %select_n3A_1192 = arith.select %gt3A_1191, %get3A_1190, %select_n3A_1185 : vector<16xi1>, vector<16xi32>
    %select_n3A_1193 = arith.select %gt3A_1191, %get3A_1188, %select_n3A_1186 : vector<16xi1>, vector<16xf32>
    %get3A_1194 = arith.constant 528 : index
    %get3A_1195 = tpu.vector_load %arg45[%get3A_1194] {strides = array<i32>} : memref<1024xf32, #tpu.memory_space<vmem>>, vector<16xf32>,
    %get3A_1196 = arith.constant 528 : index
    %get3A_1197 = tpu.vector_load %arg46[%get3A_1196] {strides = array<i32>} : memref<1024xi32, #tpu.memory_space<vmem>>, vector<16xi32>,
    %gt3A_1198 = arith.cmpf ogt, %get3A_1195, %select_n3A_1193 : vector<16xf32>
    %select_n3A_1199 = arith.select %gt3A_1198, %get3A_1197, %select_n3A_1192 : vector<16xi1>, vector<16xi32>
    %select_n3A_1200 = arith.select %gt3A_1198, %get3A_1195, %select_n3A_1193 : vector<16xi1>, vector<16xf32>
    %get3A_1201 = arith.constant 592 : index
    %get3A_1202 = tpu.vector_load %arg45[%get3A_1201] {strides = array<i32>} : memref<1024xf32, #tpu.memory_space<vmem>>, vector<16xf32>,
    %get3A_1203 = arith.constant 592 : index
    %get3A_1204 = tpu.vector_load %arg46[%get3A_1203] {strides = array<i32>} : memref<1024xi32, #tpu.memory_space<vmem>>, vector<16xi32>,
    %gt3A_1205 = arith.cmpf ogt, %get3A_1202, %select_n3A_1200 : vector<16xf32>
    %select_n3A_1206 = arith.select %gt3A_1205, %get3A_1204, %select_n3A_1199 : vector<16xi1>, vector<16xi32>
    %select_n3A_1207 = arith.select %gt3A_1205, %get3A_1202, %select_n3A_1200 : vector<16xi1>, vector<16xf32>
    %get3A_1208 = arith.constant 656 : index
    %get3A_1209 = tpu.vector_load %arg45[%get3A_1208] {strides = array<i32>} : memref<1024xf32, #tpu.memory_space<vmem>>, vector<16xf32>,
    %get3A_1210 = arith.constant 656 : index
    %get3A_1211 = tpu.vector_load %arg46[%get3A_1210] {strides = array<i32>} : memref<1024xi32, #tpu.memory_space<vmem>>, vector<16xi32>,
    %gt3A_1212 = arith.cmpf ogt, %get3A_1209, %select_n3A_1207 : vector<16xf32>
    %select_n3A_1213 = arith.select %gt3A_1212, %get3A_1211, %select_n3A_1206 : vector<16xi1>, vector<16xi32>
    %select_n3A_1214 = arith.select %gt3A_1212, %get3A_1209, %select_n3A_1207 : vector<16xi1>, vector<16xf32>
    %get3A_1215 = arith.constant 720 : index
    %get3A_1216 = tpu.vector_load %arg45[%get3A_1215] {strides = array<i32>} : memref<1024xf32, #tpu.memory_space<vmem>>, vector<16xf32>,
    %get3A_1217 = arith.constant 720 : index
    %get3A_1218 = tpu.vector_load %arg46[%get3A_1217] {strides = array<i32>} : memref<1024xi32, #tpu.memory_space<vmem>>, vector<16xi32>,
    %gt3A_1219 = arith.cmpf ogt, %get3A_1216, %select_n3A_1214 : vector<16xf32>
    %select_n3A_1220 = arith.select %gt3A_1219, %get3A_1218, %select_n3A_1213 : vector<16xi1>, vector<16xi32>
    %select_n3A_1221 = arith.select %gt3A_1219, %get3A_1216, %select_n3A_1214 : vector<16xi1>, vector<16xf32>
    %get3A_1222 = arith.constant 784 : index
    %get3A_1223 = tpu.vector_load %arg45[%get3A_1222] {strides = array<i32>} : memref<1024xf32, #tpu.memory_space<vmem>>, vector<16xf32>,
    %get3A_1224 = arith.constant 784 : index
    %get3A_1225 = tpu.vector_load %arg46[%get3A_1224] {strides = array<i32>} : memref<1024xi32, #tpu.memory_space<vmem>>, vector<16xi32>,
    %gt3A_1226 = arith.cmpf ogt, %get3A_1223, %select_n3A_1221 : vector<16xf32>
    %select_n3A_1227 = arith.select %gt3A_1226, %get3A_1225, %select_n3A_1220 : vector<16xi1>, vector<16xi32>
    %select_n3A_1228 = arith.select %gt3A_1226, %get3A_1223, %select_n3A_1221 : vector<16xi1>, vector<16xf32>
    %get3A_1229 = arith.constant 848 : index
    %get3A_1230 = tpu.vector_load %arg45[%get3A_1229] {strides = array<i32>} : memref<1024xf32, #tpu.memory_space<vmem>>, vector<16xf32>,
    %get3A_1231 = arith.constant 848 : index
    %get3A_1232 = tpu.vector_load %arg46[%get3A_1231] {strides = array<i32>} : memref<1024xi32, #tpu.memory_space<vmem>>, vector<16xi32>,
    %gt3A_1233 = arith.cmpf ogt, %get3A_1230, %select_n3A_1228 : vector<16xf32>
    %select_n3A_1234 = arith.select %gt3A_1233, %get3A_1232, %select_n3A_1227 : vector<16xi1>, vector<16xi32>
    %select_n3A_1235 = arith.select %gt3A_1233, %get3A_1230, %select_n3A_1228 : vector<16xi1>, vector<16xf32>
    %get3A_1236 = arith.constant 912 : index
    %get3A_1237 = tpu.vector_load %arg45[%get3A_1236] {strides = array<i32>} : memref<1024xf32, #tpu.memory_space<vmem>>, vector<16xf32>,
    %get3A_1238 = arith.constant 912 : index
    %get3A_1239 = tpu.vector_load %arg46[%get3A_1238] {strides = array<i32>} : memref<1024xi32, #tpu.memory_space<vmem>>, vector<16xi32>,
    %gt3A_1240 = arith.cmpf ogt, %get3A_1237, %select_n3A_1235 : vector<16xf32>
    %select_n3A_1241 = arith.select %gt3A_1240, %get3A_1239, %select_n3A_1234 : vector<16xi1>, vector<16xi32>
    %select_n3A_1242 = arith.select %gt3A_1240, %get3A_1237, %select_n3A_1235 : vector<16xi1>, vector<16xf32>
    %get3A_1243 = arith.constant 976 : index
    %get3A_1244 = tpu.vector_load %arg45[%get3A_1243] {strides = array<i32>} : memref<1024xf32, #tpu.memory_space<vmem>>, vector<16xf32>,
    %get3A_1245 = arith.constant 976 : index
    %get3A_1246 = tpu.vector_load %arg46[%get3A_1245] {strides = array<i32>} : memref<1024xi32, #tpu.memory_space<vmem>>, vector<16xi32>,
    %gt3A_1247 = arith.cmpf ogt, %get3A_1244, %select_n3A_1242 : vector<16xf32>
    %select_n3A_1248 = arith.select %gt3A_1247, %get3A_1246, %select_n3A_1241 : vector<16xi1>, vector<16xi32>
    %select_n3A_1249 = arith.select %gt3A_1247, %get3A_1244, %select_n3A_1242 : vector<16xi1>, vector<16xf32>
    %get3A_1250 = arith.constant 16 : index
    %get3A_1251 = tpu.vector_load %arg37[%get3A_1250] {strides = array<i32>} : memref<64xf32, #tpu.memory_space<vmem>>, vector<16xf32>,
    %gt3A_1252 = arith.constant 5.000000e-01 : f32
    %gt3A_1253 = vector.broadcast %gt3A_1252 : f32 to vector<16xf32>
    %gt3A_1254 = arith.cmpf ogt, %get3A_1251, %gt3A_1253 : vector<16xf32>
    %lt3A_1255 = arith.constant 5.000000e-01 : f32
    %lt3A_1256 = vector.broadcast %lt3A_1255 : f32 to vector<16xf32>
    %lt3A_1257 = arith.cmpf olt, %select_n3A_1249, %lt3A_1256 : vector<16xf32>
    %and3A_1258 = arith.andi %lt3A_1257, %gt3A_1254 : vector<16xi1>
    %sub3A_1259 = vector.broadcast %mul3A_1 : i32 to vector<16xi32>
    %sub3A_1260 = arith.subi %select_n3A_1248, %sub3A_1259 : vector<16xi32>
    %ge3A_1261 = arith.constant 0 : i32
    %ge3A_1262 = vector.broadcast %ge3A_1261 : i32 to vector<16xi32>
    %ge3A_1263 = arith.cmpi sge, %sub3A_1260, %ge3A_1262 : vector<16xi32>
    %and3A_1264 = arith.andi %and3A_1258, %ge3A_1263 : vector<16xi1>
    %lt3A_1265 = arith.constant 1280 : i32
    %lt3A_1266 = vector.broadcast %lt3A_1265 : i32 to vector<16xi32>
    %lt3A_1267 = arith.cmpi slt, %sub3A_1260, %lt3A_1266 : vector<16xi32>
    %and3A_1268 = arith.andi %and3A_1264, %lt3A_1267 : vector<16xi1>
    %jit3A_1269 = arith.constant 0 : i32
    %jit3A_1270 = arith.constant 1279 : i32
    %max3A_1271 = vector.broadcast %jit3A_1269 : i32 to vector<16xi32>
    %max3A_1272 = arith.maxsi %max3A_1271, %sub3A_1260 : vector<16xi32>
    %min3A_1273 = vector.broadcast %jit3A_1270 : i32 to vector<16xi32>
    %min3A_1274 = arith.minsi %min3A_1273, %max3A_1272 : vector<16xi32>
    tpu.vector_store_idx %arg26[%min3A_1274], %broadcast_in_dim3A_1009 masked %and3A_1268 : memref<1280xf32, #tpu.memory_space<vmem>>[vector<16xi32>], vector<16xf32>, vector<16xi1>
    %get3A_1275 = arith.constant 32 : index
    %get3A_1276 = tpu.vector_load %arg45[%get3A_1275] {strides = array<i32>} : memref<1024xf32, #tpu.memory_space<vmem>>, vector<16xf32>,
    %get3A_1277 = arith.constant 32 : index
    %get3A_1278 = tpu.vector_load %arg46[%get3A_1277] {strides = array<i32>} : memref<1024xi32, #tpu.memory_space<vmem>>, vector<16xi32>,
    %get3A_1279 = arith.constant 96 : index
    %get3A_1280 = tpu.vector_load %arg45[%get3A_1279] {strides = array<i32>} : memref<1024xf32, #tpu.memory_space<vmem>>, vector<16xf32>,
    %get3A_1281 = arith.constant 96 : index
    %get3A_1282 = tpu.vector_load %arg46[%get3A_1281] {strides = array<i32>} : memref<1024xi32, #tpu.memory_space<vmem>>, vector<16xi32>,
    %gt3A_1283 = arith.cmpf ogt, %get3A_1280, %get3A_1276 : vector<16xf32>
    %select_n3A_1284 = arith.select %gt3A_1283, %get3A_1282, %get3A_1278 : vector<16xi1>, vector<16xi32>
    %select_n3A_1285 = arith.select %gt3A_1283, %get3A_1280, %get3A_1276 : vector<16xi1>, vector<16xf32>
    %get3A_1286 = arith.constant 160 : index
    %get3A_1287 = tpu.vector_load %arg45[%get3A_1286] {strides = array<i32>} : memref<1024xf32, #tpu.memory_space<vmem>>, vector<16xf32>,
    %get3A_1288 = arith.constant 160 : index
    %get3A_1289 = tpu.vector_load %arg46[%get3A_1288] {strides = array<i32>} : memref<1024xi32, #tpu.memory_space<vmem>>, vector<16xi32>,
    %gt3A_1290 = arith.cmpf ogt, %get3A_1287, %select_n3A_1285 : vector<16xf32>
    %select_n3A_1291 = arith.select %gt3A_1290, %get3A_1289, %select_n3A_1284 : vector<16xi1>, vector<16xi32>
    %select_n3A_1292 = arith.select %gt3A_1290, %get3A_1287, %select_n3A_1285 : vector<16xi1>, vector<16xf32>
    %get3A_1293 = arith.constant 224 : index
    %get3A_1294 = tpu.vector_load %arg45[%get3A_1293] {strides = array<i32>} : memref<1024xf32, #tpu.memory_space<vmem>>, vector<16xf32>,
    %get3A_1295 = arith.constant 224 : index
    %get3A_1296 = tpu.vector_load %arg46[%get3A_1295] {strides = array<i32>} : memref<1024xi32, #tpu.memory_space<vmem>>, vector<16xi32>,
    %gt3A_1297 = arith.cmpf ogt, %get3A_1294, %select_n3A_1292 : vector<16xf32>
    %select_n3A_1298 = arith.select %gt3A_1297, %get3A_1296, %select_n3A_1291 : vector<16xi1>, vector<16xi32>
    %select_n3A_1299 = arith.select %gt3A_1297, %get3A_1294, %select_n3A_1292 : vector<16xi1>, vector<16xf32>
    %get3A_1300 = arith.constant 288 : index
    %get3A_1301 = tpu.vector_load %arg45[%get3A_1300] {strides = array<i32>} : memref<1024xf32, #tpu.memory_space<vmem>>, vector<16xf32>,
    %get3A_1302 = arith.constant 288 : index
    %get3A_1303 = tpu.vector_load %arg46[%get3A_1302] {strides = array<i32>} : memref<1024xi32, #tpu.memory_space<vmem>>, vector<16xi32>,
    %gt3A_1304 = arith.cmpf ogt, %get3A_1301, %select_n3A_1299 : vector<16xf32>
    %select_n3A_1305 = arith.select %gt3A_1304, %get3A_1303, %select_n3A_1298 : vector<16xi1>, vector<16xi32>
    %select_n3A_1306 = arith.select %gt3A_1304, %get3A_1301, %select_n3A_1299 : vector<16xi1>, vector<16xf32>
    %get3A_1307 = arith.constant 352 : index
    %get3A_1308 = tpu.vector_load %arg45[%get3A_1307] {strides = array<i32>} : memref<1024xf32, #tpu.memory_space<vmem>>, vector<16xf32>,
    %get3A_1309 = arith.constant 352 : index
    %get3A_1310 = tpu.vector_load %arg46[%get3A_1309] {strides = array<i32>} : memref<1024xi32, #tpu.memory_space<vmem>>, vector<16xi32>,
    %gt3A_1311 = arith.cmpf ogt, %get3A_1308, %select_n3A_1306 : vector<16xf32>
    %select_n3A_1312 = arith.select %gt3A_1311, %get3A_1310, %select_n3A_1305 : vector<16xi1>, vector<16xi32>
    %select_n3A_1313 = arith.select %gt3A_1311, %get3A_1308, %select_n3A_1306 : vector<16xi1>, vector<16xf32>
    %get3A_1314 = arith.constant 416 : index
    %get3A_1315 = tpu.vector_load %arg45[%get3A_1314] {strides = array<i32>} : memref<1024xf32, #tpu.memory_space<vmem>>, vector<16xf32>,
    %get3A_1316 = arith.constant 416 : index
    %get3A_1317 = tpu.vector_load %arg46[%get3A_1316] {strides = array<i32>} : memref<1024xi32, #tpu.memory_space<vmem>>, vector<16xi32>,
    %gt3A_1318 = arith.cmpf ogt, %get3A_1315, %select_n3A_1313 : vector<16xf32>
    %select_n3A_1319 = arith.select %gt3A_1318, %get3A_1317, %select_n3A_1312 : vector<16xi1>, vector<16xi32>
    %select_n3A_1320 = arith.select %gt3A_1318, %get3A_1315, %select_n3A_1313 : vector<16xi1>, vector<16xf32>
    %get3A_1321 = arith.constant 480 : index
    %get3A_1322 = tpu.vector_load %arg45[%get3A_1321] {strides = array<i32>} : memref<1024xf32, #tpu.memory_space<vmem>>, vector<16xf32>,
    %get3A_1323 = arith.constant 480 : index
    %get3A_1324 = tpu.vector_load %arg46[%get3A_1323] {strides = array<i32>} : memref<1024xi32, #tpu.memory_space<vmem>>, vector<16xi32>,
    %gt3A_1325 = arith.cmpf ogt, %get3A_1322, %select_n3A_1320 : vector<16xf32>
    %select_n3A_1326 = arith.select %gt3A_1325, %get3A_1324, %select_n3A_1319 : vector<16xi1>, vector<16xi32>
    %select_n3A_1327 = arith.select %gt3A_1325, %get3A_1322, %select_n3A_1320 : vector<16xi1>, vector<16xf32>
    %get3A_1328 = arith.constant 544 : index
    %get3A_1329 = tpu.vector_load %arg45[%get3A_1328] {strides = array<i32>} : memref<1024xf32, #tpu.memory_space<vmem>>, vector<16xf32>,
    %get3A_1330 = arith.constant 544 : index
    %get3A_1331 = tpu.vector_load %arg46[%get3A_1330] {strides = array<i32>} : memref<1024xi32, #tpu.memory_space<vmem>>, vector<16xi32>,
    %gt3A_1332 = arith.cmpf ogt, %get3A_1329, %select_n3A_1327 : vector<16xf32>
    %select_n3A_1333 = arith.select %gt3A_1332, %get3A_1331, %select_n3A_1326 : vector<16xi1>, vector<16xi32>
    %select_n3A_1334 = arith.select %gt3A_1332, %get3A_1329, %select_n3A_1327 : vector<16xi1>, vector<16xf32>
    %get3A_1335 = arith.constant 608 : index
    %get3A_1336 = tpu.vector_load %arg45[%get3A_1335] {strides = array<i32>} : memref<1024xf32, #tpu.memory_space<vmem>>, vector<16xf32>,
    %get3A_1337 = arith.constant 608 : index
    %get3A_1338 = tpu.vector_load %arg46[%get3A_1337] {strides = array<i32>} : memref<1024xi32, #tpu.memory_space<vmem>>, vector<16xi32>,
    %gt3A_1339 = arith.cmpf ogt, %get3A_1336, %select_n3A_1334 : vector<16xf32>
    %select_n3A_1340 = arith.select %gt3A_1339, %get3A_1338, %select_n3A_1333 : vector<16xi1>, vector<16xi32>
    %select_n3A_1341 = arith.select %gt3A_1339, %get3A_1336, %select_n3A_1334 : vector<16xi1>, vector<16xf32>
    %get3A_1342 = arith.constant 672 : index
    %get3A_1343 = tpu.vector_load %arg45[%get3A_1342] {strides = array<i32>} : memref<1024xf32, #tpu.memory_space<vmem>>, vector<16xf32>,
    %get3A_1344 = arith.constant 672 : index
    %get3A_1345 = tpu.vector_load %arg46[%get3A_1344] {strides = array<i32>} : memref<1024xi32, #tpu.memory_space<vmem>>, vector<16xi32>,
    %gt3A_1346 = arith.cmpf ogt, %get3A_1343, %select_n3A_1341 : vector<16xf32>
    %select_n3A_1347 = arith.select %gt3A_1346, %get3A_1345, %select_n3A_1340 : vector<16xi1>, vector<16xi32>
    %select_n3A_1348 = arith.select %gt3A_1346, %get3A_1343, %select_n3A_1341 : vector<16xi1>, vector<16xf32>
    %get3A_1349 = arith.constant 736 : index
    %get3A_1350 = tpu.vector_load %arg45[%get3A_1349] {strides = array<i32>} : memref<1024xf32, #tpu.memory_space<vmem>>, vector<16xf32>,
    %get3A_1351 = arith.constant 736 : index
    %get3A_1352 = tpu.vector_load %arg46[%get3A_1351] {strides = array<i32>} : memref<1024xi32, #tpu.memory_space<vmem>>, vector<16xi32>,
    %gt3A_1353 = arith.cmpf ogt, %get3A_1350, %select_n3A_1348 : vector<16xf32>
    %select_n3A_1354 = arith.select %gt3A_1353, %get3A_1352, %select_n3A_1347 : vector<16xi1>, vector<16xi32>
    %select_n3A_1355 = arith.select %gt3A_1353, %get3A_1350, %select_n3A_1348 : vector<16xi1>, vector<16xf32>
    %get3A_1356 = arith.constant 800 : index
    %get3A_1357 = tpu.vector_load %arg45[%get3A_1356] {strides = array<i32>} : memref<1024xf32, #tpu.memory_space<vmem>>, vector<16xf32>,
    %get3A_1358 = arith.constant 800 : index
    %get3A_1359 = tpu.vector_load %arg46[%get3A_1358] {strides = array<i32>} : memref<1024xi32, #tpu.memory_space<vmem>>, vector<16xi32>,
    %gt3A_1360 = arith.cmpf ogt, %get3A_1357, %select_n3A_1355 : vector<16xf32>
    %select_n3A_1361 = arith.select %gt3A_1360, %get3A_1359, %select_n3A_1354 : vector<16xi1>, vector<16xi32>
    %select_n3A_1362 = arith.select %gt3A_1360, %get3A_1357, %select_n3A_1355 : vector<16xi1>, vector<16xf32>
    %get3A_1363 = arith.constant 864 : index
    %get3A_1364 = tpu.vector_load %arg45[%get3A_1363] {strides = array<i32>} : memref<1024xf32, #tpu.memory_space<vmem>>, vector<16xf32>,
    %get3A_1365 = arith.constant 864 : index
    %get3A_1366 = tpu.vector_load %arg46[%get3A_1365] {strides = array<i32>} : memref<1024xi32, #tpu.memory_space<vmem>>, vector<16xi32>,
    %gt3A_1367 = arith.cmpf ogt, %get3A_1364, %select_n3A_1362 : vector<16xf32>
    %select_n3A_1368 = arith.select %gt3A_1367, %get3A_1366, %select_n3A_1361 : vector<16xi1>, vector<16xi32>
    %select_n3A_1369 = arith.select %gt3A_1367, %get3A_1364, %select_n3A_1362 : vector<16xi1>, vector<16xf32>
    %get3A_1370 = arith.constant 928 : index
    %get3A_1371 = tpu.vector_load %arg45[%get3A_1370] {strides = array<i32>} : memref<1024xf32, #tpu.memory_space<vmem>>, vector<16xf32>,
    %get3A_1372 = arith.constant 928 : index
    %get3A_1373 = tpu.vector_load %arg46[%get3A_1372] {strides = array<i32>} : memref<1024xi32, #tpu.memory_space<vmem>>, vector<16xi32>,
    %gt3A_1374 = arith.cmpf ogt, %get3A_1371, %select_n3A_1369 : vector<16xf32>
    %select_n3A_1375 = arith.select %gt3A_1374, %get3A_1373, %select_n3A_1368 : vector<16xi1>, vector<16xi32>
    %select_n3A_1376 = arith.select %gt3A_1374, %get3A_1371, %select_n3A_1369 : vector<16xi1>, vector<16xf32>
    %get3A_1377 = arith.constant 992 : index
    %get3A_1378 = tpu.vector_load %arg45[%get3A_1377] {strides = array<i32>} : memref<1024xf32, #tpu.memory_space<vmem>>, vector<16xf32>,
    %get3A_1379 = arith.constant 992 : index
    %get3A_1380 = tpu.vector_load %arg46[%get3A_1379] {strides = array<i32>} : memref<1024xi32, #tpu.memory_space<vmem>>, vector<16xi32>,
    %gt3A_1381 = arith.cmpf ogt, %get3A_1378, %select_n3A_1376 : vector<16xf32>
    %select_n3A_1382 = arith.select %gt3A_1381, %get3A_1380, %select_n3A_1375 : vector<16xi1>, vector<16xi32>
    %select_n3A_1383 = arith.select %gt3A_1381, %get3A_1378, %select_n3A_1376 : vector<16xi1>, vector<16xf32>
    %get3A_1384 = arith.constant 32 : index
    %get3A_1385 = tpu.vector_load %arg37[%get3A_1384] {strides = array<i32>} : memref<64xf32, #tpu.memory_space<vmem>>, vector<16xf32>,
    %gt3A_1386 = arith.constant 5.000000e-01 : f32
    %gt3A_1387 = vector.broadcast %gt3A_1386 : f32 to vector<16xf32>
    %gt3A_1388 = arith.cmpf ogt, %get3A_1385, %gt3A_1387 : vector<16xf32>
    %lt3A_1389 = arith.constant 5.000000e-01 : f32
    %lt3A_1390 = vector.broadcast %lt3A_1389 : f32 to vector<16xf32>
    %lt3A_1391 = arith.cmpf olt, %select_n3A_1383, %lt3A_1390 : vector<16xf32>
    %and3A_1392 = arith.andi %lt3A_1391, %gt3A_1388 : vector<16xi1>
    %sub3A_1393 = vector.broadcast %mul3A_1 : i32 to vector<16xi32>
    %sub3A_1394 = arith.subi %select_n3A_1382, %sub3A_1393 : vector<16xi32>
    %ge3A_1395 = arith.constant 0 : i32
    %ge3A_1396 = vector.broadcast %ge3A_1395 : i32 to vector<16xi32>
    %ge3A_1397 = arith.cmpi sge, %sub3A_1394, %ge3A_1396 : vector<16xi32>
    %and3A_1398 = arith.andi %and3A_1392, %ge3A_1397 : vector<16xi1>
    %lt3A_1399 = arith.constant 1280 : i32
    %lt3A_1400 = vector.broadcast %lt3A_1399 : i32 to vector<16xi32>
    %lt3A_1401 = arith.cmpi slt, %sub3A_1394, %lt3A_1400 : vector<16xi32>
    %and3A_1402 = arith.andi %and3A_1398, %lt3A_1401 : vector<16xi1>
    %jit3A_1403 = arith.constant 0 : i32
    %jit3A_1404 = arith.constant 1279 : i32
    %max3A_1405 = vector.broadcast %jit3A_1403 : i32 to vector<16xi32>
    %max3A_1406 = arith.maxsi %max3A_1405, %sub3A_1394 : vector<16xi32>
    %min3A_1407 = vector.broadcast %jit3A_1404 : i32 to vector<16xi32>
    %min3A_1408 = arith.minsi %min3A_1407, %max3A_1406 : vector<16xi32>
    tpu.vector_store_idx %arg26[%min3A_1408], %broadcast_in_dim3A_1009 masked %and3A_1402 : memref<1280xf32, #tpu.memory_space<vmem>>[vector<16xi32>], vector<16xf32>, vector<16xi1>
    %get3A_1409 = arith.constant 48 : index
    %get3A_1410 = tpu.vector_load %arg45[%get3A_1409] {strides = array<i32>} : memref<1024xf32, #tpu.memory_space<vmem>>, vector<16xf32>,
    %get3A_1411 = arith.constant 48 : index
    %get3A_1412 = tpu.vector_load %arg46[%get3A_1411] {strides = array<i32>} : memref<1024xi32, #tpu.memory_space<vmem>>, vector<16xi32>,
    %get3A_1413 = arith.constant 112 : index
    %get3A_1414 = tpu.vector_load %arg45[%get3A_1413] {strides = array<i32>} : memref<1024xf32, #tpu.memory_space<vmem>>, vector<16xf32>,
    %get3A_1415 = arith.constant 112 : index
    %get3A_1416 = tpu.vector_load %arg46[%get3A_1415] {strides = array<i32>} : memref<1024xi32, #tpu.memory_space<vmem>>, vector<16xi32>,
    %gt3A_1417 = arith.cmpf ogt, %get3A_1414, %get3A_1410 : vector<16xf32>
    %select_n3A_1418 = arith.select %gt3A_1417, %get3A_1416, %get3A_1412 : vector<16xi1>, vector<16xi32>
    %select_n3A_1419 = arith.select %gt3A_1417, %get3A_1414, %get3A_1410 : vector<16xi1>, vector<16xf32>
    %get3A_1420 = arith.constant 176 : index
    %get3A_1421 = tpu.vector_load %arg45[%get3A_1420] {strides = array<i32>} : memref<1024xf32, #tpu.memory_space<vmem>>, vector<16xf32>,
    %get3A_1422 = arith.constant 176 : index
    %get3A_1423 = tpu.vector_load %arg46[%get3A_1422] {strides = array<i32>} : memref<1024xi32, #tpu.memory_space<vmem>>, vector<16xi32>,
    %gt3A_1424 = arith.cmpf ogt, %get3A_1421, %select_n3A_1419 : vector<16xf32>
    %select_n3A_1425 = arith.select %gt3A_1424, %get3A_1423, %select_n3A_1418 : vector<16xi1>, vector<16xi32>
    %select_n3A_1426 = arith.select %gt3A_1424, %get3A_1421, %select_n3A_1419 : vector<16xi1>, vector<16xf32>
    %get3A_1427 = arith.constant 240 : index
    %get3A_1428 = tpu.vector_load %arg45[%get3A_1427] {strides = array<i32>} : memref<1024xf32, #tpu.memory_space<vmem>>, vector<16xf32>,
    %get3A_1429 = arith.constant 240 : index
    %get3A_1430 = tpu.vector_load %arg46[%get3A_1429] {strides = array<i32>} : memref<1024xi32, #tpu.memory_space<vmem>>, vector<16xi32>,
    %gt3A_1431 = arith.cmpf ogt, %get3A_1428, %select_n3A_1426 : vector<16xf32>
    %select_n3A_1432 = arith.select %gt3A_1431, %get3A_1430, %select_n3A_1425 : vector<16xi1>, vector<16xi32>
    %select_n3A_1433 = arith.select %gt3A_1431, %get3A_1428, %select_n3A_1426 : vector<16xi1>, vector<16xf32>
    %get3A_1434 = arith.constant 304 : index
    %get3A_1435 = tpu.vector_load %arg45[%get3A_1434] {strides = array<i32>} : memref<1024xf32, #tpu.memory_space<vmem>>, vector<16xf32>,
    %get3A_1436 = arith.constant 304 : index
    %get3A_1437 = tpu.vector_load %arg46[%get3A_1436] {strides = array<i32>} : memref<1024xi32, #tpu.memory_space<vmem>>, vector<16xi32>,
    %gt3A_1438 = arith.cmpf ogt, %get3A_1435, %select_n3A_1433 : vector<16xf32>
    %select_n3A_1439 = arith.select %gt3A_1438, %get3A_1437, %select_n3A_1432 : vector<16xi1>, vector<16xi32>
    %select_n3A_1440 = arith.select %gt3A_1438, %get3A_1435, %select_n3A_1433 : vector<16xi1>, vector<16xf32>
    %get3A_1441 = arith.constant 368 : index
    %get3A_1442 = tpu.vector_load %arg45[%get3A_1441] {strides = array<i32>} : memref<1024xf32, #tpu.memory_space<vmem>>, vector<16xf32>,
    %get3A_1443 = arith.constant 368 : index
    %get3A_1444 = tpu.vector_load %arg46[%get3A_1443] {strides = array<i32>} : memref<1024xi32, #tpu.memory_space<vmem>>, vector<16xi32>,
    %gt3A_1445 = arith.cmpf ogt, %get3A_1442, %select_n3A_1440 : vector<16xf32>
    %select_n3A_1446 = arith.select %gt3A_1445, %get3A_1444, %select_n3A_1439 : vector<16xi1>, vector<16xi32>
    %select_n3A_1447 = arith.select %gt3A_1445, %get3A_1442, %select_n3A_1440 : vector<16xi1>, vector<16xf32>
    %get3A_1448 = arith.constant 432 : index
    %get3A_1449 = tpu.vector_load %arg45[%get3A_1448] {strides = array<i32>} : memref<1024xf32, #tpu.memory_space<vmem>>, vector<16xf32>,
    %get3A_1450 = arith.constant 432 : index
    %get3A_1451 = tpu.vector_load %arg46[%get3A_1450] {strides = array<i32>} : memref<1024xi32, #tpu.memory_space<vmem>>, vector<16xi32>,
    %gt3A_1452 = arith.cmpf ogt, %get3A_1449, %select_n3A_1447 : vector<16xf32>
    %select_n3A_1453 = arith.select %gt3A_1452, %get3A_1451, %select_n3A_1446 : vector<16xi1>, vector<16xi32>
    %select_n3A_1454 = arith.select %gt3A_1452, %get3A_1449, %select_n3A_1447 : vector<16xi1>, vector<16xf32>
    %get3A_1455 = arith.constant 496 : index
    %get3A_1456 = tpu.vector_load %arg45[%get3A_1455] {strides = array<i32>} : memref<1024xf32, #tpu.memory_space<vmem>>, vector<16xf32>,
    %get3A_1457 = arith.constant 496 : index
    %get3A_1458 = tpu.vector_load %arg46[%get3A_1457] {strides = array<i32>} : memref<1024xi32, #tpu.memory_space<vmem>>, vector<16xi32>,
    %gt3A_1459 = arith.cmpf ogt, %get3A_1456, %select_n3A_1454 : vector<16xf32>
    %select_n3A_1460 = arith.select %gt3A_1459, %get3A_1458, %select_n3A_1453 : vector<16xi1>, vector<16xi32>
    %select_n3A_1461 = arith.select %gt3A_1459, %get3A_1456, %select_n3A_1454 : vector<16xi1>, vector<16xf32>
    %get3A_1462 = arith.constant 560 : index
    %get3A_1463 = tpu.vector_load %arg45[%get3A_1462] {strides = array<i32>} : memref<1024xf32, #tpu.memory_space<vmem>>, vector<16xf32>,
    %get3A_1464 = arith.constant 560 : index
    %get3A_1465 = tpu.vector_load %arg46[%get3A_1464] {strides = array<i32>} : memref<1024xi32, #tpu.memory_space<vmem>>, vector<16xi32>,
    %gt3A_1466 = arith.cmpf ogt, %get3A_1463, %select_n3A_1461 : vector<16xf32>
    %select_n3A_1467 = arith.select %gt3A_1466, %get3A_1465, %select_n3A_1460 : vector<16xi1>, vector<16xi32>
    %select_n3A_1468 = arith.select %gt3A_1466, %get3A_1463, %select_n3A_1461 : vector<16xi1>, vector<16xf32>
    %get3A_1469 = arith.constant 624 : index
    %get3A_1470 = tpu.vector_load %arg45[%get3A_1469] {strides = array<i32>} : memref<1024xf32, #tpu.memory_space<vmem>>, vector<16xf32>,
    %get3A_1471 = arith.constant 624 : index
    %get3A_1472 = tpu.vector_load %arg46[%get3A_1471] {strides = array<i32>} : memref<1024xi32, #tpu.memory_space<vmem>>, vector<16xi32>,
    %gt3A_1473 = arith.cmpf ogt, %get3A_1470, %select_n3A_1468 : vector<16xf32>
    %select_n3A_1474 = arith.select %gt3A_1473, %get3A_1472, %select_n3A_1467 : vector<16xi1>, vector<16xi32>
    %select_n3A_1475 = arith.select %gt3A_1473, %get3A_1470, %select_n3A_1468 : vector<16xi1>, vector<16xf32>
    %get3A_1476 = arith.constant 688 : index
    %get3A_1477 = tpu.vector_load %arg45[%get3A_1476] {strides = array<i32>} : memref<1024xf32, #tpu.memory_space<vmem>>, vector<16xf32>,
    %get3A_1478 = arith.constant 688 : index
    %get3A_1479 = tpu.vector_load %arg46[%get3A_1478] {strides = array<i32>} : memref<1024xi32, #tpu.memory_space<vmem>>, vector<16xi32>,
    %gt3A_1480 = arith.cmpf ogt, %get3A_1477, %select_n3A_1475 : vector<16xf32>
    %select_n3A_1481 = arith.select %gt3A_1480, %get3A_1479, %select_n3A_1474 : vector<16xi1>, vector<16xi32>
    %select_n3A_1482 = arith.select %gt3A_1480, %get3A_1477, %select_n3A_1475 : vector<16xi1>, vector<16xf32>
    %get3A_1483 = arith.constant 752 : index
    %get3A_1484 = tpu.vector_load %arg45[%get3A_1483] {strides = array<i32>} : memref<1024xf32, #tpu.memory_space<vmem>>, vector<16xf32>,
    %get3A_1485 = arith.constant 752 : index
    %get3A_1486 = tpu.vector_load %arg46[%get3A_1485] {strides = array<i32>} : memref<1024xi32, #tpu.memory_space<vmem>>, vector<16xi32>,
    %gt3A_1487 = arith.cmpf ogt, %get3A_1484, %select_n3A_1482 : vector<16xf32>
    %select_n3A_1488 = arith.select %gt3A_1487, %get3A_1486, %select_n3A_1481 : vector<16xi1>, vector<16xi32>
    %select_n3A_1489 = arith.select %gt3A_1487, %get3A_1484, %select_n3A_1482 : vector<16xi1>, vector<16xf32>
    %get3A_1490 = arith.constant 816 : index
    %get3A_1491 = tpu.vector_load %arg45[%get3A_1490] {strides = array<i32>} : memref<1024xf32, #tpu.memory_space<vmem>>, vector<16xf32>,
    %get3A_1492 = arith.constant 816 : index
    %get3A_1493 = tpu.vector_load %arg46[%get3A_1492] {strides = array<i32>} : memref<1024xi32, #tpu.memory_space<vmem>>, vector<16xi32>,
    %gt3A_1494 = arith.cmpf ogt, %get3A_1491, %select_n3A_1489 : vector<16xf32>
    %select_n3A_1495 = arith.select %gt3A_1494, %get3A_1493, %select_n3A_1488 : vector<16xi1>, vector<16xi32>
    %select_n3A_1496 = arith.select %gt3A_1494, %get3A_1491, %select_n3A_1489 : vector<16xi1>, vector<16xf32>
    %get3A_1497 = arith.constant 880 : index
    %get3A_1498 = tpu.vector_load %arg45[%get3A_1497] {strides = array<i32>} : memref<1024xf32, #tpu.memory_space<vmem>>, vector<16xf32>,
    %get3A_1499 = arith.constant 880 : index
    %get3A_1500 = tpu.vector_load %arg46[%get3A_1499] {strides = array<i32>} : memref<1024xi32, #tpu.memory_space<vmem>>, vector<16xi32>,
    %gt3A_1501 = arith.cmpf ogt, %get3A_1498, %select_n3A_1496 : vector<16xf32>
    %select_n3A_1502 = arith.select %gt3A_1501, %get3A_1500, %select_n3A_1495 : vector<16xi1>, vector<16xi32>
    %select_n3A_1503 = arith.select %gt3A_1501, %get3A_1498, %select_n3A_1496 : vector<16xi1>, vector<16xf32>
    %get3A_1504 = arith.constant 944 : index
    %get3A_1505 = tpu.vector_load %arg45[%get3A_1504] {strides = array<i32>} : memref<1024xf32, #tpu.memory_space<vmem>>, vector<16xf32>,
    %get3A_1506 = arith.constant 944 : index
    %get3A_1507 = tpu.vector_load %arg46[%get3A_1506] {strides = array<i32>} : memref<1024xi32, #tpu.memory_space<vmem>>, vector<16xi32>,
    %gt3A_1508 = arith.cmpf ogt, %get3A_1505, %select_n3A_1503 : vector<16xf32>
    %select_n3A_1509 = arith.select %gt3A_1508, %get3A_1507, %select_n3A_1502 : vector<16xi1>, vector<16xi32>
    %select_n3A_1510 = arith.select %gt3A_1508, %get3A_1505, %select_n3A_1503 : vector<16xi1>, vector<16xf32>
    %get3A_1511 = arith.constant 1008 : index
    %get3A_1512 = tpu.vector_load %arg45[%get3A_1511] {strides = array<i32>} : memref<1024xf32, #tpu.memory_space<vmem>>, vector<16xf32>,
    %get3A_1513 = arith.constant 1008 : index
    %get3A_1514 = tpu.vector_load %arg46[%get3A_1513] {strides = array<i32>} : memref<1024xi32, #tpu.memory_space<vmem>>, vector<16xi32>,
    %gt3A_1515 = arith.cmpf ogt, %get3A_1512, %select_n3A_1510 : vector<16xf32>
    %select_n3A_1516 = arith.select %gt3A_1515, %get3A_1514, %select_n3A_1509 : vector<16xi1>, vector<16xi32>
    %select_n3A_1517 = arith.select %gt3A_1515, %get3A_1512, %select_n3A_1510 : vector<16xi1>, vector<16xf32>
    %get3A_1518 = arith.constant 48 : index
    %get3A_1519 = tpu.vector_load %arg37[%get3A_1518] {strides = array<i32>} : memref<64xf32, #tpu.memory_space<vmem>>, vector<16xf32>,
    %gt3A_1520 = arith.constant 5.000000e-01 : f32
    %gt3A_1521 = vector.broadcast %gt3A_1520 : f32 to vector<16xf32>
    %gt3A_1522 = arith.cmpf ogt, %get3A_1519, %gt3A_1521 : vector<16xf32>
    %lt3A_1523 = arith.constant 5.000000e-01 : f32
    %lt3A_1524 = vector.broadcast %lt3A_1523 : f32 to vector<16xf32>
    %lt3A_1525 = arith.cmpf olt, %select_n3A_1517, %lt3A_1524 : vector<16xf32>
    %and3A_1526 = arith.andi %lt3A_1525, %gt3A_1522 : vector<16xi1>
    %sub3A_1527 = vector.broadcast %mul3A_1 : i32 to vector<16xi32>
    %sub3A_1528 = arith.subi %select_n3A_1516, %sub3A_1527 : vector<16xi32>
    %ge3A_1529 = arith.constant 0 : i32
    %ge3A_1530 = vector.broadcast %ge3A_1529 : i32 to vector<16xi32>
    %ge3A_1531 = arith.cmpi sge, %sub3A_1528, %ge3A_1530 : vector<16xi32>
    %and3A_1532 = arith.andi %and3A_1526, %ge3A_1531 : vector<16xi1>
    %lt3A_1533 = arith.constant 1280 : i32
    %lt3A_1534 = vector.broadcast %lt3A_1533 : i32 to vector<16xi32>
    %lt3A_1535 = arith.cmpi slt, %sub3A_1528, %lt3A_1534 : vector<16xi32>
    %and3A_1536 = arith.andi %and3A_1532, %lt3A_1535 : vector<16xi1>
    %jit3A_1537 = arith.constant 0 : i32
    %jit3A_1538 = arith.constant 1279 : i32
    %max3A_1539 = vector.broadcast %jit3A_1537 : i32 to vector<16xi32>
    %max3A_1540 = arith.maxsi %max3A_1539, %sub3A_1528 : vector<16xi32>
    %min3A_1541 = vector.broadcast %jit3A_1538 : i32 to vector<16xi32>
    %min3A_1542 = arith.minsi %min3A_1541, %max3A_1540 : vector<16xi32>
    tpu.vector_store_idx %arg26[%min3A_1542], %broadcast_in_dim3A_1009 masked %and3A_1536 : memref<1280xf32, #tpu.memory_space<vmem>>[vector<16xi32>], vector<16xf32>, vector<16xi1>
    %scan3A_1543 = arith.constant 0 : i32
    %scan3A_1544 = arith.constant 80 : i32
    %scan3A_1545 = arith.addi %scan3A_1543, %scan3A_1544 : i32
    %scan3A_1546 = arith.constant 1 : i32
    %scan3A_1547:2 = scf.for %scan3A_1577 = %scan3A_1543 to %scan3A_1545 step %scan3A_1546 iter_args(%scan3A_1578 = %broadcast_in_dim3A_0, %scan3A_1579 = %broadcast_in_dim3A_0) -> (vector<16xf32>, vector<16xf32>)  : i32 {
      %mul3A_1580 = arith.constant 16 : i32
      %mul3A_1581 = arith.muli %scan3A_1577, %mul3A_1580 : i32
      %mul3A_1582 = arith.constant 16 : i32
      %mul3A_1583 = arith.muli %scan3A_1577, %mul3A_1582 : i32
      %add3A_1584 = vector.broadcast %mul3A_1583 : i32 to vector<16xi32>
      %add3A_1585 = arith.addi %add3A_1584, %iota3A : vector<16xi32>
      %get3A_1586 = arith.index_cast %mul3A_1581 : i32 to index
      %get3A_1587 = tpu.vector_load %arg24[%get3A_1586] {strides = array<i32>} : memref<1280xf32, #tpu.memory_space<vmem>>, vector<16xf32>,
      %get3A_1588 = arith.index_cast %mul3A_1581 : i32 to index
      %get3A_1589 = tpu.vector_load %arg25[%get3A_1588] {strides = array<i32>} : memref<1280xi32, #tpu.memory_space<vmem>>, vector<16xi32>,
      %ge3A_1590 = arith.constant 5.000000e-01 : f32
      %ge3A_1591 = vector.broadcast %ge3A_1590 : f32 to vector<16xf32>
      %ge3A_1592 = arith.cmpf oge, %get3A_1587, %ge3A_1591 : vector<16xf32>
      %get3A_1593 = arith.index_cast %mul3A_1581 : i32 to index
      %get3A_1594 = tpu.vector_load %arg26[%get3A_1593] {strides = array<i32>} : memref<1280xf32, #tpu.memory_space<vmem>>, vector<16xf32>,
      %gt3A_1595 = arith.constant 5.000000e-01 : f32
      %gt3A_1596 = vector.broadcast %gt3A_1595 : f32 to vector<16xf32>
      %gt3A_1597 = arith.cmpf ogt, %get3A_1594, %gt3A_1596 : vector<16xf32>
      %or3A_1598 = arith.ori %ge3A_1592, %gt3A_1597 : vector<16xi1>
      %gather3A = tpu.vector_load_idx %arg38[%get3A_1589] : memref<64xf32, #tpu.memory_space<vmem>>[vector<16xi32>], vector<16xf32>,
      %gather3A_1599 = tpu.vector_load_idx %arg39[%get3A_1589] : memref<64xf32, #tpu.memory_space<vmem>>[vector<16xi32>], vector<16xf32>,
      %gather3A_1600 = tpu.vector_load_idx %arg40[%get3A_1589] : memref<64xf32, #tpu.memory_space<vmem>>[vector<16xi32>], vector<16xf32>,
      %gather3A_1601 = tpu.vector_load_idx %arg41[%get3A_1589] : memref<64xf32, #tpu.memory_space<vmem>>[vector<16xi32>], vector<16xf32>,
      %gather3A_1602 = tpu.vector_load_idx %arg42[%get3A_1589] : memref<64xf32, #tpu.memory_space<vmem>>[vector<16xi32>], vector<16xf32>,
      %mul3A_1603 = arith.constant 16 : i32
      %mul3A_1604 = arith.muli %scan3A_1577, %mul3A_1603 : i32
      %add3A_1605 = arith.constant 0 : i32
      %add3A_1606 = arith.addi %add3A_1605, %mul3A_1604 : i32
      %get3A_1607 = arith.index_cast %add3A_1606 : i32 to index
      %get3A_1608 = tpu.vector_load %arg6[%get3A_1607] {strides = array<i32>} : memref<6400xf32, #tpu.memory_space<vmem>>, vector<16xf32>,
      %mul3A_1609 = arith.constant 16 : i32
      %mul3A_1610 = arith.muli %scan3A_1577, %mul3A_1609 : i32
      %add3A_1611 = arith.constant 1280 : i32
      %add3A_1612 = arith.addi %add3A_1611, %mul3A_1610 : i32
      %get3A_1613 = arith.index_cast %add3A_1612 : i32 to index
      %get3A_1614 = tpu.vector_load %arg6[%get3A_1613] {strides = array<i32>} : memref<6400xf32, #tpu.memory_space<vmem>>, vector<16xf32>,
      %sub3A_1615 = arith.subf %gather3A, %get3A_1608 : vector<16xf32>
      %mul3A_1616 = arith.constant 1.000000e+01 : f32
      %mul3A_1617 = vector.broadcast %mul3A_1616 : f32 to vector<16xf32>
      %mul3A_1618 = arith.mulf %mul3A_1617, %sub3A_1615 : vector<16xf32>
      %get3A_1619 = arith.index_cast %mul3A_1581 : i32 to index
      %get3A_1620 = tpu.vector_load %arg19[%get3A_1619] {strides = array<i32>} : memref<1280xf32, #tpu.memory_space<vmem>>, vector<16xf32>,
      %div3A_1621 = arith.divf %mul3A_1618, %get3A_1620 : vector<16xf32>
      %sub3A_1622 = arith.subf %gather3A_1599, %get3A_1614 : vector<16xf32>
      %mul3A_1623 = arith.constant 1.000000e+01 : f32
      %mul3A_1624 = vector.broadcast %mul3A_1623 : f32 to vector<16xf32>
      %mul3A_1625 = arith.mulf %mul3A_1624, %sub3A_1622 : vector<16xf32>
      %get3A_1626 = arith.index_cast %mul3A_1581 : i32 to index
      %get3A_1627 = tpu.vector_load %arg20[%get3A_1626] {strides = array<i32>} : memref<1280xf32, #tpu.memory_space<vmem>>, vector<16xf32>,
      %div3A_1628 = arith.divf %mul3A_1625, %get3A_1627 : vector<16xf32>
      %get3A_1629 = arith.index_cast %mul3A_1581 : i32 to index
      %get3A_1630 = tpu.vector_load %arg21[%get3A_1629] {strides = array<i32>} : memref<1280xf32, #tpu.memory_space<vmem>>, vector<16xf32>,
      %sub3A_1631 = arith.subf %gather3A_1600, %get3A_1630 : vector<16xf32>
      %mul3A_1632 = arith.constant 1.000000e+01 : f32
      %mul3A_1633 = vector.broadcast %mul3A_1632 : f32 to vector<16xf32>
      %mul3A_1634 = arith.mulf %mul3A_1633, %sub3A_1631 : vector<16xf32>
      %get3A_1635 = arith.index_cast %mul3A_1581 : i32 to index
      %get3A_1636 = tpu.vector_load %arg22[%get3A_1635] {strides = array<i32>} : memref<1280xf32, #tpu.memory_space<vmem>>, vector<16xf32>,
      %sub3A_1637 = arith.subf %gather3A_1601, %get3A_1636 : vector<16xf32>
      %mul3A_1638 = arith.constant 1.000000e+01 : f32
      %mul3A_1639 = vector.broadcast %mul3A_1638 : f32 to vector<16xf32>
      %mul3A_1640 = arith.mulf %mul3A_1639, %sub3A_1637 : vector<16xf32>
      %get3A_1641 = arith.index_cast %mul3A_1581 : i32 to index
      %get3A_1642 = tpu.vector_load %arg23[%get3A_1641] {strides = array<i32>} : memref<1280xf32, #tpu.memory_space<vmem>>, vector<16xf32>,
      %sub3A_1643 = arith.subf %gather3A_1602, %get3A_1642 : vector<16xf32>
      %mul3A_1644 = arith.constant 1.500000e+01 : f32
      %mul3A_1645 = vector.broadcast %mul3A_1644 : f32 to vector<16xf32>
      %mul3A_1646 = arith.mulf %mul3A_1645, %sub3A_1643 : vector<16xf32>
      %mul3A_1647 = arith.constant 16 : i32
      %mul3A_1648 = arith.muli %scan3A_1577, %mul3A_1647 : i32
      %add3A_1649 = arith.constant 0 : i32
      %add3A_1650 = arith.addi %add3A_1649, %mul3A_1648 : i32
      %get3A_1651 = arith.index_cast %add3A_1650 : i32 to index
      %get3A_1652 = tpu.vector_load %arg7[%get3A_1651] {strides = array<i32>} : memref<6400xf32, #tpu.memory_space<vmem>>, vector<16xf32>,
      %sub3A_1653 = arith.subf %get3A_1652, %div3A_1621 : vector<16xf32>
      %abs3A_1654 = math.absf %sub3A_1653 : vector<16xf32>
      %lt3A_1655 = arith.constant 0.111111112 : f32
      %lt3A_1656 = vector.broadcast %lt3A_1655 : f32 to vector<16xf32>
      %lt3A_1657 = arith.cmpf olt, %abs3A_1654, %lt3A_1656 : vector<16xf32>
      %mul3A_1658 = arith.constant 4.500000e+00 : f32
      %mul3A_1659 = vector.broadcast %mul3A_1658 : f32 to vector<16xf32>
      %mul3A_1660 = arith.mulf %mul3A_1659, %abs3A_1654 : vector<16xf32>
      %mul3A_1661 = arith.mulf %mul3A_1660, %abs3A_1654 : vector<16xf32>
      %sub3A_1662 = arith.constant 0.055555556 : f32
      %sub3A_1663 = vector.broadcast %sub3A_1662 : f32 to vector<16xf32>
      %sub3A_1664 = arith.subf %abs3A_1654, %sub3A_1663 : vector<16xf32>
      %select_n3A_1665 = arith.select %lt3A_1657, %mul3A_1661, %sub3A_1664 : vector<16xi1>, vector<16xf32>
      %add3A_1666 = arith.addf %broadcast_in_dim3A_0, %select_n3A_1665 : vector<16xf32>
      %mul3A_1667 = arith.constant 16 : i32
      %mul3A_1668 = arith.muli %scan3A_1577, %mul3A_1667 : i32
      %add3A_1669 = arith.constant 1280 : i32
      %add3A_1670 = arith.addi %add3A_1669, %mul3A_1668 : i32
      %get3A_1671 = arith.index_cast %add3A_1670 : i32 to index
      %get3A_1672 = tpu.vector_load %arg7[%get3A_1671] {strides = array<i32>} : memref<6400xf32, #tpu.memory_space<vmem>>, vector<16xf32>,
      %sub3A_1673 = arith.subf %get3A_1672, %div3A_1628 : vector<16xf32>
      %abs3A_1674 = math.absf %sub3A_1673 : vector<16xf32>
      %lt3A_1675 = arith.constant 0.111111112 : f32
      %lt3A_1676 = vector.broadcast %lt3A_1675 : f32 to vector<16xf32>
      %lt3A_1677 = arith.cmpf olt, %abs3A_1674, %lt3A_1676 : vector<16xf32>
      %mul3A_1678 = arith.constant 4.500000e+00 : f32
      %mul3A_1679 = vector.broadcast %mul3A_1678 : f32 to vector<16xf32>
      %mul3A_1680 = arith.mulf %mul3A_1679, %abs3A_1674 : vector<16xf32>
      %mul3A_1681 = arith.mulf %mul3A_1680, %abs3A_1674 : vector<16xf32>
      %sub3A_1682 = arith.constant 0.055555556 : f32
      %sub3A_1683 = vector.broadcast %sub3A_1682 : f32 to vector<16xf32>
      %sub3A_1684 = arith.subf %abs3A_1674, %sub3A_1683 : vector<16xf32>
      %select_n3A_1685 = arith.select %lt3A_1677, %mul3A_1681, %sub3A_1684 : vector<16xi1>, vector<16xf32>
      %add3A_1686 = arith.addf %add3A_1666, %select_n3A_1685 : vector<16xf32>
      %mul3A_1687 = arith.constant 16 : i32
      %mul3A_1688 = arith.muli %scan3A_1577, %mul3A_1687 : i32
      %add3A_1689 = arith.constant 2560 : i32
      %add3A_1690 = arith.addi %add3A_1689, %mul3A_1688 : i32
      %get3A_1691 = arith.index_cast %add3A_1690 : i32 to index
      %get3A_1692 = tpu.vector_load %arg7[%get3A_1691] {strides = array<i32>} : memref<6400xf32, #tpu.memory_space<vmem>>, vector<16xf32>,
      %sub3A_1693 = arith.subf %get3A_1692, %mul3A_1634 : vector<16xf32>
      %abs3A_1694 = math.absf %sub3A_1693 : vector<16xf32>
      %lt3A_1695 = arith.constant 0.111111112 : f32
      %lt3A_1696 = vector.broadcast %lt3A_1695 : f32 to vector<16xf32>
      %lt3A_1697 = arith.cmpf olt, %abs3A_1694, %lt3A_1696 : vector<16xf32>
      %mul3A_1698 = arith.constant 4.500000e+00 : f32
      %mul3A_1699 = vector.broadcast %mul3A_1698 : f32 to vector<16xf32>
      %mul3A_1700 = arith.mulf %mul3A_1699, %abs3A_1694 : vector<16xf32>
      %mul3A_1701 = arith.mulf %mul3A_1700, %abs3A_1694 : vector<16xf32>
      %sub3A_1702 = arith.constant 0.055555556 : f32
      %sub3A_1703 = vector.broadcast %sub3A_1702 : f32 to vector<16xf32>
      %sub3A_1704 = arith.subf %abs3A_1694, %sub3A_1703 : vector<16xf32>
      %select_n3A_1705 = arith.select %lt3A_1697, %mul3A_1701, %sub3A_1704 : vector<16xi1>, vector<16xf32>
      %add3A_1706 = arith.addf %add3A_1686, %select_n3A_1705 : vector<16xf32>
      %mul3A_1707 = arith.constant 16 : i32
      %mul3A_1708 = arith.muli %scan3A_1577, %mul3A_1707 : i32
      %add3A_1709 = arith.constant 3840 : i32
      %add3A_1710 = arith.addi %add3A_1709, %mul3A_1708 : i32
      %get3A_1711 = arith.index_cast %add3A_1710 : i32 to index
      %get3A_1712 = tpu.vector_load %arg7[%get3A_1711] {strides = array<i32>} : memref<6400xf32, #tpu.memory_space<vmem>>, vector<16xf32>,
      %sub3A_1713 = arith.subf %get3A_1712, %mul3A_1640 : vector<16xf32>
      %abs3A_1714 = math.absf %sub3A_1713 : vector<16xf32>
      %lt3A_1715 = arith.constant 0.111111112 : f32
      %lt3A_1716 = vector.broadcast %lt3A_1715 : f32 to vector<16xf32>
      %lt3A_1717 = arith.cmpf olt, %abs3A_1714, %lt3A_1716 : vector<16xf32>
      %mul3A_1718 = arith.constant 4.500000e+00 : f32
      %mul3A_1719 = vector.broadcast %mul3A_1718 : f32 to vector<16xf32>
      %mul3A_1720 = arith.mulf %mul3A_1719, %abs3A_1714 : vector<16xf32>
      %mul3A_1721 = arith.mulf %mul3A_1720, %abs3A_1714 : vector<16xf32>
      %sub3A_1722 = arith.constant 0.055555556 : f32
      %sub3A_1723 = vector.broadcast %sub3A_1722 : f32 to vector<16xf32>
      %sub3A_1724 = arith.subf %abs3A_1714, %sub3A_1723 : vector<16xf32>
      %select_n3A_1725 = arith.select %lt3A_1717, %mul3A_1721, %sub3A_1724 : vector<16xi1>, vector<16xf32>
      %add3A_1726 = arith.addf %add3A_1706, %select_n3A_1725 : vector<16xf32>
      %mul3A_1727 = arith.constant 16 : i32
      %mul3A_1728 = arith.muli %scan3A_1577, %mul3A_1727 : i32
      %add3A_1729 = arith.constant 5120 : i32
      %add3A_1730 = arith.addi %add3A_1729, %mul3A_1728 : i32
      %get3A_1731 = arith.index_cast %add3A_1730 : i32 to index
      %get3A_1732 = tpu.vector_load %arg7[%get3A_1731] {strides = array<i32>} : memref<6400xf32, #tpu.memory_space<vmem>>, vector<16xf32>,
      %sub3A_1733 = arith.subf %get3A_1732, %mul3A_1646 : vector<16xf32>
      %abs3A_1734 = math.absf %sub3A_1733 : vector<16xf32>
      %lt3A_1735 = arith.constant 0.111111112 : f32
      %lt3A_1736 = vector.broadcast %lt3A_1735 : f32 to vector<16xf32>
      %lt3A_1737 = arith.cmpf olt, %abs3A_1734, %lt3A_1736 : vector<16xf32>
      %mul3A_1738 = arith.constant 4.500000e+00 : f32
      %mul3A_1739 = vector.broadcast %mul3A_1738 : f32 to vector<16xf32>
      %mul3A_1740 = arith.mulf %mul3A_1739, %abs3A_1734 : vector<16xf32>
      %mul3A_1741 = arith.mulf %mul3A_1740, %abs3A_1734 : vector<16xf32>
      %sub3A_1742 = arith.constant 0.055555556 : f32
      %sub3A_1743 = vector.broadcast %sub3A_1742 : f32 to vector<16xf32>
      %sub3A_1744 = arith.subf %abs3A_1734, %sub3A_1743 : vector<16xf32>
      %select_n3A_1745 = arith.select %lt3A_1737, %mul3A_1741, %sub3A_1744 : vector<16xi1>, vector<16xf32>
      %add3A_1746 = arith.addf %add3A_1726, %select_n3A_1745 : vector<16xf32>
      %select_n3A_1747 = arith.select %or3A_1598, %add3A_1746, %broadcast_in_dim3A_0 : vector<16xi1>, vector<16xf32>
      %add3A_1748 = arith.addf %scan3A_1578, %select_n3A_1747 : vector<16xf32>
      %broadcast_in_dim3A_1749 = arith.constant 1.000000e+00 : f32
      %broadcast_in_dim3A_1750 = vector.broadcast %broadcast_in_dim3A_1749 : f32 to vector<16xf32>
      %select_n3A_1751 = arith.select %or3A_1598, %broadcast_in_dim3A_1750, %broadcast_in_dim3A_0 : vector<16xi1>, vector<16xf32>
      %add3A_1752 = arith.addf %scan3A_1579, %select_n3A_1751 : vector<16xf32>
      scf.yield %add3A_1748, %add3A_1752 : vector<16xf32>, vector<16xf32>
    }
    %scan3A_1548 = arith.constant 80 : i32
    %reduce_sum3A_1549 = arith.constant true
    %reduce_sum3A_1550 = vector.broadcast %reduce_sum3A_1549 : i1 to vector<16xi1>
    %reduce_sum3A_1551 = tpu.scan <sum>, %scan3A_1547#0 masked %reduce_sum3A_1550 : vector<16xf32>, vector<16xi1> -> vector<16xf32>
    %reduce_sum3A_1552 = vector.extract %reduce_sum3A_1551[15] : f32 from vector<16xf32>
    %reduce_sum3A_1553 = arith.constant true
    %reduce_sum3A_1554 = vector.broadcast %reduce_sum3A_1553 : i1 to vector<16xi1>
    %reduce_sum3A_1555 = tpu.scan <sum>, %scan3A_1547#1 masked %reduce_sum3A_1554 : vector<16xf32>, vector<16xi1> -> vector<16xf32>
    %reduce_sum3A_1556 = vector.extract %reduce_sum3A_1555[15] : f32 from vector<16xf32>
    %eq3A_1557 = arith.constant 0 : i32
    %eq3A_1558 = vector.broadcast %eq3A_1557 : i32 to vector<16xi32>
    %eq3A_1559 = arith.cmpi eq, %iota3A, %eq3A_1558 : vector<16xi32>
    %broadcast_in_dim3A_1560 = vector.broadcast %reduce_sum3A_1552 : f32 to vector<16xf32>
    %eq3A_1561 = arith.constant 1 : i32
    %eq3A_1562 = vector.broadcast %eq3A_1561 : i32 to vector<16xi32>
    %eq3A_1563 = arith.cmpi eq, %iota3A, %eq3A_1562 : vector<16xi32>
    %broadcast_in_dim3A_1564 = vector.broadcast %reduce_sum3A_1556 : f32 to vector<16xf32>
    %select_n3A_1565 = arith.select %eq3A_1563, %broadcast_in_dim3A_1564, %broadcast_in_dim3A_0 : vector<16xi1>, vector<16xf32>
    %select_n3A_1566 = arith.select %eq3A_1559, %broadcast_in_dim3A_1560, %select_n3A_1565 : vector<16xi1>, vector<16xf32>
    %swap3A_1567 = arith.constant 0 : index
    %swap3A_1568 = tpu.vector_load %arg48[%swap3A_1567] {strides = array<i32>} : memref<16xf32, #tpu.memory_space<vmem>>, vector<16xf32>,
    tpu.vector_store %arg48[%swap3A_1567], %select_n3A_1566 {strides = array<i32>} : memref<16xf32, #tpu.memory_space<vmem>>, vector<16xf32>,
    %mul3A_1569 = arith.constant 16 : i32
    %mul3A_1570 = arith.muli %arg1, %mul3A_1569 : i32
    "tpu.region"() ({
      %run_scoped3A = tpu.sem_alloc : memref<!tpu.dma_semaphore, #tpu.memory_space<semaphore_mem>>
      %dma_start3A = tpu.memref_slice %arg51[%mul3A_1570] : memref<256xf32, #tpu.memory_space<vmem_shared>> -> memref<16xf32, #tpu.memory_space<vmem_shared>>
      %dma_start3A_1577 = tpu.memref_slice %arg51[%mul3A_1570] : memref<256xf32, #tpu.memory_space<vmem_shared>> -> memref<16xf32, #tpu.memory_space<vmem_shared>>
      tpu.enqueue_dma source(%arg48 : memref<16xf32, #tpu.memory_space<vmem>>) target(%dma_start3A_1577 : memref<16xf32, #tpu.memory_space<vmem_shared>>) target_semaphore(%run_scoped3A : memref<!tpu.dma_semaphore, #tpu.memory_space<semaphore_mem>>)
      %dma_wait3A = tpu.memref_slice %arg51[%mul3A_1570] : memref<256xf32, #tpu.memory_space<vmem_shared>> -> memref<16xf32, #tpu.memory_space<vmem_shared>>
      %dma_wait3A_1578 = tpu.memref_slice %arg51[%mul3A_1570] : memref<256xf32, #tpu.memory_space<vmem_shared>> -> memref<16xf32, #tpu.memory_space<vmem_shared>>
      tpu.wait_dma2 semaphore(%run_scoped3A : memref<!tpu.dma_semaphore, #tpu.memory_space<semaphore_mem>>) src(%arg48 : memref<16xf32, #tpu.memory_space<vmem>>) dst(%dma_wait3A_1578 : memref<16xf32, #tpu.memory_space<vmem_shared>>)
      tpu.yield
    }) : () -> ()
    %barrier3A_1571 = arith.constant 0 : index
    tpu.barrier barrier_id(%barrier3A_1571)
    %eq3A_1572 = arith.constant 0 : i32
    %eq3A_1573 = arith.cmpi eq, %arg1, %eq3A_1572 : i32
    %convert_element_type3A_1574 = arith.extui %eq3A_1573 : i1 to i32
    %cond3A_1575 = arith.constant 0 : i32
    %cond3A_1576 = arith.cmpi ne, %convert_element_type3A_1574, %cond3A_1575 : i32
    scf.if %cond3A_1576 {
      "tpu.region"() ({
        %run_scoped3A = tpu.sem_alloc : memref<!tpu.dma_semaphore, #tpu.memory_space<semaphore_mem>>
        tpu.enqueue_dma source(%arg51 : memref<256xf32, #tpu.memory_space<vmem_shared>>) target(%arg47 : memref<256xf32, #tpu.memory_space<vmem>>) target_semaphore(%run_scoped3A : memref<!tpu.dma_semaphore, #tpu.memory_space<semaphore_mem>>)
        tpu.wait_dma2 semaphore(%run_scoped3A : memref<!tpu.dma_semaphore, #tpu.memory_space<semaphore_mem>>) src(%arg51 : memref<256xf32, #tpu.memory_space<vmem_shared>>) dst(%arg47 : memref<256xf32, #tpu.memory_space<vmem>>)
        tpu.yield
      }) : () -> ()
      %get3A_1577 = arith.constant 0 : index
      %get3A_1578 = tpu.vector_load %arg47[%get3A_1577] {strides = array<i32>} : memref<256xf32, #tpu.memory_space<vmem>>, vector<16xf32>,
      %add3A_1579 = arith.addf %broadcast_in_dim3A_0, %get3A_1578 : vector<16xf32>
      %get3A_1580 = arith.constant 16 : index
      %get3A_1581 = tpu.vector_load %arg47[%get3A_1580] {strides = array<i32>} : memref<256xf32, #tpu.memory_space<vmem>>, vector<16xf32>,
      %add3A_1582 = arith.addf %add3A_1579, %get3A_1581 : vector<16xf32>
      %get3A_1583 = arith.constant 32 : index
      %get3A_1584 = tpu.vector_load %arg47[%get3A_1583] {strides = array<i32>} : memref<256xf32, #tpu.memory_space<vmem>>, vector<16xf32>,
      %add3A_1585 = arith.addf %add3A_1582, %get3A_1584 : vector<16xf32>
      %get3A_1586 = arith.constant 48 : index
      %get3A_1587 = tpu.vector_load %arg47[%get3A_1586] {strides = array<i32>} : memref<256xf32, #tpu.memory_space<vmem>>, vector<16xf32>,
      %add3A_1588 = arith.addf %add3A_1585, %get3A_1587 : vector<16xf32>
      %get3A_1589 = arith.constant 64 : index
      %get3A_1590 = tpu.vector_load %arg47[%get3A_1589] {strides = array<i32>} : memref<256xf32, #tpu.memory_space<vmem>>, vector<16xf32>,
      %add3A_1591 = arith.addf %add3A_1588, %get3A_1590 : vector<16xf32>
      %get3A_1592 = arith.constant 80 : index
      %get3A_1593 = tpu.vector_load %arg47[%get3A_1592] {strides = array<i32>} : memref<256xf32, #tpu.memory_space<vmem>>, vector<16xf32>,
      %add3A_1594 = arith.addf %add3A_1591, %get3A_1593 : vector<16xf32>
      %get3A_1595 = arith.constant 96 : index
      %get3A_1596 = tpu.vector_load %arg47[%get3A_1595] {strides = array<i32>} : memref<256xf32, #tpu.memory_space<vmem>>, vector<16xf32>,
      %add3A_1597 = arith.addf %add3A_1594, %get3A_1596 : vector<16xf32>
      %get3A_1598 = arith.constant 112 : index
      %get3A_1599 = tpu.vector_load %arg47[%get3A_1598] {strides = array<i32>} : memref<256xf32, #tpu.memory_space<vmem>>, vector<16xf32>,
      %add3A_1600 = arith.addf %add3A_1597, %get3A_1599 : vector<16xf32>
      %get3A_1601 = arith.constant 128 : index
      %get3A_1602 = tpu.vector_load %arg47[%get3A_1601] {strides = array<i32>} : memref<256xf32, #tpu.memory_space<vmem>>, vector<16xf32>,
      %add3A_1603 = arith.addf %add3A_1600, %get3A_1602 : vector<16xf32>
      %get3A_1604 = arith.constant 144 : index
      %get3A_1605 = tpu.vector_load %arg47[%get3A_1604] {strides = array<i32>} : memref<256xf32, #tpu.memory_space<vmem>>, vector<16xf32>,
      %add3A_1606 = arith.addf %add3A_1603, %get3A_1605 : vector<16xf32>
      %get3A_1607 = arith.constant 160 : index
      %get3A_1608 = tpu.vector_load %arg47[%get3A_1607] {strides = array<i32>} : memref<256xf32, #tpu.memory_space<vmem>>, vector<16xf32>,
      %add3A_1609 = arith.addf %add3A_1606, %get3A_1608 : vector<16xf32>
      %get3A_1610 = arith.constant 176 : index
      %get3A_1611 = tpu.vector_load %arg47[%get3A_1610] {strides = array<i32>} : memref<256xf32, #tpu.memory_space<vmem>>, vector<16xf32>,
      %add3A_1612 = arith.addf %add3A_1609, %get3A_1611 : vector<16xf32>
      %get3A_1613 = arith.constant 192 : index
      %get3A_1614 = tpu.vector_load %arg47[%get3A_1613] {strides = array<i32>} : memref<256xf32, #tpu.memory_space<vmem>>, vector<16xf32>,
      %add3A_1615 = arith.addf %add3A_1612, %get3A_1614 : vector<16xf32>
      %get3A_1616 = arith.constant 208 : index
      %get3A_1617 = tpu.vector_load %arg47[%get3A_1616] {strides = array<i32>} : memref<256xf32, #tpu.memory_space<vmem>>, vector<16xf32>,
      %add3A_1618 = arith.addf %add3A_1615, %get3A_1617 : vector<16xf32>
      %get3A_1619 = arith.constant 224 : index
      %get3A_1620 = tpu.vector_load %arg47[%get3A_1619] {strides = array<i32>} : memref<256xf32, #tpu.memory_space<vmem>>, vector<16xf32>,
      %add3A_1621 = arith.addf %add3A_1618, %get3A_1620 : vector<16xf32>
      %get3A_1622 = arith.constant 240 : index
      %get3A_1623 = tpu.vector_load %arg47[%get3A_1622] {strides = array<i32>} : memref<256xf32, #tpu.memory_space<vmem>>, vector<16xf32>,
      %add3A_1624 = arith.addf %add3A_1621, %get3A_1623 : vector<16xf32>
      %swap3A_1625 = arith.constant 0 : index
      %swap3A_1626 = tpu.vector_load %arg48[%swap3A_1625] {strides = array<i32>} : memref<16xf32, #tpu.memory_space<vmem>>, vector<16xf32>,
      tpu.vector_store %arg48[%swap3A_1625], %add3A_1624 {strides = array<i32>} : memref<16xf32, #tpu.memory_space<vmem>>, vector<16xf32>,
      %broadcast_in_dim3A_1627 = arith.constant 0 : i32
      %broadcast_in_dim3A_1628 = vector.broadcast %broadcast_in_dim3A_1627 : i32 to vector<16xi32>
      %gather3A = tpu.vector_load_idx %arg48[%broadcast_in_dim3A_1628] : memref<16xf32, #tpu.memory_space<vmem>>[vector<16xi32>], vector<16xf32>,
      %broadcast_in_dim3A_1629 = arith.constant 1 : i32
      %broadcast_in_dim3A_1630 = vector.broadcast %broadcast_in_dim3A_1629 : i32 to vector<16xi32>
      %gather3A_1631 = tpu.vector_load_idx %arg48[%broadcast_in_dim3A_1630] : memref<16xf32, #tpu.memory_space<vmem>>[vector<16xi32>], vector<16xf32>,
      %mul3A_1632 = arith.constant 5.000000e+00 : f32
      %mul3A_1633 = vector.broadcast %mul3A_1632 : f32 to vector<16xf32>
      %mul3A_1634 = arith.mulf %gather3A_1631, %mul3A_1633 : vector<16xf32>
      %max3A_1635 = arith.constant 1.000000e+00 : f32
      %max3A_1636 = vector.broadcast %max3A_1635 : f32 to vector<16xf32>
      %max3A_1637 = arith.maximumf %mul3A_1634, %max3A_1636 : vector<16xf32>
      %div3A_1638 = arith.divf %gather3A, %max3A_1637 : vector<16xf32>
      %gt3A_1639 = arith.constant 0.000000e+00 : f32
      %gt3A_1640 = vector.broadcast %gt3A_1639 : f32 to vector<16xf32>
      %gt3A_1641 = arith.cmpf ogt, %gather3A_1631, %gt3A_1640 : vector<16xf32>
      %broadcast_in_dim3A_1642 = vector.broadcast %reduce_sum3A_990 : f32 to vector<16xf32>
      %gt3A_1643 = arith.constant 0.000000e+00 : f32
      %gt3A_1644 = vector.broadcast %gt3A_1643 : f32 to vector<16xf32>
      %gt3A_1645 = arith.cmpf ogt, %broadcast_in_dim3A_1642, %gt3A_1644 : vector<16xf32>
      %and3A_1646 = arith.andi %gt3A_1641, %gt3A_1645 : vector<16xi1>
      %eq3A_1647 = arith.constant 0 : i32
      %eq3A_1648 = vector.broadcast %eq3A_1647 : i32 to vector<16xi32>
      %eq3A_1649 = arith.cmpi eq, %iota3A, %eq3A_1648 : vector<16xi32>
      %and3A_1650 = arith.andi %and3A_1646, %eq3A_1649 : vector<16xi1>
      %select_n3A_1651 = arith.select %and3A_1650, %div3A_1638, %broadcast_in_dim3A_0 : vector<16xi1>, vector<16xf32>
      %swap3A_1652 = arith.constant 0 : index
      %swap3A_1653 = tpu.vector_load %arg48[%swap3A_1652] {strides = array<i32>} : memref<16xf32, #tpu.memory_space<vmem>>, vector<16xf32>,
      tpu.vector_store %arg48[%swap3A_1652], %select_n3A_1651 {strides = array<i32>} : memref<16xf32, #tpu.memory_space<vmem>>, vector<16xf32>,
      "tpu.region"() ({
        %run_scoped3A = tpu.sem_alloc : memref<!tpu.dma_semaphore, #tpu.memory_space<semaphore_mem>>
        %dma_start3A = arith.constant 0 : i32
        %dma_start3A_1654 = tpu.memref_slice %arg5[%arg0, %dma_start3A] : memref<2x16xf32, #tpu.memory_space<hbm>> -> memref<1x16xf32, #tpu.memory_space<hbm>>
        %dma_start3A_1655 = tpu.memref_squeeze %dma_start3A_1654 : memref<1x16xf32, #tpu.memory_space<hbm>> -> memref<16xf32, #tpu.memory_space<hbm>>
        %dma_start3A_1656 = arith.constant 0 : i32
        %dma_start3A_1657 = tpu.memref_slice %arg5[%arg0, %dma_start3A_1656] : memref<2x16xf32, #tpu.memory_space<hbm>> -> memref<1x16xf32, #tpu.memory_space<hbm>>
        %dma_start3A_1658 = tpu.memref_squeeze %dma_start3A_1657 : memref<1x16xf32, #tpu.memory_space<hbm>> -> memref<16xf32, #tpu.memory_space<hbm>>
        tpu.enqueue_dma source(%arg48 : memref<16xf32, #tpu.memory_space<vmem>>) target(%dma_start3A_1658 : memref<16xf32, #tpu.memory_space<hbm>>) target_semaphore(%run_scoped3A : memref<!tpu.dma_semaphore, #tpu.memory_space<semaphore_mem>>)
        %dma_wait3A = arith.constant 0 : i32
        %dma_wait3A_1659 = tpu.memref_slice %arg5[%arg0, %dma_wait3A] : memref<2x16xf32, #tpu.memory_space<hbm>> -> memref<1x16xf32, #tpu.memory_space<hbm>>
        %dma_wait3A_1660 = tpu.memref_squeeze %dma_wait3A_1659 : memref<1x16xf32, #tpu.memory_space<hbm>> -> memref<16xf32, #tpu.memory_space<hbm>>
        %dma_wait3A_1661 = arith.constant 0 : i32
        %dma_wait3A_1662 = tpu.memref_slice %arg5[%arg0, %dma_wait3A_1661] : memref<2x16xf32, #tpu.memory_space<hbm>> -> memref<1x16xf32, #tpu.memory_space<hbm>>
        %dma_wait3A_1663 = tpu.memref_squeeze %dma_wait3A_1662 : memref<1x16xf32, #tpu.memory_space<hbm>> -> memref<16xf32, #tpu.memory_space<hbm>>
        tpu.wait_dma2 semaphore(%run_scoped3A : memref<!tpu.dma_semaphore, #tpu.memory_space<semaphore_mem>>) src(%arg48 : memref<16xf32, #tpu.memory_space<vmem>>) dst(%dma_wait3A_1663 : memref<16xf32, #tpu.memory_space<hbm>>)
        tpu.yield
      }) : () -> ()
    } else {
    }
    return
  }
}

</mosaic_0001>

<sc_bundles>
// kernel: kernel.3.cloned.1.call-start
scs
__scs_entry_jumppad:
0x0: {  	(pc) =	sbr.rel $0x88, $3  }
0x1: {  	(tag) =	ssettag $0x0;
	lr =	simm.s32 $0x1  }
0x2: {  	[smem:$0x3F9E] =	sst lr;
	_ =	strace $0xD0000000  }
0x3: {  	_ = 	snop  }
0x4: {  	_ = 	snop  }
0x5: {  	_ = 	snop  }
0x6: {  	_ = 	snop  }
0x7: {  	_ = 	snop  }
__scs_overlays_trampoline_lowered:
0x8: {  	[smem:$0x3FAD] =	sst s0  }
0x9: {  	[smem:$0x3FAE] =	sst s1  }
0xa: {  	[smem:$0x3FAF] =	sst s2  }
0xb: {  	[smem:$0x3FB0] =	sst s3  }
0xc: {  	[smem:$0x3FB1] =	sst s4  }
0xd: {  	[smem:$0x3FB2] =	sst s5  }
0xe: {  	[smem:$0x3FB3] =	sst s6  }
0xf: {  	[smem:$0x3FB4] =	sst s7  }
0x10: {  	[smem:$0x3FB5] =	sst s8  }
0x11: {  	[smem:$0x3FB6] =	sst s9;
	s0 =	simm.s32 @!p0 $0x0  }
0x12: {  	s1 =	sld [smem:$0x3F9C];
	s0 =	simm.s32 @p0 $0x1  }
0x13: {  	[smem:$0x3FB7] =	sst s0;
	s0 =	simm.s32 @!p1 $0x0  }
0x14: {  	s2 =	sld [smem:$0x3F9B];
	s0 =	simm.s32 @p1 $0x1  }
0x15: {  	[smem:$0x3FB8] =	sst s0;
	s0 =	simm.s32 @!p2 $0x0  }
0x16: {  	s3 =	sld [smem:$0x3FDB];
	s0 =	simm.s32 @p2 $0x1  }
0x17: {  	s4 =	simm.s32 $0x1BF5;
	[smem:$0x3FBA] =	sst s0  }
0x18: {  	s0 =	sld [smem:$0x3F9D];
	_ =	swait.ge [sflag:s4], $0x0  }
0x19: {  	s7 =	sld [smem:$0x3F9E]  }
0x1a: {  	s8 =	sadd.s32 $0xFFFFE003, lr  }
0x1b: {  	s9 =	sadd.s32 $0xFFFFFEF7, lr;
	s5 =	simm.s32 $0xFFFFFFFF;
	p2 =	slt.u32 s8, $0xFFFFF086  }
0x1c: {  	p1 =	slt.u32 s9, $0xF7A;
	s5 =	simm.s32 @!p2 $0x0  }
0x1d: {  	s5 =	simm.s32 @p1 $0x1;
	p0 =	seq.s32 s7, s2  }
0x1e: {  	s7 =	smul.u32 @!p0 $0xF7A, s2;
	p2 =	seq.s32 @!p0 s5, $0x0  }
0x1f: {  	s9 =	smul.u32 $0xF7A, s1;
	s8 =	simm.s32 @!p0 $0x1BF5;
	p2 =	por !p2, p0  }
0x20: {  	[sflag:s8] =	ssyncset.s32 @!p0 $0xFFFFF086;
	s6 =	sadd.s32 @!p0 s3, s7;
	s7 =	simm.s32 @!p0 $0x108  }
0x21: {  	s3 =	sadd.s32 s3, s9;
	s6 =	sadd.s32 @!p0 $0x88, s6;
	s7 =	simm.s32 @p2 $0x1082  }
0x22: {  	[simem:s7], [sflag:s8] =	dma.local @!p0 [hbm:s6], $0xF7A  }
0x23: {  	s9 =	sor.u32 $0xD0000000, s2;
	s6 =	simm.s32 $0x108;
	_ =	swait.ge @!p0 [sflag:s8], $0x0  }
0x24: {  	s3 =	sadd.s32 $0x88, s3;
	s6 =	simm.s32 @!p1 $0x1082;
	[sflag:s4] =	ssyncset.s32 $0xFFFFF086  }
0x25: {  	[simem:s6], [sflag:s4] =	dma.local [hbm:s3], $0xF7A  }
0x26: {  	[smem:$0x3F9E] =	sst s1;
	(tag) =	ssettag s2;
	_ =	strace s9  }
0x27: {  	s1 =	sld [smem:$0x3FAE]  }
0x28: {  	s2 =	sld [smem:$0x3FAF]  }
0x29: {  	s4 =	sld [smem:$0x3FB1]  }
0x2a: {  	p0 =	seq.s32 s5, $0x0;
	s5 =	sld [smem:$0x3FB2]  }
0x2b: {  	s6 =	sld [smem:$0x3FB3]  }
0x2c: {  	s7 =	sld [smem:$0x3FB4]  }
0x2d: {  	s3 =	simm.s32 $0x108;
	s8 =	sld [smem:$0x3FB5]  }
0x2e: {  	s3 =	simm.s32 @!p0 $0x1082;
	s9 =	sld [smem:$0x3FB6]  }
0x2f: {  	lr =	sadd.s32 s0, s3;
	s0 =	sld [smem:$0x3FAD]  }
0x30: {  	s3 =	sld [smem:$0x3FB0]  }
0x31: {  	[smem:$0x3FB9] =	sst s10  }
0x32: {  	s10 =	sld [smem:$0x3FB7];
	_ =	sdelay $0x3  }
0x33: {  	p0 =	seq.s32 s10, $0x1;
	s10 =	sld [smem:$0x3FB9];
	_ =	sdelay $0x3  }
0x34: {  	[smem:$0x3FB9] =	sst s10  }
0x35: {  	s10 =	sld [smem:$0x3FB8];
	_ =	sdelay $0x3  }
0x36: {  	p1 =	seq.s32 s10, $0x1;
	s10 =	sld [smem:$0x3FB9];
	_ =	sdelay $0x3  }
0x37: {  	[smem:$0x3FB9] =	sst s10  }
0x38: {  	s10 =	sld [smem:$0x3FBA]  }
0x39: {  	_ = 	snop;
	(pc) =	sbr.ind lr, $3  }
0x3a: {  	_ = 	snop  }
0x3b: {  	_ = 	snop  }
0x3c: {  	p2 =	seq.s32 s10, $0x1;
	s10 =	sld [smem:$0x3FB9]  }
0x3d: {  	_ =	shalt  }
0x3e: {  	_ =	shalt  }
0x3f: {  	_ =	shalt  }
0x40: {  	_ =	shalt  }
0x41: {  	_ =	shalt  }
0x42: {  	_ =	shalt  }
0x43: {  	_ =	shalt  }
0x44: {  	_ =	shalt  }
0x45: {  	_ =	shalt  }
0x46: {  	_ =	shalt  }
0x47: {  	_ =	shalt  }
0x48: {  	_ =	shalt  }
0x49: {  	_ =	shalt  }
0x4a: {  	_ =	shalt  }
0x4b: {  	_ =	shalt  }
0x4c: {  	_ =	shalt  }
0x4d: {  	_ =	shalt  }
0x4e: {  	_ =	shalt  }
0x4f: {  	_ =	shalt  }
0x50: {  	_ =	shalt  }
0x51: {  	_ =	shalt  }
0x52: {  	_ =	shalt  }
0x53: {  	_ =	shalt  }
0x54: {  	_ =	shalt  }
0x55: {  	_ =	shalt  }
0x56: {  	_ =	shalt  }
0x57: {  	_ =	shalt  }
0x58: {  	_ =	shalt  }
0x59: {  	_ =	shalt  }
0x5a: {  	_ =	shalt  }
0x5b: {  	_ =	shalt  }
0x5c: {  	_ =	shalt  }
0x5d: {  	_ =	shalt  }
0x5e: {  	_ =	shalt  }
0x5f: {  	_ =	shalt  }
0x60: {  	_ =	shalt  }
0x61: {  	_ =	shalt  }
0x62: {  	_ =	shalt  }
0x63: {  	_ =	shalt  }
0x64: {  	_ =	shalt  }
0x65: {  	_ =	shalt  }
0x66: {  	_ =	shalt  }
0x67: {  	_ =	shalt  }
0x68: {  	_ =	shalt  }
0x69: {  	_ =	shalt  }
0x6a: {  	_ =	shalt  }
0x6b: {  	_ =	shalt  }
0x6c: {  	_ =	shalt  }
0x6d: {  	_ =	shalt  }
0x6e: {  	_ =	shalt  }
0x6f: {  	_ =	shalt  }
0x70: {  	_ =	shalt  }
0x71: {  	_ =	shalt  }
0x72: {  	_ =	shalt  }
0x73: {  	_ =	shalt  }
0x74: {  	_ =	shalt  }
0x75: {  	_ =	shalt  }
0x76: {  	_ =	shalt  }
0x77: {  	_ =	shalt  }
0x78: {  	_ =	shalt  }
0x79: {  	_ =	shalt  }
0x7a: {  	_ =	shalt  }
0x7b: {  	_ =	shalt  }
0x7c: {  	_ =	shalt  }
0x7d: {  	_ =	shalt  }
0x7e: {  	_ =	shalt  }
0x7f: {  	_ =	shalt  }
0x80: {  	_ =	shalt  }
0x81: {  	_ =	shalt  }
0x82: {  	_ =	shalt  }
0x83: {  	_ =	shalt  }
0x84: {  	_ =	shalt  }
0x85: {  	_ =	shalt  }
0x86: {  	_ =	shalt  }
0x87: {  	_ =	shalt  }
.Lfunc_end0:
.L_simem_size_0:
called_computation_lowered:
.L_overlay_start_0:
0x88: {  	s2 =	sld [smem:$0x3FD9]  }
0x89: {  	s3 =	sld [smem:$0x3FFE];
	_ =	sdelay $0x1  }
0x8a: {  	s1 =	srdreg.scid  }
0x8b: {  	s0 =	sand.u32 $0x1, s1  }
0x8c: {  	s16 =	sshll.u32 s0, $0xA;
	s2 =	sadd.s32 s3, s2  }
0x8d: {  	s2 =	sadd.s32 s2, s16  }
0x8e: {  	[smem:$0x3FC5] =	sst s2  }
0x8f: {  	_ = 	snop  }
0x90: {  	(tm) =	ssettm $0x1  }
0x91: {  	s17 =	sld [smem:$0x3FFB];
	_ =	sdelay $0x3  }
0x92: {  	_ =	strace s17  }
0x93: {  	s2 =	sld [smem:$0x3FFC];
	_ =	sdelay $0x3  }
0x94: {  	_ =	strace s2  }
0x95: {  	s2 =	sld [smem:$0x3FFD];
	_ =	sdelay $0x3  }
0x96: {  	_ =	strace s2  }
0x97: {  	_ =	strace $0x8FFFFFFF  }
0x98: {  	s18 =	sld [smem:$0x3FDB];
	_ =	sdelay $0x1  }
0x99: {  	s19 =	simm.s32 $_scs_section_size  }
0x9a: {  	s4 =	simm.s32 $_size__tile_overlayer_lowered;
	s5 =	simm.s32 $_tile_overlayer_lowered  }
0x9b: {  	s22 =	simm.s32 $0x1BFF;
	s21 =	sshll.u32 s5, $0x1;
	s2 =	sadd.s32 s19, s18  }
0x9c: {  	s6 =	simm.s32 $0x0;
	s20 =	sshll.u32 s4, $0x1;
	s4 =	sadd.s32 s21, s2  }
0x9d: {  	[timem:s6], [sflag:s22] =	dma.local [hbm:s4], s20  }
0x9e: {  	_ =	swait.ge [sflag:s22], s20  }
0x9f: {  	s3 =	ssub.s32 $0x0, s20;
	[sflag:s22] =	ssyncset.done $0x0  }
0xa0: {  	[sflag:s22] =	ssyncadd.s32 s3;
	_ =	sdelay $0x1  }
0xa1: {  	s23 =	simm.s32 $0x1B8B  }
0xa2: {  	_ =	swait.ge [sflag:s23], $0x1  }
0xa3: {  	[sflag:s23] =	ssyncset.done $0x0  }
0xa4: {  	s25 =	simm.s32 $0x1B8E;
	s24 =	sld [smem:$0x3FFE];
	[sflag:s23] =	ssyncadd.s32 $0xFFFFFFFF  }
0xa5: {  	s26 =	simm.s32 $execute0_lowered;
	[smem:$0x3FD2] =	sst s25  }
0xa6: {  	s4 =	sshll.u32 s26, $0x1;
	_ =	strace $0x80000046;
	[dreg:$0x1] =	wrdreg $0xFFFFFFFF  }
0xa7: {  	s28 =	simm.s32 $_size_execute0_lowered;
	s2 =	sadd.s32 s2, s4;
	[dreg:$0x0] =	wrdreg $0x0  }
0xa8: {  	s4 =	sshll.u32 s28, $0x1;
	[dreg:$0x2] =	wrdreg s2  }
0xa9: {  	[dreg:$0x3] =	wrdreg s4  }
0xaa: {  	[dreg:$0x4] =	wrdreg $0xC0  }
0xab: {  	_ =	task [dreg:s6], $0x5FFFF  }
0xac: {  	[dreg:$0x1] =	wrdreg $0xFFFFFFFF  }
0xad: {  	[dreg:$0x0] =	wrdreg $0x60  }
0xae: {  	[dreg:$0x2] =	wrdreg s24  }
0xaf: {  	[dreg:$0x3] =	wrdreg $0xA0000  }
0xb0: {  	[dreg:$0x4] =	wrdreg $0xA0400  }
0xb1: {  	[dreg:$0x5] =	wrdreg $0xA0800  }
0xb2: {  	[dreg:$0x6] =	wrdreg $0x9  }
0xb3: {  	_ =	task.clear_ibuf [dreg:s6], $0x7FFFF;
	_ =	strace $0x90000046  }
0xb4: {  	s29 =	simm.s32 $0x9;
	_ =	strace $0x80000048  }
0xb5: {  	_ =	swait.ge [sflag:s29], $0x1  }
0xb6: {  	[sflag:s29] =	ssyncadd.s32 $0xFFFFFFFF  }
0xb7: {  	_ =	strace $0x90000048  }
0xb8: {  	_ =	sfence  }
0xb9: {  	s30 =	sld [smem:$0x0];
	_ =	sdelay $0x2  }
0xba: {  	s31 =	sshll.u32 s1, $0xD;
	s1 =	sshrl.u32 s1, $0x2  }
0xbb: {  	s3 =	sand.u32 $0x4000, s31;
	s1 =	sadd.s32 s1, s30  }
0xbc: {  	s0 =	sor.u32 s3, s0;
	s1 =	sshll.u32 s1, $0x11  }
0xbd: {  	s0 =	sor.u32 s1, s0  }
0xbe: {  	s0 =	sadd.s32 $0x8F2B, s0  }
0xbf: {  	[sflag:s0] =	ssyncadd.remote.s32 $0x1  }
0xc0: {  	_ =	sfence.sel $0xFFFF  }
0xc1: {  	[dreg:$0x0] =	wrdreg $0xFFFFFFFF;
	(pc) =	sbr.abs _section_cstart, $3  }
0xc2: {  	[dreg:$0x1] =	wrdreg $0xFFFFFFFF  }
0xc3: {  	_ =	task.clear_ibuf [dreg:s6], $0x2FFFF;
	_ =	strace $0x9FFFFFFF  }
0xc4: {  	(tm) =	ssettm $0x7FFFFFFF  }
0xc5: {  	_ =	shalt  }
tec
execute0_lowered:
.L_overlay_start_1:
0x0: {  	(tag) =	ssettag $0x1  }
0x1: {  	s0 =	rddreg [dreg:$0x0]  }
0x2: {  	s1 =	srdreg.scid;
	s11 =	rddreg [dreg:$0x1]  }
0x3: {  	s4 =	stileid.u32;
	s12 =	rddreg [dreg:$0x2]  }
0x4: {  	s5 =	simm.s32 $0x0;
	s26 =	rddreg [dreg:$0x3];
	s1 =	sand.u32 $0x1, s1  }
0x5: {  	s3 =	smul.u32 $0x500, s4;
	[smem:$0x7FF] =	sst s5;
	s5 =	sadd.s32 $0x400, s0  }
0x6: {  	s7 =	sadd.s32 $0x6600, s0;
	p1 =	seq.s32 s4, $0xF;
	s2 =	smul.u32 $0x30, s1  }
0x7: {  	p0 =	sne.s32 s4, $0x0;
	s6 =	smul.u32 $0x186A0, s1;
	s8 =	ssub.s32 $0x2, s1  }
0x8: {  	s4 =	sshll.u32 s4, $0x6;
	s1 =	sshll.u32 s1, $0x4;
	s9 =	sshrl.u32 s8, $0x1  }
0x9: {  	s2 =	sadd.s32 s2, s0;
	s10 =	sadd.s32 s3, s6;
	s0 =	sadd.s32 s1, s0  }
0xa: {  	s1 =	ssub.s32 s8, s9;
	s6 =	sshrl.u32 s6, $0x3;
	s28 =	sshrl.u32 s10, $0x3  }
0xb: {  	s19 =	sadd.s32 $0x960, s6;
	s21 =	sadd.s32 $0x1324, s6;
	s23 =	sadd.s32 $0x1CE8, s6  }
0xc: {  	s25 =	sadd.s32 $0x26AC, s6;
	s6 =	sadd.s32 $0x3070, s6;
	s29 =	sadd.s32 s7, s28  }
0xd: {  	s2 =	sadd.s32 $0xC800, s2;
	s30 =	sadd.s32 s5, s28;
	[dreg:$0x5] =	wrdreg s29  }
0xe: {  	s31 =	sadd.s32 $0x9C4, s28;
	s20 =	sadd.s32 s7, s19;
	[dreg:$0x6] =	wrdreg s30  }
0xf: {  	s14 =	sadd.s32 $0x1388, s28;
	s22 =	sadd.s32 s7, s21;
	[dreg:$0xf] =	wrdreg s20  }
0x10: {  	s16 =	sadd.s32 $0x1D4C, s28;
	s24 =	sadd.s32 s7, s23;
	[dreg:$0x11] =	wrdreg s22  }
0x11: {  	s8 =	sadd.s32 $0x2710, s28;
	s28 =	sadd.s32 s7, s25;
	[dreg:$0x13] =	wrdreg s24  }
0x12: {  	s0 =	sadd.s32 $0xCA00, s0;
	s13 =	sadd.s32 s7, s31;
	[dreg:$0x15] =	wrdreg s28  }
0x13: {  	s10 =	simm.s32 $0x9200;
	s9 =	sadd.s32 s5, s31;
	[dreg:$0x7] =	wrdreg s13  }
0x14: {  	s15 =	sadd.s32 s7, s14;
	s17 =	sadd.s32 s7, s16;
	[dreg:$0x8] =	wrdreg s9  }
0x15: {  	s18 =	sadd.s32 s7, s8;
	s8 =	sadd.s32 s5, s8;
	[dreg:$0x9] =	wrdreg s15  }
0x16: {  	s7 =	sadd.s32 s7, s6;
	s29 =	sadd.s32 s4, s11;
	[dreg:$0xb] =	wrdreg s17  }
0x17: {  	s30 =	sshrl.u32 s4, $0x2;
	s4 =	sadd.s32 s4, s12;
	[dreg:$0xd] =	wrdreg s18  }
0x18: {  	s31 =	smax.u32 s1, $0x1;
	s1 =	simm.s32 $0x8E80;
	[dreg:$0xe] =	wrdreg s8  }
0x19: {  	s11 =	simm.s32 $0x9280;
	s9 =	sadd.s32 s5, s14;
	[dreg:$0x17] =	wrdreg s7  }
0x1a: {  	s12 =	simm.s32 $0x9580;
	s8 =	sadd.s32 s5, s21;
	[dreg:$0xa] =	wrdreg s9  }
0x1b: {  	s20 =	simm.s32 $0x9500;
	s9 =	sadd.s32 s5, s16;
	[dreg:$0x12] =	wrdreg s8  }
0x1c: {  	s22 =	simm.s32 $0x0;
	s8 =	sadd.s32 s5, s25;
	[dreg:$0xc] =	wrdreg s9  }
0x1d: {  	s21 =	simm.s32 $0x8D80;
	s9 =	sadd.s32 s5, s19;
	[dreg:$0x16] =	wrdreg s8  }
0x1e: {  	s7 =	simm.s32 $0x9080;
	[dreg:$0x10] =	wrdreg s9;
	s9 =	sadd.s32 s5, s23  }
0x1f: {  	s13 =	simm.s32 $0x9600;
	s5 =	sadd.s32 s5, s6;
	[dreg:$0x14] =	wrdreg s9  }
0x20: {  	s15 =	simm.s32 $0x9300;
	s17 =	simm.s32 $0x9400;
	[dreg:$0x18] =	wrdreg s5  }
0x21: {  	s18 =	simm.s32 $0x9480;
	_ =	strace $0x80000047;
	[dreg:$0x19] =	wrdreg s2  }
.Ltmp0:
0x22: {  	s16 =	simm.s32 $0x9380;
	[dreg:$0x1a] =	wrdreg s29;
	(pc) =	sbr.rel .LBB2_1-.Ltmp0, $4  }
0x23: {  	s8 =	simm.s32 $0x9100;
	s23 =	simm.s32 $0x1;
	[dreg:$0x1b] =	wrdreg s4  }
0x24: {  	v1 =	vlaneseq.u32;
	v2 =	vimm.f32 $0.0e+00;
	v3 =	vimm.s32 $0x0;
	s6 =	simm.s32 $0x9000;
	s5 =	simm.s32 $0x8F80;
	[dreg:$0x1d] =	wrdreg s0  }
0x25: {  	v4 =	vimm.f32 $1.000000000e+00;
	vm0 =	vcmask $0x704;
	vm1 =	vcmask $0x3F04;
	s9 =	simm.s32 $0x9180;
	s2 =	sadd.s32 s30, s26;
	[dreg:$0x1e] =	wrdreg s31  }
0x26: {  	v5 =	vimm.s32 $0x1;
	v0 =	vmov s3;
	v1 =	vor.u32 s3, v1;
	s0 =	simm.s32 $0x8E00;
	s4 =	simm.s32 $0x8F00;
	[dreg:$0x1c] =	wrdreg s2  }
.LBB2_11:
0x27: {  	s22 =	sadd.s32 $0x1, s22;
	s2 =	rddreg [dreg:$0x1e]  }
0x28: {  	p2 =	sne.s32 s22, s2  }
.Ltmp1:
0x29: {  	_ = 	snop;
	(pc) =	sbr.rel @!p2 .LBB2_12-.Ltmp1, $1  }
0x2a: {  	_ =	sdelay $0x3  }
.LBB2_1:
0x2b: {  	[dreg:$0x1f] =	wrdreg s22  }
0x2c: {  	s2 =	simm.s32 @p1 $0x0;
	s14 =	rddreg [dreg:$0xf];
	s19 =	simm.s32 @p1 $0x1  }
0x2d: {  	[tilespmem:s2], [sflag:$0x1] =	stream.linear.gather @p1 [hbm4b:s14+s2], $0x320, $0x38;
	[tilespmem:$0xA090] =	vst v63  }
0x2e: {  	_ =	swait.ge @p1 [sflag:s19], $0x320  }
0x2f: {  	[sflag:s19] =	ssyncset.done @p1 $0x0  }
0x30: {  	s22 =	simm.s32 @p1 $0x1900;
	s14 =	rddreg [dreg:$0x10];
	[sflag:s19] =	ssyncadd.s32 @p1 $0xFFFFFCE0  }
0x31: {  	[tilespmem:s22], [sflag:$0x1] =	stream.linear.gather @p1 [hbm4b:s14+s2], $0x320, $0x38;
	[tilespmem:$0xA090] =	vst v63  }
0x32: {  	_ =	swait.ge @p1 [sflag:s19], $0x320  }
0x33: {  	[sflag:s19] =	ssyncset.done @p1 $0x0  }
0x34: {  	s22 =	simm.s32 @p1 $0x500;
	s14 =	rddreg [dreg:$0x11];
	[sflag:s19] =	ssyncadd.s32 @p1 $0xFFFFFCE0  }
0x35: {  	[tilespmem:s22], [sflag:$0x1] =	stream.linear.gather @p1 [hbm4b:s14+s2], $0x320, $0x38;
	[tilespmem:$0xA090] =	vst v63  }
0x36: {  	_ =	swait.ge @p1 [sflag:s19], $0x320  }
0x37: {  	[sflag:s19] =	ssyncset.done @p1 $0x0  }
0x38: {  	s22 =	simm.s32 @p1 $0x1E00;
	s14 =	rddreg [dreg:$0x12];
	[sflag:s19] =	ssyncadd.s32 @p1 $0xFFFFFCE0  }
0x39: {  	[tilespmem:s22], [sflag:$0x1] =	stream.linear.gather @p1 [hbm4b:s14+s2], $0x320, $0x38;
	[tilespmem:$0xA090] =	vst v63  }
0x3a: {  	_ =	swait.ge @p1 [sflag:s19], $0x320  }
0x3b: {  	[sflag:s19] =	ssyncset.done @p1 $0x0  }
0x3c: {  	s22 =	simm.s32 @p1 $0xA00;
	s14 =	rddreg [dreg:$0x13];
	[sflag:s19] =	ssyncadd.s32 @p1 $0xFFFFFCE0  }
0x3d: {  	[tilespmem:s22], [sflag:$0x1] =	stream.linear.gather @p1 [hbm4b:s14+s2], $0x320, $0x38;
	[tilespmem:$0xA090] =	vst v63  }
0x3e: {  	_ =	swait.ge @p1 [sflag:s19], $0x320  }
0x3f: {  	[sflag:s19] =	ssyncset.done @p1 $0x0  }
0x40: {  	s22 =	simm.s32 @p1 $0x2300;
	s14 =	rddreg [dreg:$0x14];
	[sflag:s19] =	ssyncadd.s32 @p1 $0xFFFFFCE0  }
0x41: {  	[tilespmem:s22], [sflag:$0x1] =	stream.linear.gather @p1 [hbm4b:s14+s2], $0x320, $0x38;
	[tilespmem:$0xA090] =	vst v63  }
0x42: {  	_ =	swait.ge @p1 [sflag:s19], $0x320  }
0x43: {  	[sflag:s19] =	ssyncset.done @p1 $0x0  }
0x44: {  	s22 =	simm.s32 @p1 $0xF00;
	s14 =	rddreg [dreg:$0x15];
	[sflag:s19] =	ssyncadd.s32 @p1 $0xFFFFFCE0  }
0x45: {  	[tilespmem:s22], [sflag:$0x1] =	stream.linear.gather @p1 [hbm4b:s14+s2], $0x320, $0x38;
	[tilespmem:$0xA090] =	vst v63  }
0x46: {  	_ =	swait.ge @p1 [sflag:s19], $0x320  }
0x47: {  	[sflag:s19] =	ssyncset.done @p1 $0x0  }
0x48: {  	s22 =	simm.s32 @p1 $0x2800;
	s14 =	rddreg [dreg:$0x16];
	[sflag:s19] =	ssyncadd.s32 @p1 $0xFFFFFCE0  }
0x49: {  	[tilespmem:s22], [sflag:$0x1] =	stream.linear.gather @p1 [hbm4b:s14+s2], $0x320, $0x38;
	[tilespmem:$0xA090] =	vst v63  }
0x4a: {  	_ =	swait.ge @p1 [sflag:s19], $0x320  }
0x4b: {  	[sflag:s19] =	ssyncset.done @p1 $0x0  }
0x4c: {  	s22 =	simm.s32 @p1 $0x1400;
	s14 =	rddreg [dreg:$0x17];
	[sflag:s19] =	ssyncadd.s32 @p1 $0xFFFFFCE0  }
0x4d: {  	[tilespmem:s22], [sflag:$0x1] =	stream.linear.gather @p1 [hbm4b:s14+s2], $0x320, $0x38;
	[tilespmem:$0xA090] =	vst v63  }
0x4e: {  	_ =	swait.ge @p1 [sflag:s19], $0x320  }
0x4f: {  	[sflag:s19] =	ssyncset.done @p1 $0x0  }
0x50: {  	s22 =	simm.s32 @p1 $0x2D00;
	s14 =	rddreg [dreg:$0x18];
	[sflag:s19] =	ssyncadd.s32 @p1 $0xFFFFFCE0  }
0x51: {  	[tilespmem:s22], [sflag:$0x1] =	stream.linear.gather @p1 [hbm4b:s14+s2], $0x320, $0x38;
	[tilespmem:$0xA090] =	vst v63  }
0x52: {  	_ =	swait.ge @p1 [sflag:s19], $0x320  }
0x53: {  	s2 =	simm.s32 @!p1 $0x0;
	[sflag:s19] =	ssyncset.done @p1 $0x0  }
0x54: {  	s14 =	rddreg [dreg:$0x5];
	[sflag:s19] =	ssyncadd.s32 @p1 $0xFFFFFCE0;
	s19 =	simm.s32 @!p1 $0x1  }
0x55: {  	[tilespmem:s2], [sflag:$0x1] =	stream.linear.gather @!p1 [hbm4b:s14+s2], $0x500, $0x38;
	[tilespmem:$0xA090] =	vst v63  }
0x56: {  	_ =	swait.ge @!p1 [sflag:s19], $0x500  }
0x57: {  	[sflag:s19] =	ssyncset.done @!p1 $0x0  }
0x58: {  	s22 =	simm.s32 @!p1 $0x1900;
	s14 =	rddreg [dreg:$0x6];
	[sflag:s19] =	ssyncadd.s32 @!p1 $0xFFFFFB00  }
0x59: {  	[tilespmem:s22], [sflag:$0x1] =	stream.linear.gather @!p1 [hbm4b:s14+s2], $0x500, $0x38;
	[tilespmem:$0xA090] =	vst v63  }
0x5a: {  	_ =	swait.ge @!p1 [sflag:s19], $0x500  }
0x5b: {  	[sflag:s19] =	ssyncset.done @!p1 $0x0  }
0x5c: {  	s22 =	simm.s32 @!p1 $0x500;
	s14 =	rddreg [dreg:$0x7];
	[sflag:s19] =	ssyncadd.s32 @!p1 $0xFFFFFB00  }
0x5d: {  	[tilespmem:s22], [sflag:$0x1] =	stream.linear.gather @!p1 [hbm4b:s14+s2], $0x500, $0x38;
	[tilespmem:$0xA090] =	vst v63  }
0x5e: {  	_ =	swait.ge @!p1 [sflag:s19], $0x500  }
0x5f: {  	[sflag:s19] =	ssyncset.done @!p1 $0x0  }
0x60: {  	s22 =	simm.s32 @!p1 $0x1E00;
	s14 =	rddreg [dreg:$0x8];
	[sflag:s19] =	ssyncadd.s32 @!p1 $0xFFFFFB00  }
0x61: {  	[tilespmem:s22], [sflag:$0x1] =	stream.linear.gather @!p1 [hbm4b:s14+s2], $0x500, $0x38;
	[tilespmem:$0xA090] =	vst v63  }
0x62: {  	_ =	swait.ge @!p1 [sflag:s19], $0x500  }
0x63: {  	[sflag:s19] =	ssyncset.done @!p1 $0x0  }
0x64: {  	s22 =	simm.s32 @!p1 $0xA00;
	s14 =	rddreg [dreg:$0x9];
	[sflag:s19] =	ssyncadd.s32 @!p1 $0xFFFFFB00  }
0x65: {  	[tilespmem:s22], [sflag:$0x1] =	stream.linear.gather @!p1 [hbm4b:s14+s2], $0x500, $0x38;
	[tilespmem:$0xA090] =	vst v63  }
0x66: {  	_ =	swait.ge @!p1 [sflag:s19], $0x500  }
0x67: {  	[sflag:s19] =	ssyncset.done @!p1 $0x0  }
0x68: {  	s22 =	simm.s32 @!p1 $0x2300;
	s14 =	rddreg [dreg:$0xa];
	[sflag:s19] =	ssyncadd.s32 @!p1 $0xFFFFFB00  }
0x69: {  	[tilespmem:s22], [sflag:$0x1] =	stream.linear.gather @!p1 [hbm4b:s14+s2], $0x500, $0x38;
	[tilespmem:$0xA090] =	vst v63  }
0x6a: {  	_ =	swait.ge @!p1 [sflag:s19], $0x500  }
0x6b: {  	[sflag:s19] =	ssyncset.done @!p1 $0x0  }
0x6c: {  	s22 =	simm.s32 @!p1 $0xF00;
	s14 =	rddreg [dreg:$0xb];
	[sflag:s19] =	ssyncadd.s32 @!p1 $0xFFFFFB00  }
0x6d: {  	[tilespmem:s22], [sflag:$0x1] =	stream.linear.gather @!p1 [hbm4b:s14+s2], $0x500, $0x38;
	[tilespmem:$0xA090] =	vst v63  }
0x6e: {  	_ =	swait.ge @!p1 [sflag:s19], $0x500  }
0x6f: {  	[sflag:s19] =	ssyncset.done @!p1 $0x0  }
0x70: {  	s22 =	simm.s32 @!p1 $0x2800;
	s14 =	rddreg [dreg:$0xc];
	[sflag:s19] =	ssyncadd.s32 @!p1 $0xFFFFFB00  }
0x71: {  	[tilespmem:s22], [sflag:$0x1] =	stream.linear.gather @!p1 [hbm4b:s14+s2], $0x500, $0x38;
	[tilespmem:$0xA090] =	vst v63  }
0x72: {  	_ =	swait.ge @!p1 [sflag:s19], $0x500  }
0x73: {  	[sflag:s19] =	ssyncset.done @!p1 $0x0  }
0x74: {  	s22 =	simm.s32 @!p1 $0x1400;
	s14 =	rddreg [dreg:$0xd];
	[sflag:s19] =	ssyncadd.s32 @!p1 $0xFFFFFB00  }
0x75: {  	[tilespmem:s22], [sflag:$0x1] =	stream.linear.gather @!p1 [hbm4b:s14+s2], $0x500, $0x38;
	[tilespmem:$0xA090] =	vst v63  }
0x76: {  	_ =	swait.ge @!p1 [sflag:s19], $0x500  }
0x77: {  	[sflag:s19] =	ssyncset.done @!p1 $0x0  }
0x78: {  	s22 =	simm.s32 @!p1 $0x2D00;
	s14 =	rddreg [dreg:$0xe];
	[sflag:s19] =	ssyncadd.s32 @!p1 $0xFFFFFB00  }
0x79: {  	[tilespmem:s22], [sflag:$0x1] =	stream.linear.gather @!p1 [hbm4b:s14+s2], $0x500, $0x38;
	[tilespmem:$0xA090] =	vst v63  }
0x7a: {  	_ =	swait.ge @!p1 [sflag:s19], $0x500  }
0x7b: {  	s24 =	simm.s32 $0x0;
	[sflag:s19] =	ssyncset.done @!p1 $0x0  }
0x7c: {  	s30 =	simm.s32 $0x3200;
	s26 =	rddreg [dreg:$0x19];
	[sflag:s19] =	ssyncadd.s32 @!p1 $0xFFFFFB00  }
0x7d: {  	[tilespmem:s30], [sflag:$0x1] =	stream.linear.gather [hbm4b:s26+s24], $0x180, $0x38;
	[tilespmem:$0xA090] =	vst v63  }
0x7e: {  	_ =	swait.ge [sflag:s23], $0x180  }
0x7f: {  	[sflag:s23] =	ssyncset.done $0x0  }
0x80: {  	[sflag:s23] =	ssyncadd.s32 $0xFFFFFE80  }
0x81: {  	v9 =	vld [tilespmem:$0x3280]  }
0x82: {  	v6 =	vld [tilespmem:$0x3300]  }
0x83: {  	v42 =	vld [tilespmem:$0x3340]  }
0x84: {  	v54 =	vld [tilespmem:$0x3310]  }
0x85: {  	v30 =	vld [tilespmem:$0x3290]  }
0x86: {  	v60 =	vld [tilespmem:$0x32D0];
	_ =	sdelay $0x2  }
0x87: {  	v10 =	vmax.f32 v9, $1.000000000e+00;
	v8 =	vmul.f32 $1.745329240e-02, v6  }
0x88: {  	vm2 =	vlt.f32 v42, $-1.000000000e+00;
	vm5 =	vgt.f32 v42, $-1.000000000e+00;
	v55 =	vmul.f32 $1.745329240e-02, v54  }
0x89: {  	v35 =	vmax.f32 v30, $1.000000000e+00;
	v63 =	vmax.f32 v60, $1.000000000e+00;
	v6 =	vand.u32 $0x7FFFFF, v10  }
0x8a: {  	vm2 =	vmor vm5, vm2;
	v6 =	vor.u32 $0x3F800000, v6;
	v7 =	vmul.f32 v8, v8  }
0x8b: {  	v10 =	vshrl.u32 v10, $0x17;
	v57 =	vand.u32 $0x7FFFFF, v35;
	v11 =	vmul.f32 $5.000000000e-01, v6  }
0x8c: {  	v31 =	vmul.f32 v55, v55;
	vm4 =	vgt.f32 v6, $1.414213540e+00;
	v12 =	vmul.f32 $2.755731880e-06, v7  }
0x8d: {  	v58 =	vor.u32 $0x3F800000, v57;
	v14 =	vmul.f32 $2.480158760e-05, v7;
	v6 =	vsel vm4, v11, v6;
	v11 =	vld [tilespmem:$0x32C0]  }
0x8e: {  	v35 =	vshrl.u32 v35, $0x17;
	v33 =	vmul.f32 $5.000000000e-01, v58;
	v12 =	vadd.f32 $-1.984127010e-04, v12  }
0x8f: {  	v32 =	vmul.f32 $2.755731880e-06, v31;
	v13 =	vadd.f32 $1.000000000e+00, v6;
	v40 =	vadd.f32 $-1.388888920e-03, v14  }
0x90: {  	vm9 =	vgt.f32 v58, $1.414213540e+00;
	v59 =	vmul.f32 $2.480158760e-05, v31;
	v12 =	vmul.f32 v12, v7  }
0x91: {  	v29 =	vsel vm4, $0x1, v3;
	(erf) = vrcp.f32 v13;
	v13 =	vmul.f32 v40, v7  }
0x92: {  	v34 =	vsel vm9, v33, v58;
	v12 =	vadd.f32 $8.333333770e-03, v12;
	v22 =	vmax.f32 v11, $1.000000000e+00  }
0x93: {  	v16 =	vadd.f32 $-1.000000000e+00, v6;
	v13 =	vadd.f32 $4.166666790e-02, v13;
	v41 =	vand.u32 $0x7FFFFF, v22  }
0x94: {  	v32 =	vadd.f32 $-1.984127010e-04, v32;
	v12 =	vmul.f32 v12, v7;
	v14 =	vor.u32 $0x3F800000, v41  }
0x95: {  	v33 =	vadd.f32 $1.000000000e+00, v34;
	v13 =	vmul.f32 v13, v7;
	v15 =	vmul.f32 $5.000000000e-01, v14  }
0x96: {  	v32 =	vmul.f32 v32, v31;
	vm3 =	vgt.f32 v14, $1.414213540e+00;
	v12 =	vadd.f32 $-1.666666720e-01, v12  }
0x97: {  	v22 =	vshrl.u32 v22, $0x17;
	v13 =	vadd.f32 $-5.000000000e-01, v13;
	v14 =	vsel vm3, v15, v14  }
0x98: {  	v6 =	vld [tilespmem:$0x3200];
	v62 =	vsel vm3, $0x1, v3;
	v12 =	vmul.f32 v12, v7;
	v18 =	vadd.f32 $1.000000000e+00, v14  }
0x99: {  	v43 =	vmax.f32 v9, v11;
	v22 =	vadd.s32 v62, v22;
	v13 =	vmul.f32 v13, v7  }
0x9a: {  	v22 =	vadd.s32 $0xFFFFFF81, v22;
	v17 =	vpop (erf);
	v12 =	vadd.f32 $1.000000000e+00, v12;
	(erf) = vrcp.f32 v18  }
0x9b: {  	v7 =	vld [tilespmem:$0x3240];
	v19 =	vmul.f32 v17, v16;
	v16 =	vmul.f32 $5.000000000e-01, v43;
	v23 =	vadd.f32 $1.000000000e+00, v13  }
0x9c: {  	v36 =	vadd.f32 $-1.388888920e-03, v59;
	v22 =	vcvt.s32.f32 v22;
	v8 =	vmul.f32 v12, v8  }
0x9d: {  	v20 =	vmul.f32 v19, v19;
	v12 =	vsub.f32 v6, v16;
	v45 =	vand.u32 $0x7FFFFFFF, v23  }
0x9e: {  	v13 =	vadd.f32 v16, v6;
	v21 =	vmul.f32 v45, v9;
	v46 =	vand.u32 $0x7FFFFFFF, v8  }
0x9f: {  	v19 =	vadd.f32 v19, v19;
	v44 =	vmul.f32 $1.111111120e-01, v20;
	v24 =	vmul.f32 v46, v11  }
0xa0: {  	v15 =	vsub.f32 v7, v16;
	v9 =	vmul.f32 v46, v9;
	v11 =	vmul.f32 v45, v11  }
0xa1: {  	v61 =	vmul.f32 v36, v31;
	v16 =	vadd.f32 v16, v7;
	v25 =	vadd.f32 $1.428571490e-01, v44  }
0xa2: {  	v22 =	vmul.f32 $6.931471820e-01, v22;
	v9 =	vadd.f32 v9, v11;
	v11 =	vadd.f32 $-1.000000000e+00, v14  }
0xa3: {  	(erf) = vrcp.f32 v23;
	v52 =	vsub.f32 v13, v12;
	v48 =	vmul.f32 v25, v20;
	v51 =	vpop (erf)  }
0xa4: {  	v26 =	vsub.f32 v16, v15;
	v45 =	vand.u32 $0x7FFFFF, v63;
	v53 =	vmul.f32 v51, v11  }
0xa5: {  	v63 =	vshrl.u32 v63, $0x17;
	v9 =	vmul.f32 $5.000000000e-01, v9;
	v50 =	vadd.f32 $2.000000030e-01, v48  }
0xa6: {  	v46 =	vor.u32 $0x3F800000, v45;
	v47 =	vadd.f32 v24, v21;
	v28 =	vmul.f32 v53, v53  }
0xa7: {  	v24 =	vadd.f32 $4.166666790e-02, v61;
	v17 =	vsub.f32 v7, v9;
	v27 =	vmul.f32 v50, v20  }
0xa8: {  	v14 =	vadd.f32 v9, v7;
	v9 =	vadd.s32 v29, v10;
	v10 =	vmul.f32 $1.111111120e-01, v28  }
0xa9: {  	vm6 =	vgt.f32 v46, $1.414213540e+00;
	v49 =	vmul.f32 $5.000000000e-01, v47;
	v27 =	vadd.f32 $3.333333430e-01, v27  }
0xaa: {  	(erf) = vrcp.f32 v33;
	v24 =	vmul.f32 v24, v31;
	v10 =	vadd.f32 $1.428571490e-01, v10  }
0xab: {  	v48 =	vadd.f32 $-1.000000000e+00, v34;
	v18 =	vsub.f32 v6, v49;
	v20 =	vmul.f32 v27, v20  }
0xac: {  	v11 =	vadd.f32 v49, v6;
	v9 =	vadd.s32 $0xFFFFFF81, v9;
	v10 =	vmul.f32 v10, v28  }
0xad: {  	v47 =	vld [tilespmem:$0x3350];
	v33 =	vpop (erf);
	v24 =	vadd.f32 $-5.000000000e-01, v24;
	v9 =	vcvt.s32.f32 v9;
	v56 =	vadd.f32 $1.000000000e+00, v20  }
0xae: {  	v25 =	vadd.f32 v53, v53;
	v8 =	vmul.f32 v33, v8;
	v10 =	vadd.f32 $2.000000030e-01, v10  }
0xaf: {  	v50 =	vmax.f32 v30, v60;
	v9 =	vmul.f32 $6.931471820e-01, v9;
	v19 =	vmul.f32 v56, v19  }
0xb0: {  	v21 =	vsub.f32 v14, v17;
	v24 =	vmul.f32 v24, v31;
	v10 =	vmul.f32 v10, v28  }
0xb1: {  	v51 =	vmul.f32 $5.000000000e-01, v50;
	v19 =	vadd.f32 v19, v9;
	v9 =	vadd.f32 $8.333333770e-03, v32  }
0xb2: {  	vm3 =	vlt.f32 v47, $-1.000000000e+00;
	vm10 =	vgt.f32 v47, $-1.000000000e+00;
	v10 =	vadd.f32 $3.333333430e-01, v10  }
0xb3: {  	v47 =	vsel vm9, $0x1, v3;
	v24 =	vadd.f32 $1.000000000e+00, v24;
	v37 =	vpop (erf);
	v9 =	vmul.f32 v9, v31  }
0xb4: {  	v35 =	vadd.s32 v47, v35;
	v37 =	vmul.f32 v37, v48;
	v10 =	vmul.f32 v10, v28  }
0xb5: {  	v27 =	vmul.f32 v26, v52;
	v26 =	vmul.f32 $5.000000000e-01, v46;
	v9 =	vadd.f32 $-1.666666720e-01, v9  }
0xb6: {  	v35 =	vadd.s32 $0xFFFFFF81, v35;
	v40 =	vmul.f32 v37, v37;
	v10 =	vadd.f32 $1.000000000e+00, v10  }
0xb7: {  	v52 =	vand.u32 $0x7FFFFFFF, v24;
	v39 =	vsel vm6, v26, v46;
	v9 =	vmul.f32 v9, v31  }
0xb8: {  	v38 =	vmul.f32 $1.111111120e-01, v40;
	v10 =	vmul.f32 v10, v25;
	v25 =	vadd.f32 $1.000000000e+00, v39  }
0xb9: {  	v35 =	vcvt.s32.f32 v35;
	v20 =	vsub.f32 v11, v18;
	v49 =	vadd.f32 $1.000000000e+00, v9  }
0xba: {  	v41 =	vmul.f32 v52, v30;
	v53 =	vadd.f32 $1.428571490e-01, v38;
	v9 =	vld [tilespmem:$0x3210];
	(erf) = vrcp.f32 v25  }
0xbb: {  	v23 =	vmul.f32 v52, v60;
	v29 =	vmul.f32 v49, v55;
	v31 =	vadd.f32 v10, v22;
	v10 =	vld [tilespmem:$0x3250]  }
0xbc: {  	vm3 =	vmor vm10, vm3;
	v35 =	vmul.f32 $6.931471820e-01, v35;
	v54 =	vmul.f32 v53, v40  }
0xbd: {  	[tilespmem:$0x9100] =	vst v11;
	v11 =	vmul.f32 v21, v20;
	v37 =	vadd.f32 v37, v37;
	v55 =	vld [tilespmem:$0x3320];
	v34 =	vand.u32 $0x7FFFFFFF, v29  }
0xbe: {  	v57 =	vadd.f32 $2.000000030e-01, v54;
	v39 =	vadd.f32 $-1.000000000e+00, v39;
	v42 =	vmul.f32 v34, v60  }
0xbf: {  	v28 =	vsub.f32 v9, v51;
	v25 =	vadd.f32 v51, v9;
	v30 =	vmul.f32 v34, v30  }
0xc0: {  	v54 =	vsel vm6, $0x1, v3;
	v41 =	vadd.f32 v42, v41;
	v34 =	vsub.f32 v10, v51  }
0xc1: {  	(erf) = vrcp.f32 v24;
	v26 =	vadd.f32 v51, v10;
	v23 =	vadd.f32 v30, v23  }
0xc2: {  	v38 =	vsub.f32 v25, v28;
	v42 =	vmul.f32 $1.745329240e-02, v55;
	v56 =	vmul.f32 $5.000000000e-01, v41  }
0xc3: {  	v43 =	vsub.f32 v26, v34;
	v23 =	vmul.f32 $5.000000000e-01, v23;
	v41 =	vmul.f32 v57, v40;
	v44 =	vpop (erf)  }
0xc4: {  	v48 =	vmul.f32 v42, v42;
	v30 =	vsub.f32 v9, v56;
	v39 =	vmul.f32 v44, v39;
	v44 =	vld [tilespmem:$0x32A0]  }
0xc5: {  	v55 =	vadd.s32 v54, v63;
	v22 =	vadd.f32 v56, v9;
	v32 =	vsub.f32 v10, v23  }
0xc6: {  	v23 =	vadd.f32 v23, v10;
	v41 =	vadd.f32 $3.333333430e-01, v41;
	v50 =	vmul.f32 $2.480158760e-05, v48  }
0xc7: {  	v59 =	vmul.f32 $2.755731880e-06, v48;
	v38 =	vmul.f32 v43, v38;
	v45 =	vsub.f32 v22, v30  }
0xc8: {  	v40 =	vmul.f32 v41, v40;
	v50 =	vadd.f32 $-1.388888920e-03, v50;
	v46 =	vmul.f32 v39, v39  }
0xc9: {  	v47 =	vadd.f32 $-1.984127010e-04, v59;
	v39 =	vadd.f32 v39, v39;
	v49 =	vmax.f32 v44, $1.000000000e+00  }
0xca: {  	v50 =	vmul.f32 v50, v48;
	v58 =	vmul.f32 $1.111111120e-01, v46;
	v51 =	vand.u32 $0x7FFFFF, v49  }
0xcb: {  	v40 =	vadd.f32 $1.000000000e+00, v40;
	v47 =	vmul.f32 v47, v48;
	v61 =	vor.u32 $0x3F800000, v51  }
0xcc: {  	v52 =	vld [tilespmem:$0x32E0];
	v62 =	vadd.f32 $4.166666790e-02, v50;
	v41 =	vadd.f32 $1.428571490e-01, v58;
	v51 =	vmul.f32 $5.000000000e-01, v61  }
0xcd: {  	v37 =	vmul.f32 v40, v37;
	v47 =	vadd.f32 $8.333333770e-03, v47;
	vm11 =	vgt.f32 v61, $1.414213540e+00  }
0xce: {  	v24 =	vmul.f32 v62, v48;
	v60 =	vmul.f32 v41, v46;
	v41 =	vsel vm11, v51, v61  }
0xcf: {  	v47 =	vmul.f32 v47, v48;
	v36 =	vadd.f32 v37, v35;
	v51 =	vadd.f32 $1.000000000e+00, v41  }
0xd0: {  	v35 =	vadd.s32 $0xFFFFFF81, v55;
	v24 =	vadd.f32 $-5.000000000e-01, v24;
	v40 =	vadd.f32 $2.000000030e-01, v60  }
0xd1: {  	v37 =	vmax.f32 v52, $1.000000000e+00;
	v47 =	vadd.f32 $-1.666666720e-01, v47;
	(erf) = vrcp.f32 v51  }
0xd2: {  	v58 =	vand.u32 $0x7FFFFF, v37;
	v24 =	vmul.f32 v24, v48;
	v40 =	vmul.f32 v40, v46  }
0xd3: {  	[tilespmem:$0x9500] =	vst v8;
	v59 =	vcvt.s32.f32 v35;
	v8 =	vsel vm11, $0x1, v3;
	v57 =	vmul.f32 v47, v48  }
0xd4: {  	v47 =	vor.u32 $0x3F800000, v58;
	v48 =	vadd.f32 $1.000000000e+00, v24;
	v40 =	vadd.f32 $3.333333430e-01, v40  }
0xd5: {  	v61 =	vmul.f32 $6.931471820e-01, v59;
	v60 =	vmul.f32 $5.000000000e-01, v47;
	vm12 =	vgt.f32 v47, $1.414213540e+00  }
0xd6: {  	v62 =	vand.u32 $0x7FFFFFFF, v48;
	v56 =	vmul.f32 v40, v46;
	v40 =	vadd.f32 $1.000000000e+00, v57  }
0xd7: {  	v47 =	vsel vm12, v60, v47;
	v60 =	vsub.f32 v23, v32;
	v54 =	vmul.f32 v62, v44  }
0xd8: {  	[tilespmem:$0x9380] =	vst v7;
	v46 =	vadd.f32 $1.000000000e+00, v56;
	v35 =	vmul.f32 v40, v42;
	v56 =	vadd.f32 $1.000000000e+00, v47  }
0xd9: {  	[tilespmem:$0x8D80] =	vst v12;
	v41 =	vadd.f32 $-1.000000000e+00, v41;
	v59 =	vmul.f32 v62, v52;
	v7 =	vmul.f32 v60, v45;
	v42 =	vpop (erf)  }
0xda: {  	[tilespmem:$0x8E00] =	vst v15;
	v24 =	vld [tilespmem:$0x3220];
	v39 =	vmul.f32 v46, v39;
	v63 =	vand.u32 $0x7FFFFFFF, v35;
	v53 =	vpop (erf);
	(erf) = vrcp.f32 v56  }
0xdb: {  	v12 =	vld [tilespmem:$0x3260];
	[tilespmem:$0x8E90] =	vst v25;
	v25 =	vsel vm12, $0x1, v3;
	v57 =	vmul.f32 v63, v52;
	v41 =	vmul.f32 v53, v41  }
0xdc: {  	[tilespmem:$0x8F00] =	vst v16;
	v46 =	vld [tilespmem:$0x3360];
	v51 =	vmul.f32 v63, v44;
	v44 =	vmax.f32 v44, v52;
	v52 =	vadd.f32 $-1.000000000e+00, v47  }
0xdd: {  	[tilespmem:$0x9000] =	vst v18;
	v39 =	vadd.f32 v39, v61;
	v44 =	vmul.f32 $5.000000000e-01, v44;
	v58 =	vmul.f32 v41, v41  }
0xde: {  	[tilespmem:$0x9400] =	vst v19;
	v19 =	vmul.f32 v42, v29;
	v61 =	vadd.f32 v57, v54;
	v15 =	vadd.f32 v51, v59  }
0xdf: {  	[tilespmem:$0x8F80] =	vst v27;
	v16 =	vsub.f32 v24, v44;
	v27 =	vadd.f32 v44, v24;
	v62 =	vmul.f32 $1.111111120e-01, v58  }
0xe0: {  	[tilespmem:$0x9080] =	vst v17;
	(erf) = vrcp.f32 v48;
	v18 =	vsub.f32 v12, v44;
	v17 =	vadd.f32 v44, v12  }
0xe1: {  	[tilespmem:$0x8E80] =	vst v13;
	vm13 =	vlt.f32 v46, $-1.000000000e+00;
	v13 =	vmul.f32 $5.000000000e-01, v61;
	v40 =	vadd.f32 $1.428571490e-01, v62  }
0xe2: {  	[tilespmem:$0x9300] =	vst v6;
	v15 =	vmul.f32 $5.000000000e-01, v15;
	v57 =	vadd.f32 v41, v41;
	v63 =	vsub.f32 v27, v16  }
0xe3: {  	[tilespmem:$0x9200] =	vst v11;
	v45 =	vld [tilespmem:$0x32B0];
	v6 =	vsub.f32 v17, v18;
	v20 =	vsub.f32 v24, v13;
	v40 =	vmul.f32 v40, v58;
	v11 =	vpop (erf)  }
0xe4: {  	v21 =	vsub.f32 v12, v15;
	v13 =	vadd.f32 v13, v24;
	v33 =	vmul.f32 v11, v52;
	v11 =	vld [tilespmem:$0x3330]  }
0xe5: {  	vm7 =	vgt.f32 v46, $-1.000000000e+00;
	v15 =	vadd.f32 v15, v12;
	v51 =	vadd.f32 $2.000000030e-01, v40  }
0xe6: {  	[tilespmem:$0x9480] =	vst v31;
	v31 =	vmul.f32 v6, v63;
	v6 =	vshrl.u32 v49, $0x17;
	v29 =	vmul.f32 v33, v33  }
0xe7: {  	[tilespmem:$0x9180] =	vst v14;
	v54 =	vsub.f32 v13, v20;
	v55 =	vsub.f32 v15, v21;
	v14 =	vmul.f32 v51, v58  }
0xe8: {  	v42 =	vld [tilespmem:$0x32F0];
	v6 =	vadd.s32 v8, v6;
	v8 =	vmax.f32 v45, $1.000000000e+00;
	v56 =	vmul.f32 $1.111111120e-01, v29  }
0xe9: {  	v6 =	vadd.s32 $0xFFFFFF81, v6;
	v14 =	vadd.f32 $3.333333430e-01, v14;
	v41 =	vmul.f32 $1.745329240e-02, v11  }
0xea: {  	[tilespmem:$0x93A0] =	vst v12;
	v6 =	vcvt.s32.f32 v6;
	v40 =	vmul.f32 v55, v54;
	v11 =	vadd.f32 $1.428571490e-01, v56  }
0xeb: {  	[tilespmem:$0x8E10] =	vst v34;
	v14 =	vmul.f32 v14, v58;
	v34 =	vmul.f32 v41, v41;
	v58 =	vand.u32 $0x7FFFFF, v8  }
0xec: {  	[tilespmem:$0x9310] =	vst v9;
	v6 =	vmul.f32 $6.931471820e-01, v6;
	v59 =	vmul.f32 v11, v29;
	v43 =	vor.u32 $0x3F800000, v58  }
0xed: {  	[tilespmem:$0x8D90] =	vst v28;
	v11 =	vmax.f32 v42, $1.000000000e+00;
	v14 =	vadd.f32 $1.000000000e+00, v14;
	v60 =	vmul.f32 $2.755731880e-06, v34  }
0xee: {  	[tilespmem:$0x9390] =	vst v10;
	v61 =	vmul.f32 $5.000000000e-01, v43;
	v62 =	vand.u32 $0x7FFFFF, v11;
	v63 =	vmul.f32 $2.480158760e-05, v34  }
0xef: {  	[tilespmem:$0x8F10] =	vst v26;
	vm14 =	vgt.f32 v43, $1.414213540e+00;
	v46 =	vor.u32 $0x3F800000, v62;
	v49 =	vadd.f32 $-1.984127010e-04, v60  }
0xf0: {  	[tilespmem:$0x9010] =	vst v30;
	v50 =	vsel vm14, v61, v43;
	v51 =	vmul.f32 $5.000000000e-01, v46;
	v30 =	vadd.f32 $-1.388888920e-03, v63  }
0xf1: {  	[tilespmem:$0x8F90] =	vst v38;
	v26 =	vadd.f32 $2.000000030e-01, v59;
	vm15 =	vgt.f32 v46, $1.414213540e+00;
	v54 =	vadd.f32 $1.000000000e+00, v50  }
0xf2: {  	[tilespmem:$0x9090] =	vst v32;
	v52 =	vmul.f32 v49, v34;
	v53 =	vsel vm15, v51, v46;
	v55 =	vmul.f32 v30, v34  }
0xf3: {  	[tilespmem:$0x9210] =	vst v7;
	v9 =	vmul.f32 v14, v57;
	v7 =	vmul.f32 v26, v29;
	v56 =	vadd.f32 $1.000000000e+00, v53  }
0xf4: {  	[tilespmem:$0x9110] =	vst v22;
	(erf) = vrcp.f32 v54;
	v22 =	vadd.f32 $8.333333770e-03, v52;
	v57 =	vadd.f32 $4.166666790e-02, v55  }
0xf5: {  	[tilespmem:$0x9190] =	vst v23;
	v8 =	vshrl.u32 v8, $0x17;
	v7 =	vadd.f32 $3.333333430e-01, v7;
	(erf) = vrcp.f32 v56  }
0xf6: {  	[tilespmem:$0x9410] =	vst v36;
	v58 =	vshrl.u32 v37, $0x17;
	v10 =	vmul.f32 v22, v34;
	v14 =	vmul.f32 v57, v34  }
0xf7: {  	[tilespmem:$0x9320] =	vst v24;
	v60 =	vadd.f32 v33, v33;
	v9 =	vadd.f32 v9, v6;
	v7 =	vmul.f32 v7, v29  }
0xf8: {  	[tilespmem:$0x8E20] =	vst v18;
	v18 =	vld [tilespmem:$0x3230];
	v62 =	vpop (erf);
	v22 =	vadd.s32 v25, v58;
	v10 =	vadd.f32 $-1.666666720e-01, v10;
	v14 =	vadd.f32 $-5.000000000e-01, v14  }
0xf9: {  	[tilespmem:$0x9510] =	vst v19;
	v63 =	vmul.f32 v62, v35;
	v30 =	vmax.f32 v45, v42;
	v59 =	vadd.s32 $0xFFFFFF81, v22  }
0xfa: {  	[tilespmem:$0x9490] =	vst v39;
	v7 =	vadd.f32 $1.000000000e+00, v7;
	v10 =	vmul.f32 v10, v34;
	v14 =	vmul.f32 v14, v34  }
0xfb: {  	[tilespmem:$0x8DA0] =	vst v16;
	v6 =	vsel vm2, $0x3F800000, v2;
	v19 =	vmul.f32 $5.000000000e-01, v30;
	v61 =	vcvt.s32.f32 v59  }
0xfc: {  	[tilespmem:$0x9020] =	vst v20;
	v20 =	vld [tilespmem:$0x3270];
	v16 =	vmul.f32 v7, v60;
	v7 =	vadd.f32 $1.000000000e+00, v10;
	v14 =	vadd.f32 $1.000000000e+00, v14  }
0xfd: {  	[tilespmem:$0x8FA0] =	vst v31;
	v44 =	vsub.f32 v18, v19;
	v34 =	vadd.f32 $-1.000000000e+00, v53;
	v10 =	vmul.f32 $6.931471820e-01, v61;
	v31 =	vpop (erf)  }
0xfe: {  	[tilespmem:$0x8EA0] =	vst v27;
	v22 =	vmul.f32 v7, v41;
	v7 =	vadd.f32 $-1.000000000e+00, v50;
	v33 =	vand.u32 $0x7FFFFFFF, v14;
	v37 =	vpop (erf)  }
0xff: {  	[tilespmem:$0x8F20] =	vst v17;
	v48 =	vadd.f32 v19, v18;
	v36 =	vmul.f32 v33, v45;
	v38 =	vmul.f32 v37, v34  }
0x100: {  	[tilespmem:$0x90A0] =	vst v21;
	v25 =	vmul.f32 v33, v42;
	v35 =	vand.u32 $0x7FFFFFFF, v22;
	v23 =	vmul.f32 v31, v7  }
0x101: {  	[tilespmem:$0x9420] =	vst v9;
	v9 =	vadd.f32 v19, v20;
	v39 =	vmul.f32 v35, v42;
	v28 =	vmul.f32 v38, v38  }
0x102: {  	[tilespmem:$0x9120] =	vst v13;
	v58 =	vsel vm14, $0x1, v3;
	v41 =	vmul.f32 v35, v45;
	v43 =	vmul.f32 v23, v23  }
0x103: {  	[tilespmem:$0x91A0] =	vst v15;
	v59 =	vsel vm15, $0x1, v3;
	v10 =	vadd.f32 v16, v10;
	v49 =	vmul.f32 $1.111111120e-01, v28  }
0x104: {  	[tilespmem:$0x9330] =	vst v18;
	v26 =	vadd.f32 v39, v36;
	v15 =	vadd.f32 v41, v25;
	v46 =	vmul.f32 $1.111111120e-01, v43  }
0x105: {  	[tilespmem:$0x93B0] =	vst v20;
	v60 =	vadd.s32 v58, v8;
	v45 =	vsub.f32 v20, v19;
	v25 =	vadd.f32 $1.428571490e-01, v49  }
0x106: {  	[tilespmem:$0x9220] =	vst v40;
	v50 =	vmul.f32 $5.000000000e-01, v26;
	v15 =	vmul.f32 $5.000000000e-01, v15;
	v51 =	vadd.f32 $1.428571490e-01, v46  }
0x107: {  	[tilespmem:$0x94A0] =	vst v10;
	v10 =	vsub.f32 v48, v44;
	v52 =	vsub.f32 v9, v45;
	v25 =	vmul.f32 v25, v28  }
0x108: {  	[tilespmem:$0x9280] =	vst v6;
	v53 =	vsub.f32 v18, v50;
	v54 =	vsub.f32 v20, v15;
	v26 =	vmul.f32 v51, v43  }
0x109: {  	[tilespmem:$0x9520] =	vst v63;
	v10 =	vmul.f32 v52, v10;
	v19 =	vadd.f32 v50, v18;
	v56 =	vadd.f32 $2.000000030e-01, v25  }
0x10a: {  	[tilespmem:$0x8DB0] =	vst v44;
	v8 =	vshrl.u32 v11, $0x17;
	v15 =	vadd.f32 v15, v20;
	v55 =	vadd.f32 $2.000000030e-01, v26  }
0x10b: {  	vm4 =	vmor vm7, vm13;
	v11 =	vadd.s32 v59, v8;
	[tilespmem:$0x8FB0] =	vst v10;
	v10 =	vmul.f32 v56, v28  }
0x10c: {  	[tilespmem:$0x8F30] =	vst v9;
	v9 =	vsub.f32 v19, v53;
	v57 =	vsub.f32 v15, v54;
	v24 =	vmul.f32 v55, v43  }
0x10d: {  	[tilespmem:$0x8EB0] =	vst v48;
	v8 =	vsel vm4, $0x3F800000, v2;
	(erf) = vrcp.f32 v14;
	v10 =	vadd.f32 $3.333333430e-01, v10  }
0x10e: {  	v47 =	vld [tilespmem:$0x3370];
	[tilespmem:$0x92A0] =	vst v8;
	v7 =	vsel vm3, $0x3F800000, v2;
	v17 =	vmul.f32 v57, v9;
	v9 =	vadd.f32 $3.333333430e-01, v24  }
0x10f: {  	v11 =	vadd.s32 $0xFFFFFF81, v11;
	[tilespmem:$0x9290] =	vst v7;
	v10 =	vmul.f32 v10, v28  }
0x110: {  	v61 =	vadd.s32 $0xFFFFFF81, v60;
	v11 =	vcvt.s32.f32 v11;
	[tilespmem:$0x8E30] =	vst v45;
	v16 =	vmul.f32 v9, v43  }
0x111: {  	v12 =	vcvt.s32.f32 v61;
	v13 =	vadd.f32 v38, v38;
	[tilespmem:$0x9030] =	vst v53;
	v10 =	vadd.f32 $1.000000000e+00, v10  }
0x112: {  	v11 =	vmul.f32 $6.931471820e-01, v11;
	v62 =	vadd.f32 v23, v23;
	[tilespmem:$0x90B0] =	vst v54;
	v63 =	vadd.f32 $1.000000000e+00, v16  }
0x113: {  	vm2 =	vlt.f32 v47, $-1.000000000e+00;
	vm3 =	vgt.f32 v47, $-1.000000000e+00;
	[tilespmem:$0x9130] =	vst v19;
	v10 =	vmul.f32 v10, v13  }
0x114: {  	v12 =	vmul.f32 $6.931471820e-01, v12;
	vm2 =	vmor vm3, vm2;
	[tilespmem:$0x91B0] =	vst v15;
	v14 =	vmul.f32 v63, v62  }
0x115: {  	[tilespmem:$0x9230] =	vst v17;
	v9 =	vsel vm2, $0x3F800000, v2;
	v10 =	vadd.f32 v10, v11  }
0x116: {  	[tilespmem:$0x92B0] =	vst v9;
	v11 =	vpop (erf);
	v12 =	vadd.f32 v14, v12  }
0x117: {  	v11 =	vmul.f32 v11, v22;
	[tilespmem:$0x94B0] =	vst v10  }
0x118: {  	[tilespmem:$0x9430] =	vst v12  }
0x119: {  	s25 =	simm.s32 $0x0;
	[tilespmem:$0x9530] =	vst v11  }
0x11a: {  	v10 =	vld [tilespmem:s25+$0x0];
	_ =	sdelay $0x2  }
0x11b: {  	s31 =	sadd.s32 $0x0, s3  }
0x11c: {  	s28 =	simm.s32 $0x40;
	p2 =	sgt.u32 s31, $0x4E1F  }
0x11d: {  	s29 =	simm.s32 $0x0;
	s26 =	sand.u32 $0x7F0, s24;
	v10 =	vpsel p2, $0xC9742400, v10;
	p2 =	por p2, p2  }
.LBB2_2:
0x11e: {  	p3 =	sne.s32 s28, $0x13C0  }
0x11f: {  	v11 =	vld [tilespmem:s26+$0x1400];
	s29 =	sadd.s32 $0x10, s29;
	s19 =	smov.u32 s28;
	s28 =	sadd.s32 $0x40, s28  }
0x120: {  	v12 =	vld [tilespmem:s26+$0xF00]  }
0x121: {  	s2 =	sand.u32 $0x7F0, s29;
	v13 =	vld [tilespmem:s26+$0xA00];
	_ =	sdelay $0x2  }
0x122: {  	v11 =	vmul.f32 $1.745329240e-02, v11  }
0x123: {  	s22 =	sadd.s32 s3, s29;
	v12 =	vpsel p2, $0x41800000, v12  }
0x124: {  	p4 =	sgt.u32 s22, $0x4E1F;
	v13 =	vpsel p2, $0x41800000, v13;
	v11 =	vpsel p2, $0x0, v11;
	v14 =	vmax.f32 v12, $1.000000000e+00  }
0x125: {  	v15 =	vmul.f32 v11, v11;
	v16 =	vmax.f32 v13, $1.000000000e+00;
	v17 =	vand.u32 $0x7FFFFF, v14  }
0x126: {  	v18 =	vmax.f32 v13, v12;
	v19 =	vand.u32 $0x7FFFFF, v16;
	v17 =	vor.u32 $0x3F800000, v17  }
0x127: {  	v20 =	vmul.f32 $2.755731880e-06, v15;
	v19 =	vor.u32 $0x3F800000, v19;
	v21 =	vmul.f32 $5.000000000e-01, v17  }
0x128: {  	vm2 =	vgt.f32 v17, $1.414213540e+00;
	v22 =	vmul.f32 $5.000000000e-01, v19  }
0x129: {  	vm3 =	vgt.f32 v19, $1.414213540e+00;
	v20 =	vadd.f32 $-1.984127010e-04, v20;
	v17 =	vsel vm2, v21, v17  }
0x12a: {  	v21 =	vsel vm2, $0x1, v3;
	v19 =	vsel vm3, v22, v19;
	v22 =	vadd.f32 $1.000000000e+00, v17  }
0x12b: {  	v23 =	vmul.f32 $2.480158760e-05, v15;
	v20 =	vmul.f32 v20, v15;
	v24 =	vadd.f32 $1.000000000e+00, v19  }
0x12c: {  	v25 =	vshrl.u32 v16, $0x17;
	v26 =	vsel vm3, $0x1, v3;
	(erf) = vrcp.f32 v22  }
0x12d: {  	s19 =	sshra.s32 s19, $0x2;
	v22 =	vadd.f32 $-1.388888920e-03, v23;
	v20 =	vadd.f32 $8.333333770e-03, v20;
	(erf) = vrcp.f32 v24  }
0x12e: {  	v24 =	vadd.s32 v26, v25;
	v23 =	vld [tilespmem:s19+$0x0]  }
0x12f: {  	v22 =	vmul.f32 v22, v15;
	v24 =	vadd.s32 $0xFFFFFF81, v24;
	v20 =	vmul.f32 v20, v15  }
0x130: {  	v24 =	vcvt.s32.f32 v24  }
0x131: {  	v22 =	vadd.f32 $4.166666790e-02, v22;
	v20 =	vadd.f32 $-1.666666720e-01, v20;
	_ =	sdelay $0x1  }
0x132: {  	v22 =	vmul.f32 v22, v15;
	v23 =	vpsel p4, $0xC9742400, v23;
	v20 =	vmul.f32 v20, v15  }
0x133: {  	v17 =	vadd.f32 $-1.000000000e+00, v17;
	v19 =	vadd.f32 $-1.000000000e+00, v19  }
0x134: {  	v22 =	vadd.f32 $-5.000000000e-01, v22;
	v20 =	vadd.f32 $1.000000000e+00, v20;
	v25 =	vpop (erf)  }
0x135: {  	v18 =	vmul.f32 $5.000000000e-01, v18;
	v17 =	vmul.f32 v25, v17;
	v25 =	vpop (erf)  }
0x136: {  	v15 =	vmul.f32 v22, v15;
	v19 =	vmul.f32 v25, v19  }
0x137: {  	v11 =	vmul.f32 v20, v11;
	v20 =	vshrl.u32 v14, $0x17;
	v22 =	vmul.f32 v17, v17  }
0x138: {  	v25 =	vadd.f32 v18, v10;
	v15 =	vadd.f32 $1.000000000e+00, v15;
	v26 =	vmul.f32 v19, v19  }
0x139: {  	v27 =	vsub.f32 v10, v18;
	v28 =	vand.u32 $0x7FFFFFFF, v11;
	v29 =	vmul.f32 $1.111111120e-01, v22  }
0x13a: {  	v20 =	vadd.s32 v21, v20;
	v31 =	vand.u32 $0x7FFFFFFF, v15;
	v30 =	vld [tilespmem:s26+$0x500];
	v32 =	vmul.f32 $1.111111120e-01, v26;
	s26 =	smov.u32 s2  }
0x13b: {  	v21 =	vmul.f32 v31, v13;
	[tilespmem:s25+$0x3380] =	vst v27;
	v29 =	vadd.f32 $1.428571490e-01, v29;
	(erf) = vrcp.f32 v15  }
0x13c: {  	v15 =	vmul.f32 v28, v12;
	v12 =	vmul.f32 v31, v12;
	[tilespmem:s25+$0x3D80] =	vst v25;
	v31 =	vadd.f32 $1.428571490e-01, v32  }
0x13d: {  	v13 =	vmul.f32 v28, v13;
	[tilespmem:s25+$0x6580] =	vst v16;
	v16 =	vadd.s32 $0xFFFFFF81, v20;
	v20 =	vmul.f32 v29, v22  }
0x13e: {  	v25 =	vsub.f32 v25, v27;
	v15 =	vadd.f32 v15, v21;
	[tilespmem:s25+$0x6A80] =	vst v14;
	v14 =	vmul.f32 v31, v26  }
0x13f: {  	v12 =	vadd.f32 v13, v12;
	v21 =	vpsel p2, $0xC9742400, v30;
	v13 =	vadd.f32 $2.000000030e-01, v20;
	[tilespmem:s25+$0x7E80] =	vst v2;
	p2 =	por p4, p4  }
0x140: {  	v15 =	vmul.f32 $5.000000000e-01, v15;
	v20 =	vsub.f32 v21, v18;
	v14 =	vadd.f32 $2.000000030e-01, v14;
	[tilespmem:s25+$0x8380] =	vst v3  }
0x141: {  	v12 =	vmul.f32 $5.000000000e-01, v12;
	v18 =	vadd.f32 v18, v21;
	v13 =	vmul.f32 v13, v22;
	[tilespmem:s25+$0x8880] =	vst v2  }
0x142: {  	v27 =	vsub.f32 v10, v15;
	v15 =	vadd.f32 v15, v10;
	[tilespmem:s25+$0x3880] =	vst v20;
	v14 =	vmul.f32 v14, v26  }
0x143: {  	v16 =	vcvt.s32.f32 v16;
	v10 =	vmovc v23;
	[tilespmem:s25+$0x4280] =	vst v18;
	v18 =	vsub.f32 v18, v20;
	v13 =	vadd.f32 $3.333333430e-01, v13  }
0x144: {  	v20 =	vsub.f32 v21, v12;
	[tilespmem:s25+$0x4C80] =	vst v27;
	v14 =	vadd.f32 $3.333333430e-01, v14;
	v23 =	vpop (erf)  }
0x145: {  	v18 =	vmul.f32 v18, v25;
	[tilespmem:s25+$0x5680] =	vst v15;
	v15 =	vsub.f32 v15, v27;
	v13 =	vmul.f32 v13, v22  }
0x146: {  	v19 =	vadd.f32 v19, v19;
	v12 =	vadd.f32 v12, v21;
	[tilespmem:s25+$0x5180] =	vst v20;
	v14 =	vmul.f32 v14, v26  }
0x147: {  	v17 =	vadd.f32 v17, v17;
	v11 =	vmul.f32 v23, v11;
	[tilespmem:s25+$0x4780] =	vst v18;
	v13 =	vadd.f32 $1.000000000e+00, v13  }
0x148: {  	v18 =	vmul.f32 $6.931471820e-01, v24;
	[tilespmem:s25+$0x5B80] =	vst v12;
	v12 =	vsub.f32 v12, v20;
	v14 =	vadd.f32 $1.000000000e+00, v14  }
0x149: {  	v16 =	vmul.f32 $6.931471820e-01, v16;
	v13 =	vmul.f32 v13, v17;
	[tilespmem:s25+$0x7980] =	vst v11  }
.Ltmp2:
0x14a: {  	v11 =	vmul.f32 v12, v15;
	v12 =	vmul.f32 v14, v19;
	(pc) =	sbr.rel @p3 .LBB2_2-.Ltmp2, $4  }
0x14b: {  	v13 =	vadd.f32 v13, v16  }
0x14c: {  	[tilespmem:s25+$0x6080] =	vst v11;
	v11 =	vadd.f32 v12, v18  }
0x14d: {  	[tilespmem:s25+$0x7480] =	vst v13  }
0x14e: {  	s24 =	simm.s32 $0x0;
	[tilespmem:s25+$0x6F80] =	vst v11;
	s25 =	smov.u32 s19  }
0x14f: {  	v12 =	vld [tilespmem:s26+$0xF00]  }
0x150: {  	v13 =	vld [tilespmem:s26+$0xA00]  }
0x151: {  	v11 =	vld [tilespmem:s26+$0x1400];
	_ =	sdelay $0x2  }
0x152: {  	v12 =	vpsel p2, $0x41800000, v12  }
0x153: {  	v13 =	vpsel p2, $0x41800000, v13;
	v14 =	vmax.f32 v12, $1.000000000e+00  }
0x154: {  	v11 =	vmul.f32 $1.745329240e-02, v11;
	v15 =	vmax.f32 v13, $1.000000000e+00;
	v16 =	vand.u32 $0x7FFFFF, v14  }
0x155: {  	v18 =	vand.u32 $0x7FFFFF, v15;
	v16 =	vor.u32 $0x3F800000, v16  }
0x156: {  	v11 =	vpsel p2, $0x0, v11;
	v18 =	vor.u32 $0x3F800000, v18;
	v19 =	vmul.f32 $5.000000000e-01, v16  }
0x157: {  	v17 =	vmul.f32 v11, v11;
	v21 =	vmul.f32 $5.000000000e-01, v18;
	vm2 =	vgt.f32 v16, $1.414213540e+00  }
0x158: {  	vm3 =	vgt.f32 v18, $1.414213540e+00;
	v16 =	vsel vm2, v19, v16  }
0x159: {  	v20 =	vmul.f32 $2.755731880e-06, v17;
	v18 =	vsel vm3, v21, v18;
	v37 =	vadd.f32 $1.000000000e+00, v16  }
0x15a: {  	v38 =	vmul.f32 $2.480158760e-05, v17;
	v22 =	vadd.f32 $1.000000000e+00, v18  }
0x15b: {  	v36 =	vadd.f32 $-1.984127010e-04, v20;
	(erf) = vrcp.f32 v37  }
0x15c: {  	v39 =	vadd.f32 $-1.388888920e-03, v38;
	(erf) = vrcp.f32 v22  }
0x15d: {  	v29 =	vld [tilespmem:s26+$0x500];
	v19 =	vmul.f32 v36, v17  }
0x15e: {  	v20 =	vmul.f32 v39, v17  }
0x15f: {  	v23 =	vmax.f32 v13, v12;
	v19 =	vadd.f32 $8.333333770e-03, v19  }
0x160: {  	v23 =	vmul.f32 $5.000000000e-01, v23;
	v20 =	vadd.f32 $4.166666790e-02, v20  }
0x161: {  	v19 =	vmul.f32 v19, v17  }
0x162: {  	v50 =	vpsel p2, $0xC9742400, v29;
	v25 =	vadd.f32 v23, v10;
	v20 =	vmul.f32 v20, v17  }
0x163: {  	v40 =	vshrl.u32 v15, $0x17;
	v16 =	vadd.f32 $-1.000000000e+00, v16;
	v19 =	vadd.f32 $-1.666666720e-01, v19  }
0x164: {  	v46 =	vshrl.u32 v14, $0x17;
	v18 =	vadd.f32 $-1.000000000e+00, v18;
	v20 =	vadd.f32 $-5.000000000e-01, v20;
	v42 =	vpop (erf)  }
0x165: {  	v26 =	vsub.f32 v10, v23;
	v19 =	vmul.f32 v19, v17;
	v16 =	vmul.f32 v42, v16;
	v43 =	vpop (erf)  }
0x166: {  	v51 =	vsub.f32 v50, v23;
	v17 =	vmul.f32 v20, v17;
	v18 =	vmul.f32 v43, v18  }
0x167: {  	v23 =	vadd.f32 v23, v50;
	v41 =	vsel vm3, $0x1, v3;
	v45 =	vmul.f32 v16, v16  }
0x168: {  	v19 =	vadd.f32 $1.000000000e+00, v19;
	v17 =	vadd.f32 $1.000000000e+00, v17;
	v24 =	vmul.f32 v18, v18  }
0x169: {  	v44 =	vsel vm2, $0x1, v3;
	v21 =	vadd.s32 v41, v40;
	v27 =	vmul.f32 $1.111111120e-01, v45  }
0x16a: {  	v11 =	vmul.f32 v19, v11;
	v30 =	vand.u32 $0x7FFFFFFF, v17;
	v31 =	vmul.f32 $1.111111120e-01, v24  }
0x16b: {  	[tilespmem:s25+$0x3D80] =	vst v25;
	v25 =	vsub.f32 v25, v26;
	v47 =	vmul.f32 v30, v13;
	v27 =	vadd.f32 $1.428571490e-01, v27  }
0x16c: {  	v30 =	vmul.f32 v30, v12;
	v28 =	vand.u32 $0x7FFFFFFF, v11;
	v31 =	vadd.f32 $1.428571490e-01, v31  }
0x16d: {  	v55 =	vsub.f32 v23, v51;
	v12 =	vmul.f32 v28, v12;
	v48 =	vmul.f32 v27, v45  }
0x16e: {  	[tilespmem:s25+$0x7E80] =	vst v2;
	v21 =	vadd.s32 $0xFFFFFF81, v21;
	(erf) = vrcp.f32 v17;
	v49 =	vmul.f32 v31, v24  }
0x16f: {  	[tilespmem:s25+$0x8380] =	vst v3;
	v13 =	vmul.f32 v28, v13;
	v12 =	vadd.f32 v12, v47;
	v22 =	vadd.f32 $2.000000030e-01, v48  }
0x170: {  	[tilespmem:s25+$0x8880] =	vst v2;
	v21 =	vcvt.s32.f32 v21;
	v20 =	vadd.s32 v44, v46;
	v17 =	vadd.f32 $2.000000030e-01, v49  }
0x171: {  	[tilespmem:s25+$0x6580] =	vst v15;
	v13 =	vadd.f32 v13, v30;
	v12 =	vmul.f32 $5.000000000e-01, v12;
	v22 =	vmul.f32 v22, v45  }
0x172: {  	[tilespmem:s25+$0x6A80] =	vst v14;
	v54 =	vadd.s32 $0xFFFFFF81, v20;
	v20 =	vmul.f32 v55, v25;
	v53 =	vmul.f32 v17, v24  }
0x173: {  	[tilespmem:s25+$0x3380] =	vst v26;
	v13 =	vmul.f32 $5.000000000e-01, v13;
	v52 =	vsub.f32 v10, v12;
	v22 =	vadd.f32 $3.333333430e-01, v22  }
0x174: {  	[tilespmem:s25+$0x3880] =	vst v51;
	v56 =	vcvt.s32.f32 v54;
	v10 =	vadd.f32 v12, v10;
	v12 =	vadd.f32 $3.333333430e-01, v53  }
0x175: {  	[tilespmem:s25+$0x4280] =	vst v23;
	v60 =	vadd.f32 v18, v18;
	v57 =	vsub.f32 v50, v13;
	v19 =	vmul.f32 v22, v45  }
0x176: {  	[tilespmem:s25+$0x4780] =	vst v20;
	v13 =	vadd.f32 v13, v50;
	v58 =	vsub.f32 v10, v52;
	v12 =	vmul.f32 v12, v24  }
0x177: {  	v62 =	vmul.f32 $6.931471820e-01, v21;
	[tilespmem:s25+$0x5680] =	vst v10;
	v10 =	vadd.f32 v16, v16;
	v61 =	vadd.f32 $1.000000000e+00, v19  }
0x178: {  	v14 =	vmul.f32 $6.931471820e-01, v56;
	v59 =	vpop (erf);
	[tilespmem:s25+$0x4C80] =	vst v52;
	v17 =	vsub.f32 v13, v57;
	v12 =	vadd.f32 $1.000000000e+00, v12  }
0x179: {  	v11 =	vmul.f32 v59, v11;
	[tilespmem:s25+$0x5180] =	vst v57;
	v10 =	vmul.f32 v61, v10  }
0x17a: {  	[tilespmem:s25+$0x5B80] =	vst v13;
	v63 =	vmul.f32 v17, v58;
	v12 =	vmul.f32 v12, v60  }
0x17b: {  	[tilespmem:s25+$0x7980] =	vst v11;
	v10 =	vadd.f32 v10, v14  }
0x17c: {  	[tilespmem:s25+$0x6080] =	vst v63;
	v11 =	vadd.f32 v12, v62  }
0x17d: {  	[tilespmem:s25+$0x7480] =	vst v10  }
0x17e: {  	[tilespmem:s25+$0x6F80] =	vst v11  }
.LBB2_4:
0x17f: {  	s25 =	simm.s32 $0x0  }
0x180: {  	v24 =	vld [tilespmem:s25+$0x3D90]  }
0x181: {  	v21 =	vld [tilespmem:s25+$0x5B90]  }
0x182: {  	v22 =	vld [tilespmem:s25+$0x4C90]  }
0x183: {  	v25 =	vld [tilespmem:s25+$0x5690]  }
0x184: {  	v26 =	vld [tilespmem:s25+$0x3D80]  }
0x185: {  	v27 =	vld [tilespmem:s25+$0x5190]  }
0x186: {  	v28 =	vld [tilespmem:s25+$0x3380]  }
0x187: {  	v29 =	vld [tilespmem:s25+$0x5180]  }
0x188: {  	v30 =	vld [tilespmem:s25+$0x6080]  }
0x189: {  	v31 =	vld [tilespmem:s25+$0x5680]  }
0x18a: {  	v32 =	vld [tilespmem:s25+$0x4C80]  }
0x18b: {  	v33 =	vld [tilespmem:s25+$0x3880]  }
0x18c: {  	v10 =	vmov s24;
	v34 =	vld [tilespmem:s25+$0x4280]  }
0x18d: {  	v35 =	vld [tilespmem:s25+$0x5B80]  }
0x18e: {  	v37 =	vld [tilespmem:s25+$0x6090]  }
0x18f: {  	v61 =	vld [tilespmem:s25+$0x4780]  }
0x190: {  	v38 =	vld [tilespmem:s25+$0x3390]  }
0x191: {  	v12 =	vld.idx.msk [tilespmem:v10+s21+$0x0], $0xffff  }
0x192: {  	v13 =	vld.idx.msk [tilespmem:v10+s0+$0x0], $0xffff  }
0x193: {  	v15 =	vld.idx.msk [tilespmem:v10+s1+$0x0], $0xffff  }
0x194: {  	v14 =	vld.idx.msk [tilespmem:v10+s4+$0x0], $0xffff  }
0x195: {  	v17 =	vld.idx.msk [tilespmem:v10+s7+$0x0], $0xffff  }
0x196: {  	v19 =	vld.idx.msk [tilespmem:v10+s9+$0x0], $0xffff  }
0x197: {  	v18 =	vld.idx.msk [tilespmem:v10+s8+$0x0], $0xffff  }
0x198: {  	v16 =	vld.idx.msk [tilespmem:v10+s6+$0x0], $0xffff  }
0x199: {  	v20 =	vld.idx.msk [tilespmem:v10+s10+$0x0], $0xffff  }
0x19a: {  	v39 =	vld [tilespmem:s25+$0x3890]  }
0x19b: {  	s26 =	simm.s32 $0x20;
	v62 =	vld [tilespmem:s25+$0x4790];
	v36 =	vmin.f32 v21, v19;
	v27 =	vmax.f32 v27, v17  }
0x19c: {  	v63 =	vld [tilespmem:s26+$0x3D90];
	v21 =	vimm.f32 $0.0e+00;
	v25 =	vmin.f32 v25, v18;
	v28 =	vmax.f32 v28, v12  }
0x19d: {  	v40 =	vld [tilespmem:s26+$0x4C90];
	v26 =	vmin.f32 v26, v15;
	v22 =	vmax.f32 v22, v16;
	v33 =	vmax.f32 v33, v13  }
0x19e: {  	v41 =	vld [tilespmem:s26+$0x5690];
	v34 =	vmin.f32 v34, v14;
	v24 =	vmin.f32 v24, v15;
	v37 =	vadd.f32 v37, v20  }
0x19f: {  	v11 =	vld.idx.msk [tilespmem:v10+s5+$0x0], $0xffff;
	v29 =	vmax.f32 v29, v17;
	v31 =	vmin.f32 v31, v18;
	v32 =	vmax.f32 v32, v16  }
0x1a0: {  	v23 =	vld.idx.msk [tilespmem:v10+s11+$0x0], $0xffff;
	v35 =	vmin.f32 v35, v19;
	v27 =	vsub.f32 v36, v27;
	v25 =	vsub.f32 v25, v22  }
0x1a1: {  	v45 =	vld [tilespmem:s26+$0x3D80];
	v44 =	vmax.f32 v38, v12;
	v26 =	vsub.f32 v26, v28;
	v33 =	vsub.f32 v34, v33  }
0x1a2: {  	v47 =	vld [tilespmem:s26+$0x5190];
	v29 =	vsub.f32 v35, v29;
	v25 =	vmax.f32 v25, $0.0e+00;
	v27 =	vmax.f32 v27, $0.0e+00  }
0x1a3: {  	v55 =	vld [tilespmem:s26+$0x6090];
	v26 =	vmax.f32 v26, $0.0e+00;
	v25 =	vmul.f32 v27, v25;
	v27 =	vmax.f32 v33, $0.0e+00  }
0x1a4: {  	v53 =	vld [tilespmem:s26+$0x3880];
	v36 =	vadd.f32 v61, v11;
	v31 =	vsub.f32 v31, v32;
	v26 =	vmul.f32 v27, v26  }
0x1a5: {  	vm2 =	vgt.f32 v23, $5.000000000e-01;
	v23 =	vadd.f32 v30, v20;
	v28 =	vld [tilespmem:s25+$0x4290];
	v29 =	vmax.f32 v29, $0.0e+00  }
0x1a6: {  	v56 =	vld [tilespmem:s26+$0x4780];
	v31 =	vmax.f32 v31, $0.0e+00;
	v37 =	vsub.f32 v37, v25;
	v36 =	vsub.f32 v36, v26  }
0x1a7: {  	v30 =	vld [tilespmem:s26+$0x3380];
	v50 =	vmax.f32 v47, v17;
	v52 =	vmin.f32 v41, v18;
	v42 =	vmul.f32 v29, v31  }
0x1a8: {  	v60 =	vadd.f32 v55, v20;
	v31 =	vld [tilespmem:s26+$0x5680];
	(erf) = vrcp.f32 v37;
	v46 =	vmul.f32 $1.000000010e-01, v36  }
0x1a9: {  	v57 =	vmax.f32 v53, v13;
	v24 =	vsub.f32 v24, v44;
	v34 =	vadd.f32 v62, v11;
	v27 =	vld [tilespmem:s26+$0x5B90]  }
0x1aa: {  	v29 =	vmax.f32 v39, v13;
	v28 =	vmin.f32 v28, v14;
	vm3 =	vge.f32 v26, v46;
	v26 =	vld [tilespmem:s26+$0x5180]  }
0x1ab: {  	v51 =	vld [tilespmem:s26+$0x5B80];
	v22 =	vimm.s32 $0x0;
	v23 =	vsub.f32 v23, v42;
	v28 =	vsub.f32 v28, v29  }
0x1ac: {  	v48 =	vmax.f32 v24, $0.0e+00;
	v24 =	vmin.f32 v63, v15;
	v39 =	vadd.f32 v56, v11;
	v29 =	vld [tilespmem:s26+$0x4C80]  }
0x1ad: {  	v30 =	vmax.f32 v30, v12;
	v28 =	vmax.f32 v28, $0.0e+00;
	(erf) = vrcp.f32 v23  }
0x1ae: {  	v43 =	vld [tilespmem:s26+$0x4280];
	v23 =	vmin.f32 v45, v15;
	v31 =	vmin.f32 v31, v18;
	v27 =	vmin.f32 v27, v19  }
0x1af: {  	v27 =	vsub.f32 v27, v50;
	v54 =	vmax.f32 v26, v17;
	v26 =	vmax.f32 v40, v16  }
0x1b0: {  	v49 =	vld [tilespmem:s26+$0x6080];
	v32 =	vmul.f32 v28, v48;
	v44 =	vsub.f32 v23, v30;
	v36 =	vsub.f32 v52, v26  }
0x1b1: {  	v35 =	vld [tilespmem:s26+$0x3390];
	v23 =	vmin.f32 v51, v19;
	v45 =	vmax.f32 v29, v16;
	v27 =	vmax.f32 v27, $0.0e+00;
	v28 =	vpop (erf)  }
0x1b2: {  	v30 =	vld [tilespmem:s26+$0x4290];
	v61 =	vsub.f32 v31, v45;
	v26 =	vmul.f32 v28, v25;
	v25 =	vmax.f32 v36, $0.0e+00  }
0x1b3: {  	v31 =	vld [tilespmem:s25+$0x7E80];
	v58 =	vsub.f32 v23, v54;
	v23 =	vmul.f32 v27, v25;
	v25 =	vmin.f32 v43, v14  }
0x1b4: {  	vm3 =	vmand vm2, vm3;
	v28 =	vld [tilespmem:s26+$0x3890];
	v27 =	vsub.f32 v34, v32;
	v59 =	vsub.f32 v25, v57  }
0x1b5: {  	v29 =	vadd.f32 v49, v20;
	v62 =	vmax.f32 v44, $0.0e+00;
	v33 =	vmax.f32 v58, $0.0e+00;
	v25 =	vld [tilespmem:s26+$0x4790]  }
0x1b6: {  	s29 =	simm.s32 $0xFFFFFFFE;
	s28 =	simm.s32 $0x0;
	s22 =	simm.s32 $0x2;
	v63 =	vpop (erf);
	v36 =	vmax.f32 v61, $0.0e+00;
	v40 =	vmul.f32 $1.000000010e-01, v27;
	v27 =	vld [tilespmem:s25+$0x8390];
	v34 =	vmax.f32 v59, $0.0e+00  }
0x1b7: {  	s2 =	simm.s32 $0x100;
	s30 =	simm.s32 $0x2;
	s19 =	simm.s32 $0x0;
	v41 =	vmul.f32 v63, v42;
	v38 =	vsub.f32 v60, v23;
	v37 =	vmul.f32 v34, v62;
	v34 =	vld [tilespmem:s25+$0x8380]  }
.LBB2_5:
0x1b8: {  	s14 =	sshra.s32 s2, $0x2;
	v35 =	vmax.f32 v35, v12;
	vm4 =	vge.f32 v32, v40;
	v32 =	vld [tilespmem:s25+$0x7E90];
	s23 =	smov.u32 s22;
	s22 =	sadd.s32 $0x2, s22  }
0x1b9: {  	v40 =	vld [tilespmem:s14+$0x3D90];
	p2 =	slt.u32 s22, $0x4E;
	v39 =	vsub.f32 v39, v37;
	v24 =	vsub.f32 v24, v35;
	v35 =	vnsel vm3, $0x0, v41  }
0x1ba: {  	vm4 =	vmand vm2, vm4;
	v41 =	vld [tilespmem:s14+$0x5B90];
	vm3 =	vgt.f32 v35, v31;
	vm5 =	vgt.f32 v35, v21  }
0x1bb: {  	v42 =	vld [tilespmem:s14+$0x4C90];
	v39 =	vmul.f32 $1.000000010e-01, v39;
	v31 =	vsel vm3, v35, v31;
	v22 =	vsel vm5, s28, v22;
	s28 =	smov.u32 s30;
	s30 =	smov.u32 s22  }
0x1bc: {  	v44 =	vmax.f32 v24, $0.0e+00;
	v21 =	vsel vm5, v35, v21;
	v43 =	vld [tilespmem:s14+$0x5690];
	[tilespmem:s25+$0x7E80] =	vst v31;
	v24 =	vsel vm3, v10, v34  }
0x1bd: {  	v26 =	vnsel vm4, $0x0, v26;
	v31 =	vld [tilespmem:s14+$0x3D80];
	vm3 =	vge.f32 v37, v39;
	(erf) = vrcp.f32 v38;
	[tilespmem:s25+$0x8380] =	vst v24  }
0x1be: {  	vm5 =	vgt.f32 v26, v21;
	vm4 =	vgt.f32 v26, v32;
	v24 =	vmin.f32 v40, v15;
	v34 =	vld [tilespmem:s14+$0x5190]  }
0x1bf: {  	s31 =	sadd.s32 $0x3, s29;
	s29 =	smov.u32 s19;
	s19 =	smov.u32 s23;
	v32 =	vsel vm4, v26, v32;
	v27 =	vsel vm4, v10, v27;
	v35 =	vld [tilespmem:s14+$0x3380];
	v37 =	vmin.f32 v41, v19  }
0x1c0: {  	v21 =	vsel vm5, v26, v21;
	v22 =	vsel vm5, s31, v22;
	vm3 =	vmand vm2, vm3;
	v38 =	vld [tilespmem:s14+$0x5180];
	[tilespmem:s25+$0x7E90] =	vst v32  }
0x1c1: {  	v26 =	vmax.f32 v28, v13;
	v28 =	vmin.f32 v30, v14;
	v41 =	vmul.f32 v33, v36;
	v39 =	vld [tilespmem:s14+$0x6080];
	[tilespmem:s25+$0x8390] =	vst v27;
	s25 =	smov.u32 s26;
	s26 =	smov.u32 s14  }
0x1c2: {  	v26 =	vsub.f32 v28, v26;
	v27 =	vld [tilespmem:s26+$0x5680]  }
0x1c3: {  	v29 =	vsub.f32 v29, v41;
	v28 =	vld [tilespmem:s26+$0x4C80];
	v30 =	vmax.f32 v34, v17  }
0x1c4: {  	v40 =	vmax.f32 v26, $0.0e+00;
	v34 =	vmin.f32 v43, v18;
	v33 =	vld [tilespmem:s26+$0x5B80];
	v30 =	vsub.f32 v37, v30  }
0x1c5: {  	v35 =	vmax.f32 v35, v12;
	v36 =	vld [tilespmem:s26+$0x3880];
	v37 =	vmax.f32 v38, v17;
	(erf) = vrcp.f32 v29  }
0x1c6: {  	v32 =	vmul.f32 v40, v44;
	v29 =	vmin.f32 v31, v15;
	v38 =	vmax.f32 v42, v16;
	v31 =	vld [tilespmem:s26+$0x4280];
	v26 =	vpop (erf)  }
0x1c7: {  	v25 =	vadd.f32 v25, v11;
	v34 =	vsub.f32 v34, v38;
	v27 =	vmin.f32 v27, v18;
	v38 =	vld [tilespmem:s26+$0x6090]  }
0x1c8: {  	v42 =	vsub.f32 v29, v35;
	v26 =	vmul.f32 v26, v23;
	v40 =	vld [tilespmem:s26+$0x4780];
	v43 =	vmax.f32 v28, v16  }
0x1c9: {  	v30 =	vmax.f32 v30, $0.0e+00;
	v29 =	vmax.f32 v34, $0.0e+00;
	v23 =	vmin.f32 v33, v19;
	v35 =	vld [tilespmem:s26+$0x3390]  }
0x1ca: {  	v33 =	vmax.f32 v36, v13;
	v34 =	vsub.f32 v23, v37;
	v28 =	vld [tilespmem:s26+$0x3890];
	v23 =	vmul.f32 v30, v29  }
.Ltmp3:
0x1cb: {  	v29 =	vadd.f32 v39, v20;
	v36 =	vsub.f32 v25, v32;
	v31 =	vmin.f32 v31, v14;
	v30 =	vld [tilespmem:s26+$0x4290];
	(pc) =	sbr.rel @p2 .LBB2_5-.Ltmp3, $4  }
0x1cc: {  	v37 =	vsub.f32 v31, v33;
	v33 =	vmax.f32 v34, $0.0e+00;
	v25 =	vld [tilespmem:s26+$0x4790];
	v44 =	vadd.f32 v38, v20  }
0x1cd: {  	v43 =	vsub.f32 v27, v43;
	v39 =	vadd.f32 v40, v11;
	v31 =	vld [tilespmem:s25+$0x7E80];
	v40 =	vmul.f32 $1.000000010e-01, v36  }
0x1ce: {  	v36 =	vmax.f32 v42, $0.0e+00;
	v37 =	vmax.f32 v37, $0.0e+00;
	v38 =	vsub.f32 v44, v23;
	v27 =	vld [tilespmem:s25+$0x8390];
	v34 =	vpop (erf)  }
0x1cf: {  	s2 =	sadd.s32 $0x80, s2;
	v37 =	vmul.f32 v37, v36;
	v36 =	vmax.f32 v43, $0.0e+00;
	v41 =	vmul.f32 v34, v41;
	v34 =	vld [tilespmem:s25+$0x8380]  }
0x1d0: {  	v15 =	vmul.f32 v33, v36;
	_ =	sdelay $0x1  }
0x1d1: {  	v16 =	vsub.f32 v29, v15  }
0x1d2: {  	(erf) = vrcp.f32 v38  }
0x1d3: {  	(erf) = vrcp.f32 v16;
	_ =	sdelay $0x1  }
0x1d4: {  	v12 =	vmax.f32 v35, v12;
	v13 =	vmax.f32 v28, v13;
	v14 =	vmin.f32 v30, v14  }
0x1d5: {  	v12 =	vsub.f32 v24, v12;
	v13 =	vsub.f32 v14, v13  }
0x1d6: {  	vm4 =	vge.f32 v32, v40;
	v51 =	vsub.f32 v39, v37  }
0x1d7: {  	v11 =	vadd.f32 v25, v11;
	v12 =	vmax.f32 v12, $0.0e+00;
	v13 =	vmax.f32 v13, $0.0e+00  }
0x1d8: {  	v52 =	vnsel vm3, $0x0, v41;
	vm4 =	vmand vm2, vm4;
	v12 =	vmul.f32 v13, v12  }
0x1d9: {  	vm3 =	vgt.f32 v52, v21;
	v54 =	vnsel vm4, $0x0, v26  }
0x1da: {  	v14 =	vmul.f32 $1.000000010e-01, v51;
	v17 =	vsel vm3, v52, v21;
	v11 =	vsub.f32 v11, v12;
	v53 =	vpop (erf)  }
0x1db: {  	vm4 =	vgt.f32 v54, v17;
	v18 =	vpop (erf)  }
0x1dc: {  	vm5 =	vge.f32 v37, v14;
	v11 =	vmul.f32 $1.000000010e-01, v11;
	v15 =	vmul.f32 v18, v15  }
0x1dd: {  	v17 =	vsel vm4, v54, v17;
	vm5 =	vmand vm2, vm5  }
0x1de: {  	v16 =	vmul.f32 v53, v23;
	vm14 =	vge.f32 v12, v11;
	v15 =	vnsel vm5, $0x0, v15  }
0x1df: {  	vm2 =	vmand vm2, vm14;
	vm15 =	vgt.f32 v15, v17  }
0x1e0: {  	v55 =	vnsel vm2, $0x0, v16;
	v11 =	vsel vm15, v15, v17  }
0x1e1: {  	vm2 =	vgt.f32 v55, v11  }
0x1e2: {  	v11 =	vsel vm2, v55, v11  }
0x1e3: {  	(xrf0) =	vmax.scan.msk.f32 $0xffff, v11;
	_ =	sdelay $0x2  }
0x1e4: {  	s2 =	sadd.s32 $0x3, s29;
	v56 =	vsel vm3, s28, v22  }
0x1e5: {  	v16 =	vsel vm4, s2, v56  }
0x1e6: {  	v16 =	vsel vm15, s30, v16;
	s30 =	sadd.s32 $0x3, s19  }
0x1e7: {  	v16 =	vsel vm2, s30, v16;
	v57, _, _ =	vpop (xrf0)  }
0x1e8: {  	v16 =	vshll.u32 v16, $0x4;
	v17 =	vbroadcast v57, $0xF  }
0x1e9: {  	v16 =	vadd.s32 v16, v1  }
0x1ea: {  	vm2 =	veq.f32 v11, v17;
	v11 =	vxor.u32 $0x80000000, v16  }
0x1eb: {  	v11 =	vnsel vm2, $0xFFFFFFFF, v11  }
0x1ec: {  	(xrf0) =	vmin.scan.msk.u32 $0xffff, v11;
	_ =	sdelay $0x5  }
0x1ed: {  	v11, _, _ =	vpop (xrf0)  }
0x1ee: {  	(v2sf) =	vpush v11, $0xF;
	_ =	sdelay $0x3  }
0x1ef: {  	v11 =	vld [tilespmem:s25+$0x7E90];
	_ =	sdelay $0x1  }
0x1f0: {  	v58 =	vld [tilespmem:s26+$0x7E80]  }
0x1f1: {  	v59 =	vld [tilespmem:s26+$0x8380];
	vm2 =	vgt.f32 v52, v31  }
0x1f2: {  	v19 =	vld [tilespmem:s26+$0x7E90];
	v13 =	vsel vm2, v52, v31  }
0x1f3: {  	v60 =	vsel vm2, v10, v34;
	[tilespmem:s25+$0x7E80] =	vst v13;
	vm2 =	vgt.f32 v54, v11  }
0x1f4: {  	v61 =	vld [tilespmem:s26+$0x8390];
	[tilespmem:s25+$0x8380] =	vst v60;
	v11 =	vsel vm2, v54, v11  }
0x1f5: {  	v62 =	vsel vm2, v10, v27;
	vm2 =	vgt.f32 v15, v58;
	[tilespmem:s25+$0x7E90] =	vst v11  }
0x1f6: {  	s24 =	sadd.s32 $0x1, s24;
	[tilespmem:s25+$0x8390] =	vst v62;
	v11 =	vsel vm2, v15, v58  }
0x1f7: {  	p2 =	sne.s32 s24, $0x40;
	[tilespmem:s26+$0x7E80] =	vst v11;
	v11 =	vsel vm2, v10, v59;
	vm2 =	vgt.f32 v55, v19  }
.Ltmp4:
0x1f8: {  	[tilespmem:s26+$0x8380] =	vst v11;
	v11 =	vsel vm2, v55, v19;
	(pc) =	sbr.rel @p2 .LBB2_4-.Ltmp4, $4  }
0x1f9: {  	v63 =	vsel vm2, v10, v61;
	[tilespmem:s26+$0x7E90] =	vst v11;
	s31 =	spop (v2sf)  }
0x1fa: {  	[tilespmem:s26+$0x8390] =	vst v63;
	s2 =	sxor.u32 $0x80000000, s31  }
0x1fb: {  	[tilespmem:v10+s12+$0x0] =	vst.idx.msk $0x1, v17;
	v11 =	vmov s2  }
0x1fc: {  	[tilespmem:v10+s13+$0x0] =	vst.idx.msk $0x1, v11  }
0x1fd: {  	s2 =	rddreg [dreg:$0x1a];
	s23 =	simm.s32 $0x1  }
0x1fe: {  	[spmem:s2] =	stream.linear.scatter [tilespmem:s12], [sflag:$0x1], $0x40, $0x38;
	[tilespmem:$0xA090] =	vst v63  }
0x1ff: {  	_ =	swait.ge [sflag:s23], $0x40  }
0x200: {  	[sflag:s23] =	ssyncset.done $0x0  }
0x201: {  	s22 =	rddreg [dreg:$0x1b];
	[sflag:s23] =	ssyncadd.s32 $0xFFFFFFC0  }
0x202: {  	[spmem:s22] =	stream.linear.scatter [tilespmem:s13], [sflag:$0x1], $0x40, $0x38;
	[tilespmem:$0xA090] =	vst v63  }
0x203: {  	_ =	swait.ge [sflag:s23], $0x40  }
0x204: {  	[sflag:s23] =	ssyncset.done $0x0  }
0x205: {  	[sflag:s23] =	ssyncadd.s32 $0xFFFFFFC0  }
0x206: {  	[bflag:$0x0] =	sbarrier.arrive $0xFFFF  }
0x207: {  	s14 =	simm.s32 $0x9680;
	s24 =	rddreg [dreg:$0x1]  }
0x208: {  	[tilespmem:s14], [sflag:$0x1] =	stream.linear.gather [spmem:s24], $0x400, $0x38;
	[tilespmem:$0xA090] =	vst v63  }
0x209: {  	_ =	swait.ge [sflag:s23], $0x400  }
0x20a: {  	[sflag:s23] =	ssyncset.done $0x0  }
0x20b: {  	[sflag:s23] =	ssyncadd.s32 $0xFFFFFC00  }
0x20c: {  	s26 =	simm.s32 $0x9A80;
	s25 =	rddreg [dreg:$0x2]  }
0x20d: {  	[tilespmem:s26], [sflag:$0x1] =	stream.linear.gather [spmem:s25], $0x400, $0x38;
	[tilespmem:$0xA090] =	vst v63  }
0x20e: {  	_ =	swait.ge [sflag:s23], $0x400  }
0x20f: {  	[sflag:s23] =	ssyncset.done $0x0  }
0x210: {  	[sflag:s23] =	ssyncadd.s32 $0xFFFFFC00  }
0x211: {  	v10 =	vld [tilespmem:$0x9680]  }
0x212: {  	v11 =	vld [tilespmem:$0x9A80]  }
0x213: {  	v12 =	vld [tilespmem:$0x96C0]  }
0x214: {  	v13 =	vld [tilespmem:$0x9AC0]  }
0x215: {  	v14 =	vld [tilespmem:$0x9700]  }
0x216: {  	v15 =	vld [tilespmem:$0x9B00]  }
0x217: {  	v16 =	vld [tilespmem:$0x9740]  }
0x218: {  	v17 =	vld [tilespmem:$0x9B40];
	vm2 =	vgt.f32 v12, v10  }
0x219: {  	v10 =	vsel vm2, v12, v10;
	v12 =	vld [tilespmem:$0x9780]  }
0x21a: {  	v18 =	vld [tilespmem:$0x9B80];
	vm3 =	vgt.f32 v14, v10  }
0x21b: {  	v10 =	vsel vm3, v14, v10;
	v14 =	vld [tilespmem:$0x97C0]  }
0x21c: {  	v19 =	vld [tilespmem:$0x9BC0];
	vm4 =	vgt.f32 v16, v10  }
0x21d: {  	v10 =	vsel vm4, v16, v10;
	v16 =	vld [tilespmem:$0x9800]  }
0x21e: {  	v20 =	vld [tilespmem:$0x9C00];
	vm5 =	vgt.f32 v12, v10  }
0x21f: {  	v10 =	vsel vm5, v12, v10;
	v12 =	vld [tilespmem:$0x9840]  }
0x220: {  	v21 =	vld [tilespmem:$0x9C40];
	vm6 =	vgt.f32 v14, v10  }
0x221: {  	v10 =	vsel vm6, v14, v10;
	v14 =	vld [tilespmem:$0x9880]  }
0x222: {  	v22 =	vld [tilespmem:$0x9C80];
	vm7 =	vgt.f32 v16, v10  }
0x223: {  	v10 =	vsel vm7, v16, v10;
	v16 =	vld [tilespmem:$0x98C0]  }
0x224: {  	v23 =	vld [tilespmem:$0x9CC0];
	vm8 =	vgt.f32 v12, v10  }
0x225: {  	v10 =	vsel vm8, v12, v10;
	v12 =	vld [tilespmem:$0x9900]  }
0x226: {  	v24 =	vld [tilespmem:$0x9D00];
	vm9 =	vgt.f32 v14, v10  }
0x227: {  	v11 =	vsel vm2, v13, v11;
	v13 =	vld [tilespmem:$0x9940];
	v10 =	vsel vm9, v14, v10  }
0x228: {  	v11 =	vsel vm3, v15, v11;
	v15 =	vld [tilespmem:$0x9980];
	vm2 =	vgt.f32 v16, v10  }
0x229: {  	v11 =	vsel vm4, v17, v11;
	v17 =	vld [tilespmem:$0x9DC0];
	v10 =	vsel vm2, v16, v10  }
0x22a: {  	v11 =	vsel vm5, v18, v11;
	v14 =	vld [tilespmem:$0x9D40];
	vm3 =	vgt.f32 v12, v10  }
0x22b: {  	v11 =	vsel vm6, v19, v11;
	v10 =	vsel vm3, v12, v10;
	v12 =	vld [tilespmem:$0x99C0]  }
0x22c: {  	v11 =	vsel vm7, v20, v11;
	v16 =	vld [tilespmem:$0x9D80];
	vm12 =	vgt.f32 v13, v10  }
0x22d: {  	v11 =	vsel vm8, v21, v11;
	v10 =	vsel vm12, v13, v10;
	v13 =	vld [tilespmem:$0x9A00]  }
0x22e: {  	v18 =	vld [tilespmem:$0x9E00];
	v11 =	vsel vm9, v22, v11;
	vm13 =	vgt.f32 v15, v10  }
0x22f: {  	v11 =	vsel vm2, v23, v11;
	v10 =	vsel vm13, v15, v10;
	v15 =	vld [tilespmem:$0x9A40]  }
0x230: {  	v19 =	vld [tilespmem:$0x9E40];
	v11 =	vsel vm3, v24, v11;
	vm2 =	vgt.f32 v12, v10  }
0x231: {  	v11 =	vsel vm12, v14, v11;
	v10 =	vsel vm2, v12, v10;
	v12 =	vld [tilespmem:$0x9280]  }
0x232: {  	v11 =	vsel vm13, v16, v11;
	vm3 =	vgt.f32 v13, v10  }
0x233: {  	v11 =	vsel vm2, v17, v11;
	v10 =	vsel vm3, v13, v10  }
0x234: {  	v11 =	vsel vm3, v18, v11;
	vm2 =	vgt.f32 v15, v10  }
0x235: {  	v11 =	vsel vm2, v19, v11;
	v10 =	vsel vm2, v15, v10  }
0x236: {  	vm2 =	vgt.f32 v12, $5.000000000e-01;
	vm3 =	vlt.f32 v10, $5.000000000e-01;
	v10 =	vsub.s32 v11, v0  }
0x237: {  	vm2 =	vmand vm3, vm2;
	vm3 =	vlt.u32 v10, $0x500;
	vm14 =	vgt.s32 v10, $0x0  }
0x238: {  	vm2 =	vmand vm2, vm3;
	v10 =	vnsel vm14, $0x0, v10  }
0x239: {  	v10 =	vmin.u32 v10, $0x4FF;
	_ =	sdelay $0x3  }
0x23a: {  	s28 =	simm.s32 $0x8880  }
0x23b: {  	[tilespmem:v10+s28+$0x0] =	vst.idx.msk vm2, v4  }
0x23c: {  	v10 =	vld [tilespmem:$0x9690]  }
0x23d: {  	v11 =	vld [tilespmem:$0x9A90]  }
0x23e: {  	v12 =	vld [tilespmem:$0x96D0]  }
0x23f: {  	v13 =	vld [tilespmem:$0x9AD0]  }
0x240: {  	v14 =	vld [tilespmem:$0x9710]  }
0x241: {  	v15 =	vld [tilespmem:$0x9B10]  }
0x242: {  	v16 =	vld [tilespmem:$0x9750]  }
0x243: {  	v17 =	vld [tilespmem:$0x9B50];
	vm2 =	vgt.f32 v12, v10  }
0x244: {  	v10 =	vsel vm2, v12, v10;
	v12 =	vld [tilespmem:$0x9790]  }
0x245: {  	v18 =	vld [tilespmem:$0x9B90];
	vm3 =	vgt.f32 v14, v10  }
0x246: {  	v10 =	vsel vm3, v14, v10;
	v14 =	vld [tilespmem:$0x97D0]  }
0x247: {  	v19 =	vld [tilespmem:$0x9BD0];
	vm4 =	vgt.f32 v16, v10  }
0x248: {  	v10 =	vsel vm4, v16, v10;
	v16 =	vld [tilespmem:$0x9810]  }
0x249: {  	v20 =	vld [tilespmem:$0x9C10];
	vm5 =	vgt.f32 v12, v10  }
0x24a: {  	v10 =	vsel vm5, v12, v10;
	v12 =	vld [tilespmem:$0x9850]  }
0x24b: {  	v21 =	vld [tilespmem:$0x9C50];
	vm15 =	vgt.f32 v14, v10  }
0x24c: {  	v10 =	vsel vm15, v14, v10;
	v14 =	vld [tilespmem:$0x9890]  }
0x24d: {  	v22 =	vld [tilespmem:$0x9C90];
	vm12 =	vgt.f32 v16, v10  }
0x24e: {  	v10 =	vsel vm12, v16, v10;
	v16 =	vld [tilespmem:$0x98D0]  }
0x24f: {  	v23 =	vld [tilespmem:$0x9CD0];
	vm13 =	vgt.f32 v12, v10  }
0x250: {  	v10 =	vsel vm13, v12, v10;
	v12 =	vld [tilespmem:$0x9910]  }
0x251: {  	v24 =	vld [tilespmem:$0x9D10];
	vm14 =	vgt.f32 v14, v10  }
0x252: {  	v11 =	vsel vm2, v13, v11;
	v13 =	vld [tilespmem:$0x9950];
	v10 =	vsel vm14, v14, v10  }
0x253: {  	v11 =	vsel vm3, v15, v11;
	v15 =	vld [tilespmem:$0x9990];
	vm2 =	vgt.f32 v16, v10  }
0x254: {  	v11 =	vsel vm4, v17, v11;
	v17 =	vld [tilespmem:$0x9DD0];
	v10 =	vsel vm2, v16, v10  }
0x255: {  	v11 =	vsel vm5, v18, v11;
	v14 =	vld [tilespmem:$0x9D50];
	vm3 =	vgt.f32 v12, v10  }
0x256: {  	v11 =	vsel vm15, v19, v11;
	v10 =	vsel vm3, v12, v10;
	v12 =	vld [tilespmem:$0x99D0]  }
0x257: {  	v11 =	vsel vm12, v20, v11;
	v16 =	vld [tilespmem:$0x9D90];
	vm15 =	vgt.f32 v13, v10  }
0x258: {  	v11 =	vsel vm13, v21, v11;
	v10 =	vsel vm15, v13, v10;
	v13 =	vld [tilespmem:$0x9A10]  }
0x259: {  	v18 =	vld [tilespmem:$0x9E10];
	v11 =	vsel vm14, v22, v11;
	vm10 =	vgt.f32 v15, v10  }
0x25a: {  	v11 =	vsel vm2, v23, v11;
	v10 =	vsel vm10, v15, v10;
	v15 =	vld [tilespmem:$0x9A50]  }
0x25b: {  	v19 =	vld [tilespmem:$0x9E50];
	v11 =	vsel vm3, v24, v11;
	vm2 =	vgt.f32 v12, v10  }
0x25c: {  	v11 =	vsel vm15, v14, v11;
	v10 =	vsel vm2, v12, v10;
	v12 =	vld [tilespmem:$0x9290]  }
0x25d: {  	v11 =	vsel vm10, v16, v11;
	vm3 =	vgt.f32 v13, v10  }
0x25e: {  	v11 =	vsel vm2, v17, v11;
	v10 =	vsel vm3, v13, v10  }
0x25f: {  	v11 =	vsel vm3, v18, v11;
	vm2 =	vgt.f32 v15, v10  }
0x260: {  	v11 =	vsel vm2, v19, v11;
	v10 =	vsel vm2, v15, v10  }
0x261: {  	vm2 =	vgt.f32 v12, $5.000000000e-01;
	vm3 =	vlt.f32 v10, $5.000000000e-01;
	v10 =	vsub.s32 v11, v0  }
0x262: {  	vm2 =	vmand vm3, vm2;
	vm3 =	vlt.u32 v10, $0x500;
	vm11 =	vgt.s32 v10, $0x0  }
0x263: {  	vm2 =	vmand vm2, vm3;
	v10 =	vnsel vm11, $0x0, v10  }
0x264: {  	v10 =	vmin.u32 v10, $0x4FF;
	_ =	sdelay $0x4  }
0x265: {  	[tilespmem:v10+s28+$0x0] =	vst.idx.msk vm2, v4  }
0x266: {  	v10 =	vld [tilespmem:$0x96A0]  }
0x267: {  	v11 =	vld [tilespmem:$0x9AA0]  }
0x268: {  	v12 =	vld [tilespmem:$0x96E0]  }
0x269: {  	v13 =	vld [tilespmem:$0x9AE0]  }
0x26a: {  	v14 =	vld [tilespmem:$0x9720]  }
0x26b: {  	v15 =	vld [tilespmem:$0x9B20]  }
0x26c: {  	v16 =	vld [tilespmem:$0x9760]  }
0x26d: {  	v17 =	vld [tilespmem:$0x9B60];
	vm2 =	vgt.f32 v12, v10  }
0x26e: {  	v10 =	vsel vm2, v12, v10;
	v12 =	vld [tilespmem:$0x97A0]  }
0x26f: {  	v18 =	vld [tilespmem:$0x9BA0];
	vm3 =	vgt.f32 v14, v10  }
0x270: {  	v10 =	vsel vm3, v14, v10;
	v14 =	vld [tilespmem:$0x97E0]  }
0x271: {  	v19 =	vld [tilespmem:$0x9BE0];
	vm4 =	vgt.f32 v16, v10  }
0x272: {  	v10 =	vsel vm4, v16, v10;
	v16 =	vld [tilespmem:$0x9820]  }
0x273: {  	v20 =	vld [tilespmem:$0x9C20];
	vm5 =	vgt.f32 v12, v10  }
0x274: {  	v10 =	vsel vm5, v12, v10;
	v12 =	vld [tilespmem:$0x9860]  }
0x275: {  	v21 =	vld [tilespmem:$0x9C60];
	vm12 =	vgt.f32 v14, v10  }
0x276: {  	v10 =	vsel vm12, v14, v10;
	v14 =	vld [tilespmem:$0x98A0]  }
0x277: {  	v22 =	vld [tilespmem:$0x9CA0];
	vm13 =	vgt.f32 v16, v10  }
0x278: {  	v10 =	vsel vm13, v16, v10;
	v16 =	vld [tilespmem:$0x98E0]  }
0x279: {  	v23 =	vld [tilespmem:$0x9CE0];
	vm14 =	vgt.f32 v12, v10  }
0x27a: {  	v10 =	vsel vm14, v12, v10;
	v12 =	vld [tilespmem:$0x9920]  }
0x27b: {  	v24 =	vld [tilespmem:$0x9D20];
	vm15 =	vgt.f32 v14, v10  }
0x27c: {  	v11 =	vsel vm2, v13, v11;
	v13 =	vld [tilespmem:$0x9960];
	v10 =	vsel vm15, v14, v10  }
0x27d: {  	v11 =	vsel vm3, v15, v11;
	v15 =	vld [tilespmem:$0x99A0];
	vm2 =	vgt.f32 v16, v10  }
0x27e: {  	v11 =	vsel vm4, v17, v11;
	v17 =	vld [tilespmem:$0x9DE0];
	v10 =	vsel vm2, v16, v10  }
0x27f: {  	v11 =	vsel vm5, v18, v11;
	v14 =	vld [tilespmem:$0x9D60];
	vm3 =	vgt.f32 v12, v10  }
0x280: {  	v11 =	vsel vm12, v19, v11;
	v10 =	vsel vm3, v12, v10;
	v12 =	vld [tilespmem:$0x99E0]  }
0x281: {  	v11 =	vsel vm13, v20, v11;
	v16 =	vld [tilespmem:$0x9DA0];
	vm10 =	vgt.f32 v13, v10  }
0x282: {  	v11 =	vsel vm14, v21, v11;
	v10 =	vsel vm10, v13, v10;
	v13 =	vld [tilespmem:$0x9A20]  }
0x283: {  	v18 =	vld [tilespmem:$0x9E20];
	v11 =	vsel vm15, v22, v11;
	vm11 =	vgt.f32 v15, v10  }
0x284: {  	v11 =	vsel vm2, v23, v11;
	v10 =	vsel vm11, v15, v10;
	v15 =	vld [tilespmem:$0x9A60]  }
0x285: {  	v19 =	vld [tilespmem:$0x9E60];
	v11 =	vsel vm3, v24, v11;
	vm2 =	vgt.f32 v12, v10  }
0x286: {  	v11 =	vsel vm10, v14, v11;
	v10 =	vsel vm2, v12, v10;
	v12 =	vld [tilespmem:$0x92A0]  }
0x287: {  	v11 =	vsel vm11, v16, v11;
	vm3 =	vgt.f32 v13, v10  }
0x288: {  	v11 =	vsel vm2, v17, v11;
	v10 =	vsel vm3, v13, v10  }
0x289: {  	v11 =	vsel vm3, v18, v11;
	vm2 =	vgt.f32 v15, v10  }
0x28a: {  	v11 =	vsel vm2, v19, v11;
	v10 =	vsel vm2, v15, v10  }
0x28b: {  	vm2 =	vgt.f32 v12, $5.000000000e-01;
	vm3 =	vlt.f32 v10, $5.000000000e-01;
	v10 =	vsub.s32 v11, v0  }
0x28c: {  	vm2 =	vmand vm3, vm2;
	vm3 =	vlt.u32 v10, $0x500;
	vm12 =	vgt.s32 v10, $0x0  }
0x28d: {  	vm2 =	vmand vm2, vm3;
	v10 =	vnsel vm12, $0x0, v10  }
0x28e: {  	v10 =	vmin.u32 v10, $0x4FF;
	_ =	sdelay $0x4  }
0x28f: {  	[tilespmem:v10+s28+$0x0] =	vst.idx.msk vm2, v4  }
0x290: {  	v10 =	vld [tilespmem:$0x96B0]  }
0x291: {  	v11 =	vld [tilespmem:$0x9AB0]  }
0x292: {  	v12 =	vld [tilespmem:$0x96F0]  }
0x293: {  	v13 =	vld [tilespmem:$0x9AF0]  }
0x294: {  	v14 =	vld [tilespmem:$0x9730]  }
0x295: {  	v15 =	vld [tilespmem:$0x9B30]  }
0x296: {  	v16 =	vld [tilespmem:$0x9770]  }
0x297: {  	v17 =	vld [tilespmem:$0x9B70];
	vm2 =	vgt.f32 v12, v10  }
0x298: {  	v10 =	vsel vm2, v12, v10;
	v12 =	vld [tilespmem:$0x97B0]  }
0x299: {  	v18 =	vld [tilespmem:$0x9BB0];
	vm3 =	vgt.f32 v14, v10  }
0x29a: {  	v10 =	vsel vm3, v14, v10;
	v14 =	vld [tilespmem:$0x97F0]  }
0x29b: {  	v19 =	vld [tilespmem:$0x9BF0];
	vm4 =	vgt.f32 v16, v10  }
0x29c: {  	v10 =	vsel vm4, v16, v10;
	v16 =	vld [tilespmem:$0x9830]  }
0x29d: {  	v20 =	vld [tilespmem:$0x9C30];
	vm5 =	vgt.f32 v12, v10  }
0x29e: {  	v10 =	vsel vm5, v12, v10;
	v12 =	vld [tilespmem:$0x9870]  }
0x29f: {  	v21 =	vld [tilespmem:$0x9C70];
	vm13 =	vgt.f32 v14, v10  }
0x2a0: {  	v10 =	vsel vm13, v14, v10;
	v14 =	vld [tilespmem:$0x98B0]  }
0x2a1: {  	v22 =	vld [tilespmem:$0x9CB0];
	vm14 =	vgt.f32 v16, v10  }
0x2a2: {  	v10 =	vsel vm14, v16, v10;
	v16 =	vld [tilespmem:$0x98F0]  }
0x2a3: {  	v23 =	vld [tilespmem:$0x9CF0];
	vm15 =	vgt.f32 v12, v10  }
0x2a4: {  	v10 =	vsel vm15, v12, v10;
	v12 =	vld [tilespmem:$0x9930]  }
0x2a5: {  	v24 =	vld [tilespmem:$0x9D30];
	vm12 =	vgt.f32 v14, v10  }
0x2a6: {  	v11 =	vsel vm2, v13, v11;
	v13 =	vld [tilespmem:$0x9970];
	v10 =	vsel vm12, v14, v10  }
0x2a7: {  	v11 =	vsel vm3, v15, v11;
	v15 =	vld [tilespmem:$0x99B0];
	vm2 =	vgt.f32 v16, v10  }
0x2a8: {  	v11 =	vsel vm4, v17, v11;
	v17 =	vld [tilespmem:$0x9DF0];
	v10 =	vsel vm2, v16, v10  }
0x2a9: {  	v11 =	vsel vm5, v18, v11;
	v14 =	vld [tilespmem:$0x9D70];
	vm3 =	vgt.f32 v12, v10  }
0x2aa: {  	v11 =	vsel vm13, v19, v11;
	v10 =	vsel vm3, v12, v10;
	v12 =	vld [tilespmem:$0x99F0]  }
0x2ab: {  	v11 =	vsel vm14, v20, v11;
	v16 =	vld [tilespmem:$0x9DB0];
	vm13 =	vgt.f32 v13, v10  }
0x2ac: {  	v11 =	vsel vm15, v21, v11;
	v10 =	vsel vm13, v13, v10;
	v13 =	vld [tilespmem:$0x9A30]  }
0x2ad: {  	v18 =	vld [tilespmem:$0x9E30];
	v11 =	vsel vm12, v22, v11;
	vm14 =	vgt.f32 v15, v10  }
0x2ae: {  	v11 =	vsel vm2, v23, v11;
	v10 =	vsel vm14, v15, v10;
	v15 =	vld [tilespmem:$0x9A70]  }
0x2af: {  	v19 =	vld [tilespmem:$0x9E70];
	v11 =	vsel vm3, v24, v11;
	vm2 =	vgt.f32 v12, v10  }
0x2b0: {  	v11 =	vsel vm13, v14, v11;
	v10 =	vsel vm2, v12, v10;
	v12 =	vld [tilespmem:$0x92B0]  }
0x2b1: {  	v11 =	vsel vm14, v16, v11;
	vm3 =	vgt.f32 v13, v10  }
0x2b2: {  	v11 =	vsel vm2, v17, v11;
	v10 =	vsel vm3, v13, v10  }
0x2b3: {  	v11 =	vsel vm3, v18, v11;
	vm2 =	vgt.f32 v15, v10  }
0x2b4: {  	v11 =	vsel vm2, v19, v11;
	v10 =	vsel vm2, v15, v10  }
0x2b5: {  	vm2 =	vgt.f32 v12, $5.000000000e-01;
	vm3 =	vlt.f32 v10, $5.000000000e-01;
	v10 =	vsub.s32 v11, v0  }
0x2b6: {  	vm2 =	vmand vm3, vm2;
	vm3 =	vlt.u32 v10, $0x500;
	vm15 =	vgt.s32 v10, $0x0  }
0x2b7: {  	vm2 =	vmand vm2, vm3;
	v10 =	vnsel vm15, $0x0, v10  }
0x2b8: {  	v10 =	vmin.u32 v10, $0x4FF;
	_ =	sdelay $0x4  }
0x2b9: {  	s29 =	simm.s32 $0x0;
	[tilespmem:v10+s28+$0x0] =	vst.idx.msk vm2, v4  }
0x2ba: {  	v10 =	vld [tilespmem:s29+$0x8380]  }
0x2bb: {  	v11 =	vld [tilespmem:s29+$0x6580]  }
0x2bc: {  	v12 =	vld [tilespmem:s29+$0x6A80]  }
0x2bd: {  	v13 =	vld [tilespmem:s29+$0x7980]  }
0x2be: {  	v14 =	vld [tilespmem:s29+$0x7480]  }
0x2bf: {  	s30 =	simm.s32 $0x0;
	v15 =	vld [tilespmem:s29+$0x1900]  }
0x2c0: {  	s14 =	sand.u32 $0x7F0, s30;
	v16 =	vld [tilespmem:s29+$0x0]  }
0x2c1: {  	v17 =	vld [tilespmem:s14+$0x500]  }
0x2c2: {  	s19 =	simm.s32 $0x10;
	v20 =	vld [tilespmem:s29+$0x6F80]  }
0x2c3: {  	v21 =	vld [tilespmem:s19+$0x6580]  }
0x2c4: {  	(erf) = vrcp.f32 v11;
	v18 =	vld.idx.msk [tilespmem:v10+s20+$0x0], $0xffff  }
0x2c5: {  	(erf) = vrcp.f32 v12;
	v11 =	vld.idx.msk [tilespmem:v10+s15+$0x0], $0xffff  }
0x2c6: {  	v12 =	vld.idx.msk [tilespmem:v10+s16+$0x0], $0xffff  }
0x2c7: {  	v19 =	vld.idx.msk [tilespmem:v10+s18+$0x0], $0xffff  }
0x2c8: {  	v22 =	vld [tilespmem:s19+$0x6A80]  }
0x2c9: {  	v10 =	vld.idx.msk [tilespmem:v10+s17+$0x0], $0xffff  }
0x2ca: {  	v23 =	vld [tilespmem:s14+$0x2D00]  }
0x2cb: {  	v11 =	vsub.f32 v11, v16;
	v12 =	vsub.f32 v12, v17;
	v16 =	vld [tilespmem:s14+$0x2800]  }
0x2cc: {  	v13 =	vsub.f32 v18, v13;
	v14 =	vsub.f32 v19, v14;
	v17 =	vld [tilespmem:s14+$0x1E00]  }
0x2cd: {  	v19 =	vld [tilespmem:s14+$0x2300];
	v18 =	vpop (erf);
	v11 =	vmul.f32 $1.000000000e+01, v11;
	v12 =	vmul.f32 $1.000000000e+01, v12  }
0x2ce: {  	v25 =	vld [tilespmem:s29+$0x7E80];
	v10 =	vsub.f32 v10, v20;
	v24 =	vpop (erf);
	v14 =	vmul.f32 $1.000000000e+01, v14;
	v13 =	vmul.f32 $-1.500000000e+01, v13  }
0x2cf: {  	s25 =	simm.s32 $0x10;
	v20 =	vld [tilespmem:s19+$0x8380];
	v11 =	vmul.f32 v18, v11;
	v12 =	vmul.f32 v24, v12  }
0x2d0: {  	s31 =	sand.u32 $0x7F0, s25;
	v61 =	vld [tilespmem:s19+$0x6F80];
	v10 =	vmul.f32 $1.000000000e+01, v10;
	v13 =	vadd.f32 v13, v23;
	v14 =	vsub.f32 v16, v14  }
0x2d1: {  	v62 =	vld [tilespmem:s31+$0x2D00];
	(erf) = vrcp.f32 v21;
	v11 =	vsub.f32 v15, v11;
	v12 =	vsub.f32 v17, v12  }
0x2d2: {  	v21 =	vld [tilespmem:s19+$0x0];
	(erf) = vrcp.f32 v22;
	v10 =	vsub.f32 v19, v10;
	v19 =	vand.u32 $0x7FFFFFFF, v13  }
0x2d3: {  	v22 =	vld [tilespmem:s31+$0x500];
	v14 =	vand.u32 $0x7FFFFFFF, v14;
	v11 =	vand.u32 $0x7FFFFFFF, v11;
	v12 =	vand.u32 $0x7FFFFFFF, v12  }
0x2d4: {  	v24 =	vld [tilespmem:s29+$0x8880];
	v10 =	vand.u32 $0x7FFFFFFF, v10;
	v17 =	vmul.f32 $4.500000000e+00, v11;
	v18 =	vmul.f32 $4.500000000e+00, v12  }
0x2d5: {  	v16 =	vld [tilespmem:s19+$0x7980];
	v26 =	vmul.f32 $4.500000000e+00, v10;
	v27 =	vadd.f32 $-5.555555600e-02, v10;
	v23 =	vadd.f32 $-5.555555600e-02, v11  }
0x2d6: {  	v15 =	vld [tilespmem:s19+$0x7480];
	v29 =	vadd.f32 $-5.555555600e-02, v12;
	v17 =	vmul.f32 v17, v11;
	v18 =	vmul.f32 v18, v12  }
0x2d7: {  	vm2 =	vlt.f32 v11, $1.111111120e-01;
	vm3 =	vlt.f32 v12, $1.111111120e-01;
	v11 =	vmul.f32 $4.500000000e+00, v14;
	v12 =	vld.idx.msk [tilespmem:v20+s15+$0x0], $0xffff  }
0x2d8: {  	v28 =	vld.idx.msk [tilespmem:v20+s20+$0x0], $0xffff;
	v17 =	vsel vm2, v17, v23;
	v18 =	vsel vm3, v18, v29;
	v23 =	vmul.f32 v26, v10  }
0x2d9: {  	v26 =	vld.idx.msk [tilespmem:v20+s16+$0x0], $0xffff;
	vm2 =	vlt.f32 v10, $1.111111120e-01;
	v11 =	vmul.f32 v11, v14;
	v10 =	vimm.f32 $0.0e+00  }
0x2da: {  	v13 =	vld [tilespmem:s19+$0x1900];
	vm3 =	vlt.f32 v19, $1.111111120e-01;
	v17 =	vadd.f32 v18, v17;
	v18 =	vadd.f32 $-5.555555600e-02, v14  }
0x2db: {  	v30 =	vld.idx.msk [tilespmem:v20+s18+$0x0], $0xffff;
	v23 =	vsel vm2, v23, v27;
	v27 =	vmul.f32 $4.500000000e+00, v19;
	vm2 =	vlt.f32 v14, $1.111111120e-01  }
0x2dc: {  	s24 =	simm.s32 $0x20;
	v20 =	vld.idx.msk [tilespmem:v20+s17+$0x0], $0xffff;
	v23 =	vadd.f32 v23, v17;
	v11 =	vsel vm2, v11, v18;
	v12 =	vsub.f32 v12, v21  }
0x2dd: {  	v17 =	vld [tilespmem:s24+$0x6580];
	v21 =	vsub.f32 v28, v16;
	v14 =	vmul.f32 v27, v19;
	v27 =	vadd.f32 $-5.555555600e-02, v19  }
0x2de: {  	v18 =	vld [tilespmem:s24+$0x6A80];
	vm2 =	vge.f32 v25, $5.000000000e-01;
	v11 =	vadd.f32 v11, v23;
	v16 =	vsub.f32 v26, v22  }
0x2df: {  	v26 =	vld [tilespmem:s31+$0x2800];
	v12 =	vmul.f32 $1.000000000e+01, v12;
	v63 =	vmul.f32 $-1.500000000e+01, v21;
	v14 =	vsel vm3, v14, v27  }
0x2e0: {  	v19 =	vld [tilespmem:s31+$0x1E00];
	vm3 =	vgt.f32 v24, $5.000000000e-01;
	v11 =	vadd.f32 v14, v11;
	v14 =	vsub.f32 v30, v15  }
0x2e1: {  	v22 =	vpop (erf);
	v24 =	vsub.f32 v20, v61;
	v20 =	vld [tilespmem:s31+$0x2300];
	vm2 =	vmor vm2, vm3;
	v23 =	vmul.f32 $1.000000000e+01, v16  }
0x2e2: {  	v25 =	vpop (erf);
	v16 =	vld [tilespmem:s24+$0x8380];
	v22 =	vmul.f32 v22, v12;
	v11 =	vnsel vm2, $0x0, v11;
	v27 =	vmul.f32 $1.000000000e+01, v14  }
0x2e3: {  	v15 =	vld [tilespmem:s19+$0x7E80];
	v23 =	vmul.f32 v25, v23;
	v25 =	vmul.f32 $1.000000000e+01, v24;
	v24 =	vadd.f32 v63, v62  }
0x2e4: {  	s2 =	simm.s32 $0xC0;
	v12 =	vsel vm2, $0x3F800000, v2;
	v14 =	vld [tilespmem:s19+$0x8880];
	v11 =	vadd.f32 v11, v10;
	v21 =	vsub.f32 v26, v27  }
.LBB2_8:
0x2e5: {  	p2 =	sne.s32 s2, $0x13C0;
	v26 =	vld [tilespmem:s24+$0x7980];
	(erf) = vrcp.f32 v17;
	v17 =	vsub.f32 v13, v22;
	v19 =	vsub.f32 v19, v23  }
0x2e6: {  	v22 =	vld [tilespmem:s24+$0x7480];
	(erf) = vrcp.f32 v18;
	v18 =	vsub.f32 v20, v25;
	v20 =	vand.u32 $0x7FFFFFFF, v24  }
0x2e7: {  	s25 =	sadd.s32 $0x10, s25;
	v21 =	vand.u32 $0x7FFFFFFF, v21;
	v13 =	vld [tilespmem:s24+$0x1900];
	v17 =	vand.u32 $0x7FFFFFFF, v17;
	v19 =	vand.u32 $0x7FFFFFFF, v19  }
0x2e8: {  	s19 =	sand.u32 $0x7F0, s25;
	v23 =	vld [tilespmem:s24+$0x0];
	v24 =	vmul.f32 $4.500000000e+00, v17;
	v25 =	vmul.f32 $4.500000000e+00, v19;
	v18 =	vand.u32 $0x7FFFFFFF, v18  }
0x2e9: {  	v28 =	vadd.f32 $-5.555555600e-02, v17;
	v27 =	vld [tilespmem:s19+$0x500];
	v29 =	vmul.f32 $4.500000000e+00, v18;
	v30 =	vadd.f32 $-5.555555600e-02, v18  }
0x2ea: {  	v32 =	vadd.f32 $-5.555555600e-02, v19;
	v31 =	vld.idx.msk [tilespmem:v16+s20+$0x0], $0xffff;
	v24 =	vmul.f32 v24, v17;
	v25 =	vmul.f32 v25, v19  }
0x2eb: {  	vm2 =	vlt.f32 v17, $1.111111120e-01;
	vm3 =	vlt.f32 v19, $1.111111120e-01;
	v17 =	vmul.f32 $4.500000000e+00, v21;
	v33 =	vld.idx.msk [tilespmem:v16+s18+$0x0], $0xffff  }
0x2ec: {  	v19 =	vld.idx.msk [tilespmem:v16+s15+$0x0], $0xffff;
	v24 =	vsel vm2, v24, v28;
	v32 =	vsel vm3, v25, v32;
	v28 =	vmul.f32 v29, v18  }
0x2ed: {  	vm2 =	vlt.f32 v18, $1.111111120e-01;
	v18 =	vadd.f32 $-5.555555600e-02, v21;
	v29 =	vld.idx.msk [tilespmem:v16+s16+$0x0], $0xffff;
	v24 =	vadd.f32 v32, v24  }
0x2ee: {  	v32 =	vmul.f32 $4.500000000e+00, v20;
	v16 =	vld.idx.msk [tilespmem:v16+s17+$0x0], $0xffff;
	v25 =	vpop (erf);
	v28 =	vsel vm2, v28, v30;
	v30 =	vmul.f32 v17, v21  }
0x2ef: {  	s14 =	sshra.s32 s2, $0x2;
	v10 =	vadd.f32 v12, v10;
	vm2 =	vlt.f32 v21, $1.111111120e-01;
	v34 =	vld [tilespmem:s24+$0x6F80];
	v35 =	vpop (erf);
	v24 =	vadd.f32 v28, v24  }
0x2f0: {  	v21 =	vmul.f32 v32, v20;
	v28 =	vadd.f32 $-5.555555600e-02, v20;
	v17 =	vld [tilespmem:s14+$0x6580];
	v12 =	vsel vm2, v30, v18  }
0x2f1: {  	vm3 =	vlt.f32 v20, $1.111111120e-01;
	vm2 =	vge.f32 v15, $5.000000000e-01;
	v18 =	vld [tilespmem:s14+$0x6A80];
	v12 =	vadd.f32 v12, v24  }
0x2f2: {  	v15 =	vsub.f32 v19, v23;
	v23 =	vsub.f32 v31, v26;
	v19 =	vsel vm3, v21, v28;
	v24 =	vld [tilespmem:s19+$0x2D00]  }
0x2f3: {  	vm3 =	vgt.f32 v14, $5.000000000e-01;
	v20 =	vsub.f32 v29, v27;
	v21 =	vld [tilespmem:s19+$0x2800];
	v12 =	vadd.f32 v19, v12  }
.Ltmp5:
0x2f4: {  	v14 =	vsub.f32 v33, v22;
	vm2 =	vmor vm2, vm3;
	v26 =	vsub.f32 v16, v34;
	v19 =	vld [tilespmem:s19+$0x1E00];
	(pc) =	sbr.rel @p2 .LBB2_8-.Ltmp5, $4  }
0x2f5: {  	v22 =	vmul.f32 $1.000000000e+01, v15;
	v27 =	vmul.f32 $1.000000000e+01, v20;
	v20 =	vld [tilespmem:s19+$0x2300];
	v12 =	vnsel vm2, $0x0, v12  }
0x2f6: {  	v28 =	vmul.f32 $1.000000000e+01, v14;
	v29 =	vmul.f32 $-1.500000000e+01, v23;
	v16 =	vld [tilespmem:s14+$0x8380];
	v11 =	vadd.f32 v12, v11  }
0x2f7: {  	v22 =	vmul.f32 v25, v22;
	v23 =	vmul.f32 v35, v27;
	v12 =	vsel vm2, $0x3F800000, v2;
	v15 =	vld [tilespmem:s24+$0x7E80]  }
0x2f8: {  	s2 =	sadd.s32 $0x40, s2;
	v25 =	vmul.f32 $1.000000000e+01, v26;
	v24 =	vadd.f32 v29, v24;
	v14 =	vld [tilespmem:s24+$0x8880];
	v21 =	vsub.f32 v21, v28;
	s24 =	smov.u32 s14  }
0x2f9: {  	_ = 	snop  }
0x2fa: {  	v26 =	vld [tilespmem:s24+$0x7980]  }
0x2fb: {  	v45 =	vld [tilespmem:s24+$0x7480]  }
0x2fc: {  	(erf) = vrcp.f32 v17;
	s2 =	sadd.s32 $0x10, s25;
	v49 =	vld [tilespmem:s24+$0x0]  }
0x2fd: {  	v13 =	vsub.f32 v13, v22;
	v44 =	vsub.f32 v19, v23;
	v60 =	vld [tilespmem:s24+$0x6F80];
	(erf) = vrcp.f32 v18;
	s2 =	sand.u32 $0x7F0, s2  }
0x2fe: {  	v46 =	vsub.f32 v20, v25;
	v48 =	vand.u32 $0x7FFFFFFF, v24;
	v21 =	vand.u32 $0x7FFFFFFF, v21;
	v27 =	vld [tilespmem:s2+$0x500]  }
0x2ff: {  	v13 =	vand.u32 $0x7FFFFFFF, v13;
	v17 =	vand.u32 $0x7FFFFFFF, v44;
	v29 =	vld.idx.msk [tilespmem:v16+s20+$0x0], $0xffff;
	v53 =	vmul.f32 $4.500000000e+00, v21  }
0x300: {  	v52 =	vld.idx.msk [tilespmem:v16+s15+$0x0], $0xffff;
	v56 =	vadd.f32 $-5.555555600e-02, v21;
	v59 =	vmul.f32 $4.500000000e+00, v48;
	v33 =	vadd.f32 $-5.555555600e-02, v48  }
0x301: {  	v54 =	vld.idx.msk [tilespmem:v16+s16+$0x0], $0xffff;
	v50 =	vmul.f32 $4.500000000e+00, v13;
	v51 =	vmul.f32 $4.500000000e+00, v17;
	v18 =	vand.u32 $0x7FFFFFFF, v46  }
0x302: {  	v57 =	vld.idx.msk [tilespmem:v16+s17+$0x0], $0xffff;
	v28 =	vadd.f32 $-5.555555600e-02, v13;
	v30 =	vadd.f32 $-5.555555600e-02, v17;
	vm2 =	vlt.f32 v13, $1.111111120e-01  }
0x303: {  	v32 =	vld.idx.msk [tilespmem:v16+s18+$0x0], $0xffff;
	vm3 =	vlt.f32 v17, $1.111111120e-01;
	v31 =	vmul.f32 $4.500000000e+00, v18;
	v24 =	vmul.f32 v50, v13  }
0x304: {  	v55 =	vadd.f32 $-5.555555600e-02, v18;
	v63 =	vmul.f32 v59, v48;
	v25 =	vmul.f32 v51, v17  }
0x305: {  	v17 =	vmul.f32 v53, v21;
	v31 =	vmul.f32 v31, v18;
	v24 =	vsel vm2, v24, v28  }
0x306: {  	v47 =	vld [tilespmem:s24+$0x1900];
	v25 =	vsel vm3, v25, v30;
	v13 =	vsub.f32 v52, v49;
	v34 =	vsub.f32 v54, v27  }
0x307: {  	v62 =	vld [tilespmem:s2+$0x2D00];
	vm2 =	vlt.f32 v18, $1.111111120e-01;
	v39 =	vsub.f32 v29, v26;
	v16 =	vsub.f32 v57, v60  }
0x308: {  	v35 =	vld [tilespmem:s2+$0x2800];
	vm3 =	vlt.f32 v48, $1.111111120e-01;
	v19 =	vsub.f32 v32, v45;
	v24 =	vadd.f32 v25, v24  }
0x309: {  	v37 =	vld [tilespmem:s2+$0x1E00];
	v58 =	vsel vm2, v31, v55;
	vm2 =	vlt.f32 v21, $1.111111120e-01;
	v13 =	vmul.f32 $1.000000000e+01, v13  }
0x30a: {  	v40 =	vld [tilespmem:s2+$0x2300];
	v42 =	vsel vm3, v63, v33;
	v38 =	vpop (erf);
	v25 =	vmul.f32 $1.000000000e+01, v34;
	v22 =	vmul.f32 $-1.500000000e+01, v39  }
0x30b: {  	v17 =	vsel vm2, v17, v56;
	v19 =	vmul.f32 $1.000000000e+01, v19;
	v61 =	vadd.f32 v58, v24;
	v41 =	vpop (erf)  }
0x30c: {  	v13 =	vmul.f32 v38, v13;
	v43 =	vmul.f32 v41, v25;
	v44 =	vadd.f32 v22, v62  }
0x30d: {  	v16 =	vmul.f32 $1.000000000e+01, v16;
	v45 =	vsub.f32 v35, v19;
	v36 =	vadd.f32 v17, v61  }
0x30e: {  	vm3 =	vgt.f32 v14, $5.000000000e-01;
	v13 =	vsub.f32 v47, v13;
	v17 =	vsub.f32 v37, v43  }
0x30f: {  	vm2 =	vge.f32 v15, $5.000000000e-01;
	v16 =	vsub.f32 v40, v16;
	v14 =	vand.u32 $0x7FFFFFFF, v44  }
0x310: {  	v18 =	vand.u32 $0x7FFFFFFF, v45;
	v13 =	vand.u32 $0x7FFFFFFF, v13;
	v17 =	vand.u32 $0x7FFFFFFF, v17  }
0x311: {  	v16 =	vand.u32 $0x7FFFFFFF, v16;
	v46 =	vmul.f32 $4.500000000e+00, v13;
	v47 =	vmul.f32 $4.500000000e+00, v17  }
0x312: {  	v49 =	vmul.f32 $4.500000000e+00, v16;
	v51 =	vadd.f32 $-5.555555600e-02, v16;
	v48 =	vadd.f32 $-5.555555600e-02, v13  }
0x313: {  	v50 =	vadd.f32 $-5.555555600e-02, v17;
	v19 =	vmul.f32 v46, v13;
	v20 =	vmul.f32 v47, v17  }
0x314: {  	v52 =	vmul.f32 $4.500000000e+00, v18;
	vm4 =	vlt.f32 v13, $1.111111120e-01;
	vm12 =	vlt.f32 v17, $1.111111120e-01  }
0x315: {  	v53 =	vmul.f32 v49, v16;
	v19 =	vsel vm4, v19, v48;
	v20 =	vsel vm12, v20, v50  }
0x316: {  	v56 =	vld [tilespmem:s24+$0x8880];
	vm13 =	vlt.f32 v16, $1.111111120e-01;
	v55 =	vadd.f32 $-5.555555600e-02, v18;
	v19 =	vadd.f32 v20, v19  }
0x317: {  	v54 =	vld [tilespmem:s24+$0x7E80];
	v57 =	vmul.f32 $4.500000000e+00, v14;
	v13 =	vsel vm13, v53, v51;
	v17 =	vmul.f32 v52, v18  }
0x318: {  	vm2 =	vmor vm2, vm3;
	vm14 =	vlt.f32 v18, $1.111111120e-01;
	v13 =	vadd.f32 v13, v19  }
0x319: {  	v59 =	vadd.f32 $-5.555555600e-02, v14;
	v58 =	vmul.f32 v57, v14;
	v16 =	vsel vm14, v17, v55  }
0x31a: {  	v15 =	vadd.f32 v42, v36;
	vm3 =	vlt.f32 v14, $1.111111120e-01;
	v13 =	vadd.f32 v16, v13  }
0x31b: {  	v10 =	vadd.f32 v12, v10;
	vm15 =	vgt.f32 v56, $5.000000000e-01;
	v14 =	vsel vm3, v58, v59  }
0x31c: {  	v60 =	vnsel vm2, $0x0, v15;
	vm3 =	vge.f32 v54, $5.000000000e-01;
	v13 =	vadd.f32 v14, v13  }
0x31d: {  	v61 =	vsel vm2, $0x3F800000, v2;
	v11 =	vadd.f32 v60, v11;
	vm2 =	vmor vm3, vm15  }
0x31e: {  	v10 =	vadd.f32 v61, v10;
	v62 =	vnsel vm2, $0x0, v13  }
0x31f: {  	v63 =	vsel vm2, $0x3F800000, v2;
	v11 =	vadd.f32 v62, v11  }
0x320: {  	v10 =	vadd.f32 v63, v10  }
0x321: {  	(xrf2) =	vadd.scan.msk.f32 $0xffff, v11  }
0x322: {  	(xrf2) =	vadd.scan.msk.f32 $0xffff, v10;
	_ =	sdelay $0x8  }
0x323: {  	v10, _, _ =	vpop (xrf2)  }
0x324: {  	v11, _, _ =	vpop (xrf2)  }
0x325: {  	v11 =	vbroadcast v11, $0xF  }
0x326: {  	v10 =	vbroadcast v10, $0xF  }
0x327: {  	v11 =	vnsel vm0, $0x0, v11  }
0x328: {  	v10 =	vsel vm1, v11, v10  }
0x329: {  	s31 =	rddreg [dreg:$0x1c];
	s14 =	simm.s32 $0x9F80;
	[tilespmem:$0x9F80] =	vst v10  }
0x32a: {  	[spmem:s31] =	stream.linear.scatter [tilespmem:s14], [sflag:$0x1], $0x10, $0x38;
	[tilespmem:$0xA090] =	vst v63  }
.Ltmp6:
0x32b: {  	_ =	swait.ge [sflag:s23], $0x10;
	(pc) =	sbr.rel @p0 .LBB2_11-.Ltmp6, $4  }
0x32c: {  	[sflag:s23] =	ssyncset.done $0x0  }
0x32d: {  	[sflag:s23] =	ssyncadd.s32 $0xFFFFFFF0  }
0x32e: {  	[bflag:$0x0] =	sbarrier.arrive $0xFFFF  }
0x32f: {  	s22 =	rddreg [dreg:$0x1f]  }
0x330: {  	v6 =	vadd.f32 v7, v6;
	_ =	sdelay $0x1  }
0x331: {  	v6 =	vadd.f32 v8, v6;
	_ =	sdelay $0x1  }
0x332: {  	v6 =	vadd.f32 v9, v6;
	_ =	sdelay $0x1  }
0x333: {  	(xrf2) =	vadd.scan.msk.f32 $0xffff, v6;
	_ =	sdelay $0x8  }
0x334: {  	s2 =	rddreg [dreg:$0x3];
	s14 =	simm.s32 $0x9E80  }
0x335: {  	[tilespmem:s14], [sflag:$0x1] =	stream.linear.gather [spmem:s2], $0x100, $0x38;
	v6, _, _ =	vpop (xrf2);
	[tilespmem:$0xA090] =	vst v63  }
0x336: {  	_ =	swait.ge [sflag:s23], $0x100  }
0x337: {  	[sflag:s23] =	ssyncset.done $0x0  }
0x338: {  	[sflag:s23] =	ssyncadd.s32 $0xFFFFFF00  }
0x339: {  	v7 =	vld [tilespmem:$0x9E80];
	_ =	sdelay $0x1  }
0x33a: {  	v47 =	vld [tilespmem:$0x9E90];
	_ =	sdelay $0x1  }
0x33b: {  	v48 =	vld [tilespmem:$0x9EA0]  }
0x33c: {  	v7 =	vadd.f32 $0.0e+00, v7  }
0x33d: {  	v10 =	vld [tilespmem:$0x9EB0]  }
0x33e: {  	v7 =	vadd.f32 v47, v7  }
0x33f: {  	v49 =	vld [tilespmem:$0x9EC0]  }
0x340: {  	v7 =	vadd.f32 v48, v7  }
0x341: {  	v50 =	vld [tilespmem:$0x9ED0]  }
0x342: {  	v7 =	vadd.f32 v10, v7  }
0x343: {  	v51 =	vld [tilespmem:$0x9EE0]  }
0x344: {  	v7 =	vadd.f32 v49, v7  }
0x345: {  	v52 =	vld [tilespmem:$0x9EF0]  }
0x346: {  	v7 =	vadd.f32 v50, v7  }
0x347: {  	v53 =	vld [tilespmem:$0x9F00]  }
0x348: {  	v7 =	vadd.f32 v51, v7  }
0x349: {  	v54 =	vld [tilespmem:$0x9F10]  }
0x34a: {  	v7 =	vadd.f32 v52, v7  }
0x34b: {  	v55 =	vld [tilespmem:$0x9F20]  }
0x34c: {  	v7 =	vadd.f32 v53, v7  }
0x34d: {  	v56 =	vld [tilespmem:$0x9F30]  }
0x34e: {  	v7 =	vadd.f32 v54, v7  }
0x34f: {  	v57 =	vld [tilespmem:$0x9F40]  }
0x350: {  	v7 =	vadd.f32 v55, v7  }
0x351: {  	v58 =	vld [tilespmem:$0x9F50]  }
0x352: {  	v7 =	vadd.f32 v56, v7  }
0x353: {  	v59 =	vld [tilespmem:$0x9F60]  }
0x354: {  	v7 =	vadd.f32 v57, v7  }
0x355: {  	v60 =	vld [tilespmem:$0x9F70]  }
0x356: {  	v7 =	vadd.f32 v58, v7;
	_ =	sdelay $0x1  }
0x357: {  	v7 =	vadd.f32 v59, v7;
	_ =	sdelay $0x1  }
0x358: {  	v7 =	vadd.f32 v60, v7;
	_ =	sdelay $0x1  }
0x359: {  	s19 =	simm.s32 $0x9F80;
	[tilespmem:$0x9F80] =	vst v7  }
0x35a: {  	v7 =	vld.idx.msk [tilespmem:v5+s19+$0x0], $0xffff;
	_ =	sdelay $0x4  }
0x35b: {  	v61 =	vmul.f32 $5.000000000e+00, v7;
	_ =	sdelay $0x1  }
0x35c: {  	v8 =	vmax.f32 v61, $1.000000000e+00  }
0x35d: {  	(erf) = vrcp.f32 v8;
	_ =	sdelay $0x3  }
0x35e: {  	vm2 =	vgt.f32 v6, $0.0e+00  }
0x35f: {  	v62 =	vsel vm2, $0x1, v3;
	v6 =	vld.msk [tilespmem:s19+$0x0], $0xffff  }
0x360: {  	v8 =	vbroadcast v62, $0xF;
	_ =	sdelay $0x1  }
0x361: {  	v8 =	vand.u32 $0x1, v8  }
0x362: {  	vm2 =	vgt.f32 v7, $0.0e+00;
	vm3 =	veq.s32 v8, $0x1;
	v63 =	vpop (erf)  }
0x363: {  	vm2 =	vmand vm3, vm2;
	vm3 =	vmmov $0x1;
	v6 =	vmul.f32 v63, v6  }
0x364: {  	vm2 =	vmand vm2, vm3  }
0x365: {  	v6 =	vnsel vm2, $0x0, v6  }
.Ltmp7:
0x366: {  	s30 =	simm.s32 $0x0;
	s31 =	rddreg [dreg:$0x1d];
	[tilespmem:$0x9F80] =	vst v6;
	(pc) =	sbr.rel .LBB2_11-.Ltmp7, $4  }
0x367: {  	[hbm4b:s31+s30] =	stream.linear.scatter [tilespmem:s19], [sflag:$0x1], $0x80, $0x38;
	[tilespmem:$0xA090] =	vst v63  }
0x368: {  	_ =	swait.ge [sflag:s23], $0x80  }
0x369: {  	[sflag:s23] =	ssyncset.done $0x0  }
0x36a: {  	[sflag:s23] =	ssyncadd.s32 $0xFFFFFF80  }
.LBB2_12:
0x36b: {  	_ =	sfence.sel $0x180000  }
0x36c: {  	[bflag:$0x0] =	sbarrier.arrive $0xFFFF  }
0x36d: {  	_ =	strace $0x90000047  }
0x36e: {  	[bflag:$0x2] =	sbarrier.arrive $0xFFFF  }
0x36f: {  	s0 =	rddreg [dreg:$0x4]  }
0x370: {  	s0 =	sadd.s32 @!p0 $0x100000, s0  }
0x371: {  	[sflag:s0] =	ssyncadd.tile.s32 @!p0 $0x1;
	_ =	shalt  }
.Lfunc_end2:
_tile_overlayer_lowered:
.L_overlay_start_2:
0x372: {  	(tag) =	ssettag $0x2  }
0x373: {  	s0 =	rddreg [dreg:$0x0];
	s2 =	stileid.u32  }
0x374: {  	s1 =	rddreg [dreg:$0x1];
	p0 =	sne.s32 s2, $0x0  }
0x375: {  	s3 =	rddreg [dreg:$0x2];
	[bflag:$0x3] =	sbarrier.arrive $0xFFFF;
	s2 =	simm.s32 @!p0 $0x1C01  }
0x376: {  	[timem:s3], [sflag:s2] =	dma.local @!p0 [hbm:s0], s1  }
0x377: {  	s0 =	simm.s32 @!p0 $0x1  }
0x378: {  	_ =	swait.ge @!p0 [sflag:s0], s1  }
0x379: {  	s1 =	ssub.s32 @!p0 $0x0, s1;
	[sflag:s0] =	ssyncset.done @!p0 $0x0  }
0x37a: {  	[sflag:s0] =	ssyncadd.s32 @!p0 s1  }
0x37b: {  	[bflag:$0x3] =	sbarrier.arrive $0xFFFF  }
0x37c: {  	_ =	shalt  }

</sc_bundles>
